<compile_context>
chip_gen: v7x
topology: tpu7x:2x2x1
jax: 0.10.2.dev20260603
libtpu: 0.0.44.dev20260713+nightly
codegen_flags: <defaults>
</compile_context>

<pallas_src>
import math

import jax
import jax.numpy as jnp
from jax import lax
from jax.experimental import pallas as pl
from jax.experimental.pallas import tpu as pltpu
from jax.experimental.pallas import tpu_sc as plsc

_N = 10000
_NP = 10240
_E = 320000
_EP = 327680
_H = 128
_L = 64
_EPS = 1e-05
_TILES = 32
_CHUNK = 128
_NCHUNK = _EP // _TILES // _CHUNK
_ROWS_PER_SUB = _NP // 16
_DUMMY = 10008

_sc_mesh = plsc.VectorSubcoreMesh(core_axis_name="c", subcore_axis_name="s")

_GRP = 8
_CH_A = 152
_CH_B = 8


def _sc_agg_body(table, src2d, dst2d, zrows, out, agg_sh, sblk, dblk,
                 rows0, rows1, g0, g1):
    c = lax.axis_index("c")
    s = lax.axis_index("s")
    rows = (rows0, rows1)
    gsems = (g0, g1)
    nch = jnp.where(c == 0, _CH_A, _CH_B)
    base = jnp.where(c == 0, s * _CH_A, 16 * _CH_A + s * _CH_B)
    ngrp = nch // _GRP
    pltpu.sync_copy(zrows, agg_sh.at[pl.ds(s * _ROWS_PER_SUB, _ROWS_PER_SUB)])
    plsc.subcore_barrier()

    def grp(g, carry):
        pltpu.sync_copy(src2d.at[pl.ds(base + g * _GRP, _GRP)], sblk)
        pltpu.sync_copy(dst2d.at[pl.ds(base + g * _GRP, _GRP)], dblk)
        pltpu.async_copy(table.at[sblk.at[0]], rows0, g0)
        pltpu.async_copy(table.at[sblk.at[1]], rows1, g1)
        for j in range(_GRP):
            b = j % 2
            pltpu.make_async_copy(table.at[sblk.at[j]], rows[b],
                                  gsems[b]).wait()
            pltpu.sync_copy(rows[b], agg_sh.at[dblk.at[j]], add=True)
            if j + 2 < _GRP:
                pltpu.async_copy(table.at[sblk.at[j + 2]], rows[b], gsems[b])
        return carry

    lax.fori_loop(0, ngrp, grp, 0)
    plsc.subcore_barrier()
    pltpu.sync_copy(agg_sh.at[pl.ds(s * _ROWS_PER_SUB, _ROWS_PER_SUB)],
                    out.at[c, pl.ds(s * _ROWS_PER_SUB, _ROWS_PER_SUB)])


_sc_agg = pl.kernel(
    _sc_agg_body,
    out_type=jax.ShapeDtypeStruct((2, _NP, _H), jnp.float32),
    mesh=_sc_mesh,
    scratch_types=[
        pltpu.VMEM_SHARED((_NP, _H), jnp.float32),
        pltpu.VMEM((_GRP, _CHUNK), jnp.int32),
        pltpu.VMEM((_GRP, _CHUNK), jnp.int32),
        pltpu.VMEM((_CHUNK, _H), jnp.float32),
        pltpu.VMEM((_CHUNK, _H), jnp.float32),
        pltpu.SemaphoreType.DMA,
        pltpu.SemaphoreType.DMA,
    ],
)


def _sc_cnt_body(dst2d, ones, zrows, out, cnt_sh, dst_v, ones_v):
    c = lax.axis_index("c")
    s = lax.axis_index("s")
    wid = s * 2 + c
    pltpu.sync_copy(zrows, cnt_sh.at[pl.ds(s * _ROWS_PER_SUB, _ROWS_PER_SUB)])
    pltpu.sync_copy(dst2d.at[pl.ds(wid * _NCHUNK, _NCHUNK)], dst_v)
    pltpu.sync_copy(ones, ones_v)
    plsc.subcore_barrier()

    def chunk(i, carry):
        pltpu.sync_copy(ones_v, cnt_sh.at[dst_v.at[i]], add=True)
        return carry

    lax.fori_loop(0, _NCHUNK, chunk, 0)
    plsc.subcore_barrier()
    pltpu.sync_copy(cnt_sh.at[pl.ds(s * _ROWS_PER_SUB, _ROWS_PER_SUB)],
                    out.at[c, pl.ds(s * _ROWS_PER_SUB, _ROWS_PER_SUB)])


_sc_cnt = pl.kernel(
    _sc_cnt_body,
    out_type=jax.ShapeDtypeStruct((2, _NP, _H), jnp.float32),
    mesh=_sc_mesh,
    scratch_types=[
        pltpu.VMEM_SHARED((_NP, _H), jnp.float32),
        pltpu.VMEM((_NCHUNK, _CHUNK), jnp.int32),
        pltpu.VMEM((_CHUNK, _H), jnp.float32),
    ],
)


_BLK = 2560
_RSQRT2 = 1.0 / math.sqrt(2.0)
_BN_SCALE = 1.0 / math.sqrt(1.0 + _EPS)


def _tc_layer_body(p0, p1, c0, c1, h, wl, bl, wr, g, be, o):
    i = pl.program_id(0)
    cnt = c0[:, 0:1] + c1[:, 0:1]
    mean = (p0[...] + p1[...]) / jnp.maximum(cnt, 1.0)
    t = lax.dot_general(mean, wl[...], (((1,), (1,)), ((), ())),
                        preferred_element_type=jnp.float32)
    t = t + bl[...]
    t = t + lax.dot_general(h[...], wr[...], (((1,), (1,)), ((), ())),
                            preferred_element_type=jnp.float32)
    t = (t * _BN_SCALE) * g[...] + be[...]
    a = 0.5 * t * (1.0 + lax.erf(t * _RSQRT2))
    row = i * _BLK + lax.broadcasted_iota(jnp.int32, a.shape, 0)
    o[...] = jnp.where(row < _N, a, 0.0)


_tc_layer = pl.pallas_call(
    _tc_layer_body,
    grid=(4,),
    in_specs=[
        pl.BlockSpec((_BLK, _H), lambda i: (i, 0)),
        pl.BlockSpec((_BLK, _H), lambda i: (i, 0)),
        pl.BlockSpec((_BLK, _H), lambda i: (i, 0)),
        pl.BlockSpec((_BLK, _H), lambda i: (i, 0)),
        pl.BlockSpec((_BLK, _H), lambda i: (i, 0)),
        pl.BlockSpec((_H, _H), lambda i: (0, 0)),
        pl.BlockSpec((1, _H), lambda i: (0, 0)),
        pl.BlockSpec((_H, _H), lambda i: (0, 0)),
        pl.BlockSpec((1, _H), lambda i: (0, 0)),
        pl.BlockSpec((1, _H), lambda i: (0, 0)),
    ],
    out_specs=pl.BlockSpec((_BLK, _H), lambda i: (i, 0)),
    out_shape=jax.ShapeDtypeStruct((_NP, _H), jnp.float32),
)


def _tc_head_body(h, wmu, bmu, wls, bls, wdec, bdec, xo, muo, lso):
    mu = lax.dot_general(h[...], wmu[...], (((1,), (1,)), ((), ())),
                         preferred_element_type=jnp.float32) + bmu[...]
    ls = lax.dot_general(h[...], wls[...], (((1,), (1,)), ((), ())),
                         preferred_element_type=jnp.float32) + bls[...]
    ls = jnp.minimum(ls, 10.0)
    xr = lax.dot_general(mu, wdec[...], (((1,), (1,)), ((), ())),
                         preferred_element_type=jnp.float32) + bdec[...]
    xo[...] = xr
    muo[...] = mu
    lso[...] = ls


_tc_head = pl.pallas_call(
    _tc_head_body,
    grid=(4,),
    in_specs=[
        pl.BlockSpec((_BLK, _H), lambda i: (i, 0)),
        pl.BlockSpec((_L, _H), lambda i: (0, 0)),
        pl.BlockSpec((1, _L), lambda i: (0, 0)),
        pl.BlockSpec((_L, _H), lambda i: (0, 0)),
        pl.BlockSpec((1, _L), lambda i: (0, 0)),
        pl.BlockSpec((_H, _L), lambda i: (0, 0)),
        pl.BlockSpec((1, _H), lambda i: (0, 0)),
    ],
    out_specs=[
        pl.BlockSpec((_BLK, _H), lambda i: (i, 0)),
        pl.BlockSpec((_BLK, _L), lambda i: (i, 0)),
        pl.BlockSpec((_BLK, _L), lambda i: (i, 0)),
    ],
    out_shape=[
        jax.ShapeDtypeStruct((_NP, _H), jnp.float32),
        jax.ShapeDtypeStruct((_NP, _L), jnp.float32),
        jax.ShapeDtypeStruct((_NP, _L), jnp.float32),
    ],
)


def kernel(x, edge_index, Wl0, bl0, Wr0, g0, be0, Wl1, bl1, Wr1, g1, be1,
           Wl2, bl2, Wr2, g2, be2, Wmu, bmu, Wls, bls, Wdec, bdec):
    src = edge_index[0]
    dst = edge_index[1]
    pad = jnp.full((_EP - _E,), _DUMMY, jnp.int32)
    src2d = jnp.concatenate([src, pad]).reshape(_EP // _CHUNK, _CHUNK)
    dst2d = jnp.concatenate([dst, pad]).reshape(_EP // _CHUNK, _CHUNK)

    zrows = jnp.zeros((_ROWS_PER_SUB, _H), jnp.float32)
    ones = jnp.ones((_CHUNK, _H), jnp.float32)

    cnt = _sc_cnt(dst2d, ones, zrows)
    c0 = cnt[0]
    c1 = cnt[1]

    h = jnp.pad(x, ((0, _NP - _N), (0, 0)))
    layers = [(Wl0, bl0, Wr0, g0, be0), (Wl1, bl1, Wr1, g1, be1),
              (Wl2, bl2, Wr2, g2, be2)]
    for (Wl, bl, Wr, g, be) in layers:
        agg = _sc_agg(h, src2d, dst2d, zrows)
        h = _tc_layer(agg[0], agg[1], c0, c1, h, Wl, bl.reshape(1, _H), Wr,
                      g.reshape(1, _H), be.reshape(1, _H))

    xr, mu, ls = _tc_head(h, Wmu, bmu.reshape(1, _L), Wls, bls.reshape(1, _L),
                          Wdec, bdec.reshape(1, _H))
    xr = xr[:_N]
    mu = mu[:_N]
    ls = ls[:_N]
    return (xr, mu, mu, ls)

# --- scband reference (transcript-rebuilt; emitter-appended) ---
"""Pipeline reference for scband-optimized-gnnanomaly-vae-77841987272810 (READ-ONLY COPY).

The authoritative reference and input builder live on the scoring server;
editing this copy changes nothing except your own understanding.
"""

import jax, jax.numpy as jnp
import numpy as np

N = 10000
E = 320000
D = 128
H = 128
L = 64
EPS = 1e-05

def setup_inputs(seed: int = 0):
    key = jax.random.key(seed)
    ks = jax.random.split(key, 32)
    inp = {}
    inp['x'] = jax.random.normal(ks[0], (N, D), dtype=jnp.float32)
    inp['edge_index'] = jax.random.randint(ks[1], (2, E), 0, N, dtype=jnp.int32)
    s = 0.05
    dims = [(D, H), (H, H), (H, H)]
    for i in range(3):
        inc, out = dims[i]
        inp['Wl' + str(i)] = jax.random.normal(ks[2 + 5 * i], (out, inc), dtype=jnp.float32) * s
        inp['bl' + str(i)] = jnp.zeros((out,), dtype=jnp.float32)
        inp['Wr' + str(i)] = jax.random.normal(ks[3 + 5 * i], (out, inc), dtype=jnp.float32) * s
        inp['g' + str(i)] = jnp.ones((out,), dtype=jnp.float32)
        inp['be' + str(i)] = jnp.zeros((out,), dtype=jnp.float32)
    inp['Wmu'] = jax.random.normal(ks[20], (L, H), dtype=jnp.float32) * s
    inp['bmu'] = jnp.zeros((L,), dtype=jnp.float32)
    inp['Wls'] = jax.random.normal(ks[21], (L, H), dtype=jnp.float32) * s
    inp['bls'] = jnp.zeros((L,), dtype=jnp.float32)
    inp['Wdec'] = jax.random.normal(ks[22], (D, L), dtype=jnp.float32) * s
    inp['bdec'] = jnp.zeros((D,), dtype=jnp.float32)
    return inp

def _sage(x, src, dst, Wl, bl, Wr):
    # PyG SAGEConv (mean aggr): out = lin_l(mean_{j in N(i)} x_j) + lin_r(x_i)
    msg = x[src]
    agg = jax.ops.segment_sum(msg, dst, num_segments=N)
    cnt = jax.ops.segment_sum(jnp.ones((src.shape[0],), jnp.float32), dst, num_segments=N)
    mean = agg / jnp.clip(cnt, 1.0)[:, None]
    return mean @ Wl.T + bl + x @ Wr.T

def _bn_eval(h, gamma, beta):
    # BatchNorm1d in eval mode with fresh running stats (mean=0, var=1)
    return (h / jnp.sqrt(1.0 + EPS)) * gamma + beta

def reference(x, edge_index, Wl0, bl0, Wr0, g0, be0, Wl1, bl1, Wr1, g1, be1, Wl2, bl2, Wr2, g2, be2, Wmu, bmu, Wls, bls, Wdec, bdec):
    src = edge_index[0]
    dst = edge_index[1]
    layers = [(Wl0, bl0, Wr0, g0, be0), (Wl1, bl1, Wr1, g1, be1), (Wl2, bl2, Wr2, g2, be2)]
    h = x
    for (Wl, bl, Wr, g, be) in layers:
        h = _sage(h, src, dst, Wl, bl, Wr)
        h = _bn_eval(h, g, be)
        h = jax.nn.gelu(h, approximate=False)
    mu = h @ Wmu.T + bmu
    logstd = jnp.minimum(h @ Wls.T + bls, 10.0)
    z = mu  # eval-mode reparameterize returns mu
    x_rec = z @ Wdec.T + bdec
    return (x_rec, z, mu, logstd)

if __name__ == "__main__":
    import jax
    _d = setup_inputs()
    print(jax.jit(kernel)(*tuple(_d.values())))

</pallas_src>

<mosaic_0001>
#map = affine_map<(d0, d1) -> (0, 0)>
#map1 = affine_map<(d0, d1) -> (0, 0, 0)>
module attributes {stable_mosaic.version = 14 : i64} {
  func.func @_sc_agg_body(%arg0: i32, %arg1: i32, %arg2: memref<10240x128xf32, #tpu.memory_space<hbm>>, %arg3: memref<2560x128xi32, #tpu.memory_space<hbm>>, %arg4: memref<2560x128xi32, #tpu.memory_space<hbm>>, %arg5: memref<640x128xf32, #tpu.memory_space<hbm>>, %arg6: memref<2x10240x128xf32, #tpu.memory_space<hbm>>, %arg7: memref<10240x128xf32, #tpu.memory_space<vmem_shared>>, %arg8: memref<8x128xi32, #tpu.memory_space<vmem>>, %arg9: memref<8x128xi32, #tpu.memory_space<vmem>>, %arg10: memref<128x128xf32, #tpu.memory_space<vmem>>, %arg11: memref<128x128xf32, #tpu.memory_space<vmem>>, %arg12: memref<!tpu.dma_semaphore, #tpu.memory_space<semaphore_mem>>, %arg13: memref<!tpu.dma_semaphore, #tpu.memory_space<semaphore_mem>>) attributes {dimension_semantics = [#tpu.dimension_semantics<core_parallel>, #tpu.dimension_semantics<subcore_parallel>], iteration_bounds = array<i64: 2, 16>, scalar_prefetch = 0 : i64, scratch_operands = 7 : i64, tpu.core_type = #tpu.core_type<sc_vector_subcore>, window_params = [{transform_indices = #map}, {transform_indices = #map}, {transform_indices = #map}, {transform_indices = #map}, {transform_indices = #map1}]} {
    %eq3A = arith.constant 0 : i32
    %eq3A_0 = arith.cmpi eq, %arg0, %eq3A : i32
    %jit3A = arith.constant 152 : i32
    %jit3A_1 = arith.constant 8 : i32
    %select_n3A = arith.select %eq3A_0, %jit3A, %jit3A_1 : i32
    %eq3A_2 = arith.constant 0 : i32
    %eq3A_3 = arith.cmpi eq, %arg0, %eq3A_2 : i32
    %mul3A = arith.constant 152 : i32
    %mul3A_4 = arith.muli %arg1, %mul3A : i32
    %mul3A_5 = arith.constant 8 : i32
    %mul3A_6 = arith.muli %arg1, %mul3A_5 : i32
    %add3A = arith.constant 2432 : i32
    %add3A_7 = arith.addi %add3A, %mul3A_6 : i32
    %select_n3A_8 = arith.select %eq3A_3, %mul3A_4, %add3A_7 : i32
    %jit3A_9 = arith.constant 8 : i32
    %div3A = arith.divsi %select_n3A, %jit3A_9 : i32
    %sign3A = arith.constant 0 : i32
    %sign3A_10 = arith.cmpi sgt, %select_n3A, %sign3A : i32
    %sign3A_11 = arith.extui %sign3A_10 : i1 to i32
    %sign3A_12 = arith.constant 0 : i32
    %sign3A_13 = arith.cmpi slt, %select_n3A, %sign3A_12 : i32
    %sign3A_14 = arith.extui %sign3A_13 : i1 to i32
    %sign3A_15 = arith.subi %sign3A_11, %sign3A_14 : i32
    %sign3A_16 = arith.constant 0 : i32
    %sign3A_17 = arith.cmpi sgt, %jit3A_9, %sign3A_16 : i32
    %sign3A_18 = arith.extui %sign3A_17 : i1 to i32
    %sign3A_19 = arith.constant 0 : i32
    %sign3A_20 = arith.cmpi slt, %jit3A_9, %sign3A_19 : i32
    %sign3A_21 = arith.extui %sign3A_20 : i1 to i32
    %sign3A_22 = arith.subi %sign3A_18, %sign3A_21 : i32
    %ne3A = arith.cmpi ne, %sign3A_15, %sign3A_22 : i32
    %rem3A = arith.remsi %select_n3A, %jit3A_9 : i32
    %ne3A_23 = arith.constant 0 : i32
    %ne3A_24 = arith.cmpi ne, %rem3A, %ne3A_23 : i32
    %and3A = arith.andi %ne3A, %ne3A_24 : i1
    %sub3A = arith.constant 1 : i32
    %sub3A_25 = arith.subi %div3A, %sub3A : i32
    %select_n3A_26 = arith.select %and3A, %sub3A_25, %div3A : i32
    %mul3A_27 = arith.constant 640 : i32
    %mul3A_28 = arith.muli %arg1, %mul3A_27 : i32
    "tpu.region"() ({
      %run_scoped3A = tpu.sem_alloc : memref<!tpu.dma_semaphore, #tpu.memory_space<semaphore_mem>>
      %dma_start3A = arith.constant 0 : i32
      %dma_start3A_43 = tpu.memref_slice %arg7[%mul3A_28, %dma_start3A] : memref<10240x128xf32, #tpu.memory_space<vmem_shared>> -> memref<640x128xf32, #tpu.memory_space<vmem_shared>>
      tpu.enqueue_dma source(%arg5 : memref<640x128xf32, #tpu.memory_space<hbm>>) target(%dma_start3A_43 : memref<640x128xf32, #tpu.memory_space<vmem_shared>>) target_semaphore(%run_scoped3A : memref<!tpu.dma_semaphore, #tpu.memory_space<semaphore_mem>>)
      %dma_wait3A = arith.constant 0 : i32
      %dma_wait3A_44 = tpu.memref_slice %arg7[%mul3A_28, %dma_wait3A] : memref<10240x128xf32, #tpu.memory_space<vmem_shared>> -> memref<640x128xf32, #tpu.memory_space<vmem_shared>>
      tpu.wait_dma2 semaphore(%run_scoped3A : memref<!tpu.dma_semaphore, #tpu.memory_space<semaphore_mem>>) src(%arg5 : memref<640x128xf32, #tpu.memory_space<hbm>>) dst(%dma_wait3A_44 : memref<640x128xf32, #tpu.memory_space<vmem_shared>>)
      tpu.yield
    }) : () -> ()
    %barrier3A = arith.constant 0 : index
    tpu.barrier barrier_id(%barrier3A)
    %while3A = arith.constant 0 : i32
    %while3A_29 = arith.constant 0 : i32
    %while3A_30 = arith.subi %select_n3A_26, %while3A_29 : i32
    %while3A_31 = arith.addi %while3A_29, %while3A_30 : i32
    %while3A_32 = arith.constant 1 : i32
    %while3A_33 = arith.divsi %while3A_30, %while3A_32 : i32
    %while3A_34 = arith.muli %while3A_33, %while3A_32 : i32
    %while3A_35 = arith.addi %while3A_29, %while3A_34 : i32
    %while3A_36 = arith.constant 1 : i32
    scf.for %while3A_43 = %while3A_29 to %while3A_35 step %while3A_36  : i32 {
      %mul3A_44 = arith.constant 8 : i32
      %mul3A_45 = arith.muli %while3A_43, %mul3A_44 : i32
      %add3A_46 = arith.addi %select_n3A_8, %mul3A_45 : i32
      "tpu.region"() ({
        %run_scoped3A_167 = tpu.sem_alloc : memref<!tpu.dma_semaphore, #tpu.memory_space<semaphore_mem>>
        %dma_start3A_168 = arith.constant 0 : i32
        %dma_start3A_169 = tpu.memref_slice %arg3[%add3A_46, %dma_start3A_168] : memref<2560x128xi32, #tpu.memory_space<hbm>> -> memref<8x128xi32, #tpu.memory_space<hbm>>
        %dma_start3A_170 = arith.constant 0 : i32
        %dma_start3A_171 = tpu.memref_slice %arg3[%add3A_46, %dma_start3A_170] : memref<2560x128xi32, #tpu.memory_space<hbm>> -> memref<8x128xi32, #tpu.memory_space<hbm>>
        tpu.enqueue_dma source(%dma_start3A_171 : memref<8x128xi32, #tpu.memory_space<hbm>>) target(%arg8 : memref<8x128xi32, #tpu.memory_space<vmem>>) target_semaphore(%run_scoped3A_167 : memref<!tpu.dma_semaphore, #tpu.memory_space<semaphore_mem>>)
        %dma_wait3A_172 = arith.constant 0 : i32
        %dma_wait3A_173 = tpu.memref_slice %arg3[%add3A_46, %dma_wait3A_172] : memref<2560x128xi32, #tpu.memory_space<hbm>> -> memref<8x128xi32, #tpu.memory_space<hbm>>
        %dma_wait3A_174 = arith.constant 0 : i32
        %dma_wait3A_175 = tpu.memref_slice %arg3[%add3A_46, %dma_wait3A_174] : memref<2560x128xi32, #tpu.memory_space<hbm>> -> memref<8x128xi32, #tpu.memory_space<hbm>>
        tpu.wait_dma2 semaphore(%run_scoped3A_167 : memref<!tpu.dma_semaphore, #tpu.memory_space<semaphore_mem>>) src(%dma_wait3A_175 : memref<8x128xi32, #tpu.memory_space<hbm>>) dst(%arg8 : memref<8x128xi32, #tpu.memory_space<vmem>>)
        tpu.yield
      }) : () -> ()
      %mul3A_47 = arith.constant 8 : i32
      %mul3A_48 = arith.muli %while3A_43, %mul3A_47 : i32
      %add3A_49 = arith.addi %select_n3A_8, %mul3A_48 : i32
      "tpu.region"() ({
        %run_scoped3A_167 = tpu.sem_alloc : memref<!tpu.dma_semaphore, #tpu.memory_space<semaphore_mem>>
        %dma_start3A_168 = arith.constant 0 : i32
        %dma_start3A_169 = tpu.memref_slice %arg4[%add3A_49, %dma_start3A_168] : memref<2560x128xi32, #tpu.memory_space<hbm>> -> memref<8x128xi32, #tpu.memory_space<hbm>>
        %dma_start3A_170 = arith.constant 0 : i32
        %dma_start3A_171 = tpu.memref_slice %arg4[%add3A_49, %dma_start3A_170] : memref<2560x128xi32, #tpu.memory_space<hbm>> -> memref<8x128xi32, #tpu.memory_space<hbm>>
        tpu.enqueue_dma source(%dma_start3A_171 : memref<8x128xi32, #tpu.memory_space<hbm>>) target(%arg9 : memref<8x128xi32, #tpu.memory_space<vmem>>) target_semaphore(%run_scoped3A_167 : memref<!tpu.dma_semaphore, #tpu.memory_space<semaphore_mem>>)
        %dma_wait3A_172 = arith.constant 0 : i32
        %dma_wait3A_173 = tpu.memref_slice %arg4[%add3A_49, %dma_wait3A_172] : memref<2560x128xi32, #tpu.memory_space<hbm>> -> memref<8x128xi32, #tpu.memory_space<hbm>>
        %dma_wait3A_174 = arith.constant 0 : i32
        %dma_wait3A_175 = tpu.memref_slice %arg4[%add3A_49, %dma_wait3A_174] : memref<2560x128xi32, #tpu.memory_space<hbm>> -> memref<8x128xi32, #tpu.memory_space<hbm>>
        tpu.wait_dma2 semaphore(%run_scoped3A_167 : memref<!tpu.dma_semaphore, #tpu.memory_space<semaphore_mem>>) src(%dma_wait3A_175 : memref<8x128xi32, #tpu.memory_space<hbm>>) dst(%arg9 : memref<8x128xi32, #tpu.memory_space<vmem>>)
        tpu.yield
      }) : () -> ()
      %dma_start3A = arith.constant 0 : i32
      %dma_start3A_50 = arith.constant 0 : i32
      %dma_start3A_51 = tpu.memref_slice %arg8[%dma_start3A, %dma_start3A_50] : memref<8x128xi32, #tpu.memory_space<vmem>> -> memref<1x128xi32, #tpu.memory_space<vmem>>
      %dma_start3A_52 = tpu.memref_squeeze %dma_start3A_51 : memref<1x128xi32, #tpu.memory_space<vmem>> -> memref<128xi32, #tpu.memory_space<vmem>>
      %dma_start3A_53 = arith.constant 0 : i32
      %dma_start3A_54 = arith.constant 0 : i32
      %dma_start3A_55 = tpu.memref_slice %arg2[%dma_start3A_53, %dma_start3A_54] : memref<10240x128xf32, #tpu.memory_space<hbm>> -> memref<10240x128xf32, #tpu.memory_space<hbm>>
      tpu.enqueue_indirect_dma source(%dma_start3A_55 : memref<10240x128xf32, #tpu.memory_space<hbm>>) target(%arg10 : memref<128x128xf32, #tpu.memory_space<vmem>>) offsets(%dma_start3A_52 : memref<128xi32, #tpu.memory_space<vmem>>) semaphore(%arg12 : memref<!tpu.dma_semaphore, #tpu.memory_space<semaphore_mem>>)
      %dma_start3A_56 = arith.constant 1 : i32
      %dma_start3A_57 = arith.constant 0 : i32
      %dma_start3A_58 = tpu.memref_slice %arg8[%dma_start3A_56, %dma_start3A_57] : memref<8x128xi32, #tpu.memory_space<vmem>> -> memref<1x128xi32, #tpu.memory_space<vmem>>
      %dma_start3A_59 = tpu.memref_squeeze %dma_start3A_58 : memref<1x128xi32, #tpu.memory_space<vmem>> -> memref<128xi32, #tpu.memory_space<vmem>>
      %dma_start3A_60 = arith.constant 0 : i32
      %dma_start3A_61 = arith.constant 0 : i32
      %dma_start3A_62 = tpu.memref_slice %arg2[%dma_start3A_60, %dma_start3A_61] : memref<10240x128xf32, #tpu.memory_space<hbm>> -> memref<10240x128xf32, #tpu.memory_space<hbm>>
      tpu.enqueue_indirect_dma source(%dma_start3A_62 : memref<10240x128xf32, #tpu.memory_space<hbm>>) target(%arg11 : memref<128x128xf32, #tpu.memory_space<vmem>>) offsets(%dma_start3A_59 : memref<128xi32, #tpu.memory_space<vmem>>) semaphore(%arg13 : memref<!tpu.dma_semaphore, #tpu.memory_space<semaphore_mem>>)
      %dma_wait3A = arith.constant 0 : i32
      %dma_wait3A_63 = arith.constant 0 : i32
      %dma_wait3A_64 = tpu.memref_slice %arg8[%dma_wait3A, %dma_wait3A_63] : memref<8x128xi32, #tpu.memory_space<vmem>> -> memref<1x128xi32, #tpu.memory_space<vmem>>
      %dma_wait3A_65 = tpu.memref_squeeze %dma_wait3A_64 : memref<1x128xi32, #tpu.memory_space<vmem>> -> memref<128xi32, #tpu.memory_space<vmem>>
      %dma_wait3A_66 = arith.constant 0 : i32
      %dma_wait3A_67 = arith.constant 0 : i32
      %dma_wait3A_68 = tpu.memref_slice %arg2[%dma_wait3A_66, %dma_wait3A_67] : memref<10240x128xf32, #tpu.memory_space<hbm>> -> memref<10240x128xf32, #tpu.memory_space<hbm>>
      tpu.wait_indirect_dma semaphore(%arg12 : memref<!tpu.dma_semaphore, #tpu.memory_space<semaphore_mem>>) src(%dma_wait3A_68 : memref<10240x128xf32, #tpu.memory_space<hbm>>) dst(%arg10 : memref<128x128xf32, #tpu.memory_space<vmem>>)
      %run_scoped3A = arith.constant 0 : i32
      "tpu.region"() ({
        %run_scoped3A_167 = tpu.sem_alloc : memref<!tpu.dma_semaphore, #tpu.memory_space<semaphore_mem>>
        %dma_start3A_168 = arith.constant 0 : i32
        %dma_start3A_169 = tpu.memref_slice %arg9[%run_scoped3A, %dma_start3A_168] : memref<8x128xi32, #tpu.memory_space<vmem>> -> memref<1x128xi32, #tpu.memory_space<vmem>>
        %dma_start3A_170 = tpu.memref_squeeze %dma_start3A_169 : memref<1x128xi32, #tpu.memory_space<vmem>> -> memref<128xi32, #tpu.memory_space<vmem>>
        %dma_start3A_171 = arith.constant 0 : i32
        %dma_start3A_172 = arith.constant 0 : i32
        %dma_start3A_173 = tpu.memref_slice %arg7[%dma_start3A_171, %dma_start3A_172] : memref<10240x128xf32, #tpu.memory_space<vmem_shared>> -> memref<10240x128xf32, #tpu.memory_space<vmem_shared>>
        tpu.enqueue_indirect_dma source(%arg10 : memref<128x128xf32, #tpu.memory_space<vmem>>) target(%dma_start3A_173 : memref<10240x128xf32, #tpu.memory_space<vmem_shared>>) offsets(%dma_start3A_170 : memref<128xi32, #tpu.memory_space<vmem>>) semaphore(%run_scoped3A_167 : memref<!tpu.dma_semaphore, #tpu.memory_space<semaphore_mem>>) {add = true}
        %dma_wait3A_174 = arith.constant 0 : i32
        %dma_wait3A_175 = tpu.memref_slice %arg9[%run_scoped3A, %dma_wait3A_174] : memref<8x128xi32, #tpu.memory_space<vmem>> -> memref<1x128xi32, #tpu.memory_space<vmem>>
        %dma_wait3A_176 = tpu.memref_squeeze %dma_wait3A_175 : memref<1x128xi32, #tpu.memory_space<vmem>> -> memref<128xi32, #tpu.memory_space<vmem>>
        %dma_wait3A_177 = arith.constant 0 : i32
        %dma_wait3A_178 = arith.constant 0 : i32
        %dma_wait3A_179 = tpu.memref_slice %arg7[%dma_wait3A_177, %dma_wait3A_178] : memref<10240x128xf32, #tpu.memory_space<vmem_shared>> -> memref<10240x128xf32, #tpu.memory_space<vmem_shared>>
        tpu.wait_indirect_dma semaphore(%run_scoped3A_167 : memref<!tpu.dma_semaphore, #tpu.memory_space<semaphore_mem>>) src(%arg10 : memref<128x128xf32, #tpu.memory_space<vmem>>) dst(%dma_wait3A_179 : memref<10240x128xf32, #tpu.memory_space<vmem_shared>>)
        tpu.yield
      }) : () -> ()
      %dma_start3A_69 = arith.constant 2 : i32
      %dma_start3A_70 = arith.constant 0 : i32
      %dma_start3A_71 = tpu.memref_slice %arg8[%dma_start3A_69, %dma_start3A_70] : memref<8x128xi32, #tpu.memory_space<vmem>> -> memref<1x128xi32, #tpu.memory_space<vmem>>
      %dma_start3A_72 = tpu.memref_squeeze %dma_start3A_71 : memref<1x128xi32, #tpu.memory_space<vmem>> -> memref<128xi32, #tpu.memory_space<vmem>>
      %dma_start3A_73 = arith.constant 0 : i32
      %dma_start3A_74 = arith.constant 0 : i32
      %dma_start3A_75 = tpu.memref_slice %arg2[%dma_start3A_73, %dma_start3A_74] : memref<10240x128xf32, #tpu.memory_space<hbm>> -> memref<10240x128xf32, #tpu.memory_space<hbm>>
      tpu.enqueue_indirect_dma source(%dma_start3A_75 : memref<10240x128xf32, #tpu.memory_space<hbm>>) target(%arg10 : memref<128x128xf32, #tpu.memory_space<vmem>>) offsets(%dma_start3A_72 : memref<128xi32, #tpu.memory_space<vmem>>) semaphore(%arg12 : memref<!tpu.dma_semaphore, #tpu.memory_space<semaphore_mem>>)
      %dma_wait3A_76 = arith.constant 1 : i32
      %dma_wait3A_77 = arith.constant 0 : i32
      %dma_wait3A_78 = tpu.memref_slice %arg8[%dma_wait3A_76, %dma_wait3A_77] : memref<8x128xi32, #tpu.memory_space<vmem>> -> memref<1x128xi32, #tpu.memory_space<vmem>>
      %dma_wait3A_79 = tpu.memref_squeeze %dma_wait3A_78 : memref<1x128xi32, #tpu.memory_space<vmem>> -> memref<128xi32, #tpu.memory_space<vmem>>
      %dma_wait3A_80 = arith.constant 0 : i32
      %dma_wait3A_81 = arith.constant 0 : i32
      %dma_wait3A_82 = tpu.memref_slice %arg2[%dma_wait3A_80, %dma_wait3A_81] : memref<10240x128xf32, #tpu.memory_space<hbm>> -> memref<10240x128xf32, #tpu.memory_space<hbm>>
      tpu.wait_indirect_dma semaphore(%arg13 : memref<!tpu.dma_semaphore, #tpu.memory_space<semaphore_mem>>) src(%dma_wait3A_82 : memref<10240x128xf32, #tpu.memory_space<hbm>>) dst(%arg11 : memref<128x128xf32, #tpu.memory_space<vmem>>)
      %run_scoped3A_83 = arith.constant 1 : i32
      "tpu.region"() ({
        %run_scoped3A_167 = tpu.sem_alloc : memref<!tpu.dma_semaphore, #tpu.memory_space<semaphore_mem>>
        %dma_start3A_168 = arith.constant 0 : i32
        %dma_start3A_169 = tpu.memref_slice %arg9[%run_scoped3A_83, %dma_start3A_168] : memref<8x128xi32, #tpu.memory_space<vmem>> -> memref<1x128xi32, #tpu.memory_space<vmem>>
        %dma_start3A_170 = tpu.memref_squeeze %dma_start3A_169 : memref<1x128xi32, #tpu.memory_space<vmem>> -> memref<128xi32, #tpu.memory_space<vmem>>
        %dma_start3A_171 = arith.constant 0 : i32
        %dma_start3A_172 = arith.constant 0 : i32
        %dma_start3A_173 = tpu.memref_slice %arg7[%dma_start3A_171, %dma_start3A_172] : memref<10240x128xf32, #tpu.memory_space<vmem_shared>> -> memref<10240x128xf32, #tpu.memory_space<vmem_shared>>
        tpu.enqueue_indirect_dma source(%arg11 : memref<128x128xf32, #tpu.memory_space<vmem>>) target(%dma_start3A_173 : memref<10240x128xf32, #tpu.memory_space<vmem_shared>>) offsets(%dma_start3A_170 : memref<128xi32, #tpu.memory_space<vmem>>) semaphore(%run_scoped3A_167 : memref<!tpu.dma_semaphore, #tpu.memory_space<semaphore_mem>>) {add = true}
        %dma_wait3A_174 = arith.constant 0 : i32
        %dma_wait3A_175 = tpu.memref_slice %arg9[%run_scoped3A_83, %dma_wait3A_174] : memref<8x128xi32, #tpu.memory_space<vmem>> -> memref<1x128xi32, #tpu.memory_space<vmem>>
        %dma_wait3A_176 = tpu.memref_squeeze %dma_wait3A_175 : memref<1x128xi32, #tpu.memory_space<vmem>> -> memref<128xi32, #tpu.memory_space<vmem>>
        %dma_wait3A_177 = arith.constant 0 : i32
        %dma_wait3A_178 = arith.constant 0 : i32
        %dma_wait3A_179 = tpu.memref_slice %arg7[%dma_wait3A_177, %dma_wait3A_178] : memref<10240x128xf32, #tpu.memory_space<vmem_shared>> -> memref<10240x128xf32, #tpu.memory_space<vmem_shared>>
        tpu.wait_indirect_dma semaphore(%run_scoped3A_167 : memref<!tpu.dma_semaphore, #tpu.memory_space<semaphore_mem>>) src(%arg11 : memref<128x128xf32, #tpu.memory_space<vmem>>) dst(%dma_wait3A_179 : memref<10240x128xf32, #tpu.memory_space<vmem_shared>>)
        tpu.yield
      }) : () -> ()
      %dma_start3A_84 = arith.constant 3 : i32
      %dma_start3A_85 = arith.constant 0 : i32
      %dma_start3A_86 = tpu.memref_slice %arg8[%dma_start3A_84, %dma_start3A_85] : memref<8x128xi32, #tpu.memory_space<vmem>> -> memref<1x128xi32, #tpu.memory_space<vmem>>
      %dma_start3A_87 = tpu.memref_squeeze %dma_start3A_86 : memref<1x128xi32, #tpu.memory_space<vmem>> -> memref<128xi32, #tpu.memory_space<vmem>>
      %dma_start3A_88 = arith.constant 0 : i32
      %dma_start3A_89 = arith.constant 0 : i32
      %dma_start3A_90 = tpu.memref_slice %arg2[%dma_start3A_88, %dma_start3A_89] : memref<10240x128xf32, #tpu.memory_space<hbm>> -> memref<10240x128xf32, #tpu.memory_space<hbm>>
      tpu.enqueue_indirect_dma source(%dma_start3A_90 : memref<10240x128xf32, #tpu.memory_space<hbm>>) target(%arg11 : memref<128x128xf32, #tpu.memory_space<vmem>>) offsets(%dma_start3A_87 : memref<128xi32, #tpu.memory_space<vmem>>) semaphore(%arg13 : memref<!tpu.dma_semaphore, #tpu.memory_space<semaphore_mem>>)
      %dma_wait3A_91 = arith.constant 2 : i32
      %dma_wait3A_92 = arith.constant 0 : i32
      %dma_wait3A_93 = tpu.memref_slice %arg8[%dma_wait3A_91, %dma_wait3A_92] : memref<8x128xi32, #tpu.memory_space<vmem>> -> memref<1x128xi32, #tpu.memory_space<vmem>>
      %dma_wait3A_94 = tpu.memref_squeeze %dma_wait3A_93 : memref<1x128xi32, #tpu.memory_space<vmem>> -> memref<128xi32, #tpu.memory_space<vmem>>
      %dma_wait3A_95 = arith.constant 0 : i32
      %dma_wait3A_96 = arith.constant 0 : i32
      %dma_wait3A_97 = tpu.memref_slice %arg2[%dma_wait3A_95, %dma_wait3A_96] : memref<10240x128xf32, #tpu.memory_space<hbm>> -> memref<10240x128xf32, #tpu.memory_space<hbm>>
      tpu.wait_indirect_dma semaphore(%arg12 : memref<!tpu.dma_semaphore, #tpu.memory_space<semaphore_mem>>) src(%dma_wait3A_97 : memref<10240x128xf32, #tpu.memory_space<hbm>>) dst(%arg10 : memref<128x128xf32, #tpu.memory_space<vmem>>)
      %run_scoped3A_98 = arith.constant 2 : i32
      "tpu.region"() ({
        %run_scoped3A_167 = tpu.sem_alloc : memref<!tpu.dma_semaphore, #tpu.memory_space<semaphore_mem>>
        %dma_start3A_168 = arith.constant 0 : i32
        %dma_start3A_169 = tpu.memref_slice %arg9[%run_scoped3A_98, %dma_start3A_168] : memref<8x128xi32, #tpu.memory_space<vmem>> -> memref<1x128xi32, #tpu.memory_space<vmem>>
        %dma_start3A_170 = tpu.memref_squeeze %dma_start3A_169 : memref<1x128xi32, #tpu.memory_space<vmem>> -> memref<128xi32, #tpu.memory_space<vmem>>
        %dma_start3A_171 = arith.constant 0 : i32
        %dma_start3A_172 = arith.constant 0 : i32
        %dma_start3A_173 = tpu.memref_slice %arg7[%dma_start3A_171, %dma_start3A_172] : memref<10240x128xf32, #tpu.memory_space<vmem_shared>> -> memref<10240x128xf32, #tpu.memory_space<vmem_shared>>
        tpu.enqueue_indirect_dma source(%arg10 : memref<128x128xf32, #tpu.memory_space<vmem>>) target(%dma_start3A_173 : memref<10240x128xf32, #tpu.memory_space<vmem_shared>>) offsets(%dma_start3A_170 : memref<128xi32, #tpu.memory_space<vmem>>) semaphore(%run_scoped3A_167 : memref<!tpu.dma_semaphore, #tpu.memory_space<semaphore_mem>>) {add = true}
        %dma_wait3A_174 = arith.constant 0 : i32
        %dma_wait3A_175 = tpu.memref_slice %arg9[%run_scoped3A_98, %dma_wait3A_174] : memref<8x128xi32, #tpu.memory_space<vmem>> -> memref<1x128xi32, #tpu.memory_space<vmem>>
        %dma_wait3A_176 = tpu.memref_squeeze %dma_wait3A_175 : memref<1x128xi32, #tpu.memory_space<vmem>> -> memref<128xi32, #tpu.memory_space<vmem>>
        %dma_wait3A_177 = arith.constant 0 : i32
        %dma_wait3A_178 = arith.constant 0 : i32
        %dma_wait3A_179 = tpu.memref_slice %arg7[%dma_wait3A_177, %dma_wait3A_178] : memref<10240x128xf32, #tpu.memory_space<vmem_shared>> -> memref<10240x128xf32, #tpu.memory_space<vmem_shared>>
        tpu.wait_indirect_dma semaphore(%run_scoped3A_167 : memref<!tpu.dma_semaphore, #tpu.memory_space<semaphore_mem>>) src(%arg10 : memref<128x128xf32, #tpu.memory_space<vmem>>) dst(%dma_wait3A_179 : memref<10240x128xf32, #tpu.memory_space<vmem_shared>>)
        tpu.yield
      }) : () -> ()
      %dma_start3A_99 = arith.constant 4 : i32
      %dma_start3A_100 = arith.constant 0 : i32
      %dma_start3A_101 = tpu.memref_slice %arg8[%dma_start3A_99, %dma_start3A_100] : memref<8x128xi32, #tpu.memory_space<vmem>> -> memref<1x128xi32, #tpu.memory_space<vmem>>
      %dma_start3A_102 = tpu.memref_squeeze %dma_start3A_101 : memref<1x128xi32, #tpu.memory_space<vmem>> -> memref<128xi32, #tpu.memory_space<vmem>>
      %dma_start3A_103 = arith.constant 0 : i32
      %dma_start3A_104 = arith.constant 0 : i32
      %dma_start3A_105 = tpu.memref_slice %arg2[%dma_start3A_103, %dma_start3A_104] : memref<10240x128xf32, #tpu.memory_space<hbm>> -> memref<10240x128xf32, #tpu.memory_space<hbm>>
      tpu.enqueue_indirect_dma source(%dma_start3A_105 : memref<10240x128xf32, #tpu.memory_space<hbm>>) target(%arg10 : memref<128x128xf32, #tpu.memory_space<vmem>>) offsets(%dma_start3A_102 : memref<128xi32, #tpu.memory_space<vmem>>) semaphore(%arg12 : memref<!tpu.dma_semaphore, #tpu.memory_space<semaphore_mem>>)
      %dma_wait3A_106 = arith.constant 3 : i32
      %dma_wait3A_107 = arith.constant 0 : i32
      %dma_wait3A_108 = tpu.memref_slice %arg8[%dma_wait3A_106, %dma_wait3A_107] : memref<8x128xi32, #tpu.memory_space<vmem>> -> memref<1x128xi32, #tpu.memory_space<vmem>>
      %dma_wait3A_109 = tpu.memref_squeeze %dma_wait3A_108 : memref<1x128xi32, #tpu.memory_space<vmem>> -> memref<128xi32, #tpu.memory_space<vmem>>
      %dma_wait3A_110 = arith.constant 0 : i32
      %dma_wait3A_111 = arith.constant 0 : i32
      %dma_wait3A_112 = tpu.memref_slice %arg2[%dma_wait3A_110, %dma_wait3A_111] : memref<10240x128xf32, #tpu.memory_space<hbm>> -> memref<10240x128xf32, #tpu.memory_space<hbm>>
      tpu.wait_indirect_dma semaphore(%arg13 : memref<!tpu.dma_semaphore, #tpu.memory_space<semaphore_mem>>) src(%dma_wait3A_112 : memref<10240x128xf32, #tpu.memory_space<hbm>>) dst(%arg11 : memref<128x128xf32, #tpu.memory_space<vmem>>)
      %run_scoped3A_113 = arith.constant 3 : i32
      "tpu.region"() ({
        %run_scoped3A_167 = tpu.sem_alloc : memref<!tpu.dma_semaphore, #tpu.memory_space<semaphore_mem>>
        %dma_start3A_168 = arith.constant 0 : i32
        %dma_start3A_169 = tpu.memref_slice %arg9[%run_scoped3A_113, %dma_start3A_168] : memref<8x128xi32, #tpu.memory_space<vmem>> -> memref<1x128xi32, #tpu.memory_space<vmem>>
        %dma_start3A_170 = tpu.memref_squeeze %dma_start3A_169 : memref<1x128xi32, #tpu.memory_space<vmem>> -> memref<128xi32, #tpu.memory_space<vmem>>
        %dma_start3A_171 = arith.constant 0 : i32
        %dma_start3A_172 = arith.constant 0 : i32
        %dma_start3A_173 = tpu.memref_slice %arg7[%dma_start3A_171, %dma_start3A_172] : memref<10240x128xf32, #tpu.memory_space<vmem_shared>> -> memref<10240x128xf32, #tpu.memory_space<vmem_shared>>
        tpu.enqueue_indirect_dma source(%arg11 : memref<128x128xf32, #tpu.memory_space<vmem>>) target(%dma_start3A_173 : memref<10240x128xf32, #tpu.memory_space<vmem_shared>>) offsets(%dma_start3A_170 : memref<128xi32, #tpu.memory_space<vmem>>) semaphore(%run_scoped3A_167 : memref<!tpu.dma_semaphore, #tpu.memory_space<semaphore_mem>>) {add = true}
        %dma_wait3A_174 = arith.constant 0 : i32
        %dma_wait3A_175 = tpu.memref_slice %arg9[%run_scoped3A_113, %dma_wait3A_174] : memref<8x128xi32, #tpu.memory_space<vmem>> -> memref<1x128xi32, #tpu.memory_space<vmem>>
        %dma_wait3A_176 = tpu.memref_squeeze %dma_wait3A_175 : memref<1x128xi32, #tpu.memory_space<vmem>> -> memref<128xi32, #tpu.memory_space<vmem>>
        %dma_wait3A_177 = arith.constant 0 : i32
        %dma_wait3A_178 = arith.constant 0 : i32
        %dma_wait3A_179 = tpu.memref_slice %arg7[%dma_wait3A_177, %dma_wait3A_178] : memref<10240x128xf32, #tpu.memory_space<vmem_shared>> -> memref<10240x128xf32, #tpu.memory_space<vmem_shared>>
        tpu.wait_indirect_dma semaphore(%run_scoped3A_167 : memref<!tpu.dma_semaphore, #tpu.memory_space<semaphore_mem>>) src(%arg11 : memref<128x128xf32, #tpu.memory_space<vmem>>) dst(%dma_wait3A_179 : memref<10240x128xf32, #tpu.memory_space<vmem_shared>>)
        tpu.yield
      }) : () -> ()
      %dma_start3A_114 = arith.constant 5 : i32
      %dma_start3A_115 = arith.constant 0 : i32
      %dma_start3A_116 = tpu.memref_slice %arg8[%dma_start3A_114, %dma_start3A_115] : memref<8x128xi32, #tpu.memory_space<vmem>> -> memref<1x128xi32, #tpu.memory_space<vmem>>
      %dma_start3A_117 = tpu.memref_squeeze %dma_start3A_116 : memref<1x128xi32, #tpu.memory_space<vmem>> -> memref<128xi32, #tpu.memory_space<vmem>>
      %dma_start3A_118 = arith.constant 0 : i32
      %dma_start3A_119 = arith.constant 0 : i32
      %dma_start3A_120 = tpu.memref_slice %arg2[%dma_start3A_118, %dma_start3A_119] : memref<10240x128xf32, #tpu.memory_space<hbm>> -> memref<10240x128xf32, #tpu.memory_space<hbm>>
      tpu.enqueue_indirect_dma source(%dma_start3A_120 : memref<10240x128xf32, #tpu.memory_space<hbm>>) target(%arg11 : memref<128x128xf32, #tpu.memory_space<vmem>>) offsets(%dma_start3A_117 : memref<128xi32, #tpu.memory_space<vmem>>) semaphore(%arg13 : memref<!tpu.dma_semaphore, #tpu.memory_space<semaphore_mem>>)
      %dma_wait3A_121 = arith.constant 4 : i32
      %dma_wait3A_122 = arith.constant 0 : i32
      %dma_wait3A_123 = tpu.memref_slice %arg8[%dma_wait3A_121, %dma_wait3A_122] : memref<8x128xi32, #tpu.memory_space<vmem>> -> memref<1x128xi32, #tpu.memory_space<vmem>>
      %dma_wait3A_124 = tpu.memref_squeeze %dma_wait3A_123 : memref<1x128xi32, #tpu.memory_space<vmem>> -> memref<128xi32, #tpu.memory_space<vmem>>
      %dma_wait3A_125 = arith.constant 0 : i32
      %dma_wait3A_126 = arith.constant 0 : i32
      %dma_wait3A_127 = tpu.memref_slice %arg2[%dma_wait3A_125, %dma_wait3A_126] : memref<10240x128xf32, #tpu.memory_space<hbm>> -> memref<10240x128xf32, #tpu.memory_space<hbm>>
      tpu.wait_indirect_dma semaphore(%arg12 : memref<!tpu.dma_semaphore, #tpu.memory_space<semaphore_mem>>) src(%dma_wait3A_127 : memref<10240x128xf32, #tpu.memory_space<hbm>>) dst(%arg10 : memref<128x128xf32, #tpu.memory_space<vmem>>)
      %run_scoped3A_128 = arith.constant 4 : i32
      "tpu.region"() ({
        %run_scoped3A_167 = tpu.sem_alloc : memref<!tpu.dma_semaphore, #tpu.memory_space<semaphore_mem>>
        %dma_start3A_168 = arith.constant 0 : i32
        %dma_start3A_169 = tpu.memref_slice %arg9[%run_scoped3A_128, %dma_start3A_168] : memref<8x128xi32, #tpu.memory_space<vmem>> -> memref<1x128xi32, #tpu.memory_space<vmem>>
        %dma_start3A_170 = tpu.memref_squeeze %dma_start3A_169 : memref<1x128xi32, #tpu.memory_space<vmem>> -> memref<128xi32, #tpu.memory_space<vmem>>
        %dma_start3A_171 = arith.constant 0 : i32
        %dma_start3A_172 = arith.constant 0 : i32
        %dma_start3A_173 = tpu.memref_slice %arg7[%dma_start3A_171, %dma_start3A_172] : memref<10240x128xf32, #tpu.memory_space<vmem_shared>> -> memref<10240x128xf32, #tpu.memory_space<vmem_shared>>
        tpu.enqueue_indirect_dma source(%arg10 : memref<128x128xf32, #tpu.memory_space<vmem>>) target(%dma_start3A_173 : memref<10240x128xf32, #tpu.memory_space<vmem_shared>>) offsets(%dma_start3A_170 : memref<128xi32, #tpu.memory_space<vmem>>) semaphore(%run_scoped3A_167 : memref<!tpu.dma_semaphore, #tpu.memory_space<semaphore_mem>>) {add = true}
        %dma_wait3A_174 = arith.constant 0 : i32
        %dma_wait3A_175 = tpu.memref_slice %arg9[%run_scoped3A_128, %dma_wait3A_174] : memref<8x128xi32, #tpu.memory_space<vmem>> -> memref<1x128xi32, #tpu.memory_space<vmem>>
        %dma_wait3A_176 = tpu.memref_squeeze %dma_wait3A_175 : memref<1x128xi32, #tpu.memory_space<vmem>> -> memref<128xi32, #tpu.memory_space<vmem>>
        %dma_wait3A_177 = arith.constant 0 : i32
        %dma_wait3A_178 = arith.constant 0 : i32
        %dma_wait3A_179 = tpu.memref_slice %arg7[%dma_wait3A_177, %dma_wait3A_178] : memref<10240x128xf32, #tpu.memory_space<vmem_shared>> -> memref<10240x128xf32, #tpu.memory_space<vmem_shared>>
        tpu.wait_indirect_dma semaphore(%run_scoped3A_167 : memref<!tpu.dma_semaphore, #tpu.memory_space<semaphore_mem>>) src(%arg10 : memref<128x128xf32, #tpu.memory_space<vmem>>) dst(%dma_wait3A_179 : memref<10240x128xf32, #tpu.memory_space<vmem_shared>>)
        tpu.yield
      }) : () -> ()
      %dma_start3A_129 = arith.constant 6 : i32
      %dma_start3A_130 = arith.constant 0 : i32
      %dma_start3A_131 = tpu.memref_slice %arg8[%dma_start3A_129, %dma_start3A_130] : memref<8x128xi32, #tpu.memory_space<vmem>> -> memref<1x128xi32, #tpu.memory_space<vmem>>
      %dma_start3A_132 = tpu.memref_squeeze %dma_start3A_131 : memref<1x128xi32, #tpu.memory_space<vmem>> -> memref<128xi32, #tpu.memory_space<vmem>>
      %dma_start3A_133 = arith.constant 0 : i32
      %dma_start3A_134 = arith.constant 0 : i32
      %dma_start3A_135 = tpu.memref_slice %arg2[%dma_start3A_133, %dma_start3A_134] : memref<10240x128xf32, #tpu.memory_space<hbm>> -> memref<10240x128xf32, #tpu.memory_space<hbm>>
      tpu.enqueue_indirect_dma source(%dma_start3A_135 : memref<10240x128xf32, #tpu.memory_space<hbm>>) target(%arg10 : memref<128x128xf32, #tpu.memory_space<vmem>>) offsets(%dma_start3A_132 : memref<128xi32, #tpu.memory_space<vmem>>) semaphore(%arg12 : memref<!tpu.dma_semaphore, #tpu.memory_space<semaphore_mem>>)
      %dma_wait3A_136 = arith.constant 5 : i32
      %dma_wait3A_137 = arith.constant 0 : i32
      %dma_wait3A_138 = tpu.memref_slice %arg8[%dma_wait3A_136, %dma_wait3A_137] : memref<8x128xi32, #tpu.memory_space<vmem>> -> memref<1x128xi32, #tpu.memory_space<vmem>>
      %dma_wait3A_139 = tpu.memref_squeeze %dma_wait3A_138 : memref<1x128xi32, #tpu.memory_space<vmem>> -> memref<128xi32, #tpu.memory_space<vmem>>
      %dma_wait3A_140 = arith.constant 0 : i32
      %dma_wait3A_141 = arith.constant 0 : i32
      %dma_wait3A_142 = tpu.memref_slice %arg2[%dma_wait3A_140, %dma_wait3A_141] : memref<10240x128xf32, #tpu.memory_space<hbm>> -> memref<10240x128xf32, #tpu.memory_space<hbm>>
      tpu.wait_indirect_dma semaphore(%arg13 : memref<!tpu.dma_semaphore, #tpu.memory_space<semaphore_mem>>) src(%dma_wait3A_142 : memref<10240x128xf32, #tpu.memory_space<hbm>>) dst(%arg11 : memref<128x128xf32, #tpu.memory_space<vmem>>)
      %run_scoped3A_143 = arith.constant 5 : i32
      "tpu.region"() ({
        %run_scoped3A_167 = tpu.sem_alloc : memref<!tpu.dma_semaphore, #tpu.memory_space<semaphore_mem>>
        %dma_start3A_168 = arith.constant 0 : i32
        %dma_start3A_169 = tpu.memref_slice %arg9[%run_scoped3A_143, %dma_start3A_168] : memref<8x128xi32, #tpu.memory_space<vmem>> -> memref<1x128xi32, #tpu.memory_space<vmem>>
        %dma_start3A_170 = tpu.memref_squeeze %dma_start3A_169 : memref<1x128xi32, #tpu.memory_space<vmem>> -> memref<128xi32, #tpu.memory_space<vmem>>
        %dma_start3A_171 = arith.constant 0 : i32
        %dma_start3A_172 = arith.constant 0 : i32
        %dma_start3A_173 = tpu.memref_slice %arg7[%dma_start3A_171, %dma_start3A_172] : memref<10240x128xf32, #tpu.memory_space<vmem_shared>> -> memref<10240x128xf32, #tpu.memory_space<vmem_shared>>
        tpu.enqueue_indirect_dma source(%arg11 : memref<128x128xf32, #tpu.memory_space<vmem>>) target(%dma_start3A_173 : memref<10240x128xf32, #tpu.memory_space<vmem_shared>>) offsets(%dma_start3A_170 : memref<128xi32, #tpu.memory_space<vmem>>) semaphore(%run_scoped3A_167 : memref<!tpu.dma_semaphore, #tpu.memory_space<semaphore_mem>>) {add = true}
        %dma_wait3A_174 = arith.constant 0 : i32
        %dma_wait3A_175 = tpu.memref_slice %arg9[%run_scoped3A_143, %dma_wait3A_174] : memref<8x128xi32, #tpu.memory_space<vmem>> -> memref<1x128xi32, #tpu.memory_space<vmem>>
        %dma_wait3A_176 = tpu.memref_squeeze %dma_wait3A_175 : memref<1x128xi32, #tpu.memory_space<vmem>> -> memref<128xi32, #tpu.memory_space<vmem>>
        %dma_wait3A_177 = arith.constant 0 : i32
        %dma_wait3A_178 = arith.constant 0 : i32
        %dma_wait3A_179 = tpu.memref_slice %arg7[%dma_wait3A_177, %dma_wait3A_178] : memref<10240x128xf32, #tpu.memory_space<vmem_shared>> -> memref<10240x128xf32, #tpu.memory_space<vmem_shared>>
        tpu.wait_indirect_dma semaphore(%run_scoped3A_167 : memref<!tpu.dma_semaphore, #tpu.memory_space<semaphore_mem>>) src(%arg11 : memref<128x128xf32, #tpu.memory_space<vmem>>) dst(%dma_wait3A_179 : memref<10240x128xf32, #tpu.memory_space<vmem_shared>>)
        tpu.yield
      }) : () -> ()
      %dma_start3A_144 = arith.constant 7 : i32
      %dma_start3A_145 = arith.constant 0 : i32
      %dma_start3A_146 = tpu.memref_slice %arg8[%dma_start3A_144, %dma_start3A_145] : memref<8x128xi32, #tpu.memory_space<vmem>> -> memref<1x128xi32, #tpu.memory_space<vmem>>
      %dma_start3A_147 = tpu.memref_squeeze %dma_start3A_146 : memref<1x128xi32, #tpu.memory_space<vmem>> -> memref<128xi32, #tpu.memory_space<vmem>>
      %dma_start3A_148 = arith.constant 0 : i32
      %dma_start3A_149 = arith.constant 0 : i32
      %dma_start3A_150 = tpu.memref_slice %arg2[%dma_start3A_148, %dma_start3A_149] : memref<10240x128xf32, #tpu.memory_space<hbm>> -> memref<10240x128xf32, #tpu.memory_space<hbm>>
      tpu.enqueue_indirect_dma source(%dma_start3A_150 : memref<10240x128xf32, #tpu.memory_space<hbm>>) target(%arg11 : memref<128x128xf32, #tpu.memory_space<vmem>>) offsets(%dma_start3A_147 : memref<128xi32, #tpu.memory_space<vmem>>) semaphore(%arg13 : memref<!tpu.dma_semaphore, #tpu.memory_space<semaphore_mem>>)
      %dma_wait3A_151 = arith.constant 6 : i32
      %dma_wait3A_152 = arith.constant 0 : i32
      %dma_wait3A_153 = tpu.memref_slice %arg8[%dma_wait3A_151, %dma_wait3A_152] : memref<8x128xi32, #tpu.memory_space<vmem>> -> memref<1x128xi32, #tpu.memory_space<vmem>>
      %dma_wait3A_154 = tpu.memref_squeeze %dma_wait3A_153 : memref<1x128xi32, #tpu.memory_space<vmem>> -> memref<128xi32, #tpu.memory_space<vmem>>
      %dma_wait3A_155 = arith.constant 0 : i32
      %dma_wait3A_156 = arith.constant 0 : i32
      %dma_wait3A_157 = tpu.memref_slice %arg2[%dma_wait3A_155, %dma_wait3A_156] : memref<10240x128xf32, #tpu.memory_space<hbm>> -> memref<10240x128xf32, #tpu.memory_space<hbm>>
      tpu.wait_indirect_dma semaphore(%arg12 : memref<!tpu.dma_semaphore, #tpu.memory_space<semaphore_mem>>) src(%dma_wait3A_157 : memref<10240x128xf32, #tpu.memory_space<hbm>>) dst(%arg10 : memref<128x128xf32, #tpu.memory_space<vmem>>)
      %run_scoped3A_158 = arith.constant 6 : i32
      "tpu.region"() ({
        %run_scoped3A_167 = tpu.sem_alloc : memref<!tpu.dma_semaphore, #tpu.memory_space<semaphore_mem>>
        %dma_start3A_168 = arith.constant 0 : i32
        %dma_start3A_169 = tpu.memref_slice %arg9[%run_scoped3A_158, %dma_start3A_168] : memref<8x128xi32, #tpu.memory_space<vmem>> -> memref<1x128xi32, #tpu.memory_space<vmem>>
        %dma_start3A_170 = tpu.memref_squeeze %dma_start3A_169 : memref<1x128xi32, #tpu.memory_space<vmem>> -> memref<128xi32, #tpu.memory_space<vmem>>
        %dma_start3A_171 = arith.constant 0 : i32
        %dma_start3A_172 = arith.constant 0 : i32
        %dma_start3A_173 = tpu.memref_slice %arg7[%dma_start3A_171, %dma_start3A_172] : memref<10240x128xf32, #tpu.memory_space<vmem_shared>> -> memref<10240x128xf32, #tpu.memory_space<vmem_shared>>
        tpu.enqueue_indirect_dma source(%arg10 : memref<128x128xf32, #tpu.memory_space<vmem>>) target(%dma_start3A_173 : memref<10240x128xf32, #tpu.memory_space<vmem_shared>>) offsets(%dma_start3A_170 : memref<128xi32, #tpu.memory_space<vmem>>) semaphore(%run_scoped3A_167 : memref<!tpu.dma_semaphore, #tpu.memory_space<semaphore_mem>>) {add = true}
        %dma_wait3A_174 = arith.constant 0 : i32
        %dma_wait3A_175 = tpu.memref_slice %arg9[%run_scoped3A_158, %dma_wait3A_174] : memref<8x128xi32, #tpu.memory_space<vmem>> -> memref<1x128xi32, #tpu.memory_space<vmem>>
        %dma_wait3A_176 = tpu.memref_squeeze %dma_wait3A_175 : memref<1x128xi32, #tpu.memory_space<vmem>> -> memref<128xi32, #tpu.memory_space<vmem>>
        %dma_wait3A_177 = arith.constant 0 : i32
        %dma_wait3A_178 = arith.constant 0 : i32
        %dma_wait3A_179 = tpu.memref_slice %arg7[%dma_wait3A_177, %dma_wait3A_178] : memref<10240x128xf32, #tpu.memory_space<vmem_shared>> -> memref<10240x128xf32, #tpu.memory_space<vmem_shared>>
        tpu.wait_indirect_dma semaphore(%run_scoped3A_167 : memref<!tpu.dma_semaphore, #tpu.memory_space<semaphore_mem>>) src(%arg10 : memref<128x128xf32, #tpu.memory_space<vmem>>) dst(%dma_wait3A_179 : memref<10240x128xf32, #tpu.memory_space<vmem_shared>>)
        tpu.yield
      }) : () -> ()
      %dma_wait3A_159 = arith.constant 7 : i32
      %dma_wait3A_160 = arith.constant 0 : i32
      %dma_wait3A_161 = tpu.memref_slice %arg8[%dma_wait3A_159, %dma_wait3A_160] : memref<8x128xi32, #tpu.memory_space<vmem>> -> memref<1x128xi32, #tpu.memory_space<vmem>>
      %dma_wait3A_162 = tpu.memref_squeeze %dma_wait3A_161 : memref<1x128xi32, #tpu.memory_space<vmem>> -> memref<128xi32, #tpu.memory_space<vmem>>
      %dma_wait3A_163 = arith.constant 0 : i32
      %dma_wait3A_164 = arith.constant 0 : i32
      %dma_wait3A_165 = tpu.memref_slice %arg2[%dma_wait3A_163, %dma_wait3A_164] : memref<10240x128xf32, #tpu.memory_space<hbm>> -> memref<10240x128xf32, #tpu.memory_space<hbm>>
      tpu.wait_indirect_dma semaphore(%arg13 : memref<!tpu.dma_semaphore, #tpu.memory_space<semaphore_mem>>) src(%dma_wait3A_165 : memref<10240x128xf32, #tpu.memory_space<hbm>>) dst(%arg11 : memref<128x128xf32, #tpu.memory_space<vmem>>)
      %run_scoped3A_166 = arith.constant 7 : i32
      "tpu.region"() ({
        %run_scoped3A_167 = tpu.sem_alloc : memref<!tpu.dma_semaphore, #tpu.memory_space<semaphore_mem>>
        %dma_start3A_168 = arith.constant 0 : i32
        %dma_start3A_169 = tpu.memref_slice %arg9[%run_scoped3A_166, %dma_start3A_168] : memref<8x128xi32, #tpu.memory_space<vmem>> -> memref<1x128xi32, #tpu.memory_space<vmem>>
        %dma_start3A_170 = tpu.memref_squeeze %dma_start3A_169 : memref<1x128xi32, #tpu.memory_space<vmem>> -> memref<128xi32, #tpu.memory_space<vmem>>
        %dma_start3A_171 = arith.constant 0 : i32
        %dma_start3A_172 = arith.constant 0 : i32
        %dma_start3A_173 = tpu.memref_slice %arg7[%dma_start3A_171, %dma_start3A_172] : memref<10240x128xf32, #tpu.memory_space<vmem_shared>> -> memref<10240x128xf32, #tpu.memory_space<vmem_shared>>
        tpu.enqueue_indirect_dma source(%arg11 : memref<128x128xf32, #tpu.memory_space<vmem>>) target(%dma_start3A_173 : memref<10240x128xf32, #tpu.memory_space<vmem_shared>>) offsets(%dma_start3A_170 : memref<128xi32, #tpu.memory_space<vmem>>) semaphore(%run_scoped3A_167 : memref<!tpu.dma_semaphore, #tpu.memory_space<semaphore_mem>>) {add = true}
        %dma_wait3A_174 = arith.constant 0 : i32
        %dma_wait3A_175 = tpu.memref_slice %arg9[%run_scoped3A_166, %dma_wait3A_174] : memref<8x128xi32, #tpu.memory_space<vmem>> -> memref<1x128xi32, #tpu.memory_space<vmem>>
        %dma_wait3A_176 = tpu.memref_squeeze %dma_wait3A_175 : memref<1x128xi32, #tpu.memory_space<vmem>> -> memref<128xi32, #tpu.memory_space<vmem>>
        %dma_wait3A_177 = arith.constant 0 : i32
        %dma_wait3A_178 = arith.constant 0 : i32
        %dma_wait3A_179 = tpu.memref_slice %arg7[%dma_wait3A_177, %dma_wait3A_178] : memref<10240x128xf32, #tpu.memory_space<vmem_shared>> -> memref<10240x128xf32, #tpu.memory_space<vmem_shared>>
        tpu.wait_indirect_dma semaphore(%run_scoped3A_167 : memref<!tpu.dma_semaphore, #tpu.memory_space<semaphore_mem>>) src(%arg11 : memref<128x128xf32, #tpu.memory_space<vmem>>) dst(%dma_wait3A_179 : memref<10240x128xf32, #tpu.memory_space<vmem_shared>>)
        tpu.yield
      }) : () -> ()
    }
    %while3A_37 = arith.constant 1 : i32
    scf.for %while3A_43 = %while3A_35 to %while3A_31 step %while3A_37  : i32 {
      %mul3A_44 = arith.constant 8 : i32
      %mul3A_45 = arith.muli %while3A_43, %mul3A_44 : i32
      %add3A_46 = arith.addi %select_n3A_8, %mul3A_45 : i32
      "tpu.region"() ({
        %run_scoped3A_167 = tpu.sem_alloc : memref<!tpu.dma_semaphore, #tpu.memory_space<semaphore_mem>>
        %dma_start3A_168 = arith.constant 0 : i32
        %dma_start3A_169 = tpu.memref_slice %arg3[%add3A_46, %dma_start3A_168] : memref<2560x128xi32, #tpu.memory_space<hbm>> -> memref<8x128xi32, #tpu.memory_space<hbm>>
        %dma_start3A_170 = arith.constant 0 : i32
        %dma_start3A_171 = tpu.memref_slice %arg3[%add3A_46, %dma_start3A_170] : memref<2560x128xi32, #tpu.memory_space<hbm>> -> memref<8x128xi32, #tpu.memory_space<hbm>>
        tpu.enqueue_dma source(%dma_start3A_171 : memref<8x128xi32, #tpu.memory_space<hbm>>) target(%arg8 : memref<8x128xi32, #tpu.memory_space<vmem>>) target_semaphore(%run_scoped3A_167 : memref<!tpu.dma_semaphore, #tpu.memory_space<semaphore_mem>>)
        %dma_wait3A_172 = arith.constant 0 : i32
        %dma_wait3A_173 = tpu.memref_slice %arg3[%add3A_46, %dma_wait3A_172] : memref<2560x128xi32, #tpu.memory_space<hbm>> -> memref<8x128xi32, #tpu.memory_space<hbm>>
        %dma_wait3A_174 = arith.constant 0 : i32
        %dma_wait3A_175 = tpu.memref_slice %arg3[%add3A_46, %dma_wait3A_174] : memref<2560x128xi32, #tpu.memory_space<hbm>> -> memref<8x128xi32, #tpu.memory_space<hbm>>
        tpu.wait_dma2 semaphore(%run_scoped3A_167 : memref<!tpu.dma_semaphore, #tpu.memory_space<semaphore_mem>>) src(%dma_wait3A_175 : memref<8x128xi32, #tpu.memory_space<hbm>>) dst(%arg8 : memref<8x128xi32, #tpu.memory_space<vmem>>)
        tpu.yield
      }) : () -> ()
      %mul3A_47 = arith.constant 8 : i32
      %mul3A_48 = arith.muli %while3A_43, %mul3A_47 : i32
      %add3A_49 = arith.addi %select_n3A_8, %mul3A_48 : i32
      "tpu.region"() ({
        %run_scoped3A_167 = tpu.sem_alloc : memref<!tpu.dma_semaphore, #tpu.memory_space<semaphore_mem>>
        %dma_start3A_168 = arith.constant 0 : i32
        %dma_start3A_169 = tpu.memref_slice %arg4[%add3A_49, %dma_start3A_168] : memref<2560x128xi32, #tpu.memory_space<hbm>> -> memref<8x128xi32, #tpu.memory_space<hbm>>
        %dma_start3A_170 = arith.constant 0 : i32
        %dma_start3A_171 = tpu.memref_slice %arg4[%add3A_49, %dma_start3A_170] : memref<2560x128xi32, #tpu.memory_space<hbm>> -> memref<8x128xi32, #tpu.memory_space<hbm>>
        tpu.enqueue_dma source(%dma_start3A_171 : memref<8x128xi32, #tpu.memory_space<hbm>>) target(%arg9 : memref<8x128xi32, #tpu.memory_space<vmem>>) target_semaphore(%run_scoped3A_167 : memref<!tpu.dma_semaphore, #tpu.memory_space<semaphore_mem>>)
        %dma_wait3A_172 = arith.constant 0 : i32
        %dma_wait3A_173 = tpu.memref_slice %arg4[%add3A_49, %dma_wait3A_172] : memref<2560x128xi32, #tpu.memory_space<hbm>> -> memref<8x128xi32, #tpu.memory_space<hbm>>
        %dma_wait3A_174 = arith.constant 0 : i32
        %dma_wait3A_175 = tpu.memref_slice %arg4[%add3A_49, %dma_wait3A_174] : memref<2560x128xi32, #tpu.memory_space<hbm>> -> memref<8x128xi32, #tpu.memory_space<hbm>>
        tpu.wait_dma2 semaphore(%run_scoped3A_167 : memref<!tpu.dma_semaphore, #tpu.memory_space<semaphore_mem>>) src(%dma_wait3A_175 : memref<8x128xi32, #tpu.memory_space<hbm>>) dst(%arg9 : memref<8x128xi32, #tpu.memory_space<vmem>>)
        tpu.yield
      }) : () -> ()
      %dma_start3A = arith.constant 0 : i32
      %dma_start3A_50 = arith.constant 0 : i32
      %dma_start3A_51 = tpu.memref_slice %arg8[%dma_start3A, %dma_start3A_50] : memref<8x128xi32, #tpu.memory_space<vmem>> -> memref<1x128xi32, #tpu.memory_space<vmem>>
      %dma_start3A_52 = tpu.memref_squeeze %dma_start3A_51 : memref<1x128xi32, #tpu.memory_space<vmem>> -> memref<128xi32, #tpu.memory_space<vmem>>
      %dma_start3A_53 = arith.constant 0 : i32
      %dma_start3A_54 = arith.constant 0 : i32
      %dma_start3A_55 = tpu.memref_slice %arg2[%dma_start3A_53, %dma_start3A_54] : memref<10240x128xf32, #tpu.memory_space<hbm>> -> memref<10240x128xf32, #tpu.memory_space<hbm>>
      tpu.enqueue_indirect_dma source(%dma_start3A_55 : memref<10240x128xf32, #tpu.memory_space<hbm>>) target(%arg10 : memref<128x128xf32, #tpu.memory_space<vmem>>) offsets(%dma_start3A_52 : memref<128xi32, #tpu.memory_space<vmem>>) semaphore(%arg12 : memref<!tpu.dma_semaphore, #tpu.memory_space<semaphore_mem>>)
      %dma_start3A_56 = arith.constant 1 : i32
      %dma_start3A_57 = arith.constant 0 : i32
      %dma_start3A_58 = tpu.memref_slice %arg8[%dma_start3A_56, %dma_start3A_57] : memref<8x128xi32, #tpu.memory_space<vmem>> -> memref<1x128xi32, #tpu.memory_space<vmem>>
      %dma_start3A_59 = tpu.memref_squeeze %dma_start3A_58 : memref<1x128xi32, #tpu.memory_space<vmem>> -> memref<128xi32, #tpu.memory_space<vmem>>
      %dma_start3A_60 = arith.constant 0 : i32
      %dma_start3A_61 = arith.constant 0 : i32
      %dma_start3A_62 = tpu.memref_slice %arg2[%dma_start3A_60, %dma_start3A_61] : memref<10240x128xf32, #tpu.memory_space<hbm>> -> memref<10240x128xf32, #tpu.memory_space<hbm>>
      tpu.enqueue_indirect_dma source(%dma_start3A_62 : memref<10240x128xf32, #tpu.memory_space<hbm>>) target(%arg11 : memref<128x128xf32, #tpu.memory_space<vmem>>) offsets(%dma_start3A_59 : memref<128xi32, #tpu.memory_space<vmem>>) semaphore(%arg13 : memref<!tpu.dma_semaphore, #tpu.memory_space<semaphore_mem>>)
      %dma_wait3A = arith.constant 0 : i32
      %dma_wait3A_63 = arith.constant 0 : i32
      %dma_wait3A_64 = tpu.memref_slice %arg8[%dma_wait3A, %dma_wait3A_63] : memref<8x128xi32, #tpu.memory_space<vmem>> -> memref<1x128xi32, #tpu.memory_space<vmem>>
      %dma_wait3A_65 = tpu.memref_squeeze %dma_wait3A_64 : memref<1x128xi32, #tpu.memory_space<vmem>> -> memref<128xi32, #tpu.memory_space<vmem>>
      %dma_wait3A_66 = arith.constant 0 : i32
      %dma_wait3A_67 = arith.constant 0 : i32
      %dma_wait3A_68 = tpu.memref_slice %arg2[%dma_wait3A_66, %dma_wait3A_67] : memref<10240x128xf32, #tpu.memory_space<hbm>> -> memref<10240x128xf32, #tpu.memory_space<hbm>>
      tpu.wait_indirect_dma semaphore(%arg12 : memref<!tpu.dma_semaphore, #tpu.memory_space<semaphore_mem>>) src(%dma_wait3A_68 : memref<10240x128xf32, #tpu.memory_space<hbm>>) dst(%arg10 : memref<128x128xf32, #tpu.memory_space<vmem>>)
      %run_scoped3A = arith.constant 0 : i32
      "tpu.region"() ({
        %run_scoped3A_167 = tpu.sem_alloc : memref<!tpu.dma_semaphore, #tpu.memory_space<semaphore_mem>>
        %dma_start3A_168 = arith.constant 0 : i32
        %dma_start3A_169 = tpu.memref_slice %arg9[%run_scoped3A, %dma_start3A_168] : memref<8x128xi32, #tpu.memory_space<vmem>> -> memref<1x128xi32, #tpu.memory_space<vmem>>
        %dma_start3A_170 = tpu.memref_squeeze %dma_start3A_169 : memref<1x128xi32, #tpu.memory_space<vmem>> -> memref<128xi32, #tpu.memory_space<vmem>>
        %dma_start3A_171 = arith.constant 0 : i32
        %dma_start3A_172 = arith.constant 0 : i32
        %dma_start3A_173 = tpu.memref_slice %arg7[%dma_start3A_171, %dma_start3A_172] : memref<10240x128xf32, #tpu.memory_space<vmem_shared>> -> memref<10240x128xf32, #tpu.memory_space<vmem_shared>>
        tpu.enqueue_indirect_dma source(%arg10 : memref<128x128xf32, #tpu.memory_space<vmem>>) target(%dma_start3A_173 : memref<10240x128xf32, #tpu.memory_space<vmem_shared>>) offsets(%dma_start3A_170 : memref<128xi32, #tpu.memory_space<vmem>>) semaphore(%run_scoped3A_167 : memref<!tpu.dma_semaphore, #tpu.memory_space<semaphore_mem>>) {add = true}
        %dma_wait3A_174 = arith.constant 0 : i32
        %dma_wait3A_175 = tpu.memref_slice %arg9[%run_scoped3A, %dma_wait3A_174] : memref<8x128xi32, #tpu.memory_space<vmem>> -> memref<1x128xi32, #tpu.memory_space<vmem>>
        %dma_wait3A_176 = tpu.memref_squeeze %dma_wait3A_175 : memref<1x128xi32, #tpu.memory_space<vmem>> -> memref<128xi32, #tpu.memory_space<vmem>>
        %dma_wait3A_177 = arith.constant 0 : i32
        %dma_wait3A_178 = arith.constant 0 : i32
        %dma_wait3A_179 = tpu.memref_slice %arg7[%dma_wait3A_177, %dma_wait3A_178] : memref<10240x128xf32, #tpu.memory_space<vmem_shared>> -> memref<10240x128xf32, #tpu.memory_space<vmem_shared>>
        tpu.wait_indirect_dma semaphore(%run_scoped3A_167 : memref<!tpu.dma_semaphore, #tpu.memory_space<semaphore_mem>>) src(%arg10 : memref<128x128xf32, #tpu.memory_space<vmem>>) dst(%dma_wait3A_179 : memref<10240x128xf32, #tpu.memory_space<vmem_shared>>)
        tpu.yield
      }) : () -> ()
      %dma_start3A_69 = arith.constant 2 : i32
      %dma_start3A_70 = arith.constant 0 : i32
      %dma_start3A_71 = tpu.memref_slice %arg8[%dma_start3A_69, %dma_start3A_70] : memref<8x128xi32, #tpu.memory_space<vmem>> -> memref<1x128xi32, #tpu.memory_space<vmem>>
      %dma_start3A_72 = tpu.memref_squeeze %dma_start3A_71 : memref<1x128xi32, #tpu.memory_space<vmem>> -> memref<128xi32, #tpu.memory_space<vmem>>
      %dma_start3A_73 = arith.constant 0 : i32
      %dma_start3A_74 = arith.constant 0 : i32
      %dma_start3A_75 = tpu.memref_slice %arg2[%dma_start3A_73, %dma_start3A_74] : memref<10240x128xf32, #tpu.memory_space<hbm>> -> memref<10240x128xf32, #tpu.memory_space<hbm>>
      tpu.enqueue_indirect_dma source(%dma_start3A_75 : memref<10240x128xf32, #tpu.memory_space<hbm>>) target(%arg10 : memref<128x128xf32, #tpu.memory_space<vmem>>) offsets(%dma_start3A_72 : memref<128xi32, #tpu.memory_space<vmem>>) semaphore(%arg12 : memref<!tpu.dma_semaphore, #tpu.memory_space<semaphore_mem>>)
      %dma_wait3A_76 = arith.constant 1 : i32
      %dma_wait3A_77 = arith.constant 0 : i32
      %dma_wait3A_78 = tpu.memref_slice %arg8[%dma_wait3A_76, %dma_wait3A_77] : memref<8x128xi32, #tpu.memory_space<vmem>> -> memref<1x128xi32, #tpu.memory_space<vmem>>
      %dma_wait3A_79 = tpu.memref_squeeze %dma_wait3A_78 : memref<1x128xi32, #tpu.memory_space<vmem>> -> memref<128xi32, #tpu.memory_space<vmem>>
      %dma_wait3A_80 = arith.constant 0 : i32
      %dma_wait3A_81 = arith.constant 0 : i32
      %dma_wait3A_82 = tpu.memref_slice %arg2[%dma_wait3A_80, %dma_wait3A_81] : memref<10240x128xf32, #tpu.memory_space<hbm>> -> memref<10240x128xf32, #tpu.memory_space<hbm>>
      tpu.wait_indirect_dma semaphore(%arg13 : memref<!tpu.dma_semaphore, #tpu.memory_space<semaphore_mem>>) src(%dma_wait3A_82 : memref<10240x128xf32, #tpu.memory_space<hbm>>) dst(%arg11 : memref<128x128xf32, #tpu.memory_space<vmem>>)
      %run_scoped3A_83 = arith.constant 1 : i32
      "tpu.region"() ({
        %run_scoped3A_167 = tpu.sem_alloc : memref<!tpu.dma_semaphore, #tpu.memory_space<semaphore_mem>>
        %dma_start3A_168 = arith.constant 0 : i32
        %dma_start3A_169 = tpu.memref_slice %arg9[%run_scoped3A_83, %dma_start3A_168] : memref<8x128xi32, #tpu.memory_space<vmem>> -> memref<1x128xi32, #tpu.memory_space<vmem>>
        %dma_start3A_170 = tpu.memref_squeeze %dma_start3A_169 : memref<1x128xi32, #tpu.memory_space<vmem>> -> memref<128xi32, #tpu.memory_space<vmem>>
        %dma_start3A_171 = arith.constant 0 : i32
        %dma_start3A_172 = arith.constant 0 : i32
        %dma_start3A_173 = tpu.memref_slice %arg7[%dma_start3A_171, %dma_start3A_172] : memref<10240x128xf32, #tpu.memory_space<vmem_shared>> -> memref<10240x128xf32, #tpu.memory_space<vmem_shared>>
        tpu.enqueue_indirect_dma source(%arg11 : memref<128x128xf32, #tpu.memory_space<vmem>>) target(%dma_start3A_173 : memref<10240x128xf32, #tpu.memory_space<vmem_shared>>) offsets(%dma_start3A_170 : memref<128xi32, #tpu.memory_space<vmem>>) semaphore(%run_scoped3A_167 : memref<!tpu.dma_semaphore, #tpu.memory_space<semaphore_mem>>) {add = true}
        %dma_wait3A_174 = arith.constant 0 : i32
        %dma_wait3A_175 = tpu.memref_slice %arg9[%run_scoped3A_83, %dma_wait3A_174] : memref<8x128xi32, #tpu.memory_space<vmem>> -> memref<1x128xi32, #tpu.memory_space<vmem>>
        %dma_wait3A_176 = tpu.memref_squeeze %dma_wait3A_175 : memref<1x128xi32, #tpu.memory_space<vmem>> -> memref<128xi32, #tpu.memory_space<vmem>>
        %dma_wait3A_177 = arith.constant 0 : i32
        %dma_wait3A_178 = arith.constant 0 : i32
        %dma_wait3A_179 = tpu.memref_slice %arg7[%dma_wait3A_177, %dma_wait3A_178] : memref<10240x128xf32, #tpu.memory_space<vmem_shared>> -> memref<10240x128xf32, #tpu.memory_space<vmem_shared>>
        tpu.wait_indirect_dma semaphore(%run_scoped3A_167 : memref<!tpu.dma_semaphore, #tpu.memory_space<semaphore_mem>>) src(%arg11 : memref<128x128xf32, #tpu.memory_space<vmem>>) dst(%dma_wait3A_179 : memref<10240x128xf32, #tpu.memory_space<vmem_shared>>)
        tpu.yield
      }) : () -> ()
      %dma_start3A_84 = arith.constant 3 : i32
      %dma_start3A_85 = arith.constant 0 : i32
      %dma_start3A_86 = tpu.memref_slice %arg8[%dma_start3A_84, %dma_start3A_85] : memref<8x128xi32, #tpu.memory_space<vmem>> -> memref<1x128xi32, #tpu.memory_space<vmem>>
      %dma_start3A_87 = tpu.memref_squeeze %dma_start3A_86 : memref<1x128xi32, #tpu.memory_space<vmem>> -> memref<128xi32, #tpu.memory_space<vmem>>
      %dma_start3A_88 = arith.constant 0 : i32
      %dma_start3A_89 = arith.constant 0 : i32
      %dma_start3A_90 = tpu.memref_slice %arg2[%dma_start3A_88, %dma_start3A_89] : memref<10240x128xf32, #tpu.memory_space<hbm>> -> memref<10240x128xf32, #tpu.memory_space<hbm>>
      tpu.enqueue_indirect_dma source(%dma_start3A_90 : memref<10240x128xf32, #tpu.memory_space<hbm>>) target(%arg11 : memref<128x128xf32, #tpu.memory_space<vmem>>) offsets(%dma_start3A_87 : memref<128xi32, #tpu.memory_space<vmem>>) semaphore(%arg13 : memref<!tpu.dma_semaphore, #tpu.memory_space<semaphore_mem>>)
      %dma_wait3A_91 = arith.constant 2 : i32
      %dma_wait3A_92 = arith.constant 0 : i32
      %dma_wait3A_93 = tpu.memref_slice %arg8[%dma_wait3A_91, %dma_wait3A_92] : memref<8x128xi32, #tpu.memory_space<vmem>> -> memref<1x128xi32, #tpu.memory_space<vmem>>
      %dma_wait3A_94 = tpu.memref_squeeze %dma_wait3A_93 : memref<1x128xi32, #tpu.memory_space<vmem>> -> memref<128xi32, #tpu.memory_space<vmem>>
      %dma_wait3A_95 = arith.constant 0 : i32
      %dma_wait3A_96 = arith.constant 0 : i32
      %dma_wait3A_97 = tpu.memref_slice %arg2[%dma_wait3A_95, %dma_wait3A_96] : memref<10240x128xf32, #tpu.memory_space<hbm>> -> memref<10240x128xf32, #tpu.memory_space<hbm>>
      tpu.wait_indirect_dma semaphore(%arg12 : memref<!tpu.dma_semaphore, #tpu.memory_space<semaphore_mem>>) src(%dma_wait3A_97 : memref<10240x128xf32, #tpu.memory_space<hbm>>) dst(%arg10 : memref<128x128xf32, #tpu.memory_space<vmem>>)
      %run_scoped3A_98 = arith.constant 2 : i32
      "tpu.region"() ({
        %run_scoped3A_167 = tpu.sem_alloc : memref<!tpu.dma_semaphore, #tpu.memory_space<semaphore_mem>>
        %dma_start3A_168 = arith.constant 0 : i32
        %dma_start3A_169 = tpu.memref_slice %arg9[%run_scoped3A_98, %dma_start3A_168] : memref<8x128xi32, #tpu.memory_space<vmem>> -> memref<1x128xi32, #tpu.memory_space<vmem>>
        %dma_start3A_170 = tpu.memref_squeeze %dma_start3A_169 : memref<1x128xi32, #tpu.memory_space<vmem>> -> memref<128xi32, #tpu.memory_space<vmem>>
        %dma_start3A_171 = arith.constant 0 : i32
        %dma_start3A_172 = arith.constant 0 : i32
        %dma_start3A_173 = tpu.memref_slice %arg7[%dma_start3A_171, %dma_start3A_172] : memref<10240x128xf32, #tpu.memory_space<vmem_shared>> -> memref<10240x128xf32, #tpu.memory_space<vmem_shared>>
        tpu.enqueue_indirect_dma source(%arg10 : memref<128x128xf32, #tpu.memory_space<vmem>>) target(%dma_start3A_173 : memref<10240x128xf32, #tpu.memory_space<vmem_shared>>) offsets(%dma_start3A_170 : memref<128xi32, #tpu.memory_space<vmem>>) semaphore(%run_scoped3A_167 : memref<!tpu.dma_semaphore, #tpu.memory_space<semaphore_mem>>) {add = true}
        %dma_wait3A_174 = arith.constant 0 : i32
        %dma_wait3A_175 = tpu.memref_slice %arg9[%run_scoped3A_98, %dma_wait3A_174] : memref<8x128xi32, #tpu.memory_space<vmem>> -> memref<1x128xi32, #tpu.memory_space<vmem>>
        %dma_wait3A_176 = tpu.memref_squeeze %dma_wait3A_175 : memref<1x128xi32, #tpu.memory_space<vmem>> -> memref<128xi32, #tpu.memory_space<vmem>>
        %dma_wait3A_177 = arith.constant 0 : i32
        %dma_wait3A_178 = arith.constant 0 : i32
        %dma_wait3A_179 = tpu.memref_slice %arg7[%dma_wait3A_177, %dma_wait3A_178] : memref<10240x128xf32, #tpu.memory_space<vmem_shared>> -> memref<10240x128xf32, #tpu.memory_space<vmem_shared>>
        tpu.wait_indirect_dma semaphore(%run_scoped3A_167 : memref<!tpu.dma_semaphore, #tpu.memory_space<semaphore_mem>>) src(%arg10 : memref<128x128xf32, #tpu.memory_space<vmem>>) dst(%dma_wait3A_179 : memref<10240x128xf32, #tpu.memory_space<vmem_shared>>)
        tpu.yield
      }) : () -> ()
      %dma_start3A_99 = arith.constant 4 : i32
      %dma_start3A_100 = arith.constant 0 : i32
      %dma_start3A_101 = tpu.memref_slice %arg8[%dma_start3A_99, %dma_start3A_100] : memref<8x128xi32, #tpu.memory_space<vmem>> -> memref<1x128xi32, #tpu.memory_space<vmem>>
      %dma_start3A_102 = tpu.memref_squeeze %dma_start3A_101 : memref<1x128xi32, #tpu.memory_space<vmem>> -> memref<128xi32, #tpu.memory_space<vmem>>
      %dma_start3A_103 = arith.constant 0 : i32
      %dma_start3A_104 = arith.constant 0 : i32
      %dma_start3A_105 = tpu.memref_slice %arg2[%dma_start3A_103, %dma_start3A_104] : memref<10240x128xf32, #tpu.memory_space<hbm>> -> memref<10240x128xf32, #tpu.memory_space<hbm>>
      tpu.enqueue_indirect_dma source(%dma_start3A_105 : memref<10240x128xf32, #tpu.memory_space<hbm>>) target(%arg10 : memref<128x128xf32, #tpu.memory_space<vmem>>) offsets(%dma_start3A_102 : memref<128xi32, #tpu.memory_space<vmem>>) semaphore(%arg12 : memref<!tpu.dma_semaphore, #tpu.memory_space<semaphore_mem>>)
      %dma_wait3A_106 = arith.constant 3 : i32
      %dma_wait3A_107 = arith.constant 0 : i32
      %dma_wait3A_108 = tpu.memref_slice %arg8[%dma_wait3A_106, %dma_wait3A_107] : memref<8x128xi32, #tpu.memory_space<vmem>> -> memref<1x128xi32, #tpu.memory_space<vmem>>
      %dma_wait3A_109 = tpu.memref_squeeze %dma_wait3A_108 : memref<1x128xi32, #tpu.memory_space<vmem>> -> memref<128xi32, #tpu.memory_space<vmem>>
      %dma_wait3A_110 = arith.constant 0 : i32
      %dma_wait3A_111 = arith.constant 0 : i32
      %dma_wait3A_112 = tpu.memref_slice %arg2[%dma_wait3A_110, %dma_wait3A_111] : memref<10240x128xf32, #tpu.memory_space<hbm>> -> memref<10240x128xf32, #tpu.memory_space<hbm>>
      tpu.wait_indirect_dma semaphore(%arg13 : memref<!tpu.dma_semaphore, #tpu.memory_space<semaphore_mem>>) src(%dma_wait3A_112 : memref<10240x128xf32, #tpu.memory_space<hbm>>) dst(%arg11 : memref<128x128xf32, #tpu.memory_space<vmem>>)
      %run_scoped3A_113 = arith.constant 3 : i32
      "tpu.region"() ({
        %run_scoped3A_167 = tpu.sem_alloc : memref<!tpu.dma_semaphore, #tpu.memory_space<semaphore_mem>>
        %dma_start3A_168 = arith.constant 0 : i32
        %dma_start3A_169 = tpu.memref_slice %arg9[%run_scoped3A_113, %dma_start3A_168] : memref<8x128xi32, #tpu.memory_space<vmem>> -> memref<1x128xi32, #tpu.memory_space<vmem>>
        %dma_start3A_170 = tpu.memref_squeeze %dma_start3A_169 : memref<1x128xi32, #tpu.memory_space<vmem>> -> memref<128xi32, #tpu.memory_space<vmem>>
        %dma_start3A_171 = arith.constant 0 : i32
        %dma_start3A_172 = arith.constant 0 : i32
        %dma_start3A_173 = tpu.memref_slice %arg7[%dma_start3A_171, %dma_start3A_172] : memref<10240x128xf32, #tpu.memory_space<vmem_shared>> -> memref<10240x128xf32, #tpu.memory_space<vmem_shared>>
        tpu.enqueue_indirect_dma source(%arg11 : memref<128x128xf32, #tpu.memory_space<vmem>>) target(%dma_start3A_173 : memref<10240x128xf32, #tpu.memory_space<vmem_shared>>) offsets(%dma_start3A_170 : memref<128xi32, #tpu.memory_space<vmem>>) semaphore(%run_scoped3A_167 : memref<!tpu.dma_semaphore, #tpu.memory_space<semaphore_mem>>) {add = true}
        %dma_wait3A_174 = arith.constant 0 : i32
        %dma_wait3A_175 = tpu.memref_slice %arg9[%run_scoped3A_113, %dma_wait3A_174] : memref<8x128xi32, #tpu.memory_space<vmem>> -> memref<1x128xi32, #tpu.memory_space<vmem>>
        %dma_wait3A_176 = tpu.memref_squeeze %dma_wait3A_175 : memref<1x128xi32, #tpu.memory_space<vmem>> -> memref<128xi32, #tpu.memory_space<vmem>>
        %dma_wait3A_177 = arith.constant 0 : i32
        %dma_wait3A_178 = arith.constant 0 : i32
        %dma_wait3A_179 = tpu.memref_slice %arg7[%dma_wait3A_177, %dma_wait3A_178] : memref<10240x128xf32, #tpu.memory_space<vmem_shared>> -> memref<10240x128xf32, #tpu.memory_space<vmem_shared>>
        tpu.wait_indirect_dma semaphore(%run_scoped3A_167 : memref<!tpu.dma_semaphore, #tpu.memory_space<semaphore_mem>>) src(%arg11 : memref<128x128xf32, #tpu.memory_space<vmem>>) dst(%dma_wait3A_179 : memref<10240x128xf32, #tpu.memory_space<vmem_shared>>)
        tpu.yield
      }) : () -> ()
      %dma_start3A_114 = arith.constant 5 : i32
      %dma_start3A_115 = arith.constant 0 : i32
      %dma_start3A_116 = tpu.memref_slice %arg8[%dma_start3A_114, %dma_start3A_115] : memref<8x128xi32, #tpu.memory_space<vmem>> -> memref<1x128xi32, #tpu.memory_space<vmem>>
      %dma_start3A_117 = tpu.memref_squeeze %dma_start3A_116 : memref<1x128xi32, #tpu.memory_space<vmem>> -> memref<128xi32, #tpu.memory_space<vmem>>
      %dma_start3A_118 = arith.constant 0 : i32
      %dma_start3A_119 = arith.constant 0 : i32
      %dma_start3A_120 = tpu.memref_slice %arg2[%dma_start3A_118, %dma_start3A_119] : memref<10240x128xf32, #tpu.memory_space<hbm>> -> memref<10240x128xf32, #tpu.memory_space<hbm>>
      tpu.enqueue_indirect_dma source(%dma_start3A_120 : memref<10240x128xf32, #tpu.memory_space<hbm>>) target(%arg11 : memref<128x128xf32, #tpu.memory_space<vmem>>) offsets(%dma_start3A_117 : memref<128xi32, #tpu.memory_space<vmem>>) semaphore(%arg13 : memref<!tpu.dma_semaphore, #tpu.memory_space<semaphore_mem>>)
      %dma_wait3A_121 = arith.constant 4 : i32
      %dma_wait3A_122 = arith.constant 0 : i32
      %dma_wait3A_123 = tpu.memref_slice %arg8[%dma_wait3A_121, %dma_wait3A_122] : memref<8x128xi32, #tpu.memory_space<vmem>> -> memref<1x128xi32, #tpu.memory_space<vmem>>
      %dma_wait3A_124 = tpu.memref_squeeze %dma_wait3A_123 : memref<1x128xi32, #tpu.memory_space<vmem>> -> memref<128xi32, #tpu.memory_space<vmem>>
      %dma_wait3A_125 = arith.constant 0 : i32
      %dma_wait3A_126 = arith.constant 0 : i32
      %dma_wait3A_127 = tpu.memref_slice %arg2[%dma_wait3A_125, %dma_wait3A_126] : memref<10240x128xf32, #tpu.memory_space<hbm>> -> memref<10240x128xf32, #tpu.memory_space<hbm>>
      tpu.wait_indirect_dma semaphore(%arg12 : memref<!tpu.dma_semaphore, #tpu.memory_space<semaphore_mem>>) src(%dma_wait3A_127 : memref<10240x128xf32, #tpu.memory_space<hbm>>) dst(%arg10 : memref<128x128xf32, #tpu.memory_space<vmem>>)
      %run_scoped3A_128 = arith.constant 4 : i32
      "tpu.region"() ({
        %run_scoped3A_167 = tpu.sem_alloc : memref<!tpu.dma_semaphore, #tpu.memory_space<semaphore_mem>>
        %dma_start3A_168 = arith.constant 0 : i32
        %dma_start3A_169 = tpu.memref_slice %arg9[%run_scoped3A_128, %dma_start3A_168] : memref<8x128xi32, #tpu.memory_space<vmem>> -> memref<1x128xi32, #tpu.memory_space<vmem>>
        %dma_start3A_170 = tpu.memref_squeeze %dma_start3A_169 : memref<1x128xi32, #tpu.memory_space<vmem>> -> memref<128xi32, #tpu.memory_space<vmem>>
        %dma_start3A_171 = arith.constant 0 : i32
        %dma_start3A_172 = arith.constant 0 : i32
        %dma_start3A_173 = tpu.memref_slice %arg7[%dma_start3A_171, %dma_start3A_172] : memref<10240x128xf32, #tpu.memory_space<vmem_shared>> -> memref<10240x128xf32, #tpu.memory_space<vmem_shared>>
        tpu.enqueue_indirect_dma source(%arg10 : memref<128x128xf32, #tpu.memory_space<vmem>>) target(%dma_start3A_173 : memref<10240x128xf32, #tpu.memory_space<vmem_shared>>) offsets(%dma_start3A_170 : memref<128xi32, #tpu.memory_space<vmem>>) semaphore(%run_scoped3A_167 : memref<!tpu.dma_semaphore, #tpu.memory_space<semaphore_mem>>) {add = true}
        %dma_wait3A_174 = arith.constant 0 : i32
        %dma_wait3A_175 = tpu.memref_slice %arg9[%run_scoped3A_128, %dma_wait3A_174] : memref<8x128xi32, #tpu.memory_space<vmem>> -> memref<1x128xi32, #tpu.memory_space<vmem>>
        %dma_wait3A_176 = tpu.memref_squeeze %dma_wait3A_175 : memref<1x128xi32, #tpu.memory_space<vmem>> -> memref<128xi32, #tpu.memory_space<vmem>>
        %dma_wait3A_177 = arith.constant 0 : i32
        %dma_wait3A_178 = arith.constant 0 : i32
        %dma_wait3A_179 = tpu.memref_slice %arg7[%dma_wait3A_177, %dma_wait3A_178] : memref<10240x128xf32, #tpu.memory_space<vmem_shared>> -> memref<10240x128xf32, #tpu.memory_space<vmem_shared>>
        tpu.wait_indirect_dma semaphore(%run_scoped3A_167 : memref<!tpu.dma_semaphore, #tpu.memory_space<semaphore_mem>>) src(%arg10 : memref<128x128xf32, #tpu.memory_space<vmem>>) dst(%dma_wait3A_179 : memref<10240x128xf32, #tpu.memory_space<vmem_shared>>)
        tpu.yield
      }) : () -> ()
      %dma_start3A_129 = arith.constant 6 : i32
      %dma_start3A_130 = arith.constant 0 : i32
      %dma_start3A_131 = tpu.memref_slice %arg8[%dma_start3A_129, %dma_start3A_130] : memref<8x128xi32, #tpu.memory_space<vmem>> -> memref<1x128xi32, #tpu.memory_space<vmem>>
      %dma_start3A_132 = tpu.memref_squeeze %dma_start3A_131 : memref<1x128xi32, #tpu.memory_space<vmem>> -> memref<128xi32, #tpu.memory_space<vmem>>
      %dma_start3A_133 = arith.constant 0 : i32
      %dma_start3A_134 = arith.constant 0 : i32
      %dma_start3A_135 = tpu.memref_slice %arg2[%dma_start3A_133, %dma_start3A_134] : memref<10240x128xf32, #tpu.memory_space<hbm>> -> memref<10240x128xf32, #tpu.memory_space<hbm>>
      tpu.enqueue_indirect_dma source(%dma_start3A_135 : memref<10240x128xf32, #tpu.memory_space<hbm>>) target(%arg10 : memref<128x128xf32, #tpu.memory_space<vmem>>) offsets(%dma_start3A_132 : memref<128xi32, #tpu.memory_space<vmem>>) semaphore(%arg12 : memref<!tpu.dma_semaphore, #tpu.memory_space<semaphore_mem>>)
      %dma_wait3A_136 = arith.constant 5 : i32
      %dma_wait3A_137 = arith.constant 0 : i32
      %dma_wait3A_138 = tpu.memref_slice %arg8[%dma_wait3A_136, %dma_wait3A_137] : memref<8x128xi32, #tpu.memory_space<vmem>> -> memref<1x128xi32, #tpu.memory_space<vmem>>
      %dma_wait3A_139 = tpu.memref_squeeze %dma_wait3A_138 : memref<1x128xi32, #tpu.memory_space<vmem>> -> memref<128xi32, #tpu.memory_space<vmem>>
      %dma_wait3A_140 = arith.constant 0 : i32
      %dma_wait3A_141 = arith.constant 0 : i32
      %dma_wait3A_142 = tpu.memref_slice %arg2[%dma_wait3A_140, %dma_wait3A_141] : memref<10240x128xf32, #tpu.memory_space<hbm>> -> memref<10240x128xf32, #tpu.memory_space<hbm>>
      tpu.wait_indirect_dma semaphore(%arg13 : memref<!tpu.dma_semaphore, #tpu.memory_space<semaphore_mem>>) src(%dma_wait3A_142 : memref<10240x128xf32, #tpu.memory_space<hbm>>) dst(%arg11 : memref<128x128xf32, #tpu.memory_space<vmem>>)
      %run_scoped3A_143 = arith.constant 5 : i32
      "tpu.region"() ({
        %run_scoped3A_167 = tpu.sem_alloc : memref<!tpu.dma_semaphore, #tpu.memory_space<semaphore_mem>>
        %dma_start3A_168 = arith.constant 0 : i32
        %dma_start3A_169 = tpu.memref_slice %arg9[%run_scoped3A_143, %dma_start3A_168] : memref<8x128xi32, #tpu.memory_space<vmem>> -> memref<1x128xi32, #tpu.memory_space<vmem>>
        %dma_start3A_170 = tpu.memref_squeeze %dma_start3A_169 : memref<1x128xi32, #tpu.memory_space<vmem>> -> memref<128xi32, #tpu.memory_space<vmem>>
        %dma_start3A_171 = arith.constant 0 : i32
        %dma_start3A_172 = arith.constant 0 : i32
        %dma_start3A_173 = tpu.memref_slice %arg7[%dma_start3A_171, %dma_start3A_172] : memref<10240x128xf32, #tpu.memory_space<vmem_shared>> -> memref<10240x128xf32, #tpu.memory_space<vmem_shared>>
        tpu.enqueue_indirect_dma source(%arg11 : memref<128x128xf32, #tpu.memory_space<vmem>>) target(%dma_start3A_173 : memref<10240x128xf32, #tpu.memory_space<vmem_shared>>) offsets(%dma_start3A_170 : memref<128xi32, #tpu.memory_space<vmem>>) semaphore(%run_scoped3A_167 : memref<!tpu.dma_semaphore, #tpu.memory_space<semaphore_mem>>) {add = true}
        %dma_wait3A_174 = arith.constant 0 : i32
        %dma_wait3A_175 = tpu.memref_slice %arg9[%run_scoped3A_143, %dma_wait3A_174] : memref<8x128xi32, #tpu.memory_space<vmem>> -> memref<1x128xi32, #tpu.memory_space<vmem>>
        %dma_wait3A_176 = tpu.memref_squeeze %dma_wait3A_175 : memref<1x128xi32, #tpu.memory_space<vmem>> -> memref<128xi32, #tpu.memory_space<vmem>>
        %dma_wait3A_177 = arith.constant 0 : i32
        %dma_wait3A_178 = arith.constant 0 : i32
        %dma_wait3A_179 = tpu.memref_slice %arg7[%dma_wait3A_177, %dma_wait3A_178] : memref<10240x128xf32, #tpu.memory_space<vmem_shared>> -> memref<10240x128xf32, #tpu.memory_space<vmem_shared>>
        tpu.wait_indirect_dma semaphore(%run_scoped3A_167 : memref<!tpu.dma_semaphore, #tpu.memory_space<semaphore_mem>>) src(%arg11 : memref<128x128xf32, #tpu.memory_space<vmem>>) dst(%dma_wait3A_179 : memref<10240x128xf32, #tpu.memory_space<vmem_shared>>)
        tpu.yield
      }) : () -> ()
      %dma_start3A_144 = arith.constant 7 : i32
      %dma_start3A_145 = arith.constant 0 : i32
      %dma_start3A_146 = tpu.memref_slice %arg8[%dma_start3A_144, %dma_start3A_145] : memref<8x128xi32, #tpu.memory_space<vmem>> -> memref<1x128xi32, #tpu.memory_space<vmem>>
      %dma_start3A_147 = tpu.memref_squeeze %dma_start3A_146 : memref<1x128xi32, #tpu.memory_space<vmem>> -> memref<128xi32, #tpu.memory_space<vmem>>
      %dma_start3A_148 = arith.constant 0 : i32
      %dma_start3A_149 = arith.constant 0 : i32
      %dma_start3A_150 = tpu.memref_slice %arg2[%dma_start3A_148, %dma_start3A_149] : memref<10240x128xf32, #tpu.memory_space<hbm>> -> memref<10240x128xf32, #tpu.memory_space<hbm>>
      tpu.enqueue_indirect_dma source(%dma_start3A_150 : memref<10240x128xf32, #tpu.memory_space<hbm>>) target(%arg11 : memref<128x128xf32, #tpu.memory_space<vmem>>) offsets(%dma_start3A_147 : memref<128xi32, #tpu.memory_space<vmem>>) semaphore(%arg13 : memref<!tpu.dma_semaphore, #tpu.memory_space<semaphore_mem>>)
      %dma_wait3A_151 = arith.constant 6 : i32
      %dma_wait3A_152 = arith.constant 0 : i32
      %dma_wait3A_153 = tpu.memref_slice %arg8[%dma_wait3A_151, %dma_wait3A_152] : memref<8x128xi32, #tpu.memory_space<vmem>> -> memref<1x128xi32, #tpu.memory_space<vmem>>
      %dma_wait3A_154 = tpu.memref_squeeze %dma_wait3A_153 : memref<1x128xi32, #tpu.memory_space<vmem>> -> memref<128xi32, #tpu.memory_space<vmem>>
      %dma_wait3A_155 = arith.constant 0 : i32
      %dma_wait3A_156 = arith.constant 0 : i32
      %dma_wait3A_157 = tpu.memref_slice %arg2[%dma_wait3A_155, %dma_wait3A_156] : memref<10240x128xf32, #tpu.memory_space<hbm>> -> memref<10240x128xf32, #tpu.memory_space<hbm>>
      tpu.wait_indirect_dma semaphore(%arg12 : memref<!tpu.dma_semaphore, #tpu.memory_space<semaphore_mem>>) src(%dma_wait3A_157 : memref<10240x128xf32, #tpu.memory_space<hbm>>) dst(%arg10 : memref<128x128xf32, #tpu.memory_space<vmem>>)
      %run_scoped3A_158 = arith.constant 6 : i32
      "tpu.region"() ({
        %run_scoped3A_167 = tpu.sem_alloc : memref<!tpu.dma_semaphore, #tpu.memory_space<semaphore_mem>>
        %dma_start3A_168 = arith.constant 0 : i32
        %dma_start3A_169 = tpu.memref_slice %arg9[%run_scoped3A_158, %dma_start3A_168] : memref<8x128xi32, #tpu.memory_space<vmem>> -> memref<1x128xi32, #tpu.memory_space<vmem>>
        %dma_start3A_170 = tpu.memref_squeeze %dma_start3A_169 : memref<1x128xi32, #tpu.memory_space<vmem>> -> memref<128xi32, #tpu.memory_space<vmem>>
        %dma_start3A_171 = arith.constant 0 : i32
        %dma_start3A_172 = arith.constant 0 : i32
        %dma_start3A_173 = tpu.memref_slice %arg7[%dma_start3A_171, %dma_start3A_172] : memref<10240x128xf32, #tpu.memory_space<vmem_shared>> -> memref<10240x128xf32, #tpu.memory_space<vmem_shared>>
        tpu.enqueue_indirect_dma source(%arg10 : memref<128x128xf32, #tpu.memory_space<vmem>>) target(%dma_start3A_173 : memref<10240x128xf32, #tpu.memory_space<vmem_shared>>) offsets(%dma_start3A_170 : memref<128xi32, #tpu.memory_space<vmem>>) semaphore(%run_scoped3A_167 : memref<!tpu.dma_semaphore, #tpu.memory_space<semaphore_mem>>) {add = true}
        %dma_wait3A_174 = arith.constant 0 : i32
        %dma_wait3A_175 = tpu.memref_slice %arg9[%run_scoped3A_158, %dma_wait3A_174] : memref<8x128xi32, #tpu.memory_space<vmem>> -> memref<1x128xi32, #tpu.memory_space<vmem>>
        %dma_wait3A_176 = tpu.memref_squeeze %dma_wait3A_175 : memref<1x128xi32, #tpu.memory_space<vmem>> -> memref<128xi32, #tpu.memory_space<vmem>>
        %dma_wait3A_177 = arith.constant 0 : i32
        %dma_wait3A_178 = arith.constant 0 : i32
        %dma_wait3A_179 = tpu.memref_slice %arg7[%dma_wait3A_177, %dma_wait3A_178] : memref<10240x128xf32, #tpu.memory_space<vmem_shared>> -> memref<10240x128xf32, #tpu.memory_space<vmem_shared>>
        tpu.wait_indirect_dma semaphore(%run_scoped3A_167 : memref<!tpu.dma_semaphore, #tpu.memory_space<semaphore_mem>>) src(%arg10 : memref<128x128xf32, #tpu.memory_space<vmem>>) dst(%dma_wait3A_179 : memref<10240x128xf32, #tpu.memory_space<vmem_shared>>)
        tpu.yield
      }) : () -> ()
      %dma_wait3A_159 = arith.constant 7 : i32
      %dma_wait3A_160 = arith.constant 0 : i32
      %dma_wait3A_161 = tpu.memref_slice %arg8[%dma_wait3A_159, %dma_wait3A_160] : memref<8x128xi32, #tpu.memory_space<vmem>> -> memref<1x128xi32, #tpu.memory_space<vmem>>
      %dma_wait3A_162 = tpu.memref_squeeze %dma_wait3A_161 : memref<1x128xi32, #tpu.memory_space<vmem>> -> memref<128xi32, #tpu.memory_space<vmem>>
      %dma_wait3A_163 = arith.constant 0 : i32
      %dma_wait3A_164 = arith.constant 0 : i32
      %dma_wait3A_165 = tpu.memref_slice %arg2[%dma_wait3A_163, %dma_wait3A_164] : memref<10240x128xf32, #tpu.memory_space<hbm>> -> memref<10240x128xf32, #tpu.memory_space<hbm>>
      tpu.wait_indirect_dma semaphore(%arg13 : memref<!tpu.dma_semaphore, #tpu.memory_space<semaphore_mem>>) src(%dma_wait3A_165 : memref<10240x128xf32, #tpu.memory_space<hbm>>) dst(%arg11 : memref<128x128xf32, #tpu.memory_space<vmem>>)
      %run_scoped3A_166 = arith.constant 7 : i32
      "tpu.region"() ({
        %run_scoped3A_167 = tpu.sem_alloc : memref<!tpu.dma_semaphore, #tpu.memory_space<semaphore_mem>>
        %dma_start3A_168 = arith.constant 0 : i32
        %dma_start3A_169 = tpu.memref_slice %arg9[%run_scoped3A_166, %dma_start3A_168] : memref<8x128xi32, #tpu.memory_space<vmem>> -> memref<1x128xi32, #tpu.memory_space<vmem>>
        %dma_start3A_170 = tpu.memref_squeeze %dma_start3A_169 : memref<1x128xi32, #tpu.memory_space<vmem>> -> memref<128xi32, #tpu.memory_space<vmem>>
        %dma_start3A_171 = arith.constant 0 : i32
        %dma_start3A_172 = arith.constant 0 : i32
        %dma_start3A_173 = tpu.memref_slice %arg7[%dma_start3A_171, %dma_start3A_172] : memref<10240x128xf32, #tpu.memory_space<vmem_shared>> -> memref<10240x128xf32, #tpu.memory_space<vmem_shared>>
        tpu.enqueue_indirect_dma source(%arg11 : memref<128x128xf32, #tpu.memory_space<vmem>>) target(%dma_start3A_173 : memref<10240x128xf32, #tpu.memory_space<vmem_shared>>) offsets(%dma_start3A_170 : memref<128xi32, #tpu.memory_space<vmem>>) semaphore(%run_scoped3A_167 : memref<!tpu.dma_semaphore, #tpu.memory_space<semaphore_mem>>) {add = true}
        %dma_wait3A_174 = arith.constant 0 : i32
        %dma_wait3A_175 = tpu.memref_slice %arg9[%run_scoped3A_166, %dma_wait3A_174] : memref<8x128xi32, #tpu.memory_space<vmem>> -> memref<1x128xi32, #tpu.memory_space<vmem>>
        %dma_wait3A_176 = tpu.memref_squeeze %dma_wait3A_175 : memref<1x128xi32, #tpu.memory_space<vmem>> -> memref<128xi32, #tpu.memory_space<vmem>>
        %dma_wait3A_177 = arith.constant 0 : i32
        %dma_wait3A_178 = arith.constant 0 : i32
        %dma_wait3A_179 = tpu.memref_slice %arg7[%dma_wait3A_177, %dma_wait3A_178] : memref<10240x128xf32, #tpu.memory_space<vmem_shared>> -> memref<10240x128xf32, #tpu.memory_space<vmem_shared>>
        tpu.wait_indirect_dma semaphore(%run_scoped3A_167 : memref<!tpu.dma_semaphore, #tpu.memory_space<semaphore_mem>>) src(%arg11 : memref<128x128xf32, #tpu.memory_space<vmem>>) dst(%dma_wait3A_179 : memref<10240x128xf32, #tpu.memory_space<vmem_shared>>)
        tpu.yield
      }) : () -> ()
    }
    %barrier3A_38 = arith.constant 0 : index
    tpu.barrier barrier_id(%barrier3A_38)
    %mul3A_39 = arith.constant 640 : i32
    %mul3A_40 = arith.muli %arg1, %mul3A_39 : i32
    %mul3A_41 = arith.constant 640 : i32
    %mul3A_42 = arith.muli %arg1, %mul3A_41 : i32
    "tpu.region"() ({
      %run_scoped3A = tpu.sem_alloc : memref<!tpu.dma_semaphore, #tpu.memory_space<semaphore_mem>>
      %dma_start3A = arith.constant 0 : i32
      %dma_start3A_43 = tpu.memref_slice %arg6[%arg0, %mul3A_42, %dma_start3A] : memref<2x10240x128xf32, #tpu.memory_space<hbm>> -> memref<1x640x128xf32, #tpu.memory_space<hbm>>
      %dma_start3A_44 = tpu.memref_squeeze %dma_start3A_43 : memref<1x640x128xf32, #tpu.memory_space<hbm>> -> memref<640x128xf32, #tpu.memory_space<hbm>>
      %dma_start3A_45 = arith.constant 0 : i32
      %dma_start3A_46 = tpu.memref_slice %arg7[%mul3A_40, %dma_start3A_45] : memref<10240x128xf32, #tpu.memory_space<vmem_shared>> -> memref<640x128xf32, #tpu.memory_space<vmem_shared>>
      tpu.enqueue_dma source(%dma_start3A_46 : memref<640x128xf32, #tpu.memory_space<vmem_shared>>) target(%dma_start3A_44 : memref<640x128xf32, #tpu.memory_space<hbm>>) target_semaphore(%run_scoped3A : memref<!tpu.dma_semaphore, #tpu.memory_space<semaphore_mem>>)
      %dma_wait3A = arith.constant 0 : i32
      %dma_wait3A_47 = tpu.memref_slice %arg6[%arg0, %mul3A_42, %dma_wait3A] : memref<2x10240x128xf32, #tpu.memory_space<hbm>> -> memref<1x640x128xf32, #tpu.memory_space<hbm>>
      %dma_wait3A_48 = tpu.memref_squeeze %dma_wait3A_47 : memref<1x640x128xf32, #tpu.memory_space<hbm>> -> memref<640x128xf32, #tpu.memory_space<hbm>>
      %dma_wait3A_49 = arith.constant 0 : i32
      %dma_wait3A_50 = tpu.memref_slice %arg7[%mul3A_40, %dma_wait3A_49] : memref<10240x128xf32, #tpu.memory_space<vmem_shared>> -> memref<640x128xf32, #tpu.memory_space<vmem_shared>>
      tpu.wait_dma2 semaphore(%run_scoped3A : memref<!tpu.dma_semaphore, #tpu.memory_space<semaphore_mem>>) src(%dma_wait3A_50 : memref<640x128xf32, #tpu.memory_space<vmem_shared>>) dst(%dma_wait3A_48 : memref<640x128xf32, #tpu.memory_space<hbm>>)
      tpu.yield
    }) : () -> ()
    return
  }
}

#map = affine_map<(d0, d1) -> (0, 0)>
#map1 = affine_map<(d0, d1) -> (0, 0, 0)>
module attributes {stable_mosaic.version = 14 : i64} {
  func.func @_sc_cnt_body(%arg0: i32, %arg1: i32, %arg2: memref<2560x128xi32, #tpu.memory_space<hbm>>, %arg3: memref<128x128xf32, #tpu.memory_space<hbm>>, %arg4: memref<640x128xf32, #tpu.memory_space<hbm>>, %arg5: memref<2x10240x128xf32, #tpu.memory_space<hbm>>, %arg6: memref<10240x128xf32, #tpu.memory_space<vmem_shared>>, %arg7: memref<80x128xi32, #tpu.memory_space<vmem>>, %arg8: memref<128x128xf32, #tpu.memory_space<vmem>>) attributes {dimension_semantics = [#tpu.dimension_semantics<core_parallel>, #tpu.dimension_semantics<subcore_parallel>], iteration_bounds = array<i64: 2, 16>, scalar_prefetch = 0 : i64, scratch_operands = 3 : i64, tpu.core_type = #tpu.core_type<sc_vector_subcore>, window_params = [{transform_indices = #map}, {transform_indices = #map}, {transform_indices = #map}, {transform_indices = #map1}]} {
    %mul3A = arith.constant 2 : i32
    %mul3A_0 = arith.muli %arg1, %mul3A : i32
    %add3A = arith.addi %mul3A_0, %arg0 : i32
    %mul3A_1 = arith.constant 640 : i32
    %mul3A_2 = arith.muli %arg1, %mul3A_1 : i32
    "tpu.region"() ({
      %run_scoped3A = tpu.sem_alloc : memref<!tpu.dma_semaphore, #tpu.memory_space<semaphore_mem>>
      %dma_start3A = arith.constant 0 : i32
      %dma_start3A_15 = tpu.memref_slice %arg6[%mul3A_2, %dma_start3A] : memref<10240x128xf32, #tpu.memory_space<vmem_shared>> -> memref<640x128xf32, #tpu.memory_space<vmem_shared>>
      tpu.enqueue_dma source(%arg4 : memref<640x128xf32, #tpu.memory_space<hbm>>) target(%dma_start3A_15 : memref<640x128xf32, #tpu.memory_space<vmem_shared>>) target_semaphore(%run_scoped3A : memref<!tpu.dma_semaphore, #tpu.memory_space<semaphore_mem>>)
      %dma_wait3A = arith.constant 0 : i32
      %dma_wait3A_16 = tpu.memref_slice %arg6[%mul3A_2, %dma_wait3A] : memref<10240x128xf32, #tpu.memory_space<vmem_shared>> -> memref<640x128xf32, #tpu.memory_space<vmem_shared>>
      tpu.wait_dma2 semaphore(%run_scoped3A : memref<!tpu.dma_semaphore, #tpu.memory_space<semaphore_mem>>) src(%arg4 : memref<640x128xf32, #tpu.memory_space<hbm>>) dst(%dma_wait3A_16 : memref<640x128xf32, #tpu.memory_space<vmem_shared>>)
      tpu.yield
    }) : () -> ()
    %mul3A_3 = arith.constant 80 : i32
    %mul3A_4 = arith.muli %add3A, %mul3A_3 : i32
    "tpu.region"() ({
      %run_scoped3A = tpu.sem_alloc : memref<!tpu.dma_semaphore, #tpu.memory_space<semaphore_mem>>
      %dma_start3A = arith.constant 0 : i32
      %dma_start3A_15 = tpu.memref_slice %arg2[%mul3A_4, %dma_start3A] : memref<2560x128xi32, #tpu.memory_space<hbm>> -> memref<80x128xi32, #tpu.memory_space<hbm>>
      %dma_start3A_16 = arith.constant 0 : i32
      %dma_start3A_17 = tpu.memref_slice %arg2[%mul3A_4, %dma_start3A_16] : memref<2560x128xi32, #tpu.memory_space<hbm>> -> memref<80x128xi32, #tpu.memory_space<hbm>>
      tpu.enqueue_dma source(%dma_start3A_17 : memref<80x128xi32, #tpu.memory_space<hbm>>) target(%arg7 : memref<80x128xi32, #tpu.memory_space<vmem>>) target_semaphore(%run_scoped3A : memref<!tpu.dma_semaphore, #tpu.memory_space<semaphore_mem>>)
      %dma_wait3A = arith.constant 0 : i32
      %dma_wait3A_18 = tpu.memref_slice %arg2[%mul3A_4, %dma_wait3A] : memref<2560x128xi32, #tpu.memory_space<hbm>> -> memref<80x128xi32, #tpu.memory_space<hbm>>
      %dma_wait3A_19 = arith.constant 0 : i32
      %dma_wait3A_20 = tpu.memref_slice %arg2[%mul3A_4, %dma_wait3A_19] : memref<2560x128xi32, #tpu.memory_space<hbm>> -> memref<80x128xi32, #tpu.memory_space<hbm>>
      tpu.wait_dma2 semaphore(%run_scoped3A : memref<!tpu.dma_semaphore, #tpu.memory_space<semaphore_mem>>) src(%dma_wait3A_20 : memref<80x128xi32, #tpu.memory_space<hbm>>) dst(%arg7 : memref<80x128xi32, #tpu.memory_space<vmem>>)
      tpu.yield
    }) : () -> ()
    "tpu.region"() ({
      %run_scoped3A = tpu.sem_alloc : memref<!tpu.dma_semaphore, #tpu.memory_space<semaphore_mem>>
      tpu.enqueue_dma source(%arg3 : memref<128x128xf32, #tpu.memory_space<hbm>>) target(%arg8 : memref<128x128xf32, #tpu.memory_space<vmem>>) target_semaphore(%run_scoped3A : memref<!tpu.dma_semaphore, #tpu.memory_space<semaphore_mem>>)
      tpu.wait_dma2 semaphore(%run_scoped3A : memref<!tpu.dma_semaphore, #tpu.memory_space<semaphore_mem>>) src(%arg3 : memref<128x128xf32, #tpu.memory_space<hbm>>) dst(%arg8 : memref<128x128xf32, #tpu.memory_space<vmem>>)
      tpu.yield
    }) : () -> ()
    %barrier3A = arith.constant 0 : index
    tpu.barrier barrier_id(%barrier3A)
    %scan3A = arith.constant 0 : i32
    %scan3A_5 = arith.constant 0 : i32
    %scan3A_6 = arith.constant 80 : i32
    %scan3A_7 = arith.addi %scan3A_5, %scan3A_6 : i32
    %scan3A_8 = arith.constant 1 : i32
    scf.for %scan3A_15 = %scan3A_5 to %scan3A_7 step %scan3A_8  : i32 {
      "tpu.region"() ({
        %run_scoped3A = tpu.sem_alloc : memref<!tpu.dma_semaphore, #tpu.memory_space<semaphore_mem>>
        %dma_start3A = arith.constant 0 : i32
        %dma_start3A_16 = tpu.memref_slice %arg7[%scan3A_15, %dma_start3A] : memref<80x128xi32, #tpu.memory_space<vmem>> -> memref<1x128xi32, #tpu.memory_space<vmem>>
        %dma_start3A_17 = tpu.memref_squeeze %dma_start3A_16 : memref<1x128xi32, #tpu.memory_space<vmem>> -> memref<128xi32, #tpu.memory_space<vmem>>
        %dma_start3A_18 = arith.constant 0 : i32
        %dma_start3A_19 = arith.constant 0 : i32
        %dma_start3A_20 = tpu.memref_slice %arg6[%dma_start3A_18, %dma_start3A_19] : memref<10240x128xf32, #tpu.memory_space<vmem_shared>> -> memref<10240x128xf32, #tpu.memory_space<vmem_shared>>
        tpu.enqueue_indirect_dma source(%arg8 : memref<128x128xf32, #tpu.memory_space<vmem>>) target(%dma_start3A_20 : memref<10240x128xf32, #tpu.memory_space<vmem_shared>>) offsets(%dma_start3A_17 : memref<128xi32, #tpu.memory_space<vmem>>) semaphore(%run_scoped3A : memref<!tpu.dma_semaphore, #tpu.memory_space<semaphore_mem>>) {add = true}
        %dma_wait3A = arith.constant 0 : i32
        %dma_wait3A_21 = tpu.memref_slice %arg7[%scan3A_15, %dma_wait3A] : memref<80x128xi32, #tpu.memory_space<vmem>> -> memref<1x128xi32, #tpu.memory_space<vmem>>
        %dma_wait3A_22 = tpu.memref_squeeze %dma_wait3A_21 : memref<1x128xi32, #tpu.memory_space<vmem>> -> memref<128xi32, #tpu.memory_space<vmem>>
        %dma_wait3A_23 = arith.constant 0 : i32
        %dma_wait3A_24 = arith.constant 0 : i32
        %dma_wait3A_25 = tpu.memref_slice %arg6[%dma_wait3A_23, %dma_wait3A_24] : memref<10240x128xf32, #tpu.memory_space<vmem_shared>> -> memref<10240x128xf32, #tpu.memory_space<vmem_shared>>
        tpu.wait_indirect_dma semaphore(%run_scoped3A : memref<!tpu.dma_semaphore, #tpu.memory_space<semaphore_mem>>) src(%arg8 : memref<128x128xf32, #tpu.memory_space<vmem>>) dst(%dma_wait3A_25 : memref<10240x128xf32, #tpu.memory_space<vmem_shared>>)
        tpu.yield
      }) : () -> ()
    }
    %scan3A_9 = arith.constant 80 : i32
    %barrier3A_10 = arith.constant 0 : index
    tpu.barrier barrier_id(%barrier3A_10)
    %mul3A_11 = arith.constant 640 : i32
    %mul3A_12 = arith.muli %arg1, %mul3A_11 : i32
    %mul3A_13 = arith.constant 640 : i32
    %mul3A_14 = arith.muli %arg1, %mul3A_13 : i32
    "tpu.region"() ({
      %run_scoped3A = tpu.sem_alloc : memref<!tpu.dma_semaphore, #tpu.memory_space<semaphore_mem>>
      %dma_start3A = arith.constant 0 : i32
      %dma_start3A_15 = tpu.memref_slice %arg5[%arg0, %mul3A_14, %dma_start3A] : memref<2x10240x128xf32, #tpu.memory_space<hbm>> -> memref<1x640x128xf32, #tpu.memory_space<hbm>>
      %dma_start3A_16 = tpu.memref_squeeze %dma_start3A_15 : memref<1x640x128xf32, #tpu.memory_space<hbm>> -> memref<640x128xf32, #tpu.memory_space<hbm>>
      %dma_start3A_17 = arith.constant 0 : i32
      %dma_start3A_18 = tpu.memref_slice %arg6[%mul3A_12, %dma_start3A_17] : memref<10240x128xf32, #tpu.memory_space<vmem_shared>> -> memref<640x128xf32, #tpu.memory_space<vmem_shared>>
      tpu.enqueue_dma source(%dma_start3A_18 : memref<640x128xf32, #tpu.memory_space<vmem_shared>>) target(%dma_start3A_16 : memref<640x128xf32, #tpu.memory_space<hbm>>) target_semaphore(%run_scoped3A : memref<!tpu.dma_semaphore, #tpu.memory_space<semaphore_mem>>)
      %dma_wait3A = arith.constant 0 : i32
      %dma_wait3A_19 = tpu.memref_slice %arg5[%arg0, %mul3A_14, %dma_wait3A] : memref<2x10240x128xf32, #tpu.memory_space<hbm>> -> memref<1x640x128xf32, #tpu.memory_space<hbm>>
      %dma_wait3A_20 = tpu.memref_squeeze %dma_wait3A_19 : memref<1x640x128xf32, #tpu.memory_space<hbm>> -> memref<640x128xf32, #tpu.memory_space<hbm>>
      %dma_wait3A_21 = arith.constant 0 : i32
      %dma_wait3A_22 = tpu.memref_slice %arg6[%mul3A_12, %dma_wait3A_21] : memref<10240x128xf32, #tpu.memory_space<vmem_shared>> -> memref<640x128xf32, #tpu.memory_space<vmem_shared>>
      tpu.wait_dma2 semaphore(%run_scoped3A : memref<!tpu.dma_semaphore, #tpu.memory_space<semaphore_mem>>) src(%dma_wait3A_22 : memref<640x128xf32, #tpu.memory_space<vmem_shared>>) dst(%dma_wait3A_20 : memref<640x128xf32, #tpu.memory_space<hbm>>)
      tpu.yield
    }) : () -> ()
    return
  }
}

#map = affine_map<(d0, d1) -> (0, 0)>
#map1 = affine_map<(d0, d1) -> (0, 0, 0)>
module attributes {stable_mosaic.version = 14 : i64} {
  func.func @_sc_agg_body(%arg0: i32, %arg1: i32, %arg2: memref<10240x128xf32, #tpu.memory_space<hbm>>, %arg3: memref<2560x128xi32, #tpu.memory_space<hbm>>, %arg4: memref<2560x128xi32, #tpu.memory_space<hbm>>, %arg5: memref<640x128xf32, #tpu.memory_space<hbm>>, %arg6: memref<2x10240x128xf32, #tpu.memory_space<hbm>>, %arg7: memref<10240x128xf32, #tpu.memory_space<vmem_shared>>, %arg8: memref<8x128xi32, #tpu.memory_space<vmem>>, %arg9: memref<8x128xi32, #tpu.memory_space<vmem>>, %arg10: memref<128x128xf32, #tpu.memory_space<vmem>>, %arg11: memref<128x128xf32, #tpu.memory_space<vmem>>, %arg12: memref<!tpu.dma_semaphore, #tpu.memory_space<semaphore_mem>>, %arg13: memref<!tpu.dma_semaphore, #tpu.memory_space<semaphore_mem>>) attributes {dimension_semantics = [#tpu.dimension_semantics<core_parallel>, #tpu.dimension_semantics<subcore_parallel>], iteration_bounds = array<i64: 2, 16>, scalar_prefetch = 0 : i64, scratch_operands = 7 : i64, tpu.core_type = #tpu.core_type<sc_vector_subcore>, window_params = [{transform_indices = #map}, {transform_indices = #map}, {transform_indices = #map}, {transform_indices = #map}, {transform_indices = #map1}]} {
    %eq3A = arith.constant 0 : i32
    %eq3A_0 = arith.cmpi eq, %arg0, %eq3A : i32
    %jit3A = arith.constant 152 : i32
    %jit3A_1 = arith.constant 8 : i32
    %select_n3A = arith.select %eq3A_0, %jit3A, %jit3A_1 : i32
    %eq3A_2 = arith.constant 0 : i32
    %eq3A_3 = arith.cmpi eq, %arg0, %eq3A_2 : i32
    %mul3A = arith.constant 152 : i32
    %mul3A_4 = arith.muli %arg1, %mul3A : i32
    %mul3A_5 = arith.constant 8 : i32
    %mul3A_6 = arith.muli %arg1, %mul3A_5 : i32
    %add3A = arith.constant 2432 : i32
    %add3A_7 = arith.addi %add3A, %mul3A_6 : i32
    %select_n3A_8 = arith.select %eq3A_3, %mul3A_4, %add3A_7 : i32
    %jit3A_9 = arith.constant 8 : i32
    %div3A = arith.divsi %select_n3A, %jit3A_9 : i32
    %sign3A = arith.constant 0 : i32
    %sign3A_10 = arith.cmpi sgt, %select_n3A, %sign3A : i32
    %sign3A_11 = arith.extui %sign3A_10 : i1 to i32
    %sign3A_12 = arith.constant 0 : i32
    %sign3A_13 = arith.cmpi slt, %select_n3A, %sign3A_12 : i32
    %sign3A_14 = arith.extui %sign3A_13 : i1 to i32
    %sign3A_15 = arith.subi %sign3A_11, %sign3A_14 : i32
    %sign3A_16 = arith.constant 0 : i32
    %sign3A_17 = arith.cmpi sgt, %jit3A_9, %sign3A_16 : i32
    %sign3A_18 = arith.extui %sign3A_17 : i1 to i32
    %sign3A_19 = arith.constant 0 : i32
    %sign3A_20 = arith.cmpi slt, %jit3A_9, %sign3A_19 : i32
    %sign3A_21 = arith.extui %sign3A_20 : i1 to i32
    %sign3A_22 = arith.subi %sign3A_18, %sign3A_21 : i32
    %ne3A = arith.cmpi ne, %sign3A_15, %sign3A_22 : i32
    %rem3A = arith.remsi %select_n3A, %jit3A_9 : i32
    %ne3A_23 = arith.constant 0 : i32
    %ne3A_24 = arith.cmpi ne, %rem3A, %ne3A_23 : i32
    %and3A = arith.andi %ne3A, %ne3A_24 : i1
    %sub3A = arith.constant 1 : i32
    %sub3A_25 = arith.subi %div3A, %sub3A : i32
    %select_n3A_26 = arith.select %and3A, %sub3A_25, %div3A : i32
    %mul3A_27 = arith.constant 640 : i32
    %mul3A_28 = arith.muli %arg1, %mul3A_27 : i32
    "tpu.region"() ({
      %run_scoped3A = tpu.sem_alloc : memref<!tpu.dma_semaphore, #tpu.memory_space<semaphore_mem>>
      %dma_start3A = arith.constant 0 : i32
      %dma_start3A_43 = tpu.memref_slice %arg7[%mul3A_28, %dma_start3A] : memref<10240x128xf32, #tpu.memory_space<vmem_shared>> -> memref<640x128xf32, #tpu.memory_space<vmem_shared>>
      tpu.enqueue_dma source(%arg5 : memref<640x128xf32, #tpu.memory_space<hbm>>) target(%dma_start3A_43 : memref<640x128xf32, #tpu.memory_space<vmem_shared>>) target_semaphore(%run_scoped3A : memref<!tpu.dma_semaphore, #tpu.memory_space<semaphore_mem>>)
      %dma_wait3A = arith.constant 0 : i32
      %dma_wait3A_44 = tpu.memref_slice %arg7[%mul3A_28, %dma_wait3A] : memref<10240x128xf32, #tpu.memory_space<vmem_shared>> -> memref<640x128xf32, #tpu.memory_space<vmem_shared>>
      tpu.wait_dma2 semaphore(%run_scoped3A : memref<!tpu.dma_semaphore, #tpu.memory_space<semaphore_mem>>) src(%arg5 : memref<640x128xf32, #tpu.memory_space<hbm>>) dst(%dma_wait3A_44 : memref<640x128xf32, #tpu.memory_space<vmem_shared>>)
      tpu.yield
    }) : () -> ()
    %barrier3A = arith.constant 0 : index
    tpu.barrier barrier_id(%barrier3A)
    %while3A = arith.constant 0 : i32
    %while3A_29 = arith.constant 0 : i32
    %while3A_30 = arith.subi %select_n3A_26, %while3A_29 : i32
    %while3A_31 = arith.addi %while3A_29, %while3A_30 : i32
    %while3A_32 = arith.constant 1 : i32
    %while3A_33 = arith.divsi %while3A_30, %while3A_32 : i32
    %while3A_34 = arith.muli %while3A_33, %while3A_32 : i32
    %while3A_35 = arith.addi %while3A_29, %while3A_34 : i32
    %while3A_36 = arith.constant 1 : i32
    scf.for %while3A_43 = %while3A_29 to %while3A_35 step %while3A_36  : i32 {
      %mul3A_44 = arith.constant 8 : i32
      %mul3A_45 = arith.muli %while3A_43, %mul3A_44 : i32
      %add3A_46 = arith.addi %select_n3A_8, %mul3A_45 : i32
      "tpu.region"() ({
        %run_scoped3A_167 = tpu.sem_alloc : memref<!tpu.dma_semaphore, #tpu.memory_space<semaphore_mem>>
        %dma_start3A_168 = arith.constant 0 : i32
        %dma_start3A_169 = tpu.memref_slice %arg3[%add3A_46, %dma_start3A_168] : memref<2560x128xi32, #tpu.memory_space<hbm>> -> memref<8x128xi32, #tpu.memory_space<hbm>>
        %dma_start3A_170 = arith.constant 0 : i32
        %dma_start3A_171 = tpu.memref_slice %arg3[%add3A_46, %dma_start3A_170] : memref<2560x128xi32, #tpu.memory_space<hbm>> -> memref<8x128xi32, #tpu.memory_space<hbm>>
        tpu.enqueue_dma source(%dma_start3A_171 : memref<8x128xi32, #tpu.memory_space<hbm>>) target(%arg8 : memref<8x128xi32, #tpu.memory_space<vmem>>) target_semaphore(%run_scoped3A_167 : memref<!tpu.dma_semaphore, #tpu.memory_space<semaphore_mem>>)
        %dma_wait3A_172 = arith.constant 0 : i32
        %dma_wait3A_173 = tpu.memref_slice %arg3[%add3A_46, %dma_wait3A_172] : memref<2560x128xi32, #tpu.memory_space<hbm>> -> memref<8x128xi32, #tpu.memory_space<hbm>>
        %dma_wait3A_174 = arith.constant 0 : i32
        %dma_wait3A_175 = tpu.memref_slice %arg3[%add3A_46, %dma_wait3A_174] : memref<2560x128xi32, #tpu.memory_space<hbm>> -> memref<8x128xi32, #tpu.memory_space<hbm>>
        tpu.wait_dma2 semaphore(%run_scoped3A_167 : memref<!tpu.dma_semaphore, #tpu.memory_space<semaphore_mem>>) src(%dma_wait3A_175 : memref<8x128xi32, #tpu.memory_space<hbm>>) dst(%arg8 : memref<8x128xi32, #tpu.memory_space<vmem>>)
        tpu.yield
      }) : () -> ()
      %mul3A_47 = arith.constant 8 : i32
      %mul3A_48 = arith.muli %while3A_43, %mul3A_47 : i32
      %add3A_49 = arith.addi %select_n3A_8, %mul3A_48 : i32
      "tpu.region"() ({
        %run_scoped3A_167 = tpu.sem_alloc : memref<!tpu.dma_semaphore, #tpu.memory_space<semaphore_mem>>
        %dma_start3A_168 = arith.constant 0 : i32
        %dma_start3A_169 = tpu.memref_slice %arg4[%add3A_49, %dma_start3A_168] : memref<2560x128xi32, #tpu.memory_space<hbm>> -> memref<8x128xi32, #tpu.memory_space<hbm>>
        %dma_start3A_170 = arith.constant 0 : i32
        %dma_start3A_171 = tpu.memref_slice %arg4[%add3A_49, %dma_start3A_170] : memref<2560x128xi32, #tpu.memory_space<hbm>> -> memref<8x128xi32, #tpu.memory_space<hbm>>
        tpu.enqueue_dma source(%dma_start3A_171 : memref<8x128xi32, #tpu.memory_space<hbm>>) target(%arg9 : memref<8x128xi32, #tpu.memory_space<vmem>>) target_semaphore(%run_scoped3A_167 : memref<!tpu.dma_semaphore, #tpu.memory_space<semaphore_mem>>)
        %dma_wait3A_172 = arith.constant 0 : i32
        %dma_wait3A_173 = tpu.memref_slice %arg4[%add3A_49, %dma_wait3A_172] : memref<2560x128xi32, #tpu.memory_space<hbm>> -> memref<8x128xi32, #tpu.memory_space<hbm>>
        %dma_wait3A_174 = arith.constant 0 : i32
        %dma_wait3A_175 = tpu.memref_slice %arg4[%add3A_49, %dma_wait3A_174] : memref<2560x128xi32, #tpu.memory_space<hbm>> -> memref<8x128xi32, #tpu.memory_space<hbm>>
        tpu.wait_dma2 semaphore(%run_scoped3A_167 : memref<!tpu.dma_semaphore, #tpu.memory_space<semaphore_mem>>) src(%dma_wait3A_175 : memref<8x128xi32, #tpu.memory_space<hbm>>) dst(%arg9 : memref<8x128xi32, #tpu.memory_space<vmem>>)
        tpu.yield
      }) : () -> ()
      %dma_start3A = arith.constant 0 : i32
      %dma_start3A_50 = arith.constant 0 : i32
      %dma_start3A_51 = tpu.memref_slice %arg8[%dma_start3A, %dma_start3A_50] : memref<8x128xi32, #tpu.memory_space<vmem>> -> memref<1x128xi32, #tpu.memory_space<vmem>>
      %dma_start3A_52 = tpu.memref_squeeze %dma_start3A_51 : memref<1x128xi32, #tpu.memory_space<vmem>> -> memref<128xi32, #tpu.memory_space<vmem>>
      %dma_start3A_53 = arith.constant 0 : i32
      %dma_start3A_54 = arith.constant 0 : i32
      %dma_start3A_55 = tpu.memref_slice %arg2[%dma_start3A_53, %dma_start3A_54] : memref<10240x128xf32, #tpu.memory_space<hbm>> -> memref<10240x128xf32, #tpu.memory_space<hbm>>
      tpu.enqueue_indirect_dma source(%dma_start3A_55 : memref<10240x128xf32, #tpu.memory_space<hbm>>) target(%arg10 : memref<128x128xf32, #tpu.memory_space<vmem>>) offsets(%dma_start3A_52 : memref<128xi32, #tpu.memory_space<vmem>>) semaphore(%arg12 : memref<!tpu.dma_semaphore, #tpu.memory_space<semaphore_mem>>)
      %dma_start3A_56 = arith.constant 1 : i32
      %dma_start3A_57 = arith.constant 0 : i32
      %dma_start3A_58 = tpu.memref_slice %arg8[%dma_start3A_56, %dma_start3A_57] : memref<8x128xi32, #tpu.memory_space<vmem>> -> memref<1x128xi32, #tpu.memory_space<vmem>>
      %dma_start3A_59 = tpu.memref_squeeze %dma_start3A_58 : memref<1x128xi32, #tpu.memory_space<vmem>> -> memref<128xi32, #tpu.memory_space<vmem>>
      %dma_start3A_60 = arith.constant 0 : i32
      %dma_start3A_61 = arith.constant 0 : i32
      %dma_start3A_62 = tpu.memref_slice %arg2[%dma_start3A_60, %dma_start3A_61] : memref<10240x128xf32, #tpu.memory_space<hbm>> -> memref<10240x128xf32, #tpu.memory_space<hbm>>
      tpu.enqueue_indirect_dma source(%dma_start3A_62 : memref<10240x128xf32, #tpu.memory_space<hbm>>) target(%arg11 : memref<128x128xf32, #tpu.memory_space<vmem>>) offsets(%dma_start3A_59 : memref<128xi32, #tpu.memory_space<vmem>>) semaphore(%arg13 : memref<!tpu.dma_semaphore, #tpu.memory_space<semaphore_mem>>)
      %dma_wait3A = arith.constant 0 : i32
      %dma_wait3A_63 = arith.constant 0 : i32
      %dma_wait3A_64 = tpu.memref_slice %arg8[%dma_wait3A, %dma_wait3A_63] : memref<8x128xi32, #tpu.memory_space<vmem>> -> memref<1x128xi32, #tpu.memory_space<vmem>>
      %dma_wait3A_65 = tpu.memref_squeeze %dma_wait3A_64 : memref<1x128xi32, #tpu.memory_space<vmem>> -> memref<128xi32, #tpu.memory_space<vmem>>
      %dma_wait3A_66 = arith.constant 0 : i32
      %dma_wait3A_67 = arith.constant 0 : i32
      %dma_wait3A_68 = tpu.memref_slice %arg2[%dma_wait3A_66, %dma_wait3A_67] : memref<10240x128xf32, #tpu.memory_space<hbm>> -> memref<10240x128xf32, #tpu.memory_space<hbm>>
      tpu.wait_indirect_dma semaphore(%arg12 : memref<!tpu.dma_semaphore, #tpu.memory_space<semaphore_mem>>) src(%dma_wait3A_68 : memref<10240x128xf32, #tpu.memory_space<hbm>>) dst(%arg10 : memref<128x128xf32, #tpu.memory_space<vmem>>)
      %run_scoped3A = arith.constant 0 : i32
      "tpu.region"() ({
        %run_scoped3A_167 = tpu.sem_alloc : memref<!tpu.dma_semaphore, #tpu.memory_space<semaphore_mem>>
        %dma_start3A_168 = arith.constant 0 : i32
        %dma_start3A_169 = tpu.memref_slice %arg9[%run_scoped3A, %dma_start3A_168] : memref<8x128xi32, #tpu.memory_space<vmem>> -> memref<1x128xi32, #tpu.memory_space<vmem>>
        %dma_start3A_170 = tpu.memref_squeeze %dma_start3A_169 : memref<1x128xi32, #tpu.memory_space<vmem>> -> memref<128xi32, #tpu.memory_space<vmem>>
        %dma_start3A_171 = arith.constant 0 : i32
        %dma_start3A_172 = arith.constant 0 : i32
        %dma_start3A_173 = tpu.memref_slice %arg7[%dma_start3A_171, %dma_start3A_172] : memref<10240x128xf32, #tpu.memory_space<vmem_shared>> -> memref<10240x128xf32, #tpu.memory_space<vmem_shared>>
        tpu.enqueue_indirect_dma source(%arg10 : memref<128x128xf32, #tpu.memory_space<vmem>>) target(%dma_start3A_173 : memref<10240x128xf32, #tpu.memory_space<vmem_shared>>) offsets(%dma_start3A_170 : memref<128xi32, #tpu.memory_space<vmem>>) semaphore(%run_scoped3A_167 : memref<!tpu.dma_semaphore, #tpu.memory_space<semaphore_mem>>) {add = true}
        %dma_wait3A_174 = arith.constant 0 : i32
        %dma_wait3A_175 = tpu.memref_slice %arg9[%run_scoped3A, %dma_wait3A_174] : memref<8x128xi32, #tpu.memory_space<vmem>> -> memref<1x128xi32, #tpu.memory_space<vmem>>
        %dma_wait3A_176 = tpu.memref_squeeze %dma_wait3A_175 : memref<1x128xi32, #tpu.memory_space<vmem>> -> memref<128xi32, #tpu.memory_space<vmem>>
        %dma_wait3A_177 = arith.constant 0 : i32
        %dma_wait3A_178 = arith.constant 0 : i32
        %dma_wait3A_179 = tpu.memref_slice %arg7[%dma_wait3A_177, %dma_wait3A_178] : memref<10240x128xf32, #tpu.memory_space<vmem_shared>> -> memref<10240x128xf32, #tpu.memory_space<vmem_shared>>
        tpu.wait_indirect_dma semaphore(%run_scoped3A_167 : memref<!tpu.dma_semaphore, #tpu.memory_space<semaphore_mem>>) src(%arg10 : memref<128x128xf32, #tpu.memory_space<vmem>>) dst(%dma_wait3A_179 : memref<10240x128xf32, #tpu.memory_space<vmem_shared>>)
        tpu.yield
      }) : () -> ()
      %dma_start3A_69 = arith.constant 2 : i32
      %dma_start3A_70 = arith.constant 0 : i32
      %dma_start3A_71 = tpu.memref_slice %arg8[%dma_start3A_69, %dma_start3A_70] : memref<8x128xi32, #tpu.memory_space<vmem>> -> memref<1x128xi32, #tpu.memory_space<vmem>>
      %dma_start3A_72 = tpu.memref_squeeze %dma_start3A_71 : memref<1x128xi32, #tpu.memory_space<vmem>> -> memref<128xi32, #tpu.memory_space<vmem>>
      %dma_start3A_73 = arith.constant 0 : i32
      %dma_start3A_74 = arith.constant 0 : i32
      %dma_start3A_75 = tpu.memref_slice %arg2[%dma_start3A_73, %dma_start3A_74] : memref<10240x128xf32, #tpu.memory_space<hbm>> -> memref<10240x128xf32, #tpu.memory_space<hbm>>
      tpu.enqueue_indirect_dma source(%dma_start3A_75 : memref<10240x128xf32, #tpu.memory_space<hbm>>) target(%arg10 : memref<128x128xf32, #tpu.memory_space<vmem>>) offsets(%dma_start3A_72 : memref<128xi32, #tpu.memory_space<vmem>>) semaphore(%arg12 : memref<!tpu.dma_semaphore, #tpu.memory_space<semaphore_mem>>)
      %dma_wait3A_76 = arith.constant 1 : i32
      %dma_wait3A_77 = arith.constant 0 : i32
      %dma_wait3A_78 = tpu.memref_slice %arg8[%dma_wait3A_76, %dma_wait3A_77] : memref<8x128xi32, #tpu.memory_space<vmem>> -> memref<1x128xi32, #tpu.memory_space<vmem>>
      %dma_wait3A_79 = tpu.memref_squeeze %dma_wait3A_78 : memref<1x128xi32, #tpu.memory_space<vmem>> -> memref<128xi32, #tpu.memory_space<vmem>>
      %dma_wait3A_80 = arith.constant 0 : i32
      %dma_wait3A_81 = arith.constant 0 : i32
      %dma_wait3A_82 = tpu.memref_slice %arg2[%dma_wait3A_80, %dma_wait3A_81] : memref<10240x128xf32, #tpu.memory_space<hbm>> -> memref<10240x128xf32, #tpu.memory_space<hbm>>
      tpu.wait_indirect_dma semaphore(%arg13 : memref<!tpu.dma_semaphore, #tpu.memory_space<semaphore_mem>>) src(%dma_wait3A_82 : memref<10240x128xf32, #tpu.memory_space<hbm>>) dst(%arg11 : memref<128x128xf32, #tpu.memory_space<vmem>>)
      %run_scoped3A_83 = arith.constant 1 : i32
      "tpu.region"() ({
        %run_scoped3A_167 = tpu.sem_alloc : memref<!tpu.dma_semaphore, #tpu.memory_space<semaphore_mem>>
        %dma_start3A_168 = arith.constant 0 : i32
        %dma_start3A_169 = tpu.memref_slice %arg9[%run_scoped3A_83, %dma_start3A_168] : memref<8x128xi32, #tpu.memory_space<vmem>> -> memref<1x128xi32, #tpu.memory_space<vmem>>
        %dma_start3A_170 = tpu.memref_squeeze %dma_start3A_169 : memref<1x128xi32, #tpu.memory_space<vmem>> -> memref<128xi32, #tpu.memory_space<vmem>>
        %dma_start3A_171 = arith.constant 0 : i32
        %dma_start3A_172 = arith.constant 0 : i32
        %dma_start3A_173 = tpu.memref_slice %arg7[%dma_start3A_171, %dma_start3A_172] : memref<10240x128xf32, #tpu.memory_space<vmem_shared>> -> memref<10240x128xf32, #tpu.memory_space<vmem_shared>>
        tpu.enqueue_indirect_dma source(%arg11 : memref<128x128xf32, #tpu.memory_space<vmem>>) target(%dma_start3A_173 : memref<10240x128xf32, #tpu.memory_space<vmem_shared>>) offsets(%dma_start3A_170 : memref<128xi32, #tpu.memory_space<vmem>>) semaphore(%run_scoped3A_167 : memref<!tpu.dma_semaphore, #tpu.memory_space<semaphore_mem>>) {add = true}
        %dma_wait3A_174 = arith.constant 0 : i32
        %dma_wait3A_175 = tpu.memref_slice %arg9[%run_scoped3A_83, %dma_wait3A_174] : memref<8x128xi32, #tpu.memory_space<vmem>> -> memref<1x128xi32, #tpu.memory_space<vmem>>
        %dma_wait3A_176 = tpu.memref_squeeze %dma_wait3A_175 : memref<1x128xi32, #tpu.memory_space<vmem>> -> memref<128xi32, #tpu.memory_space<vmem>>
        %dma_wait3A_177 = arith.constant 0 : i32
        %dma_wait3A_178 = arith.constant 0 : i32
        %dma_wait3A_179 = tpu.memref_slice %arg7[%dma_wait3A_177, %dma_wait3A_178] : memref<10240x128xf32, #tpu.memory_space<vmem_shared>> -> memref<10240x128xf32, #tpu.memory_space<vmem_shared>>
        tpu.wait_indirect_dma semaphore(%run_scoped3A_167 : memref<!tpu.dma_semaphore, #tpu.memory_space<semaphore_mem>>) src(%arg11 : memref<128x128xf32, #tpu.memory_space<vmem>>) dst(%dma_wait3A_179 : memref<10240x128xf32, #tpu.memory_space<vmem_shared>>)
        tpu.yield
      }) : () -> ()
      %dma_start3A_84 = arith.constant 3 : i32
      %dma_start3A_85 = arith.constant 0 : i32
      %dma_start3A_86 = tpu.memref_slice %arg8[%dma_start3A_84, %dma_start3A_85] : memref<8x128xi32, #tpu.memory_space<vmem>> -> memref<1x128xi32, #tpu.memory_space<vmem>>
      %dma_start3A_87 = tpu.memref_squeeze %dma_start3A_86 : memref<1x128xi32, #tpu.memory_space<vmem>> -> memref<128xi32, #tpu.memory_space<vmem>>
      %dma_start3A_88 = arith.constant 0 : i32
      %dma_start3A_89 = arith.constant 0 : i32
      %dma_start3A_90 = tpu.memref_slice %arg2[%dma_start3A_88, %dma_start3A_89] : memref<10240x128xf32, #tpu.memory_space<hbm>> -> memref<10240x128xf32, #tpu.memory_space<hbm>>
      tpu.enqueue_indirect_dma source(%dma_start3A_90 : memref<10240x128xf32, #tpu.memory_space<hbm>>) target(%arg11 : memref<128x128xf32, #tpu.memory_space<vmem>>) offsets(%dma_start3A_87 : memref<128xi32, #tpu.memory_space<vmem>>) semaphore(%arg13 : memref<!tpu.dma_semaphore, #tpu.memory_space<semaphore_mem>>)
      %dma_wait3A_91 = arith.constant 2 : i32
      %dma_wait3A_92 = arith.constant 0 : i32
      %dma_wait3A_93 = tpu.memref_slice %arg8[%dma_wait3A_91, %dma_wait3A_92] : memref<8x128xi32, #tpu.memory_space<vmem>> -> memref<1x128xi32, #tpu.memory_space<vmem>>
      %dma_wait3A_94 = tpu.memref_squeeze %dma_wait3A_93 : memref<1x128xi32, #tpu.memory_space<vmem>> -> memref<128xi32, #tpu.memory_space<vmem>>
      %dma_wait3A_95 = arith.constant 0 : i32
      %dma_wait3A_96 = arith.constant 0 : i32
      %dma_wait3A_97 = tpu.memref_slice %arg2[%dma_wait3A_95, %dma_wait3A_96] : memref<10240x128xf32, #tpu.memory_space<hbm>> -> memref<10240x128xf32, #tpu.memory_space<hbm>>
      tpu.wait_indirect_dma semaphore(%arg12 : memref<!tpu.dma_semaphore, #tpu.memory_space<semaphore_mem>>) src(%dma_wait3A_97 : memref<10240x128xf32, #tpu.memory_space<hbm>>) dst(%arg10 : memref<128x128xf32, #tpu.memory_space<vmem>>)
      %run_scoped3A_98 = arith.constant 2 : i32
      "tpu.region"() ({
        %run_scoped3A_167 = tpu.sem_alloc : memref<!tpu.dma_semaphore, #tpu.memory_space<semaphore_mem>>
        %dma_start3A_168 = arith.constant 0 : i32
        %dma_start3A_169 = tpu.memref_slice %arg9[%run_scoped3A_98, %dma_start3A_168] : memref<8x128xi32, #tpu.memory_space<vmem>> -> memref<1x128xi32, #tpu.memory_space<vmem>>
        %dma_start3A_170 = tpu.memref_squeeze %dma_start3A_169 : memref<1x128xi32, #tpu.memory_space<vmem>> -> memref<128xi32, #tpu.memory_space<vmem>>
        %dma_start3A_171 = arith.constant 0 : i32
        %dma_start3A_172 = arith.constant 0 : i32
        %dma_start3A_173 = tpu.memref_slice %arg7[%dma_start3A_171, %dma_start3A_172] : memref<10240x128xf32, #tpu.memory_space<vmem_shared>> -> memref<10240x128xf32, #tpu.memory_space<vmem_shared>>
        tpu.enqueue_indirect_dma source(%arg10 : memref<128x128xf32, #tpu.memory_space<vmem>>) target(%dma_start3A_173 : memref<10240x128xf32, #tpu.memory_space<vmem_shared>>) offsets(%dma_start3A_170 : memref<128xi32, #tpu.memory_space<vmem>>) semaphore(%run_scoped3A_167 : memref<!tpu.dma_semaphore, #tpu.memory_space<semaphore_mem>>) {add = true}
        %dma_wait3A_174 = arith.constant 0 : i32
        %dma_wait3A_175 = tpu.memref_slice %arg9[%run_scoped3A_98, %dma_wait3A_174] : memref<8x128xi32, #tpu.memory_space<vmem>> -> memref<1x128xi32, #tpu.memory_space<vmem>>
        %dma_wait3A_176 = tpu.memref_squeeze %dma_wait3A_175 : memref<1x128xi32, #tpu.memory_space<vmem>> -> memref<128xi32, #tpu.memory_space<vmem>>
        %dma_wait3A_177 = arith.constant 0 : i32
        %dma_wait3A_178 = arith.constant 0 : i32
        %dma_wait3A_179 = tpu.memref_slice %arg7[%dma_wait3A_177, %dma_wait3A_178] : memref<10240x128xf32, #tpu.memory_space<vmem_shared>> -> memref<10240x128xf32, #tpu.memory_space<vmem_shared>>
        tpu.wait_indirect_dma semaphore(%run_scoped3A_167 : memref<!tpu.dma_semaphore, #tpu.memory_space<semaphore_mem>>) src(%arg10 : memref<128x128xf32, #tpu.memory_space<vmem>>) dst(%dma_wait3A_179 : memref<10240x128xf32, #tpu.memory_space<vmem_shared>>)
        tpu.yield
      }) : () -> ()
      %dma_start3A_99 = arith.constant 4 : i32
      %dma_start3A_100 = arith.constant 0 : i32
      %dma_start3A_101 = tpu.memref_slice %arg8[%dma_start3A_99, %dma_start3A_100] : memref<8x128xi32, #tpu.memory_space<vmem>> -> memref<1x128xi32, #tpu.memory_space<vmem>>
      %dma_start3A_102 = tpu.memref_squeeze %dma_start3A_101 : memref<1x128xi32, #tpu.memory_space<vmem>> -> memref<128xi32, #tpu.memory_space<vmem>>
      %dma_start3A_103 = arith.constant 0 : i32
      %dma_start3A_104 = arith.constant 0 : i32
      %dma_start3A_105 = tpu.memref_slice %arg2[%dma_start3A_103, %dma_start3A_104] : memref<10240x128xf32, #tpu.memory_space<hbm>> -> memref<10240x128xf32, #tpu.memory_space<hbm>>
      tpu.enqueue_indirect_dma source(%dma_start3A_105 : memref<10240x128xf32, #tpu.memory_space<hbm>>) target(%arg10 : memref<128x128xf32, #tpu.memory_space<vmem>>) offsets(%dma_start3A_102 : memref<128xi32, #tpu.memory_space<vmem>>) semaphore(%arg12 : memref<!tpu.dma_semaphore, #tpu.memory_space<semaphore_mem>>)
      %dma_wait3A_106 = arith.constant 3 : i32
      %dma_wait3A_107 = arith.constant 0 : i32
      %dma_wait3A_108 = tpu.memref_slice %arg8[%dma_wait3A_106, %dma_wait3A_107] : memref<8x128xi32, #tpu.memory_space<vmem>> -> memref<1x128xi32, #tpu.memory_space<vmem>>
      %dma_wait3A_109 = tpu.memref_squeeze %dma_wait3A_108 : memref<1x128xi32, #tpu.memory_space<vmem>> -> memref<128xi32, #tpu.memory_space<vmem>>
      %dma_wait3A_110 = arith.constant 0 : i32
      %dma_wait3A_111 = arith.constant 0 : i32
      %dma_wait3A_112 = tpu.memref_slice %arg2[%dma_wait3A_110, %dma_wait3A_111] : memref<10240x128xf32, #tpu.memory_space<hbm>> -> memref<10240x128xf32, #tpu.memory_space<hbm>>
      tpu.wait_indirect_dma semaphore(%arg13 : memref<!tpu.dma_semaphore, #tpu.memory_space<semaphore_mem>>) src(%dma_wait3A_112 : memref<10240x128xf32, #tpu.memory_space<hbm>>) dst(%arg11 : memref<128x128xf32, #tpu.memory_space<vmem>>)
      %run_scoped3A_113 = arith.constant 3 : i32
      "tpu.region"() ({
        %run_scoped3A_167 = tpu.sem_alloc : memref<!tpu.dma_semaphore, #tpu.memory_space<semaphore_mem>>
        %dma_start3A_168 = arith.constant 0 : i32
        %dma_start3A_169 = tpu.memref_slice %arg9[%run_scoped3A_113, %dma_start3A_168] : memref<8x128xi32, #tpu.memory_space<vmem>> -> memref<1x128xi32, #tpu.memory_space<vmem>>
        %dma_start3A_170 = tpu.memref_squeeze %dma_start3A_169 : memref<1x128xi32, #tpu.memory_space<vmem>> -> memref<128xi32, #tpu.memory_space<vmem>>
        %dma_start3A_171 = arith.constant 0 : i32
        %dma_start3A_172 = arith.constant 0 : i32
        %dma_start3A_173 = tpu.memref_slice %arg7[%dma_start3A_171, %dma_start3A_172] : memref<10240x128xf32, #tpu.memory_space<vmem_shared>> -> memref<10240x128xf32, #tpu.memory_space<vmem_shared>>
        tpu.enqueue_indirect_dma source(%arg11 : memref<128x128xf32, #tpu.memory_space<vmem>>) target(%dma_start3A_173 : memref<10240x128xf32, #tpu.memory_space<vmem_shared>>) offsets(%dma_start3A_170 : memref<128xi32, #tpu.memory_space<vmem>>) semaphore(%run_scoped3A_167 : memref<!tpu.dma_semaphore, #tpu.memory_space<semaphore_mem>>) {add = true}
        %dma_wait3A_174 = arith.constant 0 : i32
        %dma_wait3A_175 = tpu.memref_slice %arg9[%run_scoped3A_113, %dma_wait3A_174] : memref<8x128xi32, #tpu.memory_space<vmem>> -> memref<1x128xi32, #tpu.memory_space<vmem>>
        %dma_wait3A_176 = tpu.memref_squeeze %dma_wait3A_175 : memref<1x128xi32, #tpu.memory_space<vmem>> -> memref<128xi32, #tpu.memory_space<vmem>>
        %dma_wait3A_177 = arith.constant 0 : i32
        %dma_wait3A_178 = arith.constant 0 : i32
        %dma_wait3A_179 = tpu.memref_slice %arg7[%dma_wait3A_177, %dma_wait3A_178] : memref<10240x128xf32, #tpu.memory_space<vmem_shared>> -> memref<10240x128xf32, #tpu.memory_space<vmem_shared>>
        tpu.wait_indirect_dma semaphore(%run_scoped3A_167 : memref<!tpu.dma_semaphore, #tpu.memory_space<semaphore_mem>>) src(%arg11 : memref<128x128xf32, #tpu.memory_space<vmem>>) dst(%dma_wait3A_179 : memref<10240x128xf32, #tpu.memory_space<vmem_shared>>)
        tpu.yield
      }) : () -> ()
      %dma_start3A_114 = arith.constant 5 : i32
      %dma_start3A_115 = arith.constant 0 : i32
      %dma_start3A_116 = tpu.memref_slice %arg8[%dma_start3A_114, %dma_start3A_115] : memref<8x128xi32, #tpu.memory_space<vmem>> -> memref<1x128xi32, #tpu.memory_space<vmem>>
      %dma_start3A_117 = tpu.memref_squeeze %dma_start3A_116 : memref<1x128xi32, #tpu.memory_space<vmem>> -> memref<128xi32, #tpu.memory_space<vmem>>
      %dma_start3A_118 = arith.constant 0 : i32
      %dma_start3A_119 = arith.constant 0 : i32
      %dma_start3A_120 = tpu.memref_slice %arg2[%dma_start3A_118, %dma_start3A_119] : memref<10240x128xf32, #tpu.memory_space<hbm>> -> memref<10240x128xf32, #tpu.memory_space<hbm>>
      tpu.enqueue_indirect_dma source(%dma_start3A_120 : memref<10240x128xf32, #tpu.memory_space<hbm>>) target(%arg11 : memref<128x128xf32, #tpu.memory_space<vmem>>) offsets(%dma_start3A_117 : memref<128xi32, #tpu.memory_space<vmem>>) semaphore(%arg13 : memref<!tpu.dma_semaphore, #tpu.memory_space<semaphore_mem>>)
      %dma_wait3A_121 = arith.constant 4 : i32
      %dma_wait3A_122 = arith.constant 0 : i32
      %dma_wait3A_123 = tpu.memref_slice %arg8[%dma_wait3A_121, %dma_wait3A_122] : memref<8x128xi32, #tpu.memory_space<vmem>> -> memref<1x128xi32, #tpu.memory_space<vmem>>
      %dma_wait3A_124 = tpu.memref_squeeze %dma_wait3A_123 : memref<1x128xi32, #tpu.memory_space<vmem>> -> memref<128xi32, #tpu.memory_space<vmem>>
      %dma_wait3A_125 = arith.constant 0 : i32
      %dma_wait3A_126 = arith.constant 0 : i32
      %dma_wait3A_127 = tpu.memref_slice %arg2[%dma_wait3A_125, %dma_wait3A_126] : memref<10240x128xf32, #tpu.memory_space<hbm>> -> memref<10240x128xf32, #tpu.memory_space<hbm>>
      tpu.wait_indirect_dma semaphore(%arg12 : memref<!tpu.dma_semaphore, #tpu.memory_space<semaphore_mem>>) src(%dma_wait3A_127 : memref<10240x128xf32, #tpu.memory_space<hbm>>) dst(%arg10 : memref<128x128xf32, #tpu.memory_space<vmem>>)
      %run_scoped3A_128 = arith.constant 4 : i32
      "tpu.region"() ({
        %run_scoped3A_167 = tpu.sem_alloc : memref<!tpu.dma_semaphore, #tpu.memory_space<semaphore_mem>>
        %dma_start3A_168 = arith.constant 0 : i32
        %dma_start3A_169 = tpu.memref_slice %arg9[%run_scoped3A_128, %dma_start3A_168] : memref<8x128xi32, #tpu.memory_space<vmem>> -> memref<1x128xi32, #tpu.memory_space<vmem>>
        %dma_start3A_170 = tpu.memref_squeeze %dma_start3A_169 : memref<1x128xi32, #tpu.memory_space<vmem>> -> memref<128xi32, #tpu.memory_space<vmem>>
        %dma_start3A_171 = arith.constant 0 : i32
        %dma_start3A_172 = arith.constant 0 : i32
        %dma_start3A_173 = tpu.memref_slice %arg7[%dma_start3A_171, %dma_start3A_172] : memref<10240x128xf32, #tpu.memory_space<vmem_shared>> -> memref<10240x128xf32, #tpu.memory_space<vmem_shared>>
        tpu.enqueue_indirect_dma source(%arg10 : memref<128x128xf32, #tpu.memory_space<vmem>>) target(%dma_start3A_173 : memref<10240x128xf32, #tpu.memory_space<vmem_shared>>) offsets(%dma_start3A_170 : memref<128xi32, #tpu.memory_space<vmem>>) semaphore(%run_scoped3A_167 : memref<!tpu.dma_semaphore, #tpu.memory_space<semaphore_mem>>) {add = true}
        %dma_wait3A_174 = arith.constant 0 : i32
        %dma_wait3A_175 = tpu.memref_slice %arg9[%run_scoped3A_128, %dma_wait3A_174] : memref<8x128xi32, #tpu.memory_space<vmem>> -> memref<1x128xi32, #tpu.memory_space<vmem>>
        %dma_wait3A_176 = tpu.memref_squeeze %dma_wait3A_175 : memref<1x128xi32, #tpu.memory_space<vmem>> -> memref<128xi32, #tpu.memory_space<vmem>>
        %dma_wait3A_177 = arith.constant 0 : i32
        %dma_wait3A_178 = arith.constant 0 : i32
        %dma_wait3A_179 = tpu.memref_slice %arg7[%dma_wait3A_177, %dma_wait3A_178] : memref<10240x128xf32, #tpu.memory_space<vmem_shared>> -> memref<10240x128xf32, #tpu.memory_space<vmem_shared>>
        tpu.wait_indirect_dma semaphore(%run_scoped3A_167 : memref<!tpu.dma_semaphore, #tpu.memory_space<semaphore_mem>>) src(%arg10 : memref<128x128xf32, #tpu.memory_space<vmem>>) dst(%dma_wait3A_179 : memref<10240x128xf32, #tpu.memory_space<vmem_shared>>)
        tpu.yield
      }) : () -> ()
      %dma_start3A_129 = arith.constant 6 : i32
      %dma_start3A_130 = arith.constant 0 : i32
      %dma_start3A_131 = tpu.memref_slice %arg8[%dma_start3A_129, %dma_start3A_130] : memref<8x128xi32, #tpu.memory_space<vmem>> -> memref<1x128xi32, #tpu.memory_space<vmem>>
      %dma_start3A_132 = tpu.memref_squeeze %dma_start3A_131 : memref<1x128xi32, #tpu.memory_space<vmem>> -> memref<128xi32, #tpu.memory_space<vmem>>
      %dma_start3A_133 = arith.constant 0 : i32
      %dma_start3A_134 = arith.constant 0 : i32
      %dma_start3A_135 = tpu.memref_slice %arg2[%dma_start3A_133, %dma_start3A_134] : memref<10240x128xf32, #tpu.memory_space<hbm>> -> memref<10240x128xf32, #tpu.memory_space<hbm>>
      tpu.enqueue_indirect_dma source(%dma_start3A_135 : memref<10240x128xf32, #tpu.memory_space<hbm>>) target(%arg10 : memref<128x128xf32, #tpu.memory_space<vmem>>) offsets(%dma_start3A_132 : memref<128xi32, #tpu.memory_space<vmem>>) semaphore(%arg12 : memref<!tpu.dma_semaphore, #tpu.memory_space<semaphore_mem>>)
      %dma_wait3A_136 = arith.constant 5 : i32
      %dma_wait3A_137 = arith.constant 0 : i32
      %dma_wait3A_138 = tpu.memref_slice %arg8[%dma_wait3A_136, %dma_wait3A_137] : memref<8x128xi32, #tpu.memory_space<vmem>> -> memref<1x128xi32, #tpu.memory_space<vmem>>
      %dma_wait3A_139 = tpu.memref_squeeze %dma_wait3A_138 : memref<1x128xi32, #tpu.memory_space<vmem>> -> memref<128xi32, #tpu.memory_space<vmem>>
      %dma_wait3A_140 = arith.constant 0 : i32
      %dma_wait3A_141 = arith.constant 0 : i32
      %dma_wait3A_142 = tpu.memref_slice %arg2[%dma_wait3A_140, %dma_wait3A_141] : memref<10240x128xf32, #tpu.memory_space<hbm>> -> memref<10240x128xf32, #tpu.memory_space<hbm>>
      tpu.wait_indirect_dma semaphore(%arg13 : memref<!tpu.dma_semaphore, #tpu.memory_space<semaphore_mem>>) src(%dma_wait3A_142 : memref<10240x128xf32, #tpu.memory_space<hbm>>) dst(%arg11 : memref<128x128xf32, #tpu.memory_space<vmem>>)
      %run_scoped3A_143 = arith.constant 5 : i32
      "tpu.region"() ({
        %run_scoped3A_167 = tpu.sem_alloc : memref<!tpu.dma_semaphore, #tpu.memory_space<semaphore_mem>>
        %dma_start3A_168 = arith.constant 0 : i32
        %dma_start3A_169 = tpu.memref_slice %arg9[%run_scoped3A_143, %dma_start3A_168] : memref<8x128xi32, #tpu.memory_space<vmem>> -> memref<1x128xi32, #tpu.memory_space<vmem>>
        %dma_start3A_170 = tpu.memref_squeeze %dma_start3A_169 : memref<1x128xi32, #tpu.memory_space<vmem>> -> memref<128xi32, #tpu.memory_space<vmem>>
        %dma_start3A_171 = arith.constant 0 : i32
        %dma_start3A_172 = arith.constant 0 : i32
        %dma_start3A_173 = tpu.memref_slice %arg7[%dma_start3A_171, %dma_start3A_172] : memref<10240x128xf32, #tpu.memory_space<vmem_shared>> -> memref<10240x128xf32, #tpu.memory_space<vmem_shared>>
        tpu.enqueue_indirect_dma source(%arg11 : memref<128x128xf32, #tpu.memory_space<vmem>>) target(%dma_start3A_173 : memref<10240x128xf32, #tpu.memory_space<vmem_shared>>) offsets(%dma_start3A_170 : memref<128xi32, #tpu.memory_space<vmem>>) semaphore(%run_scoped3A_167 : memref<!tpu.dma_semaphore, #tpu.memory_space<semaphore_mem>>) {add = true}
        %dma_wait3A_174 = arith.constant 0 : i32
        %dma_wait3A_175 = tpu.memref_slice %arg9[%run_scoped3A_143, %dma_wait3A_174] : memref<8x128xi32, #tpu.memory_space<vmem>> -> memref<1x128xi32, #tpu.memory_space<vmem>>
        %dma_wait3A_176 = tpu.memref_squeeze %dma_wait3A_175 : memref<1x128xi32, #tpu.memory_space<vmem>> -> memref<128xi32, #tpu.memory_space<vmem>>
        %dma_wait3A_177 = arith.constant 0 : i32
        %dma_wait3A_178 = arith.constant 0 : i32
        %dma_wait3A_179 = tpu.memref_slice %arg7[%dma_wait3A_177, %dma_wait3A_178] : memref<10240x128xf32, #tpu.memory_space<vmem_shared>> -> memref<10240x128xf32, #tpu.memory_space<vmem_shared>>
        tpu.wait_indirect_dma semaphore(%run_scoped3A_167 : memref<!tpu.dma_semaphore, #tpu.memory_space<semaphore_mem>>) src(%arg11 : memref<128x128xf32, #tpu.memory_space<vmem>>) dst(%dma_wait3A_179 : memref<10240x128xf32, #tpu.memory_space<vmem_shared>>)
        tpu.yield
      }) : () -> ()
      %dma_start3A_144 = arith.constant 7 : i32
      %dma_start3A_145 = arith.constant 0 : i32
      %dma_start3A_146 = tpu.memref_slice %arg8[%dma_start3A_144, %dma_start3A_145] : memref<8x128xi32, #tpu.memory_space<vmem>> -> memref<1x128xi32, #tpu.memory_space<vmem>>
      %dma_start3A_147 = tpu.memref_squeeze %dma_start3A_146 : memref<1x128xi32, #tpu.memory_space<vmem>> -> memref<128xi32, #tpu.memory_space<vmem>>
      %dma_start3A_148 = arith.constant 0 : i32
      %dma_start3A_149 = arith.constant 0 : i32
      %dma_start3A_150 = tpu.memref_slice %arg2[%dma_start3A_148, %dma_start3A_149] : memref<10240x128xf32, #tpu.memory_space<hbm>> -> memref<10240x128xf32, #tpu.memory_space<hbm>>
      tpu.enqueue_indirect_dma source(%dma_start3A_150 : memref<10240x128xf32, #tpu.memory_space<hbm>>) target(%arg11 : memref<128x128xf32, #tpu.memory_space<vmem>>) offsets(%dma_start3A_147 : memref<128xi32, #tpu.memory_space<vmem>>) semaphore(%arg13 : memref<!tpu.dma_semaphore, #tpu.memory_space<semaphore_mem>>)
      %dma_wait3A_151 = arith.constant 6 : i32
      %dma_wait3A_152 = arith.constant 0 : i32
      %dma_wait3A_153 = tpu.memref_slice %arg8[%dma_wait3A_151, %dma_wait3A_152] : memref<8x128xi32, #tpu.memory_space<vmem>> -> memref<1x128xi32, #tpu.memory_space<vmem>>
      %dma_wait3A_154 = tpu.memref_squeeze %dma_wait3A_153 : memref<1x128xi32, #tpu.memory_space<vmem>> -> memref<128xi32, #tpu.memory_space<vmem>>
      %dma_wait3A_155 = arith.constant 0 : i32
      %dma_wait3A_156 = arith.constant 0 : i32
      %dma_wait3A_157 = tpu.memref_slice %arg2[%dma_wait3A_155, %dma_wait3A_156] : memref<10240x128xf32, #tpu.memory_space<hbm>> -> memref<10240x128xf32, #tpu.memory_space<hbm>>
      tpu.wait_indirect_dma semaphore(%arg12 : memref<!tpu.dma_semaphore, #tpu.memory_space<semaphore_mem>>) src(%dma_wait3A_157 : memref<10240x128xf32, #tpu.memory_space<hbm>>) dst(%arg10 : memref<128x128xf32, #tpu.memory_space<vmem>>)
      %run_scoped3A_158 = arith.constant 6 : i32
      "tpu.region"() ({
        %run_scoped3A_167 = tpu.sem_alloc : memref<!tpu.dma_semaphore, #tpu.memory_space<semaphore_mem>>
        %dma_start3A_168 = arith.constant 0 : i32
        %dma_start3A_169 = tpu.memref_slice %arg9[%run_scoped3A_158, %dma_start3A_168] : memref<8x128xi32, #tpu.memory_space<vmem>> -> memref<1x128xi32, #tpu.memory_space<vmem>>
        %dma_start3A_170 = tpu.memref_squeeze %dma_start3A_169 : memref<1x128xi32, #tpu.memory_space<vmem>> -> memref<128xi32, #tpu.memory_space<vmem>>
        %dma_start3A_171 = arith.constant 0 : i32
        %dma_start3A_172 = arith.constant 0 : i32
        %dma_start3A_173 = tpu.memref_slice %arg7[%dma_start3A_171, %dma_start3A_172] : memref<10240x128xf32, #tpu.memory_space<vmem_shared>> -> memref<10240x128xf32, #tpu.memory_space<vmem_shared>>
        tpu.enqueue_indirect_dma source(%arg10 : memref<128x128xf32, #tpu.memory_space<vmem>>) target(%dma_start3A_173 : memref<10240x128xf32, #tpu.memory_space<vmem_shared>>) offsets(%dma_start3A_170 : memref<128xi32, #tpu.memory_space<vmem>>) semaphore(%run_scoped3A_167 : memref<!tpu.dma_semaphore, #tpu.memory_space<semaphore_mem>>) {add = true}
        %dma_wait3A_174 = arith.constant 0 : i32
        %dma_wait3A_175 = tpu.memref_slice %arg9[%run_scoped3A_158, %dma_wait3A_174] : memref<8x128xi32, #tpu.memory_space<vmem>> -> memref<1x128xi32, #tpu.memory_space<vmem>>
        %dma_wait3A_176 = tpu.memref_squeeze %dma_wait3A_175 : memref<1x128xi32, #tpu.memory_space<vmem>> -> memref<128xi32, #tpu.memory_space<vmem>>
        %dma_wait3A_177 = arith.constant 0 : i32
        %dma_wait3A_178 = arith.constant 0 : i32
        %dma_wait3A_179 = tpu.memref_slice %arg7[%dma_wait3A_177, %dma_wait3A_178] : memref<10240x128xf32, #tpu.memory_space<vmem_shared>> -> memref<10240x128xf32, #tpu.memory_space<vmem_shared>>
        tpu.wait_indirect_dma semaphore(%run_scoped3A_167 : memref<!tpu.dma_semaphore, #tpu.memory_space<semaphore_mem>>) src(%arg10 : memref<128x128xf32, #tpu.memory_space<vmem>>) dst(%dma_wait3A_179 : memref<10240x128xf32, #tpu.memory_space<vmem_shared>>)
        tpu.yield
      }) : () -> ()
      %dma_wait3A_159 = arith.constant 7 : i32
      %dma_wait3A_160 = arith.constant 0 : i32
      %dma_wait3A_161 = tpu.memref_slice %arg8[%dma_wait3A_159, %dma_wait3A_160] : memref<8x128xi32, #tpu.memory_space<vmem>> -> memref<1x128xi32, #tpu.memory_space<vmem>>
      %dma_wait3A_162 = tpu.memref_squeeze %dma_wait3A_161 : memref<1x128xi32, #tpu.memory_space<vmem>> -> memref<128xi32, #tpu.memory_space<vmem>>
      %dma_wait3A_163 = arith.constant 0 : i32
      %dma_wait3A_164 = arith.constant 0 : i32
      %dma_wait3A_165 = tpu.memref_slice %arg2[%dma_wait3A_163, %dma_wait3A_164] : memref<10240x128xf32, #tpu.memory_space<hbm>> -> memref<10240x128xf32, #tpu.memory_space<hbm>>
      tpu.wait_indirect_dma semaphore(%arg13 : memref<!tpu.dma_semaphore, #tpu.memory_space<semaphore_mem>>) src(%dma_wait3A_165 : memref<10240x128xf32, #tpu.memory_space<hbm>>) dst(%arg11 : memref<128x128xf32, #tpu.memory_space<vmem>>)
      %run_scoped3A_166 = arith.constant 7 : i32
      "tpu.region"() ({
        %run_scoped3A_167 = tpu.sem_alloc : memref<!tpu.dma_semaphore, #tpu.memory_space<semaphore_mem>>
        %dma_start3A_168 = arith.constant 0 : i32
        %dma_start3A_169 = tpu.memref_slice %arg9[%run_scoped3A_166, %dma_start3A_168] : memref<8x128xi32, #tpu.memory_space<vmem>> -> memref<1x128xi32, #tpu.memory_space<vmem>>
        %dma_start3A_170 = tpu.memref_squeeze %dma_start3A_169 : memref<1x128xi32, #tpu.memory_space<vmem>> -> memref<128xi32, #tpu.memory_space<vmem>>
        %dma_start3A_171 = arith.constant 0 : i32
        %dma_start3A_172 = arith.constant 0 : i32
        %dma_start3A_173 = tpu.memref_slice %arg7[%dma_start3A_171, %dma_start3A_172] : memref<10240x128xf32, #tpu.memory_space<vmem_shared>> -> memref<10240x128xf32, #tpu.memory_space<vmem_shared>>
        tpu.enqueue_indirect_dma source(%arg11 : memref<128x128xf32, #tpu.memory_space<vmem>>) target(%dma_start3A_173 : memref<10240x128xf32, #tpu.memory_space<vmem_shared>>) offsets(%dma_start3A_170 : memref<128xi32, #tpu.memory_space<vmem>>) semaphore(%run_scoped3A_167 : memref<!tpu.dma_semaphore, #tpu.memory_space<semaphore_mem>>) {add = true}
        %dma_wait3A_174 = arith.constant 0 : i32
        %dma_wait3A_175 = tpu.memref_slice %arg9[%run_scoped3A_166, %dma_wait3A_174] : memref<8x128xi32, #tpu.memory_space<vmem>> -> memref<1x128xi32, #tpu.memory_space<vmem>>
        %dma_wait3A_176 = tpu.memref_squeeze %dma_wait3A_175 : memref<1x128xi32, #tpu.memory_space<vmem>> -> memref<128xi32, #tpu.memory_space<vmem>>
        %dma_wait3A_177 = arith.constant 0 : i32
        %dma_wait3A_178 = arith.constant 0 : i32
        %dma_wait3A_179 = tpu.memref_slice %arg7[%dma_wait3A_177, %dma_wait3A_178] : memref<10240x128xf32, #tpu.memory_space<vmem_shared>> -> memref<10240x128xf32, #tpu.memory_space<vmem_shared>>
        tpu.wait_indirect_dma semaphore(%run_scoped3A_167 : memref<!tpu.dma_semaphore, #tpu.memory_space<semaphore_mem>>) src(%arg11 : memref<128x128xf32, #tpu.memory_space<vmem>>) dst(%dma_wait3A_179 : memref<10240x128xf32, #tpu.memory_space<vmem_shared>>)
        tpu.yield
      }) : () -> ()
    }
    %while3A_37 = arith.constant 1 : i32
    scf.for %while3A_43 = %while3A_35 to %while3A_31 step %while3A_37  : i32 {
      %mul3A_44 = arith.constant 8 : i32
      %mul3A_45 = arith.muli %while3A_43, %mul3A_44 : i32
      %add3A_46 = arith.addi %select_n3A_8, %mul3A_45 : i32
      "tpu.region"() ({
        %run_scoped3A_167 = tpu.sem_alloc : memref<!tpu.dma_semaphore, #tpu.memory_space<semaphore_mem>>
        %dma_start3A_168 = arith.constant 0 : i32
        %dma_start3A_169 = tpu.memref_slice %arg3[%add3A_46, %dma_start3A_168] : memref<2560x128xi32, #tpu.memory_space<hbm>> -> memref<8x128xi32, #tpu.memory_space<hbm>>
        %dma_start3A_170 = arith.constant 0 : i32
        %dma_start3A_171 = tpu.memref_slice %arg3[%add3A_46, %dma_start3A_170] : memref<2560x128xi32, #tpu.memory_space<hbm>> -> memref<8x128xi32, #tpu.memory_space<hbm>>
        tpu.enqueue_dma source(%dma_start3A_171 : memref<8x128xi32, #tpu.memory_space<hbm>>) target(%arg8 : memref<8x128xi32, #tpu.memory_space<vmem>>) target_semaphore(%run_scoped3A_167 : memref<!tpu.dma_semaphore, #tpu.memory_space<semaphore_mem>>)
        %dma_wait3A_172 = arith.constant 0 : i32
        %dma_wait3A_173 = tpu.memref_slice %arg3[%add3A_46, %dma_wait3A_172] : memref<2560x128xi32, #tpu.memory_space<hbm>> -> memref<8x128xi32, #tpu.memory_space<hbm>>
        %dma_wait3A_174 = arith.constant 0 : i32
        %dma_wait3A_175 = tpu.memref_slice %arg3[%add3A_46, %dma_wait3A_174] : memref<2560x128xi32, #tpu.memory_space<hbm>> -> memref<8x128xi32, #tpu.memory_space<hbm>>
        tpu.wait_dma2 semaphore(%run_scoped3A_167 : memref<!tpu.dma_semaphore, #tpu.memory_space<semaphore_mem>>) src(%dma_wait3A_175 : memref<8x128xi32, #tpu.memory_space<hbm>>) dst(%arg8 : memref<8x128xi32, #tpu.memory_space<vmem>>)
        tpu.yield
      }) : () -> ()
      %mul3A_47 = arith.constant 8 : i32
      %mul3A_48 = arith.muli %while3A_43, %mul3A_47 : i32
      %add3A_49 = arith.addi %select_n3A_8, %mul3A_48 : i32
      "tpu.region"() ({
        %run_scoped3A_167 = tpu.sem_alloc : memref<!tpu.dma_semaphore, #tpu.memory_space<semaphore_mem>>
        %dma_start3A_168 = arith.constant 0 : i32
        %dma_start3A_169 = tpu.memref_slice %arg4[%add3A_49, %dma_start3A_168] : memref<2560x128xi32, #tpu.memory_space<hbm>> -> memref<8x128xi32, #tpu.memory_space<hbm>>
        %dma_start3A_170 = arith.constant 0 : i32
        %dma_start3A_171 = tpu.memref_slice %arg4[%add3A_49, %dma_start3A_170] : memref<2560x128xi32, #tpu.memory_space<hbm>> -> memref<8x128xi32, #tpu.memory_space<hbm>>
        tpu.enqueue_dma source(%dma_start3A_171 : memref<8x128xi32, #tpu.memory_space<hbm>>) target(%arg9 : memref<8x128xi32, #tpu.memory_space<vmem>>) target_semaphore(%run_scoped3A_167 : memref<!tpu.dma_semaphore, #tpu.memory_space<semaphore_mem>>)
        %dma_wait3A_172 = arith.constant 0 : i32
        %dma_wait3A_173 = tpu.memref_slice %arg4[%add3A_49, %dma_wait3A_172] : memref<2560x128xi32, #tpu.memory_space<hbm>> -> memref<8x128xi32, #tpu.memory_space<hbm>>
        %dma_wait3A_174 = arith.constant 0 : i32
        %dma_wait3A_175 = tpu.memref_slice %arg4[%add3A_49, %dma_wait3A_174] : memref<2560x128xi32, #tpu.memory_space<hbm>> -> memref<8x128xi32, #tpu.memory_space<hbm>>
        tpu.wait_dma2 semaphore(%run_scoped3A_167 : memref<!tpu.dma_semaphore, #tpu.memory_space<semaphore_mem>>) src(%dma_wait3A_175 : memref<8x128xi32, #tpu.memory_space<hbm>>) dst(%arg9 : memref<8x128xi32, #tpu.memory_space<vmem>>)
        tpu.yield
      }) : () -> ()
      %dma_start3A = arith.constant 0 : i32
      %dma_start3A_50 = arith.constant 0 : i32
      %dma_start3A_51 = tpu.memref_slice %arg8[%dma_start3A, %dma_start3A_50] : memref<8x128xi32, #tpu.memory_space<vmem>> -> memref<1x128xi32, #tpu.memory_space<vmem>>
      %dma_start3A_52 = tpu.memref_squeeze %dma_start3A_51 : memref<1x128xi32, #tpu.memory_space<vmem>> -> memref<128xi32, #tpu.memory_space<vmem>>
      %dma_start3A_53 = arith.constant 0 : i32
      %dma_start3A_54 = arith.constant 0 : i32
      %dma_start3A_55 = tpu.memref_slice %arg2[%dma_start3A_53, %dma_start3A_54] : memref<10240x128xf32, #tpu.memory_space<hbm>> -> memref<10240x128xf32, #tpu.memory_space<hbm>>
      tpu.enqueue_indirect_dma source(%dma_start3A_55 : memref<10240x128xf32, #tpu.memory_space<hbm>>) target(%arg10 : memref<128x128xf32, #tpu.memory_space<vmem>>) offsets(%dma_start3A_52 : memref<128xi32, #tpu.memory_space<vmem>>) semaphore(%arg12 : memref<!tpu.dma_semaphore, #tpu.memory_space<semaphore_mem>>)
      %dma_start3A_56 = arith.constant 1 : i32
      %dma_start3A_57 = arith.constant 0 : i32
      %dma_start3A_58 = tpu.memref_slice %arg8[%dma_start3A_56, %dma_start3A_57] : memref<8x128xi32, #tpu.memory_space<vmem>> -> memref<1x128xi32, #tpu.memory_space<vmem>>
      %dma_start3A_59 = tpu.memref_squeeze %dma_start3A_58 : memref<1x128xi32, #tpu.memory_space<vmem>> -> memref<128xi32, #tpu.memory_space<vmem>>
      %dma_start3A_60 = arith.constant 0 : i32
      %dma_start3A_61 = arith.constant 0 : i32
      %dma_start3A_62 = tpu.memref_slice %arg2[%dma_start3A_60, %dma_start3A_61] : memref<10240x128xf32, #tpu.memory_space<hbm>> -> memref<10240x128xf32, #tpu.memory_space<hbm>>
      tpu.enqueue_indirect_dma source(%dma_start3A_62 : memref<10240x128xf32, #tpu.memory_space<hbm>>) target(%arg11 : memref<128x128xf32, #tpu.memory_space<vmem>>) offsets(%dma_start3A_59 : memref<128xi32, #tpu.memory_space<vmem>>) semaphore(%arg13 : memref<!tpu.dma_semaphore, #tpu.memory_space<semaphore_mem>>)
      %dma_wait3A = arith.constant 0 : i32
      %dma_wait3A_63 = arith.constant 0 : i32
      %dma_wait3A_64 = tpu.memref_slice %arg8[%dma_wait3A, %dma_wait3A_63] : memref<8x128xi32, #tpu.memory_space<vmem>> -> memref<1x128xi32, #tpu.memory_space<vmem>>
      %dma_wait3A_65 = tpu.memref_squeeze %dma_wait3A_64 : memref<1x128xi32, #tpu.memory_space<vmem>> -> memref<128xi32, #tpu.memory_space<vmem>>
      %dma_wait3A_66 = arith.constant 0 : i32
      %dma_wait3A_67 = arith.constant 0 : i32
      %dma_wait3A_68 = tpu.memref_slice %arg2[%dma_wait3A_66, %dma_wait3A_67] : memref<10240x128xf32, #tpu.memory_space<hbm>> -> memref<10240x128xf32, #tpu.memory_space<hbm>>
      tpu.wait_indirect_dma semaphore(%arg12 : memref<!tpu.dma_semaphore, #tpu.memory_space<semaphore_mem>>) src(%dma_wait3A_68 : memref<10240x128xf32, #tpu.memory_space<hbm>>) dst(%arg10 : memref<128x128xf32, #tpu.memory_space<vmem>>)
      %run_scoped3A = arith.constant 0 : i32
      "tpu.region"() ({
        %run_scoped3A_167 = tpu.sem_alloc : memref<!tpu.dma_semaphore, #tpu.memory_space<semaphore_mem>>
        %dma_start3A_168 = arith.constant 0 : i32
        %dma_start3A_169 = tpu.memref_slice %arg9[%run_scoped3A, %dma_start3A_168] : memref<8x128xi32, #tpu.memory_space<vmem>> -> memref<1x128xi32, #tpu.memory_space<vmem>>
        %dma_start3A_170 = tpu.memref_squeeze %dma_start3A_169 : memref<1x128xi32, #tpu.memory_space<vmem>> -> memref<128xi32, #tpu.memory_space<vmem>>
        %dma_start3A_171 = arith.constant 0 : i32
        %dma_start3A_172 = arith.constant 0 : i32
        %dma_start3A_173 = tpu.memref_slice %arg7[%dma_start3A_171, %dma_start3A_172] : memref<10240x128xf32, #tpu.memory_space<vmem_shared>> -> memref<10240x128xf32, #tpu.memory_space<vmem_shared>>
        tpu.enqueue_indirect_dma source(%arg10 : memref<128x128xf32, #tpu.memory_space<vmem>>) target(%dma_start3A_173 : memref<10240x128xf32, #tpu.memory_space<vmem_shared>>) offsets(%dma_start3A_170 : memref<128xi32, #tpu.memory_space<vmem>>) semaphore(%run_scoped3A_167 : memref<!tpu.dma_semaphore, #tpu.memory_space<semaphore_mem>>) {add = true}
        %dma_wait3A_174 = arith.constant 0 : i32
        %dma_wait3A_175 = tpu.memref_slice %arg9[%run_scoped3A, %dma_wait3A_174] : memref<8x128xi32, #tpu.memory_space<vmem>> -> memref<1x128xi32, #tpu.memory_space<vmem>>
        %dma_wait3A_176 = tpu.memref_squeeze %dma_wait3A_175 : memref<1x128xi32, #tpu.memory_space<vmem>> -> memref<128xi32, #tpu.memory_space<vmem>>
        %dma_wait3A_177 = arith.constant 0 : i32
        %dma_wait3A_178 = arith.constant 0 : i32
        %dma_wait3A_179 = tpu.memref_slice %arg7[%dma_wait3A_177, %dma_wait3A_178] : memref<10240x128xf32, #tpu.memory_space<vmem_shared>> -> memref<10240x128xf32, #tpu.memory_space<vmem_shared>>
        tpu.wait_indirect_dma semaphore(%run_scoped3A_167 : memref<!tpu.dma_semaphore, #tpu.memory_space<semaphore_mem>>) src(%arg10 : memref<128x128xf32, #tpu.memory_space<vmem>>) dst(%dma_wait3A_179 : memref<10240x128xf32, #tpu.memory_space<vmem_shared>>)
        tpu.yield
      }) : () -> ()
      %dma_start3A_69 = arith.constant 2 : i32
      %dma_start3A_70 = arith.constant 0 : i32
      %dma_start3A_71 = tpu.memref_slice %arg8[%dma_start3A_69, %dma_start3A_70] : memref<8x128xi32, #tpu.memory_space<vmem>> -> memref<1x128xi32, #tpu.memory_space<vmem>>
      %dma_start3A_72 = tpu.memref_squeeze %dma_start3A_71 : memref<1x128xi32, #tpu.memory_space<vmem>> -> memref<128xi32, #tpu.memory_space<vmem>>
      %dma_start3A_73 = arith.constant 0 : i32
      %dma_start3A_74 = arith.constant 0 : i32
      %dma_start3A_75 = tpu.memref_slice %arg2[%dma_start3A_73, %dma_start3A_74] : memref<10240x128xf32, #tpu.memory_space<hbm>> -> memref<10240x128xf32, #tpu.memory_space<hbm>>
      tpu.enqueue_indirect_dma source(%dma_start3A_75 : memref<10240x128xf32, #tpu.memory_space<hbm>>) target(%arg10 : memref<128x128xf32, #tpu.memory_space<vmem>>) offsets(%dma_start3A_72 : memref<128xi32, #tpu.memory_space<vmem>>) semaphore(%arg12 : memref<!tpu.dma_semaphore, #tpu.memory_space<semaphore_mem>>)
      %dma_wait3A_76 = arith.constant 1 : i32
      %dma_wait3A_77 = arith.constant 0 : i32
      %dma_wait3A_78 = tpu.memref_slice %arg8[%dma_wait3A_76, %dma_wait3A_77] : memref<8x128xi32, #tpu.memory_space<vmem>> -> memref<1x128xi32, #tpu.memory_space<vmem>>
      %dma_wait3A_79 = tpu.memref_squeeze %dma_wait3A_78 : memref<1x128xi32, #tpu.memory_space<vmem>> -> memref<128xi32, #tpu.memory_space<vmem>>
      %dma_wait3A_80 = arith.constant 0 : i32
      %dma_wait3A_81 = arith.constant 0 : i32
      %dma_wait3A_82 = tpu.memref_slice %arg2[%dma_wait3A_80, %dma_wait3A_81] : memref<10240x128xf32, #tpu.memory_space<hbm>> -> memref<10240x128xf32, #tpu.memory_space<hbm>>
      tpu.wait_indirect_dma semaphore(%arg13 : memref<!tpu.dma_semaphore, #tpu.memory_space<semaphore_mem>>) src(%dma_wait3A_82 : memref<10240x128xf32, #tpu.memory_space<hbm>>) dst(%arg11 : memref<128x128xf32, #tpu.memory_space<vmem>>)
      %run_scoped3A_83 = arith.constant 1 : i32
      "tpu.region"() ({
        %run_scoped3A_167 = tpu.sem_alloc : memref<!tpu.dma_semaphore, #tpu.memory_space<semaphore_mem>>
        %dma_start3A_168 = arith.constant 0 : i32
        %dma_start3A_169 = tpu.memref_slice %arg9[%run_scoped3A_83, %dma_start3A_168] : memref<8x128xi32, #tpu.memory_space<vmem>> -> memref<1x128xi32, #tpu.memory_space<vmem>>
        %dma_start3A_170 = tpu.memref_squeeze %dma_start3A_169 : memref<1x128xi32, #tpu.memory_space<vmem>> -> memref<128xi32, #tpu.memory_space<vmem>>
        %dma_start3A_171 = arith.constant 0 : i32
        %dma_start3A_172 = arith.constant 0 : i32
        %dma_start3A_173 = tpu.memref_slice %arg7[%dma_start3A_171, %dma_start3A_172] : memref<10240x128xf32, #tpu.memory_space<vmem_shared>> -> memref<10240x128xf32, #tpu.memory_space<vmem_shared>>
        tpu.enqueue_indirect_dma source(%arg11 : memref<128x128xf32, #tpu.memory_space<vmem>>) target(%dma_start3A_173 : memref<10240x128xf32, #tpu.memory_space<vmem_shared>>) offsets(%dma_start3A_170 : memref<128xi32, #tpu.memory_space<vmem>>) semaphore(%run_scoped3A_167 : memref<!tpu.dma_semaphore, #tpu.memory_space<semaphore_mem>>) {add = true}
        %dma_wait3A_174 = arith.constant 0 : i32
        %dma_wait3A_175 = tpu.memref_slice %arg9[%run_scoped3A_83, %dma_wait3A_174] : memref<8x128xi32, #tpu.memory_space<vmem>> -> memref<1x128xi32, #tpu.memory_space<vmem>>
        %dma_wait3A_176 = tpu.memref_squeeze %dma_wait3A_175 : memref<1x128xi32, #tpu.memory_space<vmem>> -> memref<128xi32, #tpu.memory_space<vmem>>
        %dma_wait3A_177 = arith.constant 0 : i32
        %dma_wait3A_178 = arith.constant 0 : i32
        %dma_wait3A_179 = tpu.memref_slice %arg7[%dma_wait3A_177, %dma_wait3A_178] : memref<10240x128xf32, #tpu.memory_space<vmem_shared>> -> memref<10240x128xf32, #tpu.memory_space<vmem_shared>>
        tpu.wait_indirect_dma semaphore(%run_scoped3A_167 : memref<!tpu.dma_semaphore, #tpu.memory_space<semaphore_mem>>) src(%arg11 : memref<128x128xf32, #tpu.memory_space<vmem>>) dst(%dma_wait3A_179 : memref<10240x128xf32, #tpu.memory_space<vmem_shared>>)
        tpu.yield
      }) : () -> ()
      %dma_start3A_84 = arith.constant 3 : i32
      %dma_start3A_85 = arith.constant 0 : i32
      %dma_start3A_86 = tpu.memref_slice %arg8[%dma_start3A_84, %dma_start3A_85] : memref<8x128xi32, #tpu.memory_space<vmem>> -> memref<1x128xi32, #tpu.memory_space<vmem>>
      %dma_start3A_87 = tpu.memref_squeeze %dma_start3A_86 : memref<1x128xi32, #tpu.memory_space<vmem>> -> memref<128xi32, #tpu.memory_space<vmem>>
      %dma_start3A_88 = arith.constant 0 : i32
      %dma_start3A_89 = arith.constant 0 : i32
      %dma_start3A_90 = tpu.memref_slice %arg2[%dma_start3A_88, %dma_start3A_89] : memref<10240x128xf32, #tpu.memory_space<hbm>> -> memref<10240x128xf32, #tpu.memory_space<hbm>>
      tpu.enqueue_indirect_dma source(%dma_start3A_90 : memref<10240x128xf32, #tpu.memory_space<hbm>>) target(%arg11 : memref<128x128xf32, #tpu.memory_space<vmem>>) offsets(%dma_start3A_87 : memref<128xi32, #tpu.memory_space<vmem>>) semaphore(%arg13 : memref<!tpu.dma_semaphore, #tpu.memory_space<semaphore_mem>>)
      %dma_wait3A_91 = arith.constant 2 : i32
      %dma_wait3A_92 = arith.constant 0 : i32
      %dma_wait3A_93 = tpu.memref_slice %arg8[%dma_wait3A_91, %dma_wait3A_92] : memref<8x128xi32, #tpu.memory_space<vmem>> -> memref<1x128xi32, #tpu.memory_space<vmem>>
      %dma_wait3A_94 = tpu.memref_squeeze %dma_wait3A_93 : memref<1x128xi32, #tpu.memory_space<vmem>> -> memref<128xi32, #tpu.memory_space<vmem>>
      %dma_wait3A_95 = arith.constant 0 : i32
      %dma_wait3A_96 = arith.constant 0 : i32
      %dma_wait3A_97 = tpu.memref_slice %arg2[%dma_wait3A_95, %dma_wait3A_96] : memref<10240x128xf32, #tpu.memory_space<hbm>> -> memref<10240x128xf32, #tpu.memory_space<hbm>>
      tpu.wait_indirect_dma semaphore(%arg12 : memref<!tpu.dma_semaphore, #tpu.memory_space<semaphore_mem>>) src(%dma_wait3A_97 : memref<10240x128xf32, #tpu.memory_space<hbm>>) dst(%arg10 : memref<128x128xf32, #tpu.memory_space<vmem>>)
      %run_scoped3A_98 = arith.constant 2 : i32
      "tpu.region"() ({
        %run_scoped3A_167 = tpu.sem_alloc : memref<!tpu.dma_semaphore, #tpu.memory_space<semaphore_mem>>
        %dma_start3A_168 = arith.constant 0 : i32
        %dma_start3A_169 = tpu.memref_slice %arg9[%run_scoped3A_98, %dma_start3A_168] : memref<8x128xi32, #tpu.memory_space<vmem>> -> memref<1x128xi32, #tpu.memory_space<vmem>>
        %dma_start3A_170 = tpu.memref_squeeze %dma_start3A_169 : memref<1x128xi32, #tpu.memory_space<vmem>> -> memref<128xi32, #tpu.memory_space<vmem>>
        %dma_start3A_171 = arith.constant 0 : i32
        %dma_start3A_172 = arith.constant 0 : i32
        %dma_start3A_173 = tpu.memref_slice %arg7[%dma_start3A_171, %dma_start3A_172] : memref<10240x128xf32, #tpu.memory_space<vmem_shared>> -> memref<10240x128xf32, #tpu.memory_space<vmem_shared>>
        tpu.enqueue_indirect_dma source(%arg10 : memref<128x128xf32, #tpu.memory_space<vmem>>) target(%dma_start3A_173 : memref<10240x128xf32, #tpu.memory_space<vmem_shared>>) offsets(%dma_start3A_170 : memref<128xi32, #tpu.memory_space<vmem>>) semaphore(%run_scoped3A_167 : memref<!tpu.dma_semaphore, #tpu.memory_space<semaphore_mem>>) {add = true}
        %dma_wait3A_174 = arith.constant 0 : i32
        %dma_wait3A_175 = tpu.memref_slice %arg9[%run_scoped3A_98, %dma_wait3A_174] : memref<8x128xi32, #tpu.memory_space<vmem>> -> memref<1x128xi32, #tpu.memory_space<vmem>>
        %dma_wait3A_176 = tpu.memref_squeeze %dma_wait3A_175 : memref<1x128xi32, #tpu.memory_space<vmem>> -> memref<128xi32, #tpu.memory_space<vmem>>
        %dma_wait3A_177 = arith.constant 0 : i32
        %dma_wait3A_178 = arith.constant 0 : i32
        %dma_wait3A_179 = tpu.memref_slice %arg7[%dma_wait3A_177, %dma_wait3A_178] : memref<10240x128xf32, #tpu.memory_space<vmem_shared>> -> memref<10240x128xf32, #tpu.memory_space<vmem_shared>>
        tpu.wait_indirect_dma semaphore(%run_scoped3A_167 : memref<!tpu.dma_semaphore, #tpu.memory_space<semaphore_mem>>) src(%arg10 : memref<128x128xf32, #tpu.memory_space<vmem>>) dst(%dma_wait3A_179 : memref<10240x128xf32, #tpu.memory_space<vmem_shared>>)
        tpu.yield
      }) : () -> ()
      %dma_start3A_99 = arith.constant 4 : i32
      %dma_start3A_100 = arith.constant 0 : i32
      %dma_start3A_101 = tpu.memref_slice %arg8[%dma_start3A_99, %dma_start3A_100] : memref<8x128xi32, #tpu.memory_space<vmem>> -> memref<1x128xi32, #tpu.memory_space<vmem>>
      %dma_start3A_102 = tpu.memref_squeeze %dma_start3A_101 : memref<1x128xi32, #tpu.memory_space<vmem>> -> memref<128xi32, #tpu.memory_space<vmem>>
      %dma_start3A_103 = arith.constant 0 : i32
      %dma_start3A_104 = arith.constant 0 : i32
      %dma_start3A_105 = tpu.memref_slice %arg2[%dma_start3A_103, %dma_start3A_104] : memref<10240x128xf32, #tpu.memory_space<hbm>> -> memref<10240x128xf32, #tpu.memory_space<hbm>>
      tpu.enqueue_indirect_dma source(%dma_start3A_105 : memref<10240x128xf32, #tpu.memory_space<hbm>>) target(%arg10 : memref<128x128xf32, #tpu.memory_space<vmem>>) offsets(%dma_start3A_102 : memref<128xi32, #tpu.memory_space<vmem>>) semaphore(%arg12 : memref<!tpu.dma_semaphore, #tpu.memory_space<semaphore_mem>>)
      %dma_wait3A_106 = arith.constant 3 : i32
      %dma_wait3A_107 = arith.constant 0 : i32
      %dma_wait3A_108 = tpu.memref_slice %arg8[%dma_wait3A_106, %dma_wait3A_107] : memref<8x128xi32, #tpu.memory_space<vmem>> -> memref<1x128xi32, #tpu.memory_space<vmem>>
      %dma_wait3A_109 = tpu.memref_squeeze %dma_wait3A_108 : memref<1x128xi32, #tpu.memory_space<vmem>> -> memref<128xi32, #tpu.memory_space<vmem>>
      %dma_wait3A_110 = arith.constant 0 : i32
      %dma_wait3A_111 = arith.constant 0 : i32
      %dma_wait3A_112 = tpu.memref_slice %arg2[%dma_wait3A_110, %dma_wait3A_111] : memref<10240x128xf32, #tpu.memory_space<hbm>> -> memref<10240x128xf32, #tpu.memory_space<hbm>>
      tpu.wait_indirect_dma semaphore(%arg13 : memref<!tpu.dma_semaphore, #tpu.memory_space<semaphore_mem>>) src(%dma_wait3A_112 : memref<10240x128xf32, #tpu.memory_space<hbm>>) dst(%arg11 : memref<128x128xf32, #tpu.memory_space<vmem>>)
      %run_scoped3A_113 = arith.constant 3 : i32
      "tpu.region"() ({
        %run_scoped3A_167 = tpu.sem_alloc : memref<!tpu.dma_semaphore, #tpu.memory_space<semaphore_mem>>
        %dma_start3A_168 = arith.constant 0 : i32
        %dma_start3A_169 = tpu.memref_slice %arg9[%run_scoped3A_113, %dma_start3A_168] : memref<8x128xi32, #tpu.memory_space<vmem>> -> memref<1x128xi32, #tpu.memory_space<vmem>>
        %dma_start3A_170 = tpu.memref_squeeze %dma_start3A_169 : memref<1x128xi32, #tpu.memory_space<vmem>> -> memref<128xi32, #tpu.memory_space<vmem>>
        %dma_start3A_171 = arith.constant 0 : i32
        %dma_start3A_172 = arith.constant 0 : i32
        %dma_start3A_173 = tpu.memref_slice %arg7[%dma_start3A_171, %dma_start3A_172] : memref<10240x128xf32, #tpu.memory_space<vmem_shared>> -> memref<10240x128xf32, #tpu.memory_space<vmem_shared>>
        tpu.enqueue_indirect_dma source(%arg11 : memref<128x128xf32, #tpu.memory_space<vmem>>) target(%dma_start3A_173 : memref<10240x128xf32, #tpu.memory_space<vmem_shared>>) offsets(%dma_start3A_170 : memref<128xi32, #tpu.memory_space<vmem>>) semaphore(%run_scoped3A_167 : memref<!tpu.dma_semaphore, #tpu.memory_space<semaphore_mem>>) {add = true}
        %dma_wait3A_174 = arith.constant 0 : i32
        %dma_wait3A_175 = tpu.memref_slice %arg9[%run_scoped3A_113, %dma_wait3A_174] : memref<8x128xi32, #tpu.memory_space<vmem>> -> memref<1x128xi32, #tpu.memory_space<vmem>>
        %dma_wait3A_176 = tpu.memref_squeeze %dma_wait3A_175 : memref<1x128xi32, #tpu.memory_space<vmem>> -> memref<128xi32, #tpu.memory_space<vmem>>
        %dma_wait3A_177 = arith.constant 0 : i32
        %dma_wait3A_178 = arith.constant 0 : i32
        %dma_wait3A_179 = tpu.memref_slice %arg7[%dma_wait3A_177, %dma_wait3A_178] : memref<10240x128xf32, #tpu.memory_space<vmem_shared>> -> memref<10240x128xf32, #tpu.memory_space<vmem_shared>>
        tpu.wait_indirect_dma semaphore(%run_scoped3A_167 : memref<!tpu.dma_semaphore, #tpu.memory_space<semaphore_mem>>) src(%arg11 : memref<128x128xf32, #tpu.memory_space<vmem>>) dst(%dma_wait3A_179 : memref<10240x128xf32, #tpu.memory_space<vmem_shared>>)
        tpu.yield
      }) : () -> ()
      %dma_start3A_114 = arith.constant 5 : i32
      %dma_start3A_115 = arith.constant 0 : i32
      %dma_start3A_116 = tpu.memref_slice %arg8[%dma_start3A_114, %dma_start3A_115] : memref<8x128xi32, #tpu.memory_space<vmem>> -> memref<1x128xi32, #tpu.memory_space<vmem>>
      %dma_start3A_117 = tpu.memref_squeeze %dma_start3A_116 : memref<1x128xi32, #tpu.memory_space<vmem>> -> memref<128xi32, #tpu.memory_space<vmem>>
      %dma_start3A_118 = arith.constant 0 : i32
      %dma_start3A_119 = arith.constant 0 : i32
      %dma_start3A_120 = tpu.memref_slice %arg2[%dma_start3A_118, %dma_start3A_119] : memref<10240x128xf32, #tpu.memory_space<hbm>> -> memref<10240x128xf32, #tpu.memory_space<hbm>>
      tpu.enqueue_indirect_dma source(%dma_start3A_120 : memref<10240x128xf32, #tpu.memory_space<hbm>>) target(%arg11 : memref<128x128xf32, #tpu.memory_space<vmem>>) offsets(%dma_start3A_117 : memref<128xi32, #tpu.memory_space<vmem>>) semaphore(%arg13 : memref<!tpu.dma_semaphore, #tpu.memory_space<semaphore_mem>>)
      %dma_wait3A_121 = arith.constant 4 : i32
      %dma_wait3A_122 = arith.constant 0 : i32
      %dma_wait3A_123 = tpu.memref_slice %arg8[%dma_wait3A_121, %dma_wait3A_122] : memref<8x128xi32, #tpu.memory_space<vmem>> -> memref<1x128xi32, #tpu.memory_space<vmem>>
      %dma_wait3A_124 = tpu.memref_squeeze %dma_wait3A_123 : memref<1x128xi32, #tpu.memory_space<vmem>> -> memref<128xi32, #tpu.memory_space<vmem>>
      %dma_wait3A_125 = arith.constant 0 : i32
      %dma_wait3A_126 = arith.constant 0 : i32
      %dma_wait3A_127 = tpu.memref_slice %arg2[%dma_wait3A_125, %dma_wait3A_126] : memref<10240x128xf32, #tpu.memory_space<hbm>> -> memref<10240x128xf32, #tpu.memory_space<hbm>>
      tpu.wait_indirect_dma semaphore(%arg12 : memref<!tpu.dma_semaphore, #tpu.memory_space<semaphore_mem>>) src(%dma_wait3A_127 : memref<10240x128xf32, #tpu.memory_space<hbm>>) dst(%arg10 : memref<128x128xf32, #tpu.memory_space<vmem>>)
      %run_scoped3A_128 = arith.constant 4 : i32
      "tpu.region"() ({
        %run_scoped3A_167 = tpu.sem_alloc : memref<!tpu.dma_semaphore, #tpu.memory_space<semaphore_mem>>
        %dma_start3A_168 = arith.constant 0 : i32
        %dma_start3A_169 = tpu.memref_slice %arg9[%run_scoped3A_128, %dma_start3A_168] : memref<8x128xi32, #tpu.memory_space<vmem>> -> memref<1x128xi32, #tpu.memory_space<vmem>>
        %dma_start3A_170 = tpu.memref_squeeze %dma_start3A_169 : memref<1x128xi32, #tpu.memory_space<vmem>> -> memref<128xi32, #tpu.memory_space<vmem>>
        %dma_start3A_171 = arith.constant 0 : i32
        %dma_start3A_172 = arith.constant 0 : i32
        %dma_start3A_173 = tpu.memref_slice %arg7[%dma_start3A_171, %dma_start3A_172] : memref<10240x128xf32, #tpu.memory_space<vmem_shared>> -> memref<10240x128xf32, #tpu.memory_space<vmem_shared>>
        tpu.enqueue_indirect_dma source(%arg10 : memref<128x128xf32, #tpu.memory_space<vmem>>) target(%dma_start3A_173 : memref<10240x128xf32, #tpu.memory_space<vmem_shared>>) offsets(%dma_start3A_170 : memref<128xi32, #tpu.memory_space<vmem>>) semaphore(%run_scoped3A_167 : memref<!tpu.dma_semaphore, #tpu.memory_space<semaphore_mem>>) {add = true}
        %dma_wait3A_174 = arith.constant 0 : i32
        %dma_wait3A_175 = tpu.memref_slice %arg9[%run_scoped3A_128, %dma_wait3A_174] : memref<8x128xi32, #tpu.memory_space<vmem>> -> memref<1x128xi32, #tpu.memory_space<vmem>>
        %dma_wait3A_176 = tpu.memref_squeeze %dma_wait3A_175 : memref<1x128xi32, #tpu.memory_space<vmem>> -> memref<128xi32, #tpu.memory_space<vmem>>
        %dma_wait3A_177 = arith.constant 0 : i32
        %dma_wait3A_178 = arith.constant 0 : i32
        %dma_wait3A_179 = tpu.memref_slice %arg7[%dma_wait3A_177, %dma_wait3A_178] : memref<10240x128xf32, #tpu.memory_space<vmem_shared>> -> memref<10240x128xf32, #tpu.memory_space<vmem_shared>>
        tpu.wait_indirect_dma semaphore(%run_scoped3A_167 : memref<!tpu.dma_semaphore, #tpu.memory_space<semaphore_mem>>) src(%arg10 : memref<128x128xf32, #tpu.memory_space<vmem>>) dst(%dma_wait3A_179 : memref<10240x128xf32, #tpu.memory_space<vmem_shared>>)
        tpu.yield
      }) : () -> ()
      %dma_start3A_129 = arith.constant 6 : i32
      %dma_start3A_130 = arith.constant 0 : i32
      %dma_start3A_131 = tpu.memref_slice %arg8[%dma_start3A_129, %dma_start3A_130] : memref<8x128xi32, #tpu.memory_space<vmem>> -> memref<1x128xi32, #tpu.memory_space<vmem>>
      %dma_start3A_132 = tpu.memref_squeeze %dma_start3A_131 : memref<1x128xi32, #tpu.memory_space<vmem>> -> memref<128xi32, #tpu.memory_space<vmem>>
      %dma_start3A_133 = arith.constant 0 : i32
      %dma_start3A_134 = arith.constant 0 : i32
      %dma_start3A_135 = tpu.memref_slice %arg2[%dma_start3A_133, %dma_start3A_134] : memref<10240x128xf32, #tpu.memory_space<hbm>> -> memref<10240x128xf32, #tpu.memory_space<hbm>>
      tpu.enqueue_indirect_dma source(%dma_start3A_135 : memref<10240x128xf32, #tpu.memory_space<hbm>>) target(%arg10 : memref<128x128xf32, #tpu.memory_space<vmem>>) offsets(%dma_start3A_132 : memref<128xi32, #tpu.memory_space<vmem>>) semaphore(%arg12 : memref<!tpu.dma_semaphore, #tpu.memory_space<semaphore_mem>>)
      %dma_wait3A_136 = arith.constant 5 : i32
      %dma_wait3A_137 = arith.constant 0 : i32
      %dma_wait3A_138 = tpu.memref_slice %arg8[%dma_wait3A_136, %dma_wait3A_137] : memref<8x128xi32, #tpu.memory_space<vmem>> -> memref<1x128xi32, #tpu.memory_space<vmem>>
      %dma_wait3A_139 = tpu.memref_squeeze %dma_wait3A_138 : memref<1x128xi32, #tpu.memory_space<vmem>> -> memref<128xi32, #tpu.memory_space<vmem>>
      %dma_wait3A_140 = arith.constant 0 : i32
      %dma_wait3A_141 = arith.constant 0 : i32
      %dma_wait3A_142 = tpu.memref_slice %arg2[%dma_wait3A_140, %dma_wait3A_141] : memref<10240x128xf32, #tpu.memory_space<hbm>> -> memref<10240x128xf32, #tpu.memory_space<hbm>>
      tpu.wait_indirect_dma semaphore(%arg13 : memref<!tpu.dma_semaphore, #tpu.memory_space<semaphore_mem>>) src(%dma_wait3A_142 : memref<10240x128xf32, #tpu.memory_space<hbm>>) dst(%arg11 : memref<128x128xf32, #tpu.memory_space<vmem>>)
      %run_scoped3A_143 = arith.constant 5 : i32
      "tpu.region"() ({
        %run_scoped3A_167 = tpu.sem_alloc : memref<!tpu.dma_semaphore, #tpu.memory_space<semaphore_mem>>
        %dma_start3A_168 = arith.constant 0 : i32
        %dma_start3A_169 = tpu.memref_slice %arg9[%run_scoped3A_143, %dma_start3A_168] : memref<8x128xi32, #tpu.memory_space<vmem>> -> memref<1x128xi32, #tpu.memory_space<vmem>>
        %dma_start3A_170 = tpu.memref_squeeze %dma_start3A_169 : memref<1x128xi32, #tpu.memory_space<vmem>> -> memref<128xi32, #tpu.memory_space<vmem>>
        %dma_start3A_171 = arith.constant 0 : i32
        %dma_start3A_172 = arith.constant 0 : i32
        %dma_start3A_173 = tpu.memref_slice %arg7[%dma_start3A_171, %dma_start3A_172] : memref<10240x128xf32, #tpu.memory_space<vmem_shared>> -> memref<10240x128xf32, #tpu.memory_space<vmem_shared>>
        tpu.enqueue_indirect_dma source(%arg11 : memref<128x128xf32, #tpu.memory_space<vmem>>) target(%dma_start3A_173 : memref<10240x128xf32, #tpu.memory_space<vmem_shared>>) offsets(%dma_start3A_170 : memref<128xi32, #tpu.memory_space<vmem>>) semaphore(%run_scoped3A_167 : memref<!tpu.dma_semaphore, #tpu.memory_space<semaphore_mem>>) {add = true}
        %dma_wait3A_174 = arith.constant 0 : i32
        %dma_wait3A_175 = tpu.memref_slice %arg9[%run_scoped3A_143, %dma_wait3A_174] : memref<8x128xi32, #tpu.memory_space<vmem>> -> memref<1x128xi32, #tpu.memory_space<vmem>>
        %dma_wait3A_176 = tpu.memref_squeeze %dma_wait3A_175 : memref<1x128xi32, #tpu.memory_space<vmem>> -> memref<128xi32, #tpu.memory_space<vmem>>
        %dma_wait3A_177 = arith.constant 0 : i32
        %dma_wait3A_178 = arith.constant 0 : i32
        %dma_wait3A_179 = tpu.memref_slice %arg7[%dma_wait3A_177, %dma_wait3A_178] : memref<10240x128xf32, #tpu.memory_space<vmem_shared>> -> memref<10240x128xf32, #tpu.memory_space<vmem_shared>>
        tpu.wait_indirect_dma semaphore(%run_scoped3A_167 : memref<!tpu.dma_semaphore, #tpu.memory_space<semaphore_mem>>) src(%arg11 : memref<128x128xf32, #tpu.memory_space<vmem>>) dst(%dma_wait3A_179 : memref<10240x128xf32, #tpu.memory_space<vmem_shared>>)
        tpu.yield
      }) : () -> ()
      %dma_start3A_144 = arith.constant 7 : i32
      %dma_start3A_145 = arith.constant 0 : i32
      %dma_start3A_146 = tpu.memref_slice %arg8[%dma_start3A_144, %dma_start3A_145] : memref<8x128xi32, #tpu.memory_space<vmem>> -> memref<1x128xi32, #tpu.memory_space<vmem>>
      %dma_start3A_147 = tpu.memref_squeeze %dma_start3A_146 : memref<1x128xi32, #tpu.memory_space<vmem>> -> memref<128xi32, #tpu.memory_space<vmem>>
      %dma_start3A_148 = arith.constant 0 : i32
      %dma_start3A_149 = arith.constant 0 : i32
      %dma_start3A_150 = tpu.memref_slice %arg2[%dma_start3A_148, %dma_start3A_149] : memref<10240x128xf32, #tpu.memory_space<hbm>> -> memref<10240x128xf32, #tpu.memory_space<hbm>>
      tpu.enqueue_indirect_dma source(%dma_start3A_150 : memref<10240x128xf32, #tpu.memory_space<hbm>>) target(%arg11 : memref<128x128xf32, #tpu.memory_space<vmem>>) offsets(%dma_start3A_147 : memref<128xi32, #tpu.memory_space<vmem>>) semaphore(%arg13 : memref<!tpu.dma_semaphore, #tpu.memory_space<semaphore_mem>>)
      %dma_wait3A_151 = arith.constant 6 : i32
      %dma_wait3A_152 = arith.constant 0 : i32
      %dma_wait3A_153 = tpu.memref_slice %arg8[%dma_wait3A_151, %dma_wait3A_152] : memref<8x128xi32, #tpu.memory_space<vmem>> -> memref<1x128xi32, #tpu.memory_space<vmem>>
      %dma_wait3A_154 = tpu.memref_squeeze %dma_wait3A_153 : memref<1x128xi32, #tpu.memory_space<vmem>> -> memref<128xi32, #tpu.memory_space<vmem>>
      %dma_wait3A_155 = arith.constant 0 : i32
      %dma_wait3A_156 = arith.constant 0 : i32
      %dma_wait3A_157 = tpu.memref_slice %arg2[%dma_wait3A_155, %dma_wait3A_156] : memref<10240x128xf32, #tpu.memory_space<hbm>> -> memref<10240x128xf32, #tpu.memory_space<hbm>>
      tpu.wait_indirect_dma semaphore(%arg12 : memref<!tpu.dma_semaphore, #tpu.memory_space<semaphore_mem>>) src(%dma_wait3A_157 : memref<10240x128xf32, #tpu.memory_space<hbm>>) dst(%arg10 : memref<128x128xf32, #tpu.memory_space<vmem>>)
      %run_scoped3A_158 = arith.constant 6 : i32
      "tpu.region"() ({
        %run_scoped3A_167 = tpu.sem_alloc : memref<!tpu.dma_semaphore, #tpu.memory_space<semaphore_mem>>
        %dma_start3A_168 = arith.constant 0 : i32
        %dma_start3A_169 = tpu.memref_slice %arg9[%run_scoped3A_158, %dma_start3A_168] : memref<8x128xi32, #tpu.memory_space<vmem>> -> memref<1x128xi32, #tpu.memory_space<vmem>>
        %dma_start3A_170 = tpu.memref_squeeze %dma_start3A_169 : memref<1x128xi32, #tpu.memory_space<vmem>> -> memref<128xi32, #tpu.memory_space<vmem>>
        %dma_start3A_171 = arith.constant 0 : i32
        %dma_start3A_172 = arith.constant 0 : i32
        %dma_start3A_173 = tpu.memref_slice %arg7[%dma_start3A_171, %dma_start3A_172] : memref<10240x128xf32, #tpu.memory_space<vmem_shared>> -> memref<10240x128xf32, #tpu.memory_space<vmem_shared>>
        tpu.enqueue_indirect_dma source(%arg10 : memref<128x128xf32, #tpu.memory_space<vmem>>) target(%dma_start3A_173 : memref<10240x128xf32, #tpu.memory_space<vmem_shared>>) offsets(%dma_start3A_170 : memref<128xi32, #tpu.memory_space<vmem>>) semaphore(%run_scoped3A_167 : memref<!tpu.dma_semaphore, #tpu.memory_space<semaphore_mem>>) {add = true}
        %dma_wait3A_174 = arith.constant 0 : i32
        %dma_wait3A_175 = tpu.memref_slice %arg9[%run_scoped3A_158, %dma_wait3A_174] : memref<8x128xi32, #tpu.memory_space<vmem>> -> memref<1x128xi32, #tpu.memory_space<vmem>>
        %dma_wait3A_176 = tpu.memref_squeeze %dma_wait3A_175 : memref<1x128xi32, #tpu.memory_space<vmem>> -> memref<128xi32, #tpu.memory_space<vmem>>
        %dma_wait3A_177 = arith.constant 0 : i32
        %dma_wait3A_178 = arith.constant 0 : i32
        %dma_wait3A_179 = tpu.memref_slice %arg7[%dma_wait3A_177, %dma_wait3A_178] : memref<10240x128xf32, #tpu.memory_space<vmem_shared>> -> memref<10240x128xf32, #tpu.memory_space<vmem_shared>>
        tpu.wait_indirect_dma semaphore(%run_scoped3A_167 : memref<!tpu.dma_semaphore, #tpu.memory_space<semaphore_mem>>) src(%arg10 : memref<128x128xf32, #tpu.memory_space<vmem>>) dst(%dma_wait3A_179 : memref<10240x128xf32, #tpu.memory_space<vmem_shared>>)
        tpu.yield
      }) : () -> ()
      %dma_wait3A_159 = arith.constant 7 : i32
      %dma_wait3A_160 = arith.constant 0 : i32
      %dma_wait3A_161 = tpu.memref_slice %arg8[%dma_wait3A_159, %dma_wait3A_160] : memref<8x128xi32, #tpu.memory_space<vmem>> -> memref<1x128xi32, #tpu.memory_space<vmem>>
      %dma_wait3A_162 = tpu.memref_squeeze %dma_wait3A_161 : memref<1x128xi32, #tpu.memory_space<vmem>> -> memref<128xi32, #tpu.memory_space<vmem>>
      %dma_wait3A_163 = arith.constant 0 : i32
      %dma_wait3A_164 = arith.constant 0 : i32
      %dma_wait3A_165 = tpu.memref_slice %arg2[%dma_wait3A_163, %dma_wait3A_164] : memref<10240x128xf32, #tpu.memory_space<hbm>> -> memref<10240x128xf32, #tpu.memory_space<hbm>>
      tpu.wait_indirect_dma semaphore(%arg13 : memref<!tpu.dma_semaphore, #tpu.memory_space<semaphore_mem>>) src(%dma_wait3A_165 : memref<10240x128xf32, #tpu.memory_space<hbm>>) dst(%arg11 : memref<128x128xf32, #tpu.memory_space<vmem>>)
      %run_scoped3A_166 = arith.constant 7 : i32
      "tpu.region"() ({
        %run_scoped3A_167 = tpu.sem_alloc : memref<!tpu.dma_semaphore, #tpu.memory_space<semaphore_mem>>
        %dma_start3A_168 = arith.constant 0 : i32
        %dma_start3A_169 = tpu.memref_slice %arg9[%run_scoped3A_166, %dma_start3A_168] : memref<8x128xi32, #tpu.memory_space<vmem>> -> memref<1x128xi32, #tpu.memory_space<vmem>>
        %dma_start3A_170 = tpu.memref_squeeze %dma_start3A_169 : memref<1x128xi32, #tpu.memory_space<vmem>> -> memref<128xi32, #tpu.memory_space<vmem>>
        %dma_start3A_171 = arith.constant 0 : i32
        %dma_start3A_172 = arith.constant 0 : i32
        %dma_start3A_173 = tpu.memref_slice %arg7[%dma_start3A_171, %dma_start3A_172] : memref<10240x128xf32, #tpu.memory_space<vmem_shared>> -> memref<10240x128xf32, #tpu.memory_space<vmem_shared>>
        tpu.enqueue_indirect_dma source(%arg11 : memref<128x128xf32, #tpu.memory_space<vmem>>) target(%dma_start3A_173 : memref<10240x128xf32, #tpu.memory_space<vmem_shared>>) offsets(%dma_start3A_170 : memref<128xi32, #tpu.memory_space<vmem>>) semaphore(%run_scoped3A_167 : memref<!tpu.dma_semaphore, #tpu.memory_space<semaphore_mem>>) {add = true}
        %dma_wait3A_174 = arith.constant 0 : i32
        %dma_wait3A_175 = tpu.memref_slice %arg9[%run_scoped3A_166, %dma_wait3A_174] : memref<8x128xi32, #tpu.memory_space<vmem>> -> memref<1x128xi32, #tpu.memory_space<vmem>>
        %dma_wait3A_176 = tpu.memref_squeeze %dma_wait3A_175 : memref<1x128xi32, #tpu.memory_space<vmem>> -> memref<128xi32, #tpu.memory_space<vmem>>
        %dma_wait3A_177 = arith.constant 0 : i32
        %dma_wait3A_178 = arith.constant 0 : i32
        %dma_wait3A_179 = tpu.memref_slice %arg7[%dma_wait3A_177, %dma_wait3A_178] : memref<10240x128xf32, #tpu.memory_space<vmem_shared>> -> memref<10240x128xf32, #tpu.memory_space<vmem_shared>>
        tpu.wait_indirect_dma semaphore(%run_scoped3A_167 : memref<!tpu.dma_semaphore, #tpu.memory_space<semaphore_mem>>) src(%arg11 : memref<128x128xf32, #tpu.memory_space<vmem>>) dst(%dma_wait3A_179 : memref<10240x128xf32, #tpu.memory_space<vmem_shared>>)
        tpu.yield
      }) : () -> ()
    }
    %barrier3A_38 = arith.constant 0 : index
    tpu.barrier barrier_id(%barrier3A_38)
    %mul3A_39 = arith.constant 640 : i32
    %mul3A_40 = arith.muli %arg1, %mul3A_39 : i32
    %mul3A_41 = arith.constant 640 : i32
    %mul3A_42 = arith.muli %arg1, %mul3A_41 : i32
    "tpu.region"() ({
      %run_scoped3A = tpu.sem_alloc : memref<!tpu.dma_semaphore, #tpu.memory_space<semaphore_mem>>
      %dma_start3A = arith.constant 0 : i32
      %dma_start3A_43 = tpu.memref_slice %arg6[%arg0, %mul3A_42, %dma_start3A] : memref<2x10240x128xf32, #tpu.memory_space<hbm>> -> memref<1x640x128xf32, #tpu.memory_space<hbm>>
      %dma_start3A_44 = tpu.memref_squeeze %dma_start3A_43 : memref<1x640x128xf32, #tpu.memory_space<hbm>> -> memref<640x128xf32, #tpu.memory_space<hbm>>
      %dma_start3A_45 = arith.constant 0 : i32
      %dma_start3A_46 = tpu.memref_slice %arg7[%mul3A_40, %dma_start3A_45] : memref<10240x128xf32, #tpu.memory_space<vmem_shared>> -> memref<640x128xf32, #tpu.memory_space<vmem_shared>>
      tpu.enqueue_dma source(%dma_start3A_46 : memref<640x128xf32, #tpu.memory_space<vmem_shared>>) target(%dma_start3A_44 : memref<640x128xf32, #tpu.memory_space<hbm>>) target_semaphore(%run_scoped3A : memref<!tpu.dma_semaphore, #tpu.memory_space<semaphore_mem>>)
      %dma_wait3A = arith.constant 0 : i32
      %dma_wait3A_47 = tpu.memref_slice %arg6[%arg0, %mul3A_42, %dma_wait3A] : memref<2x10240x128xf32, #tpu.memory_space<hbm>> -> memref<1x640x128xf32, #tpu.memory_space<hbm>>
      %dma_wait3A_48 = tpu.memref_squeeze %dma_wait3A_47 : memref<1x640x128xf32, #tpu.memory_space<hbm>> -> memref<640x128xf32, #tpu.memory_space<hbm>>
      %dma_wait3A_49 = arith.constant 0 : i32
      %dma_wait3A_50 = tpu.memref_slice %arg7[%mul3A_40, %dma_wait3A_49] : memref<10240x128xf32, #tpu.memory_space<vmem_shared>> -> memref<640x128xf32, #tpu.memory_space<vmem_shared>>
      tpu.wait_dma2 semaphore(%run_scoped3A : memref<!tpu.dma_semaphore, #tpu.memory_space<semaphore_mem>>) src(%dma_wait3A_50 : memref<640x128xf32, #tpu.memory_space<vmem_shared>>) dst(%dma_wait3A_48 : memref<640x128xf32, #tpu.memory_space<hbm>>)
      tpu.yield
    }) : () -> ()
    return
  }
}

#map = affine_map<(d0, d1) -> (0, 0)>
#map1 = affine_map<(d0, d1) -> (0, 0, 0)>
module attributes {stable_mosaic.version = 14 : i64} {
  func.func @_sc_agg_body(%arg0: i32, %arg1: i32, %arg2: memref<10240x128xf32, #tpu.memory_space<hbm>>, %arg3: memref<2560x128xi32, #tpu.memory_space<hbm>>, %arg4: memref<2560x128xi32, #tpu.memory_space<hbm>>, %arg5: memref<640x128xf32, #tpu.memory_space<hbm>>, %arg6: memref<2x10240x128xf32, #tpu.memory_space<hbm>>, %arg7: memref<10240x128xf32, #tpu.memory_space<vmem_shared>>, %arg8: memref<8x128xi32, #tpu.memory_space<vmem>>, %arg9: memref<8x128xi32, #tpu.memory_space<vmem>>, %arg10: memref<128x128xf32, #tpu.memory_space<vmem>>, %arg11: memref<128x128xf32, #tpu.memory_space<vmem>>, %arg12: memref<!tpu.dma_semaphore, #tpu.memory_space<semaphore_mem>>, %arg13: memref<!tpu.dma_semaphore, #tpu.memory_space<semaphore_mem>>) attributes {dimension_semantics = [#tpu.dimension_semantics<core_parallel>, #tpu.dimension_semantics<subcore_parallel>], iteration_bounds = array<i64: 2, 16>, scalar_prefetch = 0 : i64, scratch_operands = 7 : i64, tpu.core_type = #tpu.core_type<sc_vector_subcore>, window_params = [{transform_indices = #map}, {transform_indices = #map}, {transform_indices = #map}, {transform_indices = #map}, {transform_indices = #map1}]} {
    %eq3A = arith.constant 0 : i32
    %eq3A_0 = arith.cmpi eq, %arg0, %eq3A : i32
    %jit3A = arith.constant 152 : i32
    %jit3A_1 = arith.constant 8 : i32
    %select_n3A = arith.select %eq3A_0, %jit3A, %jit3A_1 : i32
    %eq3A_2 = arith.constant 0 : i32
    %eq3A_3 = arith.cmpi eq, %arg0, %eq3A_2 : i32
    %mul3A = arith.constant 152 : i32
    %mul3A_4 = arith.muli %arg1, %mul3A : i32
    %mul3A_5 = arith.constant 8 : i32
    %mul3A_6 = arith.muli %arg1, %mul3A_5 : i32
    %add3A = arith.constant 2432 : i32
    %add3A_7 = arith.addi %add3A, %mul3A_6 : i32
    %select_n3A_8 = arith.select %eq3A_3, %mul3A_4, %add3A_7 : i32
    %jit3A_9 = arith.constant 8 : i32
    %div3A = arith.divsi %select_n3A, %jit3A_9 : i32
    %sign3A = arith.constant 0 : i32
    %sign3A_10 = arith.cmpi sgt, %select_n3A, %sign3A : i32
    %sign3A_11 = arith.extui %sign3A_10 : i1 to i32
    %sign3A_12 = arith.constant 0 : i32
    %sign3A_13 = arith.cmpi slt, %select_n3A, %sign3A_12 : i32
    %sign3A_14 = arith.extui %sign3A_13 : i1 to i32
    %sign3A_15 = arith.subi %sign3A_11, %sign3A_14 : i32
    %sign3A_16 = arith.constant 0 : i32
    %sign3A_17 = arith.cmpi sgt, %jit3A_9, %sign3A_16 : i32
    %sign3A_18 = arith.extui %sign3A_17 : i1 to i32
    %sign3A_19 = arith.constant 0 : i32
    %sign3A_20 = arith.cmpi slt, %jit3A_9, %sign3A_19 : i32
    %sign3A_21 = arith.extui %sign3A_20 : i1 to i32
    %sign3A_22 = arith.subi %sign3A_18, %sign3A_21 : i32
    %ne3A = arith.cmpi ne, %sign3A_15, %sign3A_22 : i32
    %rem3A = arith.remsi %select_n3A, %jit3A_9 : i32
    %ne3A_23 = arith.constant 0 : i32
    %ne3A_24 = arith.cmpi ne, %rem3A, %ne3A_23 : i32
    %and3A = arith.andi %ne3A, %ne3A_24 : i1
    %sub3A = arith.constant 1 : i32
    %sub3A_25 = arith.subi %div3A, %sub3A : i32
    %select_n3A_26 = arith.select %and3A, %sub3A_25, %div3A : i32
    %mul3A_27 = arith.constant 640 : i32
    %mul3A_28 = arith.muli %arg1, %mul3A_27 : i32
    "tpu.region"() ({
      %run_scoped3A = tpu.sem_alloc : memref<!tpu.dma_semaphore, #tpu.memory_space<semaphore_mem>>
      %dma_start3A = arith.constant 0 : i32
      %dma_start3A_43 = tpu.memref_slice %arg7[%mul3A_28, %dma_start3A] : memref<10240x128xf32, #tpu.memory_space<vmem_shared>> -> memref<640x128xf32, #tpu.memory_space<vmem_shared>>
      tpu.enqueue_dma source(%arg5 : memref<640x128xf32, #tpu.memory_space<hbm>>) target(%dma_start3A_43 : memref<640x128xf32, #tpu.memory_space<vmem_shared>>) target_semaphore(%run_scoped3A : memref<!tpu.dma_semaphore, #tpu.memory_space<semaphore_mem>>)
      %dma_wait3A = arith.constant 0 : i32
      %dma_wait3A_44 = tpu.memref_slice %arg7[%mul3A_28, %dma_wait3A] : memref<10240x128xf32, #tpu.memory_space<vmem_shared>> -> memref<640x128xf32, #tpu.memory_space<vmem_shared>>
      tpu.wait_dma2 semaphore(%run_scoped3A : memref<!tpu.dma_semaphore, #tpu.memory_space<semaphore_mem>>) src(%arg5 : memref<640x128xf32, #tpu.memory_space<hbm>>) dst(%dma_wait3A_44 : memref<640x128xf32, #tpu.memory_space<vmem_shared>>)
      tpu.yield
    }) : () -> ()
    %barrier3A = arith.constant 0 : index
    tpu.barrier barrier_id(%barrier3A)
    %while3A = arith.constant 0 : i32
    %while3A_29 = arith.constant 0 : i32
    %while3A_30 = arith.subi %select_n3A_26, %while3A_29 : i32
    %while3A_31 = arith.addi %while3A_29, %while3A_30 : i32
    %while3A_32 = arith.constant 1 : i32
    %while3A_33 = arith.divsi %while3A_30, %while3A_32 : i32
    %while3A_34 = arith.muli %while3A_33, %while3A_32 : i32
    %while3A_35 = arith.addi %while3A_29, %while3A_34 : i32
    %while3A_36 = arith.constant 1 : i32
    scf.for %while3A_43 = %while3A_29 to %while3A_35 step %while3A_36  : i32 {
      %mul3A_44 = arith.constant 8 : i32
      %mul3A_45 = arith.muli %while3A_43, %mul3A_44 : i32
      %add3A_46 = arith.addi %select_n3A_8, %mul3A_45 : i32
      "tpu.region"() ({
        %run_scoped3A_167 = tpu.sem_alloc : memref<!tpu.dma_semaphore, #tpu.memory_space<semaphore_mem>>
        %dma_start3A_168 = arith.constant 0 : i32
        %dma_start3A_169 = tpu.memref_slice %arg3[%add3A_46, %dma_start3A_168] : memref<2560x128xi32, #tpu.memory_space<hbm>> -> memref<8x128xi32, #tpu.memory_space<hbm>>
        %dma_start3A_170 = arith.constant 0 : i32
        %dma_start3A_171 = tpu.memref_slice %arg3[%add3A_46, %dma_start3A_170] : memref<2560x128xi32, #tpu.memory_space<hbm>> -> memref<8x128xi32, #tpu.memory_space<hbm>>
        tpu.enqueue_dma source(%dma_start3A_171 : memref<8x128xi32, #tpu.memory_space<hbm>>) target(%arg8 : memref<8x128xi32, #tpu.memory_space<vmem>>) target_semaphore(%run_scoped3A_167 : memref<!tpu.dma_semaphore, #tpu.memory_space<semaphore_mem>>)
        %dma_wait3A_172 = arith.constant 0 : i32
        %dma_wait3A_173 = tpu.memref_slice %arg3[%add3A_46, %dma_wait3A_172] : memref<2560x128xi32, #tpu.memory_space<hbm>> -> memref<8x128xi32, #tpu.memory_space<hbm>>
        %dma_wait3A_174 = arith.constant 0 : i32
        %dma_wait3A_175 = tpu.memref_slice %arg3[%add3A_46, %dma_wait3A_174] : memref<2560x128xi32, #tpu.memory_space<hbm>> -> memref<8x128xi32, #tpu.memory_space<hbm>>
        tpu.wait_dma2 semaphore(%run_scoped3A_167 : memref<!tpu.dma_semaphore, #tpu.memory_space<semaphore_mem>>) src(%dma_wait3A_175 : memref<8x128xi32, #tpu.memory_space<hbm>>) dst(%arg8 : memref<8x128xi32, #tpu.memory_space<vmem>>)
        tpu.yield
      }) : () -> ()
      %mul3A_47 = arith.constant 8 : i32
      %mul3A_48 = arith.muli %while3A_43, %mul3A_47 : i32
      %add3A_49 = arith.addi %select_n3A_8, %mul3A_48 : i32
      "tpu.region"() ({
        %run_scoped3A_167 = tpu.sem_alloc : memref<!tpu.dma_semaphore, #tpu.memory_space<semaphore_mem>>
        %dma_start3A_168 = arith.constant 0 : i32
        %dma_start3A_169 = tpu.memref_slice %arg4[%add3A_49, %dma_start3A_168] : memref<2560x128xi32, #tpu.memory_space<hbm>> -> memref<8x128xi32, #tpu.memory_space<hbm>>
        %dma_start3A_170 = arith.constant 0 : i32
        %dma_start3A_171 = tpu.memref_slice %arg4[%add3A_49, %dma_start3A_170] : memref<2560x128xi32, #tpu.memory_space<hbm>> -> memref<8x128xi32, #tpu.memory_space<hbm>>
        tpu.enqueue_dma source(%dma_start3A_171 : memref<8x128xi32, #tpu.memory_space<hbm>>) target(%arg9 : memref<8x128xi32, #tpu.memory_space<vmem>>) target_semaphore(%run_scoped3A_167 : memref<!tpu.dma_semaphore, #tpu.memory_space<semaphore_mem>>)
        %dma_wait3A_172 = arith.constant 0 : i32
        %dma_wait3A_173 = tpu.memref_slice %arg4[%add3A_49, %dma_wait3A_172] : memref<2560x128xi32, #tpu.memory_space<hbm>> -> memref<8x128xi32, #tpu.memory_space<hbm>>
        %dma_wait3A_174 = arith.constant 0 : i32
        %dma_wait3A_175 = tpu.memref_slice %arg4[%add3A_49, %dma_wait3A_174] : memref<2560x128xi32, #tpu.memory_space<hbm>> -> memref<8x128xi32, #tpu.memory_space<hbm>>
        tpu.wait_dma2 semaphore(%run_scoped3A_167 : memref<!tpu.dma_semaphore, #tpu.memory_space<semaphore_mem>>) src(%dma_wait3A_175 : memref<8x128xi32, #tpu.memory_space<hbm>>) dst(%arg9 : memref<8x128xi32, #tpu.memory_space<vmem>>)
        tpu.yield
      }) : () -> ()
      %dma_start3A = arith.constant 0 : i32
      %dma_start3A_50 = arith.constant 0 : i32
      %dma_start3A_51 = tpu.memref_slice %arg8[%dma_start3A, %dma_start3A_50] : memref<8x128xi32, #tpu.memory_space<vmem>> -> memref<1x128xi32, #tpu.memory_space<vmem>>
      %dma_start3A_52 = tpu.memref_squeeze %dma_start3A_51 : memref<1x128xi32, #tpu.memory_space<vmem>> -> memref<128xi32, #tpu.memory_space<vmem>>
      %dma_start3A_53 = arith.constant 0 : i32
      %dma_start3A_54 = arith.constant 0 : i32
      %dma_start3A_55 = tpu.memref_slice %arg2[%dma_start3A_53, %dma_start3A_54] : memref<10240x128xf32, #tpu.memory_space<hbm>> -> memref<10240x128xf32, #tpu.memory_space<hbm>>
      tpu.enqueue_indirect_dma source(%dma_start3A_55 : memref<10240x128xf32, #tpu.memory_space<hbm>>) target(%arg10 : memref<128x128xf32, #tpu.memory_space<vmem>>) offsets(%dma_start3A_52 : memref<128xi32, #tpu.memory_space<vmem>>) semaphore(%arg12 : memref<!tpu.dma_semaphore, #tpu.memory_space<semaphore_mem>>)
      %dma_start3A_56 = arith.constant 1 : i32
      %dma_start3A_57 = arith.constant 0 : i32
      %dma_start3A_58 = tpu.memref_slice %arg8[%dma_start3A_56, %dma_start3A_57] : memref<8x128xi32, #tpu.memory_space<vmem>> -> memref<1x128xi32, #tpu.memory_space<vmem>>
      %dma_start3A_59 = tpu.memref_squeeze %dma_start3A_58 : memref<1x128xi32, #tpu.memory_space<vmem>> -> memref<128xi32, #tpu.memory_space<vmem>>
      %dma_start3A_60 = arith.constant 0 : i32
      %dma_start3A_61 = arith.constant 0 : i32
      %dma_start3A_62 = tpu.memref_slice %arg2[%dma_start3A_60, %dma_start3A_61] : memref<10240x128xf32, #tpu.memory_space<hbm>> -> memref<10240x128xf32, #tpu.memory_space<hbm>>
      tpu.enqueue_indirect_dma source(%dma_start3A_62 : memref<10240x128xf32, #tpu.memory_space<hbm>>) target(%arg11 : memref<128x128xf32, #tpu.memory_space<vmem>>) offsets(%dma_start3A_59 : memref<128xi32, #tpu.memory_space<vmem>>) semaphore(%arg13 : memref<!tpu.dma_semaphore, #tpu.memory_space<semaphore_mem>>)
      %dma_wait3A = arith.constant 0 : i32
      %dma_wait3A_63 = arith.constant 0 : i32
      %dma_wait3A_64 = tpu.memref_slice %arg8[%dma_wait3A, %dma_wait3A_63] : memref<8x128xi32, #tpu.memory_space<vmem>> -> memref<1x128xi32, #tpu.memory_space<vmem>>
      %dma_wait3A_65 = tpu.memref_squeeze %dma_wait3A_64 : memref<1x128xi32, #tpu.memory_space<vmem>> -> memref<128xi32, #tpu.memory_space<vmem>>
      %dma_wait3A_66 = arith.constant 0 : i32
      %dma_wait3A_67 = arith.constant 0 : i32
      %dma_wait3A_68 = tpu.memref_slice %arg2[%dma_wait3A_66, %dma_wait3A_67] : memref<10240x128xf32, #tpu.memory_space<hbm>> -> memref<10240x128xf32, #tpu.memory_space<hbm>>
      tpu.wait_indirect_dma semaphore(%arg12 : memref<!tpu.dma_semaphore, #tpu.memory_space<semaphore_mem>>) src(%dma_wait3A_68 : memref<10240x128xf32, #tpu.memory_space<hbm>>) dst(%arg10 : memref<128x128xf32, #tpu.memory_space<vmem>>)
      %run_scoped3A = arith.constant 0 : i32
      "tpu.region"() ({
        %run_scoped3A_167 = tpu.sem_alloc : memref<!tpu.dma_semaphore, #tpu.memory_space<semaphore_mem>>
        %dma_start3A_168 = arith.constant 0 : i32
        %dma_start3A_169 = tpu.memref_slice %arg9[%run_scoped3A, %dma_start3A_168] : memref<8x128xi32, #tpu.memory_space<vmem>> -> memref<1x128xi32, #tpu.memory_space<vmem>>
        %dma_start3A_170 = tpu.memref_squeeze %dma_start3A_169 : memref<1x128xi32, #tpu.memory_space<vmem>> -> memref<128xi32, #tpu.memory_space<vmem>>
        %dma_start3A_171 = arith.constant 0 : i32
        %dma_start3A_172 = arith.constant 0 : i32
        %dma_start3A_173 = tpu.memref_slice %arg7[%dma_start3A_171, %dma_start3A_172] : memref<10240x128xf32, #tpu.memory_space<vmem_shared>> -> memref<10240x128xf32, #tpu.memory_space<vmem_shared>>
        tpu.enqueue_indirect_dma source(%arg10 : memref<128x128xf32, #tpu.memory_space<vmem>>) target(%dma_start3A_173 : memref<10240x128xf32, #tpu.memory_space<vmem_shared>>) offsets(%dma_start3A_170 : memref<128xi32, #tpu.memory_space<vmem>>) semaphore(%run_scoped3A_167 : memref<!tpu.dma_semaphore, #tpu.memory_space<semaphore_mem>>) {add = true}
        %dma_wait3A_174 = arith.constant 0 : i32
        %dma_wait3A_175 = tpu.memref_slice %arg9[%run_scoped3A, %dma_wait3A_174] : memref<8x128xi32, #tpu.memory_space<vmem>> -> memref<1x128xi32, #tpu.memory_space<vmem>>
        %dma_wait3A_176 = tpu.memref_squeeze %dma_wait3A_175 : memref<1x128xi32, #tpu.memory_space<vmem>> -> memref<128xi32, #tpu.memory_space<vmem>>
        %dma_wait3A_177 = arith.constant 0 : i32
        %dma_wait3A_178 = arith.constant 0 : i32
        %dma_wait3A_179 = tpu.memref_slice %arg7[%dma_wait3A_177, %dma_wait3A_178] : memref<10240x128xf32, #tpu.memory_space<vmem_shared>> -> memref<10240x128xf32, #tpu.memory_space<vmem_shared>>
        tpu.wait_indirect_dma semaphore(%run_scoped3A_167 : memref<!tpu.dma_semaphore, #tpu.memory_space<semaphore_mem>>) src(%arg10 : memref<128x128xf32, #tpu.memory_space<vmem>>) dst(%dma_wait3A_179 : memref<10240x128xf32, #tpu.memory_space<vmem_shared>>)
        tpu.yield
      }) : () -> ()
      %dma_start3A_69 = arith.constant 2 : i32
      %dma_start3A_70 = arith.constant 0 : i32
      %dma_start3A_71 = tpu.memref_slice %arg8[%dma_start3A_69, %dma_start3A_70] : memref<8x128xi32, #tpu.memory_space<vmem>> -> memref<1x128xi32, #tpu.memory_space<vmem>>
      %dma_start3A_72 = tpu.memref_squeeze %dma_start3A_71 : memref<1x128xi32, #tpu.memory_space<vmem>> -> memref<128xi32, #tpu.memory_space<vmem>>
      %dma_start3A_73 = arith.constant 0 : i32
      %dma_start3A_74 = arith.constant 0 : i32
      %dma_start3A_75 = tpu.memref_slice %arg2[%dma_start3A_73, %dma_start3A_74] : memref<10240x128xf32, #tpu.memory_space<hbm>> -> memref<10240x128xf32, #tpu.memory_space<hbm>>
      tpu.enqueue_indirect_dma source(%dma_start3A_75 : memref<10240x128xf32, #tpu.memory_space<hbm>>) target(%arg10 : memref<128x128xf32, #tpu.memory_space<vmem>>) offsets(%dma_start3A_72 : memref<128xi32, #tpu.memory_space<vmem>>) semaphore(%arg12 : memref<!tpu.dma_semaphore, #tpu.memory_space<semaphore_mem>>)
      %dma_wait3A_76 = arith.constant 1 : i32
      %dma_wait3A_77 = arith.constant 0 : i32
      %dma_wait3A_78 = tpu.memref_slice %arg8[%dma_wait3A_76, %dma_wait3A_77] : memref<8x128xi32, #tpu.memory_space<vmem>> -> memref<1x128xi32, #tpu.memory_space<vmem>>
      %dma_wait3A_79 = tpu.memref_squeeze %dma_wait3A_78 : memref<1x128xi32, #tpu.memory_space<vmem>> -> memref<128xi32, #tpu.memory_space<vmem>>
      %dma_wait3A_80 = arith.constant 0 : i32
      %dma_wait3A_81 = arith.constant 0 : i32
      %dma_wait3A_82 = tpu.memref_slice %arg2[%dma_wait3A_80, %dma_wait3A_81] : memref<10240x128xf32, #tpu.memory_space<hbm>> -> memref<10240x128xf32, #tpu.memory_space<hbm>>
      tpu.wait_indirect_dma semaphore(%arg13 : memref<!tpu.dma_semaphore, #tpu.memory_space<semaphore_mem>>) src(%dma_wait3A_82 : memref<10240x128xf32, #tpu.memory_space<hbm>>) dst(%arg11 : memref<128x128xf32, #tpu.memory_space<vmem>>)
      %run_scoped3A_83 = arith.constant 1 : i32
      "tpu.region"() ({
        %run_scoped3A_167 = tpu.sem_alloc : memref<!tpu.dma_semaphore, #tpu.memory_space<semaphore_mem>>
        %dma_start3A_168 = arith.constant 0 : i32
        %dma_start3A_169 = tpu.memref_slice %arg9[%run_scoped3A_83, %dma_start3A_168] : memref<8x128xi32, #tpu.memory_space<vmem>> -> memref<1x128xi32, #tpu.memory_space<vmem>>
        %dma_start3A_170 = tpu.memref_squeeze %dma_start3A_169 : memref<1x128xi32, #tpu.memory_space<vmem>> -> memref<128xi32, #tpu.memory_space<vmem>>
        %dma_start3A_171 = arith.constant 0 : i32
        %dma_start3A_172 = arith.constant 0 : i32
        %dma_start3A_173 = tpu.memref_slice %arg7[%dma_start3A_171, %dma_start3A_172] : memref<10240x128xf32, #tpu.memory_space<vmem_shared>> -> memref<10240x128xf32, #tpu.memory_space<vmem_shared>>
        tpu.enqueue_indirect_dma source(%arg11 : memref<128x128xf32, #tpu.memory_space<vmem>>) target(%dma_start3A_173 : memref<10240x128xf32, #tpu.memory_space<vmem_shared>>) offsets(%dma_start3A_170 : memref<128xi32, #tpu.memory_space<vmem>>) semaphore(%run_scoped3A_167 : memref<!tpu.dma_semaphore, #tpu.memory_space<semaphore_mem>>) {add = true}
        %dma_wait3A_174 = arith.constant 0 : i32
        %dma_wait3A_175 = tpu.memref_slice %arg9[%run_scoped3A_83, %dma_wait3A_174] : memref<8x128xi32, #tpu.memory_space<vmem>> -> memref<1x128xi32, #tpu.memory_space<vmem>>
        %dma_wait3A_176 = tpu.memref_squeeze %dma_wait3A_175 : memref<1x128xi32, #tpu.memory_space<vmem>> -> memref<128xi32, #tpu.memory_space<vmem>>
        %dma_wait3A_177 = arith.constant 0 : i32
        %dma_wait3A_178 = arith.constant 0 : i32
        %dma_wait3A_179 = tpu.memref_slice %arg7[%dma_wait3A_177, %dma_wait3A_178] : memref<10240x128xf32, #tpu.memory_space<vmem_shared>> -> memref<10240x128xf32, #tpu.memory_space<vmem_shared>>
        tpu.wait_indirect_dma semaphore(%run_scoped3A_167 : memref<!tpu.dma_semaphore, #tpu.memory_space<semaphore_mem>>) src(%arg11 : memref<128x128xf32, #tpu.memory_space<vmem>>) dst(%dma_wait3A_179 : memref<10240x128xf32, #tpu.memory_space<vmem_shared>>)
        tpu.yield
      }) : () -> ()
      %dma_start3A_84 = arith.constant 3 : i32
      %dma_start3A_85 = arith.constant 0 : i32
      %dma_start3A_86 = tpu.memref_slice %arg8[%dma_start3A_84, %dma_start3A_85] : memref<8x128xi32, #tpu.memory_space<vmem>> -> memref<1x128xi32, #tpu.memory_space<vmem>>
      %dma_start3A_87 = tpu.memref_squeeze %dma_start3A_86 : memref<1x128xi32, #tpu.memory_space<vmem>> -> memref<128xi32, #tpu.memory_space<vmem>>
      %dma_start3A_88 = arith.constant 0 : i32
      %dma_start3A_89 = arith.constant 0 : i32
      %dma_start3A_90 = tpu.memref_slice %arg2[%dma_start3A_88, %dma_start3A_89] : memref<10240x128xf32, #tpu.memory_space<hbm>> -> memref<10240x128xf32, #tpu.memory_space<hbm>>
      tpu.enqueue_indirect_dma source(%dma_start3A_90 : memref<10240x128xf32, #tpu.memory_space<hbm>>) target(%arg11 : memref<128x128xf32, #tpu.memory_space<vmem>>) offsets(%dma_start3A_87 : memref<128xi32, #tpu.memory_space<vmem>>) semaphore(%arg13 : memref<!tpu.dma_semaphore, #tpu.memory_space<semaphore_mem>>)
      %dma_wait3A_91 = arith.constant 2 : i32
      %dma_wait3A_92 = arith.constant 0 : i32
      %dma_wait3A_93 = tpu.memref_slice %arg8[%dma_wait3A_91, %dma_wait3A_92] : memref<8x128xi32, #tpu.memory_space<vmem>> -> memref<1x128xi32, #tpu.memory_space<vmem>>
      %dma_wait3A_94 = tpu.memref_squeeze %dma_wait3A_93 : memref<1x128xi32, #tpu.memory_space<vmem>> -> memref<128xi32, #tpu.memory_space<vmem>>
      %dma_wait3A_95 = arith.constant 0 : i32
      %dma_wait3A_96 = arith.constant 0 : i32
      %dma_wait3A_97 = tpu.memref_slice %arg2[%dma_wait3A_95, %dma_wait3A_96] : memref<10240x128xf32, #tpu.memory_space<hbm>> -> memref<10240x128xf32, #tpu.memory_space<hbm>>
      tpu.wait_indirect_dma semaphore(%arg12 : memref<!tpu.dma_semaphore, #tpu.memory_space<semaphore_mem>>) src(%dma_wait3A_97 : memref<10240x128xf32, #tpu.memory_space<hbm>>) dst(%arg10 : memref<128x128xf32, #tpu.memory_space<vmem>>)
      %run_scoped3A_98 = arith.constant 2 : i32
      "tpu.region"() ({
        %run_scoped3A_167 = tpu.sem_alloc : memref<!tpu.dma_semaphore, #tpu.memory_space<semaphore_mem>>
        %dma_start3A_168 = arith.constant 0 : i32
        %dma_start3A_169 = tpu.memref_slice %arg9[%run_scoped3A_98, %dma_start3A_168] : memref<8x128xi32, #tpu.memory_space<vmem>> -> memref<1x128xi32, #tpu.memory_space<vmem>>
        %dma_start3A_170 = tpu.memref_squeeze %dma_start3A_169 : memref<1x128xi32, #tpu.memory_space<vmem>> -> memref<128xi32, #tpu.memory_space<vmem>>
        %dma_start3A_171 = arith.constant 0 : i32
        %dma_start3A_172 = arith.constant 0 : i32
        %dma_start3A_173 = tpu.memref_slice %arg7[%dma_start3A_171, %dma_start3A_172] : memref<10240x128xf32, #tpu.memory_space<vmem_shared>> -> memref<10240x128xf32, #tpu.memory_space<vmem_shared>>
        tpu.enqueue_indirect_dma source(%arg10 : memref<128x128xf32, #tpu.memory_space<vmem>>) target(%dma_start3A_173 : memref<10240x128xf32, #tpu.memory_space<vmem_shared>>) offsets(%dma_start3A_170 : memref<128xi32, #tpu.memory_space<vmem>>) semaphore(%run_scoped3A_167 : memref<!tpu.dma_semaphore, #tpu.memory_space<semaphore_mem>>) {add = true}
        %dma_wait3A_174 = arith.constant 0 : i32
        %dma_wait3A_175 = tpu.memref_slice %arg9[%run_scoped3A_98, %dma_wait3A_174] : memref<8x128xi32, #tpu.memory_space<vmem>> -> memref<1x128xi32, #tpu.memory_space<vmem>>
        %dma_wait3A_176 = tpu.memref_squeeze %dma_wait3A_175 : memref<1x128xi32, #tpu.memory_space<vmem>> -> memref<128xi32, #tpu.memory_space<vmem>>
        %dma_wait3A_177 = arith.constant 0 : i32
        %dma_wait3A_178 = arith.constant 0 : i32
        %dma_wait3A_179 = tpu.memref_slice %arg7[%dma_wait3A_177, %dma_wait3A_178] : memref<10240x128xf32, #tpu.memory_space<vmem_shared>> -> memref<10240x128xf32, #tpu.memory_space<vmem_shared>>
        tpu.wait_indirect_dma semaphore(%run_scoped3A_167 : memref<!tpu.dma_semaphore, #tpu.memory_space<semaphore_mem>>) src(%arg10 : memref<128x128xf32, #tpu.memory_space<vmem>>) dst(%dma_wait3A_179 : memref<10240x128xf32, #tpu.memory_space<vmem_shared>>)
        tpu.yield
      }) : () -> ()
      %dma_start3A_99 = arith.constant 4 : i32
      %dma_start3A_100 = arith.constant 0 : i32
      %dma_start3A_101 = tpu.memref_slice %arg8[%dma_start3A_99, %dma_start3A_100] : memref<8x128xi32, #tpu.memory_space<vmem>> -> memref<1x128xi32, #tpu.memory_space<vmem>>
      %dma_start3A_102 = tpu.memref_squeeze %dma_start3A_101 : memref<1x128xi32, #tpu.memory_space<vmem>> -> memref<128xi32, #tpu.memory_space<vmem>>
      %dma_start3A_103 = arith.constant 0 : i32
      %dma_start3A_104 = arith.constant 0 : i32
      %dma_start3A_105 = tpu.memref_slice %arg2[%dma_start3A_103, %dma_start3A_104] : memref<10240x128xf32, #tpu.memory_space<hbm>> -> memref<10240x128xf32, #tpu.memory_space<hbm>>
      tpu.enqueue_indirect_dma source(%dma_start3A_105 : memref<10240x128xf32, #tpu.memory_space<hbm>>) target(%arg10 : memref<128x128xf32, #tpu.memory_space<vmem>>) offsets(%dma_start3A_102 : memref<128xi32, #tpu.memory_space<vmem>>) semaphore(%arg12 : memref<!tpu.dma_semaphore, #tpu.memory_space<semaphore_mem>>)
      %dma_wait3A_106 = arith.constant 3 : i32
      %dma_wait3A_107 = arith.constant 0 : i32
      %dma_wait3A_108 = tpu.memref_slice %arg8[%dma_wait3A_106, %dma_wait3A_107] : memref<8x128xi32, #tpu.memory_space<vmem>> -> memref<1x128xi32, #tpu.memory_space<vmem>>
      %dma_wait3A_109 = tpu.memref_squeeze %dma_wait3A_108 : memref<1x128xi32, #tpu.memory_space<vmem>> -> memref<128xi32, #tpu.memory_space<vmem>>
      %dma_wait3A_110 = arith.constant 0 : i32
      %dma_wait3A_111 = arith.constant 0 : i32
      %dma_wait3A_112 = tpu.memref_slice %arg2[%dma_wait3A_110, %dma_wait3A_111] : memref<10240x128xf32, #tpu.memory_space<hbm>> -> memref<10240x128xf32, #tpu.memory_space<hbm>>
      tpu.wait_indirect_dma semaphore(%arg13 : memref<!tpu.dma_semaphore, #tpu.memory_space<semaphore_mem>>) src(%dma_wait3A_112 : memref<10240x128xf32, #tpu.memory_space<hbm>>) dst(%arg11 : memref<128x128xf32, #tpu.memory_space<vmem>>)
      %run_scoped3A_113 = arith.constant 3 : i32
      "tpu.region"() ({
        %run_scoped3A_167 = tpu.sem_alloc : memref<!tpu.dma_semaphore, #tpu.memory_space<semaphore_mem>>
        %dma_start3A_168 = arith.constant 0 : i32
        %dma_start3A_169 = tpu.memref_slice %arg9[%run_scoped3A_113, %dma_start3A_168] : memref<8x128xi32, #tpu.memory_space<vmem>> -> memref<1x128xi32, #tpu.memory_space<vmem>>
        %dma_start3A_170 = tpu.memref_squeeze %dma_start3A_169 : memref<1x128xi32, #tpu.memory_space<vmem>> -> memref<128xi32, #tpu.memory_space<vmem>>
        %dma_start3A_171 = arith.constant 0 : i32
        %dma_start3A_172 = arith.constant 0 : i32
        %dma_start3A_173 = tpu.memref_slice %arg7[%dma_start3A_171, %dma_start3A_172] : memref<10240x128xf32, #tpu.memory_space<vmem_shared>> -> memref<10240x128xf32, #tpu.memory_space<vmem_shared>>
        tpu.enqueue_indirect_dma source(%arg11 : memref<128x128xf32, #tpu.memory_space<vmem>>) target(%dma_start3A_173 : memref<10240x128xf32, #tpu.memory_space<vmem_shared>>) offsets(%dma_start3A_170 : memref<128xi32, #tpu.memory_space<vmem>>) semaphore(%run_scoped3A_167 : memref<!tpu.dma_semaphore, #tpu.memory_space<semaphore_mem>>) {add = true}
        %dma_wait3A_174 = arith.constant 0 : i32
        %dma_wait3A_175 = tpu.memref_slice %arg9[%run_scoped3A_113, %dma_wait3A_174] : memref<8x128xi32, #tpu.memory_space<vmem>> -> memref<1x128xi32, #tpu.memory_space<vmem>>
        %dma_wait3A_176 = tpu.memref_squeeze %dma_wait3A_175 : memref<1x128xi32, #tpu.memory_space<vmem>> -> memref<128xi32, #tpu.memory_space<vmem>>
        %dma_wait3A_177 = arith.constant 0 : i32
        %dma_wait3A_178 = arith.constant 0 : i32
        %dma_wait3A_179 = tpu.memref_slice %arg7[%dma_wait3A_177, %dma_wait3A_178] : memref<10240x128xf32, #tpu.memory_space<vmem_shared>> -> memref<10240x128xf32, #tpu.memory_space<vmem_shared>>
        tpu.wait_indirect_dma semaphore(%run_scoped3A_167 : memref<!tpu.dma_semaphore, #tpu.memory_space<semaphore_mem>>) src(%arg11 : memref<128x128xf32, #tpu.memory_space<vmem>>) dst(%dma_wait3A_179 : memref<10240x128xf32, #tpu.memory_space<vmem_shared>>)
        tpu.yield
      }) : () -> ()
      %dma_start3A_114 = arith.constant 5 : i32
      %dma_start3A_115 = arith.constant 0 : i32
      %dma_start3A_116 = tpu.memref_slice %arg8[%dma_start3A_114, %dma_start3A_115] : memref<8x128xi32, #tpu.memory_space<vmem>> -> memref<1x128xi32, #tpu.memory_space<vmem>>
      %dma_start3A_117 = tpu.memref_squeeze %dma_start3A_116 : memref<1x128xi32, #tpu.memory_space<vmem>> -> memref<128xi32, #tpu.memory_space<vmem>>
      %dma_start3A_118 = arith.constant 0 : i32
      %dma_start3A_119 = arith.constant 0 : i32
      %dma_start3A_120 = tpu.memref_slice %arg2[%dma_start3A_118, %dma_start3A_119] : memref<10240x128xf32, #tpu.memory_space<hbm>> -> memref<10240x128xf32, #tpu.memory_space<hbm>>
      tpu.enqueue_indirect_dma source(%dma_start3A_120 : memref<10240x128xf32, #tpu.memory_space<hbm>>) target(%arg11 : memref<128x128xf32, #tpu.memory_space<vmem>>) offsets(%dma_start3A_117 : memref<128xi32, #tpu.memory_space<vmem>>) semaphore(%arg13 : memref<!tpu.dma_semaphore, #tpu.memory_space<semaphore_mem>>)
      %dma_wait3A_121 = arith.constant 4 : i32
      %dma_wait3A_122 = arith.constant 0 : i32
      %dma_wait3A_123 = tpu.memref_slice %arg8[%dma_wait3A_121, %dma_wait3A_122] : memref<8x128xi32, #tpu.memory_space<vmem>> -> memref<1x128xi32, #tpu.memory_space<vmem>>
      %dma_wait3A_124 = tpu.memref_squeeze %dma_wait3A_123 : memref<1x128xi32, #tpu.memory_space<vmem>> -> memref<128xi32, #tpu.memory_space<vmem>>
      %dma_wait3A_125 = arith.constant 0 : i32
      %dma_wait3A_126 = arith.constant 0 : i32
      %dma_wait3A_127 = tpu.memref_slice %arg2[%dma_wait3A_125, %dma_wait3A_126] : memref<10240x128xf32, #tpu.memory_space<hbm>> -> memref<10240x128xf32, #tpu.memory_space<hbm>>
      tpu.wait_indirect_dma semaphore(%arg12 : memref<!tpu.dma_semaphore, #tpu.memory_space<semaphore_mem>>) src(%dma_wait3A_127 : memref<10240x128xf32, #tpu.memory_space<hbm>>) dst(%arg10 : memref<128x128xf32, #tpu.memory_space<vmem>>)
      %run_scoped3A_128 = arith.constant 4 : i32
      "tpu.region"() ({
        %run_scoped3A_167 = tpu.sem_alloc : memref<!tpu.dma_semaphore, #tpu.memory_space<semaphore_mem>>
        %dma_start3A_168 = arith.constant 0 : i32
        %dma_start3A_169 = tpu.memref_slice %arg9[%run_scoped3A_128, %dma_start3A_168] : memref<8x128xi32, #tpu.memory_space<vmem>> -> memref<1x128xi32, #tpu.memory_space<vmem>>
        %dma_start3A_170 = tpu.memref_squeeze %dma_start3A_169 : memref<1x128xi32, #tpu.memory_space<vmem>> -> memref<128xi32, #tpu.memory_space<vmem>>
        %dma_start3A_171 = arith.constant 0 : i32
        %dma_start3A_172 = arith.constant 0 : i32
        %dma_start3A_173 = tpu.memref_slice %arg7[%dma_start3A_171, %dma_start3A_172] : memref<10240x128xf32, #tpu.memory_space<vmem_shared>> -> memref<10240x128xf32, #tpu.memory_space<vmem_shared>>
        tpu.enqueue_indirect_dma source(%arg10 : memref<128x128xf32, #tpu.memory_space<vmem>>) target(%dma_start3A_173 : memref<10240x128xf32, #tpu.memory_space<vmem_shared>>) offsets(%dma_start3A_170 : memref<128xi32, #tpu.memory_space<vmem>>) semaphore(%run_scoped3A_167 : memref<!tpu.dma_semaphore, #tpu.memory_space<semaphore_mem>>) {add = true}
        %dma_wait3A_174 = arith.constant 0 : i32
        %dma_wait3A_175 = tpu.memref_slice %arg9[%run_scoped3A_128, %dma_wait3A_174] : memref<8x128xi32, #tpu.memory_space<vmem>> -> memref<1x128xi32, #tpu.memory_space<vmem>>
        %dma_wait3A_176 = tpu.memref_squeeze %dma_wait3A_175 : memref<1x128xi32, #tpu.memory_space<vmem>> -> memref<128xi32, #tpu.memory_space<vmem>>
        %dma_wait3A_177 = arith.constant 0 : i32
        %dma_wait3A_178 = arith.constant 0 : i32
        %dma_wait3A_179 = tpu.memref_slice %arg7[%dma_wait3A_177, %dma_wait3A_178] : memref<10240x128xf32, #tpu.memory_space<vmem_shared>> -> memref<10240x128xf32, #tpu.memory_space<vmem_shared>>
        tpu.wait_indirect_dma semaphore(%run_scoped3A_167 : memref<!tpu.dma_semaphore, #tpu.memory_space<semaphore_mem>>) src(%arg10 : memref<128x128xf32, #tpu.memory_space<vmem>>) dst(%dma_wait3A_179 : memref<10240x128xf32, #tpu.memory_space<vmem_shared>>)
        tpu.yield
      }) : () -> ()
      %dma_start3A_129 = arith.constant 6 : i32
      %dma_start3A_130 = arith.constant 0 : i32
      %dma_start3A_131 = tpu.memref_slice %arg8[%dma_start3A_129, %dma_start3A_130] : memref<8x128xi32, #tpu.memory_space<vmem>> -> memref<1x128xi32, #tpu.memory_space<vmem>>
      %dma_start3A_132 = tpu.memref_squeeze %dma_start3A_131 : memref<1x128xi32, #tpu.memory_space<vmem>> -> memref<128xi32, #tpu.memory_space<vmem>>
      %dma_start3A_133 = arith.constant 0 : i32
      %dma_start3A_134 = arith.constant 0 : i32
      %dma_start3A_135 = tpu.memref_slice %arg2[%dma_start3A_133, %dma_start3A_134] : memref<10240x128xf32, #tpu.memory_space<hbm>> -> memref<10240x128xf32, #tpu.memory_space<hbm>>
      tpu.enqueue_indirect_dma source(%dma_start3A_135 : memref<10240x128xf32, #tpu.memory_space<hbm>>) target(%arg10 : memref<128x128xf32, #tpu.memory_space<vmem>>) offsets(%dma_start3A_132 : memref<128xi32, #tpu.memory_space<vmem>>) semaphore(%arg12 : memref<!tpu.dma_semaphore, #tpu.memory_space<semaphore_mem>>)
      %dma_wait3A_136 = arith.constant 5 : i32
      %dma_wait3A_137 = arith.constant 0 : i32
      %dma_wait3A_138 = tpu.memref_slice %arg8[%dma_wait3A_136, %dma_wait3A_137] : memref<8x128xi32, #tpu.memory_space<vmem>> -> memref<1x128xi32, #tpu.memory_space<vmem>>
      %dma_wait3A_139 = tpu.memref_squeeze %dma_wait3A_138 : memref<1x128xi32, #tpu.memory_space<vmem>> -> memref<128xi32, #tpu.memory_space<vmem>>
      %dma_wait3A_140 = arith.constant 0 : i32
      %dma_wait3A_141 = arith.constant 0 : i32
      %dma_wait3A_142 = tpu.memref_slice %arg2[%dma_wait3A_140, %dma_wait3A_141] : memref<10240x128xf32, #tpu.memory_space<hbm>> -> memref<10240x128xf32, #tpu.memory_space<hbm>>
      tpu.wait_indirect_dma semaphore(%arg13 : memref<!tpu.dma_semaphore, #tpu.memory_space<semaphore_mem>>) src(%dma_wait3A_142 : memref<10240x128xf32, #tpu.memory_space<hbm>>) dst(%arg11 : memref<128x128xf32, #tpu.memory_space<vmem>>)
      %run_scoped3A_143 = arith.constant 5 : i32
      "tpu.region"() ({
        %run_scoped3A_167 = tpu.sem_alloc : memref<!tpu.dma_semaphore, #tpu.memory_space<semaphore_mem>>
        %dma_start3A_168 = arith.constant 0 : i32
        %dma_start3A_169 = tpu.memref_slice %arg9[%run_scoped3A_143, %dma_start3A_168] : memref<8x128xi32, #tpu.memory_space<vmem>> -> memref<1x128xi32, #tpu.memory_space<vmem>>
        %dma_start3A_170 = tpu.memref_squeeze %dma_start3A_169 : memref<1x128xi32, #tpu.memory_space<vmem>> -> memref<128xi32, #tpu.memory_space<vmem>>
        %dma_start3A_171 = arith.constant 0 : i32
        %dma_start3A_172 = arith.constant 0 : i32
        %dma_start3A_173 = tpu.memref_slice %arg7[%dma_start3A_171, %dma_start3A_172] : memref<10240x128xf32, #tpu.memory_space<vmem_shared>> -> memref<10240x128xf32, #tpu.memory_space<vmem_shared>>
        tpu.enqueue_indirect_dma source(%arg11 : memref<128x128xf32, #tpu.memory_space<vmem>>) target(%dma_start3A_173 : memref<10240x128xf32, #tpu.memory_space<vmem_shared>>) offsets(%dma_start3A_170 : memref<128xi32, #tpu.memory_space<vmem>>) semaphore(%run_scoped3A_167 : memref<!tpu.dma_semaphore, #tpu.memory_space<semaphore_mem>>) {add = true}
        %dma_wait3A_174 = arith.constant 0 : i32
        %dma_wait3A_175 = tpu.memref_slice %arg9[%run_scoped3A_143, %dma_wait3A_174] : memref<8x128xi32, #tpu.memory_space<vmem>> -> memref<1x128xi32, #tpu.memory_space<vmem>>
        %dma_wait3A_176 = tpu.memref_squeeze %dma_wait3A_175 : memref<1x128xi32, #tpu.memory_space<vmem>> -> memref<128xi32, #tpu.memory_space<vmem>>
        %dma_wait3A_177 = arith.constant 0 : i32
        %dma_wait3A_178 = arith.constant 0 : i32
        %dma_wait3A_179 = tpu.memref_slice %arg7[%dma_wait3A_177, %dma_wait3A_178] : memref<10240x128xf32, #tpu.memory_space<vmem_shared>> -> memref<10240x128xf32, #tpu.memory_space<vmem_shared>>
        tpu.wait_indirect_dma semaphore(%run_scoped3A_167 : memref<!tpu.dma_semaphore, #tpu.memory_space<semaphore_mem>>) src(%arg11 : memref<128x128xf32, #tpu.memory_space<vmem>>) dst(%dma_wait3A_179 : memref<10240x128xf32, #tpu.memory_space<vmem_shared>>)
        tpu.yield
      }) : () -> ()
      %dma_start3A_144 = arith.constant 7 : i32
      %dma_start3A_145 = arith.constant 0 : i32
      %dma_start3A_146 = tpu.memref_slice %arg8[%dma_start3A_144, %dma_start3A_145] : memref<8x128xi32, #tpu.memory_space<vmem>> -> memref<1x128xi32, #tpu.memory_space<vmem>>
      %dma_start3A_147 = tpu.memref_squeeze %dma_start3A_146 : memref<1x128xi32, #tpu.memory_space<vmem>> -> memref<128xi32, #tpu.memory_space<vmem>>
      %dma_start3A_148 = arith.constant 0 : i32
      %dma_start3A_149 = arith.constant 0 : i32
      %dma_start3A_150 = tpu.memref_slice %arg2[%dma_start3A_148, %dma_start3A_149] : memref<10240x128xf32, #tpu.memory_space<hbm>> -> memref<10240x128xf32, #tpu.memory_space<hbm>>
      tpu.enqueue_indirect_dma source(%dma_start3A_150 : memref<10240x128xf32, #tpu.memory_space<hbm>>) target(%arg11 : memref<128x128xf32, #tpu.memory_space<vmem>>) offsets(%dma_start3A_147 : memref<128xi32, #tpu.memory_space<vmem>>) semaphore(%arg13 : memref<!tpu.dma_semaphore, #tpu.memory_space<semaphore_mem>>)
      %dma_wait3A_151 = arith.constant 6 : i32
      %dma_wait3A_152 = arith.constant 0 : i32
      %dma_wait3A_153 = tpu.memref_slice %arg8[%dma_wait3A_151, %dma_wait3A_152] : memref<8x128xi32, #tpu.memory_space<vmem>> -> memref<1x128xi32, #tpu.memory_space<vmem>>
      %dma_wait3A_154 = tpu.memref_squeeze %dma_wait3A_153 : memref<1x128xi32, #tpu.memory_space<vmem>> -> memref<128xi32, #tpu.memory_space<vmem>>
      %dma_wait3A_155 = arith.constant 0 : i32
      %dma_wait3A_156 = arith.constant 0 : i32
      %dma_wait3A_157 = tpu.memref_slice %arg2[%dma_wait3A_155, %dma_wait3A_156] : memref<10240x128xf32, #tpu.memory_space<hbm>> -> memref<10240x128xf32, #tpu.memory_space<hbm>>
      tpu.wait_indirect_dma semaphore(%arg12 : memref<!tpu.dma_semaphore, #tpu.memory_space<semaphore_mem>>) src(%dma_wait3A_157 : memref<10240x128xf32, #tpu.memory_space<hbm>>) dst(%arg10 : memref<128x128xf32, #tpu.memory_space<vmem>>)
      %run_scoped3A_158 = arith.constant 6 : i32
      "tpu.region"() ({
        %run_scoped3A_167 = tpu.sem_alloc : memref<!tpu.dma_semaphore, #tpu.memory_space<semaphore_mem>>
        %dma_start3A_168 = arith.constant 0 : i32
        %dma_start3A_169 = tpu.memref_slice %arg9[%run_scoped3A_158, %dma_start3A_168] : memref<8x128xi32, #tpu.memory_space<vmem>> -> memref<1x128xi32, #tpu.memory_space<vmem>>
        %dma_start3A_170 = tpu.memref_squeeze %dma_start3A_169 : memref<1x128xi32, #tpu.memory_space<vmem>> -> memref<128xi32, #tpu.memory_space<vmem>>
        %dma_start3A_171 = arith.constant 0 : i32
        %dma_start3A_172 = arith.constant 0 : i32
        %dma_start3A_173 = tpu.memref_slice %arg7[%dma_start3A_171, %dma_start3A_172] : memref<10240x128xf32, #tpu.memory_space<vmem_shared>> -> memref<10240x128xf32, #tpu.memory_space<vmem_shared>>
        tpu.enqueue_indirect_dma source(%arg10 : memref<128x128xf32, #tpu.memory_space<vmem>>) target(%dma_start3A_173 : memref<10240x128xf32, #tpu.memory_space<vmem_shared>>) offsets(%dma_start3A_170 : memref<128xi32, #tpu.memory_space<vmem>>) semaphore(%run_scoped3A_167 : memref<!tpu.dma_semaphore, #tpu.memory_space<semaphore_mem>>) {add = true}
        %dma_wait3A_174 = arith.constant 0 : i32
        %dma_wait3A_175 = tpu.memref_slice %arg9[%run_scoped3A_158, %dma_wait3A_174] : memref<8x128xi32, #tpu.memory_space<vmem>> -> memref<1x128xi32, #tpu.memory_space<vmem>>
        %dma_wait3A_176 = tpu.memref_squeeze %dma_wait3A_175 : memref<1x128xi32, #tpu.memory_space<vmem>> -> memref<128xi32, #tpu.memory_space<vmem>>
        %dma_wait3A_177 = arith.constant 0 : i32
        %dma_wait3A_178 = arith.constant 0 : i32
        %dma_wait3A_179 = tpu.memref_slice %arg7[%dma_wait3A_177, %dma_wait3A_178] : memref<10240x128xf32, #tpu.memory_space<vmem_shared>> -> memref<10240x128xf32, #tpu.memory_space<vmem_shared>>
        tpu.wait_indirect_dma semaphore(%run_scoped3A_167 : memref<!tpu.dma_semaphore, #tpu.memory_space<semaphore_mem>>) src(%arg10 : memref<128x128xf32, #tpu.memory_space<vmem>>) dst(%dma_wait3A_179 : memref<10240x128xf32, #tpu.memory_space<vmem_shared>>)
        tpu.yield
      }) : () -> ()
      %dma_wait3A_159 = arith.constant 7 : i32
      %dma_wait3A_160 = arith.constant 0 : i32
      %dma_wait3A_161 = tpu.memref_slice %arg8[%dma_wait3A_159, %dma_wait3A_160] : memref<8x128xi32, #tpu.memory_space<vmem>> -> memref<1x128xi32, #tpu.memory_space<vmem>>
      %dma_wait3A_162 = tpu.memref_squeeze %dma_wait3A_161 : memref<1x128xi32, #tpu.memory_space<vmem>> -> memref<128xi32, #tpu.memory_space<vmem>>
      %dma_wait3A_163 = arith.constant 0 : i32
      %dma_wait3A_164 = arith.constant 0 : i32
      %dma_wait3A_165 = tpu.memref_slice %arg2[%dma_wait3A_163, %dma_wait3A_164] : memref<10240x128xf32, #tpu.memory_space<hbm>> -> memref<10240x128xf32, #tpu.memory_space<hbm>>
      tpu.wait_indirect_dma semaphore(%arg13 : memref<!tpu.dma_semaphore, #tpu.memory_space<semaphore_mem>>) src(%dma_wait3A_165 : memref<10240x128xf32, #tpu.memory_space<hbm>>) dst(%arg11 : memref<128x128xf32, #tpu.memory_space<vmem>>)
      %run_scoped3A_166 = arith.constant 7 : i32
      "tpu.region"() ({
        %run_scoped3A_167 = tpu.sem_alloc : memref<!tpu.dma_semaphore, #tpu.memory_space<semaphore_mem>>
        %dma_start3A_168 = arith.constant 0 : i32
        %dma_start3A_169 = tpu.memref_slice %arg9[%run_scoped3A_166, %dma_start3A_168] : memref<8x128xi32, #tpu.memory_space<vmem>> -> memref<1x128xi32, #tpu.memory_space<vmem>>
        %dma_start3A_170 = tpu.memref_squeeze %dma_start3A_169 : memref<1x128xi32, #tpu.memory_space<vmem>> -> memref<128xi32, #tpu.memory_space<vmem>>
        %dma_start3A_171 = arith.constant 0 : i32
        %dma_start3A_172 = arith.constant 0 : i32
        %dma_start3A_173 = tpu.memref_slice %arg7[%dma_start3A_171, %dma_start3A_172] : memref<10240x128xf32, #tpu.memory_space<vmem_shared>> -> memref<10240x128xf32, #tpu.memory_space<vmem_shared>>
        tpu.enqueue_indirect_dma source(%arg11 : memref<128x128xf32, #tpu.memory_space<vmem>>) target(%dma_start3A_173 : memref<10240x128xf32, #tpu.memory_space<vmem_shared>>) offsets(%dma_start3A_170 : memref<128xi32, #tpu.memory_space<vmem>>) semaphore(%run_scoped3A_167 : memref<!tpu.dma_semaphore, #tpu.memory_space<semaphore_mem>>) {add = true}
        %dma_wait3A_174 = arith.constant 0 : i32
        %dma_wait3A_175 = tpu.memref_slice %arg9[%run_scoped3A_166, %dma_wait3A_174] : memref<8x128xi32, #tpu.memory_space<vmem>> -> memref<1x128xi32, #tpu.memory_space<vmem>>
        %dma_wait3A_176 = tpu.memref_squeeze %dma_wait3A_175 : memref<1x128xi32, #tpu.memory_space<vmem>> -> memref<128xi32, #tpu.memory_space<vmem>>
        %dma_wait3A_177 = arith.constant 0 : i32
        %dma_wait3A_178 = arith.constant 0 : i32
        %dma_wait3A_179 = tpu.memref_slice %arg7[%dma_wait3A_177, %dma_wait3A_178] : memref<10240x128xf32, #tpu.memory_space<vmem_shared>> -> memref<10240x128xf32, #tpu.memory_space<vmem_shared>>
        tpu.wait_indirect_dma semaphore(%run_scoped3A_167 : memref<!tpu.dma_semaphore, #tpu.memory_space<semaphore_mem>>) src(%arg11 : memref<128x128xf32, #tpu.memory_space<vmem>>) dst(%dma_wait3A_179 : memref<10240x128xf32, #tpu.memory_space<vmem_shared>>)
        tpu.yield
      }) : () -> ()
    }
    %while3A_37 = arith.constant 1 : i32
    scf.for %while3A_43 = %while3A_35 to %while3A_31 step %while3A_37  : i32 {
      %mul3A_44 = arith.constant 8 : i32
      %mul3A_45 = arith.muli %while3A_43, %mul3A_44 : i32
      %add3A_46 = arith.addi %select_n3A_8, %mul3A_45 : i32
      "tpu.region"() ({
        %run_scoped3A_167 = tpu.sem_alloc : memref<!tpu.dma_semaphore, #tpu.memory_space<semaphore_mem>>
        %dma_start3A_168 = arith.constant 0 : i32
        %dma_start3A_169 = tpu.memref_slice %arg3[%add3A_46, %dma_start3A_168] : memref<2560x128xi32, #tpu.memory_space<hbm>> -> memref<8x128xi32, #tpu.memory_space<hbm>>
        %dma_start3A_170 = arith.constant 0 : i32
        %dma_start3A_171 = tpu.memref_slice %arg3[%add3A_46, %dma_start3A_170] : memref<2560x128xi32, #tpu.memory_space<hbm>> -> memref<8x128xi32, #tpu.memory_space<hbm>>
        tpu.enqueue_dma source(%dma_start3A_171 : memref<8x128xi32, #tpu.memory_space<hbm>>) target(%arg8 : memref<8x128xi32, #tpu.memory_space<vmem>>) target_semaphore(%run_scoped3A_167 : memref<!tpu.dma_semaphore, #tpu.memory_space<semaphore_mem>>)
        %dma_wait3A_172 = arith.constant 0 : i32
        %dma_wait3A_173 = tpu.memref_slice %arg3[%add3A_46, %dma_wait3A_172] : memref<2560x128xi32, #tpu.memory_space<hbm>> -> memref<8x128xi32, #tpu.memory_space<hbm>>
        %dma_wait3A_174 = arith.constant 0 : i32
        %dma_wait3A_175 = tpu.memref_slice %arg3[%add3A_46, %dma_wait3A_174] : memref<2560x128xi32, #tpu.memory_space<hbm>> -> memref<8x128xi32, #tpu.memory_space<hbm>>
        tpu.wait_dma2 semaphore(%run_scoped3A_167 : memref<!tpu.dma_semaphore, #tpu.memory_space<semaphore_mem>>) src(%dma_wait3A_175 : memref<8x128xi32, #tpu.memory_space<hbm>>) dst(%arg8 : memref<8x128xi32, #tpu.memory_space<vmem>>)
        tpu.yield
      }) : () -> ()
      %mul3A_47 = arith.constant 8 : i32
      %mul3A_48 = arith.muli %while3A_43, %mul3A_47 : i32
      %add3A_49 = arith.addi %select_n3A_8, %mul3A_48 : i32
      "tpu.region"() ({
        %run_scoped3A_167 = tpu.sem_alloc : memref<!tpu.dma_semaphore, #tpu.memory_space<semaphore_mem>>
        %dma_start3A_168 = arith.constant 0 : i32
        %dma_start3A_169 = tpu.memref_slice %arg4[%add3A_49, %dma_start3A_168] : memref<2560x128xi32, #tpu.memory_space<hbm>> -> memref<8x128xi32, #tpu.memory_space<hbm>>
        %dma_start3A_170 = arith.constant 0 : i32
        %dma_start3A_171 = tpu.memref_slice %arg4[%add3A_49, %dma_start3A_170] : memref<2560x128xi32, #tpu.memory_space<hbm>> -> memref<8x128xi32, #tpu.memory_space<hbm>>
        tpu.enqueue_dma source(%dma_start3A_171 : memref<8x128xi32, #tpu.memory_space<hbm>>) target(%arg9 : memref<8x128xi32, #tpu.memory_space<vmem>>) target_semaphore(%run_scoped3A_167 : memref<!tpu.dma_semaphore, #tpu.memory_space<semaphore_mem>>)
        %dma_wait3A_172 = arith.constant 0 : i32
        %dma_wait3A_173 = tpu.memref_slice %arg4[%add3A_49, %dma_wait3A_172] : memref<2560x128xi32, #tpu.memory_space<hbm>> -> memref<8x128xi32, #tpu.memory_space<hbm>>
        %dma_wait3A_174 = arith.constant 0 : i32
        %dma_wait3A_175 = tpu.memref_slice %arg4[%add3A_49, %dma_wait3A_174] : memref<2560x128xi32, #tpu.memory_space<hbm>> -> memref<8x128xi32, #tpu.memory_space<hbm>>
        tpu.wait_dma2 semaphore(%run_scoped3A_167 : memref<!tpu.dma_semaphore, #tpu.memory_space<semaphore_mem>>) src(%dma_wait3A_175 : memref<8x128xi32, #tpu.memory_space<hbm>>) dst(%arg9 : memref<8x128xi32, #tpu.memory_space<vmem>>)
        tpu.yield
      }) : () -> ()
      %dma_start3A = arith.constant 0 : i32
      %dma_start3A_50 = arith.constant 0 : i32
      %dma_start3A_51 = tpu.memref_slice %arg8[%dma_start3A, %dma_start3A_50] : memref<8x128xi32, #tpu.memory_space<vmem>> -> memref<1x128xi32, #tpu.memory_space<vmem>>
      %dma_start3A_52 = tpu.memref_squeeze %dma_start3A_51 : memref<1x128xi32, #tpu.memory_space<vmem>> -> memref<128xi32, #tpu.memory_space<vmem>>
      %dma_start3A_53 = arith.constant 0 : i32
      %dma_start3A_54 = arith.constant 0 : i32
      %dma_start3A_55 = tpu.memref_slice %arg2[%dma_start3A_53, %dma_start3A_54] : memref<10240x128xf32, #tpu.memory_space<hbm>> -> memref<10240x128xf32, #tpu.memory_space<hbm>>
      tpu.enqueue_indirect_dma source(%dma_start3A_55 : memref<10240x128xf32, #tpu.memory_space<hbm>>) target(%arg10 : memref<128x128xf32, #tpu.memory_space<vmem>>) offsets(%dma_start3A_52 : memref<128xi32, #tpu.memory_space<vmem>>) semaphore(%arg12 : memref<!tpu.dma_semaphore, #tpu.memory_space<semaphore_mem>>)
      %dma_start3A_56 = arith.constant 1 : i32
      %dma_start3A_57 = arith.constant 0 : i32
      %dma_start3A_58 = tpu.memref_slice %arg8[%dma_start3A_56, %dma_start3A_57] : memref<8x128xi32, #tpu.memory_space<vmem>> -> memref<1x128xi32, #tpu.memory_space<vmem>>
      %dma_start3A_59 = tpu.memref_squeeze %dma_start3A_58 : memref<1x128xi32, #tpu.memory_space<vmem>> -> memref<128xi32, #tpu.memory_space<vmem>>
      %dma_start3A_60 = arith.constant 0 : i32
      %dma_start3A_61 = arith.constant 0 : i32
      %dma_start3A_62 = tpu.memref_slice %arg2[%dma_start3A_60, %dma_start3A_61] : memref<10240x128xf32, #tpu.memory_space<hbm>> -> memref<10240x128xf32, #tpu.memory_space<hbm>>
      tpu.enqueue_indirect_dma source(%dma_start3A_62 : memref<10240x128xf32, #tpu.memory_space<hbm>>) target(%arg11 : memref<128x128xf32, #tpu.memory_space<vmem>>) offsets(%dma_start3A_59 : memref<128xi32, #tpu.memory_space<vmem>>) semaphore(%arg13 : memref<!tpu.dma_semaphore, #tpu.memory_space<semaphore_mem>>)
      %dma_wait3A = arith.constant 0 : i32
      %dma_wait3A_63 = arith.constant 0 : i32
      %dma_wait3A_64 = tpu.memref_slice %arg8[%dma_wait3A, %dma_wait3A_63] : memref<8x128xi32, #tpu.memory_space<vmem>> -> memref<1x128xi32, #tpu.memory_space<vmem>>
      %dma_wait3A_65 = tpu.memref_squeeze %dma_wait3A_64 : memref<1x128xi32, #tpu.memory_space<vmem>> -> memref<128xi32, #tpu.memory_space<vmem>>
      %dma_wait3A_66 = arith.constant 0 : i32
      %dma_wait3A_67 = arith.constant 0 : i32
      %dma_wait3A_68 = tpu.memref_slice %arg2[%dma_wait3A_66, %dma_wait3A_67] : memref<10240x128xf32, #tpu.memory_space<hbm>> -> memref<10240x128xf32, #tpu.memory_space<hbm>>
      tpu.wait_indirect_dma semaphore(%arg12 : memref<!tpu.dma_semaphore, #tpu.memory_space<semaphore_mem>>) src(%dma_wait3A_68 : memref<10240x128xf32, #tpu.memory_space<hbm>>) dst(%arg10 : memref<128x128xf32, #tpu.memory_space<vmem>>)
      %run_scoped3A = arith.constant 0 : i32
      "tpu.region"() ({
        %run_scoped3A_167 = tpu.sem_alloc : memref<!tpu.dma_semaphore, #tpu.memory_space<semaphore_mem>>
        %dma_start3A_168 = arith.constant 0 : i32
        %dma_start3A_169 = tpu.memref_slice %arg9[%run_scoped3A, %dma_start3A_168] : memref<8x128xi32, #tpu.memory_space<vmem>> -> memref<1x128xi32, #tpu.memory_space<vmem>>
        %dma_start3A_170 = tpu.memref_squeeze %dma_start3A_169 : memref<1x128xi32, #tpu.memory_space<vmem>> -> memref<128xi32, #tpu.memory_space<vmem>>
        %dma_start3A_171 = arith.constant 0 : i32
        %dma_start3A_172 = arith.constant 0 : i32
        %dma_start3A_173 = tpu.memref_slice %arg7[%dma_start3A_171, %dma_start3A_172] : memref<10240x128xf32, #tpu.memory_space<vmem_shared>> -> memref<10240x128xf32, #tpu.memory_space<vmem_shared>>
        tpu.enqueue_indirect_dma source(%arg10 : memref<128x128xf32, #tpu.memory_space<vmem>>) target(%dma_start3A_173 : memref<10240x128xf32, #tpu.memory_space<vmem_shared>>) offsets(%dma_start3A_170 : memref<128xi32, #tpu.memory_space<vmem>>) semaphore(%run_scoped3A_167 : memref<!tpu.dma_semaphore, #tpu.memory_space<semaphore_mem>>) {add = true}
        %dma_wait3A_174 = arith.constant 0 : i32
        %dma_wait3A_175 = tpu.memref_slice %arg9[%run_scoped3A, %dma_wait3A_174] : memref<8x128xi32, #tpu.memory_space<vmem>> -> memref<1x128xi32, #tpu.memory_space<vmem>>
        %dma_wait3A_176 = tpu.memref_squeeze %dma_wait3A_175 : memref<1x128xi32, #tpu.memory_space<vmem>> -> memref<128xi32, #tpu.memory_space<vmem>>
        %dma_wait3A_177 = arith.constant 0 : i32
        %dma_wait3A_178 = arith.constant 0 : i32
        %dma_wait3A_179 = tpu.memref_slice %arg7[%dma_wait3A_177, %dma_wait3A_178] : memref<10240x128xf32, #tpu.memory_space<vmem_shared>> -> memref<10240x128xf32, #tpu.memory_space<vmem_shared>>
        tpu.wait_indirect_dma semaphore(%run_scoped3A_167 : memref<!tpu.dma_semaphore, #tpu.memory_space<semaphore_mem>>) src(%arg10 : memref<128x128xf32, #tpu.memory_space<vmem>>) dst(%dma_wait3A_179 : memref<10240x128xf32, #tpu.memory_space<vmem_shared>>)
        tpu.yield
      }) : () -> ()
      %dma_start3A_69 = arith.constant 2 : i32
      %dma_start3A_70 = arith.constant 0 : i32
      %dma_start3A_71 = tpu.memref_slice %arg8[%dma_start3A_69, %dma_start3A_70] : memref<8x128xi32, #tpu.memory_space<vmem>> -> memref<1x128xi32, #tpu.memory_space<vmem>>
      %dma_start3A_72 = tpu.memref_squeeze %dma_start3A_71 : memref<1x128xi32, #tpu.memory_space<vmem>> -> memref<128xi32, #tpu.memory_space<vmem>>
      %dma_start3A_73 = arith.constant 0 : i32
      %dma_start3A_74 = arith.constant 0 : i32
      %dma_start3A_75 = tpu.memref_slice %arg2[%dma_start3A_73, %dma_start3A_74] : memref<10240x128xf32, #tpu.memory_space<hbm>> -> memref<10240x128xf32, #tpu.memory_space<hbm>>
      tpu.enqueue_indirect_dma source(%dma_start3A_75 : memref<10240x128xf32, #tpu.memory_space<hbm>>) target(%arg10 : memref<128x128xf32, #tpu.memory_space<vmem>>) offsets(%dma_start3A_72 : memref<128xi32, #tpu.memory_space<vmem>>) semaphore(%arg12 : memref<!tpu.dma_semaphore, #tpu.memory_space<semaphore_mem>>)
      %dma_wait3A_76 = arith.constant 1 : i32
      %dma_wait3A_77 = arith.constant 0 : i32
      %dma_wait3A_78 = tpu.memref_slice %arg8[%dma_wait3A_76, %dma_wait3A_77] : memref<8x128xi32, #tpu.memory_space<vmem>> -> memref<1x128xi32, #tpu.memory_space<vmem>>
      %dma_wait3A_79 = tpu.memref_squeeze %dma_wait3A_78 : memref<1x128xi32, #tpu.memory_space<vmem>> -> memref<128xi32, #tpu.memory_space<vmem>>
      %dma_wait3A_80 = arith.constant 0 : i32
      %dma_wait3A_81 = arith.constant 0 : i32
      %dma_wait3A_82 = tpu.memref_slice %arg2[%dma_wait3A_80, %dma_wait3A_81] : memref<10240x128xf32, #tpu.memory_space<hbm>> -> memref<10240x128xf32, #tpu.memory_space<hbm>>
      tpu.wait_indirect_dma semaphore(%arg13 : memref<!tpu.dma_semaphore, #tpu.memory_space<semaphore_mem>>) src(%dma_wait3A_82 : memref<10240x128xf32, #tpu.memory_space<hbm>>) dst(%arg11 : memref<128x128xf32, #tpu.memory_space<vmem>>)
      %run_scoped3A_83 = arith.constant 1 : i32
      "tpu.region"() ({
        %run_scoped3A_167 = tpu.sem_alloc : memref<!tpu.dma_semaphore, #tpu.memory_space<semaphore_mem>>
        %dma_start3A_168 = arith.constant 0 : i32
        %dma_start3A_169 = tpu.memref_slice %arg9[%run_scoped3A_83, %dma_start3A_168] : memref<8x128xi32, #tpu.memory_space<vmem>> -> memref<1x128xi32, #tpu.memory_space<vmem>>
        %dma_start3A_170 = tpu.memref_squeeze %dma_start3A_169 : memref<1x128xi32, #tpu.memory_space<vmem>> -> memref<128xi32, #tpu.memory_space<vmem>>
        %dma_start3A_171 = arith.constant 0 : i32
        %dma_start3A_172 = arith.constant 0 : i32
        %dma_start3A_173 = tpu.memref_slice %arg7[%dma_start3A_171, %dma_start3A_172] : memref<10240x128xf32, #tpu.memory_space<vmem_shared>> -> memref<10240x128xf32, #tpu.memory_space<vmem_shared>>
        tpu.enqueue_indirect_dma source(%arg11 : memref<128x128xf32, #tpu.memory_space<vmem>>) target(%dma_start3A_173 : memref<10240x128xf32, #tpu.memory_space<vmem_shared>>) offsets(%dma_start3A_170 : memref<128xi32, #tpu.memory_space<vmem>>) semaphore(%run_scoped3A_167 : memref<!tpu.dma_semaphore, #tpu.memory_space<semaphore_mem>>) {add = true}
        %dma_wait3A_174 = arith.constant 0 : i32
        %dma_wait3A_175 = tpu.memref_slice %arg9[%run_scoped3A_83, %dma_wait3A_174] : memref<8x128xi32, #tpu.memory_space<vmem>> -> memref<1x128xi32, #tpu.memory_space<vmem>>
        %dma_wait3A_176 = tpu.memref_squeeze %dma_wait3A_175 : memref<1x128xi32, #tpu.memory_space<vmem>> -> memref<128xi32, #tpu.memory_space<vmem>>
        %dma_wait3A_177 = arith.constant 0 : i32
        %dma_wait3A_178 = arith.constant 0 : i32
        %dma_wait3A_179 = tpu.memref_slice %arg7[%dma_wait3A_177, %dma_wait3A_178] : memref<10240x128xf32, #tpu.memory_space<vmem_shared>> -> memref<10240x128xf32, #tpu.memory_space<vmem_shared>>
        tpu.wait_indirect_dma semaphore(%run_scoped3A_167 : memref<!tpu.dma_semaphore, #tpu.memory_space<semaphore_mem>>) src(%arg11 : memref<128x128xf32, #tpu.memory_space<vmem>>) dst(%dma_wait3A_179 : memref<10240x128xf32, #tpu.memory_space<vmem_shared>>)
        tpu.yield
      }) : () -> ()
      %dma_start3A_84 = arith.constant 3 : i32
      %dma_start3A_85 = arith.constant 0 : i32
      %dma_start3A_86 = tpu.memref_slice %arg8[%dma_start3A_84, %dma_start3A_85] : memref<8x128xi32, #tpu.memory_space<vmem>> -> memref<1x128xi32, #tpu.memory_space<vmem>>
      %dma_start3A_87 = tpu.memref_squeeze %dma_start3A_86 : memref<1x128xi32, #tpu.memory_space<vmem>> -> memref<128xi32, #tpu.memory_space<vmem>>
      %dma_start3A_88 = arith.constant 0 : i32
      %dma_start3A_89 = arith.constant 0 : i32
      %dma_start3A_90 = tpu.memref_slice %arg2[%dma_start3A_88, %dma_start3A_89] : memref<10240x128xf32, #tpu.memory_space<hbm>> -> memref<10240x128xf32, #tpu.memory_space<hbm>>
      tpu.enqueue_indirect_dma source(%dma_start3A_90 : memref<10240x128xf32, #tpu.memory_space<hbm>>) target(%arg11 : memref<128x128xf32, #tpu.memory_space<vmem>>) offsets(%dma_start3A_87 : memref<128xi32, #tpu.memory_space<vmem>>) semaphore(%arg13 : memref<!tpu.dma_semaphore, #tpu.memory_space<semaphore_mem>>)
      %dma_wait3A_91 = arith.constant 2 : i32
      %dma_wait3A_92 = arith.constant 0 : i32
      %dma_wait3A_93 = tpu.memref_slice %arg8[%dma_wait3A_91, %dma_wait3A_92] : memref<8x128xi32, #tpu.memory_space<vmem>> -> memref<1x128xi32, #tpu.memory_space<vmem>>
      %dma_wait3A_94 = tpu.memref_squeeze %dma_wait3A_93 : memref<1x128xi32, #tpu.memory_space<vmem>> -> memref<128xi32, #tpu.memory_space<vmem>>
      %dma_wait3A_95 = arith.constant 0 : i32
      %dma_wait3A_96 = arith.constant 0 : i32
      %dma_wait3A_97 = tpu.memref_slice %arg2[%dma_wait3A_95, %dma_wait3A_96] : memref<10240x128xf32, #tpu.memory_space<hbm>> -> memref<10240x128xf32, #tpu.memory_space<hbm>>
      tpu.wait_indirect_dma semaphore(%arg12 : memref<!tpu.dma_semaphore, #tpu.memory_space<semaphore_mem>>) src(%dma_wait3A_97 : memref<10240x128xf32, #tpu.memory_space<hbm>>) dst(%arg10 : memref<128x128xf32, #tpu.memory_space<vmem>>)
      %run_scoped3A_98 = arith.constant 2 : i32
      "tpu.region"() ({
        %run_scoped3A_167 = tpu.sem_alloc : memref<!tpu.dma_semaphore, #tpu.memory_space<semaphore_mem>>
        %dma_start3A_168 = arith.constant 0 : i32
        %dma_start3A_169 = tpu.memref_slice %arg9[%run_scoped3A_98, %dma_start3A_168] : memref<8x128xi32, #tpu.memory_space<vmem>> -> memref<1x128xi32, #tpu.memory_space<vmem>>
        %dma_start3A_170 = tpu.memref_squeeze %dma_start3A_169 : memref<1x128xi32, #tpu.memory_space<vmem>> -> memref<128xi32, #tpu.memory_space<vmem>>
        %dma_start3A_171 = arith.constant 0 : i32
        %dma_start3A_172 = arith.constant 0 : i32
        %dma_start3A_173 = tpu.memref_slice %arg7[%dma_start3A_171, %dma_start3A_172] : memref<10240x128xf32, #tpu.memory_space<vmem_shared>> -> memref<10240x128xf32, #tpu.memory_space<vmem_shared>>
        tpu.enqueue_indirect_dma source(%arg10 : memref<128x128xf32, #tpu.memory_space<vmem>>) target(%dma_start3A_173 : memref<10240x128xf32, #tpu.memory_space<vmem_shared>>) offsets(%dma_start3A_170 : memref<128xi32, #tpu.memory_space<vmem>>) semaphore(%run_scoped3A_167 : memref<!tpu.dma_semaphore, #tpu.memory_space<semaphore_mem>>) {add = true}
        %dma_wait3A_174 = arith.constant 0 : i32
        %dma_wait3A_175 = tpu.memref_slice %arg9[%run_scoped3A_98, %dma_wait3A_174] : memref<8x128xi32, #tpu.memory_space<vmem>> -> memref<1x128xi32, #tpu.memory_space<vmem>>
        %dma_wait3A_176 = tpu.memref_squeeze %dma_wait3A_175 : memref<1x128xi32, #tpu.memory_space<vmem>> -> memref<128xi32, #tpu.memory_space<vmem>>
        %dma_wait3A_177 = arith.constant 0 : i32
        %dma_wait3A_178 = arith.constant 0 : i32
        %dma_wait3A_179 = tpu.memref_slice %arg7[%dma_wait3A_177, %dma_wait3A_178] : memref<10240x128xf32, #tpu.memory_space<vmem_shared>> -> memref<10240x128xf32, #tpu.memory_space<vmem_shared>>
        tpu.wait_indirect_dma semaphore(%run_scoped3A_167 : memref<!tpu.dma_semaphore, #tpu.memory_space<semaphore_mem>>) src(%arg10 : memref<128x128xf32, #tpu.memory_space<vmem>>) dst(%dma_wait3A_179 : memref<10240x128xf32, #tpu.memory_space<vmem_shared>>)
        tpu.yield
      }) : () -> ()
      %dma_start3A_99 = arith.constant 4 : i32
      %dma_start3A_100 = arith.constant 0 : i32
      %dma_start3A_101 = tpu.memref_slice %arg8[%dma_start3A_99, %dma_start3A_100] : memref<8x128xi32, #tpu.memory_space<vmem>> -> memref<1x128xi32, #tpu.memory_space<vmem>>
      %dma_start3A_102 = tpu.memref_squeeze %dma_start3A_101 : memref<1x128xi32, #tpu.memory_space<vmem>> -> memref<128xi32, #tpu.memory_space<vmem>>
      %dma_start3A_103 = arith.constant 0 : i32
      %dma_start3A_104 = arith.constant 0 : i32
      %dma_start3A_105 = tpu.memref_slice %arg2[%dma_start3A_103, %dma_start3A_104] : memref<10240x128xf32, #tpu.memory_space<hbm>> -> memref<10240x128xf32, #tpu.memory_space<hbm>>
      tpu.enqueue_indirect_dma source(%dma_start3A_105 : memref<10240x128xf32, #tpu.memory_space<hbm>>) target(%arg10 : memref<128x128xf32, #tpu.memory_space<vmem>>) offsets(%dma_start3A_102 : memref<128xi32, #tpu.memory_space<vmem>>) semaphore(%arg12 : memref<!tpu.dma_semaphore, #tpu.memory_space<semaphore_mem>>)
      %dma_wait3A_106 = arith.constant 3 : i32
      %dma_wait3A_107 = arith.constant 0 : i32
      %dma_wait3A_108 = tpu.memref_slice %arg8[%dma_wait3A_106, %dma_wait3A_107] : memref<8x128xi32, #tpu.memory_space<vmem>> -> memref<1x128xi32, #tpu.memory_space<vmem>>
      %dma_wait3A_109 = tpu.memref_squeeze %dma_wait3A_108 : memref<1x128xi32, #tpu.memory_space<vmem>> -> memref<128xi32, #tpu.memory_space<vmem>>
      %dma_wait3A_110 = arith.constant 0 : i32
      %dma_wait3A_111 = arith.constant 0 : i32
      %dma_wait3A_112 = tpu.memref_slice %arg2[%dma_wait3A_110, %dma_wait3A_111] : memref<10240x128xf32, #tpu.memory_space<hbm>> -> memref<10240x128xf32, #tpu.memory_space<hbm>>
      tpu.wait_indirect_dma semaphore(%arg13 : memref<!tpu.dma_semaphore, #tpu.memory_space<semaphore_mem>>) src(%dma_wait3A_112 : memref<10240x128xf32, #tpu.memory_space<hbm>>) dst(%arg11 : memref<128x128xf32, #tpu.memory_space<vmem>>)
      %run_scoped3A_113 = arith.constant 3 : i32
      "tpu.region"() ({
        %run_scoped3A_167 = tpu.sem_alloc : memref<!tpu.dma_semaphore, #tpu.memory_space<semaphore_mem>>
        %dma_start3A_168 = arith.constant 0 : i32
        %dma_start3A_169 = tpu.memref_slice %arg9[%run_scoped3A_113, %dma_start3A_168] : memref<8x128xi32, #tpu.memory_space<vmem>> -> memref<1x128xi32, #tpu.memory_space<vmem>>
        %dma_start3A_170 = tpu.memref_squeeze %dma_start3A_169 : memref<1x128xi32, #tpu.memory_space<vmem>> -> memref<128xi32, #tpu.memory_space<vmem>>
        %dma_start3A_171 = arith.constant 0 : i32
        %dma_start3A_172 = arith.constant 0 : i32
        %dma_start3A_173 = tpu.memref_slice %arg7[%dma_start3A_171, %dma_start3A_172] : memref<10240x128xf32, #tpu.memory_space<vmem_shared>> -> memref<10240x128xf32, #tpu.memory_space<vmem_shared>>
        tpu.enqueue_indirect_dma source(%arg11 : memref<128x128xf32, #tpu.memory_space<vmem>>) target(%dma_start3A_173 : memref<10240x128xf32, #tpu.memory_space<vmem_shared>>) offsets(%dma_start3A_170 : memref<128xi32, #tpu.memory_space<vmem>>) semaphore(%run_scoped3A_167 : memref<!tpu.dma_semaphore, #tpu.memory_space<semaphore_mem>>) {add = true}
        %dma_wait3A_174 = arith.constant 0 : i32
        %dma_wait3A_175 = tpu.memref_slice %arg9[%run_scoped3A_113, %dma_wait3A_174] : memref<8x128xi32, #tpu.memory_space<vmem>> -> memref<1x128xi32, #tpu.memory_space<vmem>>
        %dma_wait3A_176 = tpu.memref_squeeze %dma_wait3A_175 : memref<1x128xi32, #tpu.memory_space<vmem>> -> memref<128xi32, #tpu.memory_space<vmem>>
        %dma_wait3A_177 = arith.constant 0 : i32
        %dma_wait3A_178 = arith.constant 0 : i32
        %dma_wait3A_179 = tpu.memref_slice %arg7[%dma_wait3A_177, %dma_wait3A_178] : memref<10240x128xf32, #tpu.memory_space<vmem_shared>> -> memref<10240x128xf32, #tpu.memory_space<vmem_shared>>
        tpu.wait_indirect_dma semaphore(%run_scoped3A_167 : memref<!tpu.dma_semaphore, #tpu.memory_space<semaphore_mem>>) src(%arg11 : memref<128x128xf32, #tpu.memory_space<vmem>>) dst(%dma_wait3A_179 : memref<10240x128xf32, #tpu.memory_space<vmem_shared>>)
        tpu.yield
      }) : () -> ()
      %dma_start3A_114 = arith.constant 5 : i32
      %dma_start3A_115 = arith.constant 0 : i32
      %dma_start3A_116 = tpu.memref_slice %arg8[%dma_start3A_114, %dma_start3A_115] : memref<8x128xi32, #tpu.memory_space<vmem>> -> memref<1x128xi32, #tpu.memory_space<vmem>>
      %dma_start3A_117 = tpu.memref_squeeze %dma_start3A_116 : memref<1x128xi32, #tpu.memory_space<vmem>> -> memref<128xi32, #tpu.memory_space<vmem>>
      %dma_start3A_118 = arith.constant 0 : i32
      %dma_start3A_119 = arith.constant 0 : i32
      %dma_start3A_120 = tpu.memref_slice %arg2[%dma_start3A_118, %dma_start3A_119] : memref<10240x128xf32, #tpu.memory_space<hbm>> -> memref<10240x128xf32, #tpu.memory_space<hbm>>
      tpu.enqueue_indirect_dma source(%dma_start3A_120 : memref<10240x128xf32, #tpu.memory_space<hbm>>) target(%arg11 : memref<128x128xf32, #tpu.memory_space<vmem>>) offsets(%dma_start3A_117 : memref<128xi32, #tpu.memory_space<vmem>>) semaphore(%arg13 : memref<!tpu.dma_semaphore, #tpu.memory_space<semaphore_mem>>)
      %dma_wait3A_121 = arith.constant 4 : i32
      %dma_wait3A_122 = arith.constant 0 : i32
      %dma_wait3A_123 = tpu.memref_slice %arg8[%dma_wait3A_121, %dma_wait3A_122] : memref<8x128xi32, #tpu.memory_space<vmem>> -> memref<1x128xi32, #tpu.memory_space<vmem>>
      %dma_wait3A_124 = tpu.memref_squeeze %dma_wait3A_123 : memref<1x128xi32, #tpu.memory_space<vmem>> -> memref<128xi32, #tpu.memory_space<vmem>>
      %dma_wait3A_125 = arith.constant 0 : i32
      %dma_wait3A_126 = arith.constant 0 : i32
      %dma_wait3A_127 = tpu.memref_slice %arg2[%dma_wait3A_125, %dma_wait3A_126] : memref<10240x128xf32, #tpu.memory_space<hbm>> -> memref<10240x128xf32, #tpu.memory_space<hbm>>
      tpu.wait_indirect_dma semaphore(%arg12 : memref<!tpu.dma_semaphore, #tpu.memory_space<semaphore_mem>>) src(%dma_wait3A_127 : memref<10240x128xf32, #tpu.memory_space<hbm>>) dst(%arg10 : memref<128x128xf32, #tpu.memory_space<vmem>>)
      %run_scoped3A_128 = arith.constant 4 : i32
      "tpu.region"() ({
        %run_scoped3A_167 = tpu.sem_alloc : memref<!tpu.dma_semaphore, #tpu.memory_space<semaphore_mem>>
        %dma_start3A_168 = arith.constant 0 : i32
        %dma_start3A_169 = tpu.memref_slice %arg9[%run_scoped3A_128, %dma_start3A_168] : memref<8x128xi32, #tpu.memory_space<vmem>> -> memref<1x128xi32, #tpu.memory_space<vmem>>
        %dma_start3A_170 = tpu.memref_squeeze %dma_start3A_169 : memref<1x128xi32, #tpu.memory_space<vmem>> -> memref<128xi32, #tpu.memory_space<vmem>>
        %dma_start3A_171 = arith.constant 0 : i32
        %dma_start3A_172 = arith.constant 0 : i32
        %dma_start3A_173 = tpu.memref_slice %arg7[%dma_start3A_171, %dma_start3A_172] : memref<10240x128xf32, #tpu.memory_space<vmem_shared>> -> memref<10240x128xf32, #tpu.memory_space<vmem_shared>>
        tpu.enqueue_indirect_dma source(%arg10 : memref<128x128xf32, #tpu.memory_space<vmem>>) target(%dma_start3A_173 : memref<10240x128xf32, #tpu.memory_space<vmem_shared>>) offsets(%dma_start3A_170 : memref<128xi32, #tpu.memory_space<vmem>>) semaphore(%run_scoped3A_167 : memref<!tpu.dma_semaphore, #tpu.memory_space<semaphore_mem>>) {add = true}
        %dma_wait3A_174 = arith.constant 0 : i32
        %dma_wait3A_175 = tpu.memref_slice %arg9[%run_scoped3A_128, %dma_wait3A_174] : memref<8x128xi32, #tpu.memory_space<vmem>> -> memref<1x128xi32, #tpu.memory_space<vmem>>
        %dma_wait3A_176 = tpu.memref_squeeze %dma_wait3A_175 : memref<1x128xi32, #tpu.memory_space<vmem>> -> memref<128xi32, #tpu.memory_space<vmem>>
        %dma_wait3A_177 = arith.constant 0 : i32
        %dma_wait3A_178 = arith.constant 0 : i32
        %dma_wait3A_179 = tpu.memref_slice %arg7[%dma_wait3A_177, %dma_wait3A_178] : memref<10240x128xf32, #tpu.memory_space<vmem_shared>> -> memref<10240x128xf32, #tpu.memory_space<vmem_shared>>
        tpu.wait_indirect_dma semaphore(%run_scoped3A_167 : memref<!tpu.dma_semaphore, #tpu.memory_space<semaphore_mem>>) src(%arg10 : memref<128x128xf32, #tpu.memory_space<vmem>>) dst(%dma_wait3A_179 : memref<10240x128xf32, #tpu.memory_space<vmem_shared>>)
        tpu.yield
      }) : () -> ()
      %dma_start3A_129 = arith.constant 6 : i32
      %dma_start3A_130 = arith.constant 0 : i32
      %dma_start3A_131 = tpu.memref_slice %arg8[%dma_start3A_129, %dma_start3A_130] : memref<8x128xi32, #tpu.memory_space<vmem>> -> memref<1x128xi32, #tpu.memory_space<vmem>>
      %dma_start3A_132 = tpu.memref_squeeze %dma_start3A_131 : memref<1x128xi32, #tpu.memory_space<vmem>> -> memref<128xi32, #tpu.memory_space<vmem>>
      %dma_start3A_133 = arith.constant 0 : i32
      %dma_start3A_134 = arith.constant 0 : i32
      %dma_start3A_135 = tpu.memref_slice %arg2[%dma_start3A_133, %dma_start3A_134] : memref<10240x128xf32, #tpu.memory_space<hbm>> -> memref<10240x128xf32, #tpu.memory_space<hbm>>
      tpu.enqueue_indirect_dma source(%dma_start3A_135 : memref<10240x128xf32, #tpu.memory_space<hbm>>) target(%arg10 : memref<128x128xf32, #tpu.memory_space<vmem>>) offsets(%dma_start3A_132 : memref<128xi32, #tpu.memory_space<vmem>>) semaphore(%arg12 : memref<!tpu.dma_semaphore, #tpu.memory_space<semaphore_mem>>)
      %dma_wait3A_136 = arith.constant 5 : i32
      %dma_wait3A_137 = arith.constant 0 : i32
      %dma_wait3A_138 = tpu.memref_slice %arg8[%dma_wait3A_136, %dma_wait3A_137] : memref<8x128xi32, #tpu.memory_space<vmem>> -> memref<1x128xi32, #tpu.memory_space<vmem>>
      %dma_wait3A_139 = tpu.memref_squeeze %dma_wait3A_138 : memref<1x128xi32, #tpu.memory_space<vmem>> -> memref<128xi32, #tpu.memory_space<vmem>>
      %dma_wait3A_140 = arith.constant 0 : i32
      %dma_wait3A_141 = arith.constant 0 : i32
      %dma_wait3A_142 = tpu.memref_slice %arg2[%dma_wait3A_140, %dma_wait3A_141] : memref<10240x128xf32, #tpu.memory_space<hbm>> -> memref<10240x128xf32, #tpu.memory_space<hbm>>
      tpu.wait_indirect_dma semaphore(%arg13 : memref<!tpu.dma_semaphore, #tpu.memory_space<semaphore_mem>>) src(%dma_wait3A_142 : memref<10240x128xf32, #tpu.memory_space<hbm>>) dst(%arg11 : memref<128x128xf32, #tpu.memory_space<vmem>>)
      %run_scoped3A_143 = arith.constant 5 : i32
      "tpu.region"() ({
        %run_scoped3A_167 = tpu.sem_alloc : memref<!tpu.dma_semaphore, #tpu.memory_space<semaphore_mem>>
        %dma_start3A_168 = arith.constant 0 : i32
        %dma_start3A_169 = tpu.memref_slice %arg9[%run_scoped3A_143, %dma_start3A_168] : memref<8x128xi32, #tpu.memory_space<vmem>> -> memref<1x128xi32, #tpu.memory_space<vmem>>
        %dma_start3A_170 = tpu.memref_squeeze %dma_start3A_169 : memref<1x128xi32, #tpu.memory_space<vmem>> -> memref<128xi32, #tpu.memory_space<vmem>>
        %dma_start3A_171 = arith.constant 0 : i32
        %dma_start3A_172 = arith.constant 0 : i32
        %dma_start3A_173 = tpu.memref_slice %arg7[%dma_start3A_171, %dma_start3A_172] : memref<10240x128xf32, #tpu.memory_space<vmem_shared>> -> memref<10240x128xf32, #tpu.memory_space<vmem_shared>>
        tpu.enqueue_indirect_dma source(%arg11 : memref<128x128xf32, #tpu.memory_space<vmem>>) target(%dma_start3A_173 : memref<10240x128xf32, #tpu.memory_space<vmem_shared>>) offsets(%dma_start3A_170 : memref<128xi32, #tpu.memory_space<vmem>>) semaphore(%run_scoped3A_167 : memref<!tpu.dma_semaphore, #tpu.memory_space<semaphore_mem>>) {add = true}
        %dma_wait3A_174 = arith.constant 0 : i32
        %dma_wait3A_175 = tpu.memref_slice %arg9[%run_scoped3A_143, %dma_wait3A_174] : memref<8x128xi32, #tpu.memory_space<vmem>> -> memref<1x128xi32, #tpu.memory_space<vmem>>
        %dma_wait3A_176 = tpu.memref_squeeze %dma_wait3A_175 : memref<1x128xi32, #tpu.memory_space<vmem>> -> memref<128xi32, #tpu.memory_space<vmem>>
        %dma_wait3A_177 = arith.constant 0 : i32
        %dma_wait3A_178 = arith.constant 0 : i32
        %dma_wait3A_179 = tpu.memref_slice %arg7[%dma_wait3A_177, %dma_wait3A_178] : memref<10240x128xf32, #tpu.memory_space<vmem_shared>> -> memref<10240x128xf32, #tpu.memory_space<vmem_shared>>
        tpu.wait_indirect_dma semaphore(%run_scoped3A_167 : memref<!tpu.dma_semaphore, #tpu.memory_space<semaphore_mem>>) src(%arg11 : memref<128x128xf32, #tpu.memory_space<vmem>>) dst(%dma_wait3A_179 : memref<10240x128xf32, #tpu.memory_space<vmem_shared>>)
        tpu.yield
      }) : () -> ()
      %dma_start3A_144 = arith.constant 7 : i32
      %dma_start3A_145 = arith.constant 0 : i32
      %dma_start3A_146 = tpu.memref_slice %arg8[%dma_start3A_144, %dma_start3A_145] : memref<8x128xi32, #tpu.memory_space<vmem>> -> memref<1x128xi32, #tpu.memory_space<vmem>>
      %dma_start3A_147 = tpu.memref_squeeze %dma_start3A_146 : memref<1x128xi32, #tpu.memory_space<vmem>> -> memref<128xi32, #tpu.memory_space<vmem>>
      %dma_start3A_148 = arith.constant 0 : i32
      %dma_start3A_149 = arith.constant 0 : i32
      %dma_start3A_150 = tpu.memref_slice %arg2[%dma_start3A_148, %dma_start3A_149] : memref<10240x128xf32, #tpu.memory_space<hbm>> -> memref<10240x128xf32, #tpu.memory_space<hbm>>
      tpu.enqueue_indirect_dma source(%dma_start3A_150 : memref<10240x128xf32, #tpu.memory_space<hbm>>) target(%arg11 : memref<128x128xf32, #tpu.memory_space<vmem>>) offsets(%dma_start3A_147 : memref<128xi32, #tpu.memory_space<vmem>>) semaphore(%arg13 : memref<!tpu.dma_semaphore, #tpu.memory_space<semaphore_mem>>)
      %dma_wait3A_151 = arith.constant 6 : i32
      %dma_wait3A_152 = arith.constant 0 : i32
      %dma_wait3A_153 = tpu.memref_slice %arg8[%dma_wait3A_151, %dma_wait3A_152] : memref<8x128xi32, #tpu.memory_space<vmem>> -> memref<1x128xi32, #tpu.memory_space<vmem>>
      %dma_wait3A_154 = tpu.memref_squeeze %dma_wait3A_153 : memref<1x128xi32, #tpu.memory_space<vmem>> -> memref<128xi32, #tpu.memory_space<vmem>>
      %dma_wait3A_155 = arith.constant 0 : i32
      %dma_wait3A_156 = arith.constant 0 : i32
      %dma_wait3A_157 = tpu.memref_slice %arg2[%dma_wait3A_155, %dma_wait3A_156] : memref<10240x128xf32, #tpu.memory_space<hbm>> -> memref<10240x128xf32, #tpu.memory_space<hbm>>
      tpu.wait_indirect_dma semaphore(%arg12 : memref<!tpu.dma_semaphore, #tpu.memory_space<semaphore_mem>>) src(%dma_wait3A_157 : memref<10240x128xf32, #tpu.memory_space<hbm>>) dst(%arg10 : memref<128x128xf32, #tpu.memory_space<vmem>>)
      %run_scoped3A_158 = arith.constant 6 : i32
      "tpu.region"() ({
        %run_scoped3A_167 = tpu.sem_alloc : memref<!tpu.dma_semaphore, #tpu.memory_space<semaphore_mem>>
        %dma_start3A_168 = arith.constant 0 : i32
        %dma_start3A_169 = tpu.memref_slice %arg9[%run_scoped3A_158, %dma_start3A_168] : memref<8x128xi32, #tpu.memory_space<vmem>> -> memref<1x128xi32, #tpu.memory_space<vmem>>
        %dma_start3A_170 = tpu.memref_squeeze %dma_start3A_169 : memref<1x128xi32, #tpu.memory_space<vmem>> -> memref<128xi32, #tpu.memory_space<vmem>>
        %dma_start3A_171 = arith.constant 0 : i32
        %dma_start3A_172 = arith.constant 0 : i32
        %dma_start3A_173 = tpu.memref_slice %arg7[%dma_start3A_171, %dma_start3A_172] : memref<10240x128xf32, #tpu.memory_space<vmem_shared>> -> memref<10240x128xf32, #tpu.memory_space<vmem_shared>>
        tpu.enqueue_indirect_dma source(%arg10 : memref<128x128xf32, #tpu.memory_space<vmem>>) target(%dma_start3A_173 : memref<10240x128xf32, #tpu.memory_space<vmem_shared>>) offsets(%dma_start3A_170 : memref<128xi32, #tpu.memory_space<vmem>>) semaphore(%run_scoped3A_167 : memref<!tpu.dma_semaphore, #tpu.memory_space<semaphore_mem>>) {add = true}
        %dma_wait3A_174 = arith.constant 0 : i32
        %dma_wait3A_175 = tpu.memref_slice %arg9[%run_scoped3A_158, %dma_wait3A_174] : memref<8x128xi32, #tpu.memory_space<vmem>> -> memref<1x128xi32, #tpu.memory_space<vmem>>
        %dma_wait3A_176 = tpu.memref_squeeze %dma_wait3A_175 : memref<1x128xi32, #tpu.memory_space<vmem>> -> memref<128xi32, #tpu.memory_space<vmem>>
        %dma_wait3A_177 = arith.constant 0 : i32
        %dma_wait3A_178 = arith.constant 0 : i32
        %dma_wait3A_179 = tpu.memref_slice %arg7[%dma_wait3A_177, %dma_wait3A_178] : memref<10240x128xf32, #tpu.memory_space<vmem_shared>> -> memref<10240x128xf32, #tpu.memory_space<vmem_shared>>
        tpu.wait_indirect_dma semaphore(%run_scoped3A_167 : memref<!tpu.dma_semaphore, #tpu.memory_space<semaphore_mem>>) src(%arg10 : memref<128x128xf32, #tpu.memory_space<vmem>>) dst(%dma_wait3A_179 : memref<10240x128xf32, #tpu.memory_space<vmem_shared>>)
        tpu.yield
      }) : () -> ()
      %dma_wait3A_159 = arith.constant 7 : i32
      %dma_wait3A_160 = arith.constant 0 : i32
      %dma_wait3A_161 = tpu.memref_slice %arg8[%dma_wait3A_159, %dma_wait3A_160] : memref<8x128xi32, #tpu.memory_space<vmem>> -> memref<1x128xi32, #tpu.memory_space<vmem>>
      %dma_wait3A_162 = tpu.memref_squeeze %dma_wait3A_161 : memref<1x128xi32, #tpu.memory_space<vmem>> -> memref<128xi32, #tpu.memory_space<vmem>>
      %dma_wait3A_163 = arith.constant 0 : i32
      %dma_wait3A_164 = arith.constant 0 : i32
      %dma_wait3A_165 = tpu.memref_slice %arg2[%dma_wait3A_163, %dma_wait3A_164] : memref<10240x128xf32, #tpu.memory_space<hbm>> -> memref<10240x128xf32, #tpu.memory_space<hbm>>
      tpu.wait_indirect_dma semaphore(%arg13 : memref<!tpu.dma_semaphore, #tpu.memory_space<semaphore_mem>>) src(%dma_wait3A_165 : memref<10240x128xf32, #tpu.memory_space<hbm>>) dst(%arg11 : memref<128x128xf32, #tpu.memory_space<vmem>>)
      %run_scoped3A_166 = arith.constant 7 : i32
      "tpu.region"() ({
        %run_scoped3A_167 = tpu.sem_alloc : memref<!tpu.dma_semaphore, #tpu.memory_space<semaphore_mem>>
        %dma_start3A_168 = arith.constant 0 : i32
        %dma_start3A_169 = tpu.memref_slice %arg9[%run_scoped3A_166, %dma_start3A_168] : memref<8x128xi32, #tpu.memory_space<vmem>> -> memref<1x128xi32, #tpu.memory_space<vmem>>
        %dma_start3A_170 = tpu.memref_squeeze %dma_start3A_169 : memref<1x128xi32, #tpu.memory_space<vmem>> -> memref<128xi32, #tpu.memory_space<vmem>>
        %dma_start3A_171 = arith.constant 0 : i32
        %dma_start3A_172 = arith.constant 0 : i32
        %dma_start3A_173 = tpu.memref_slice %arg7[%dma_start3A_171, %dma_start3A_172] : memref<10240x128xf32, #tpu.memory_space<vmem_shared>> -> memref<10240x128xf32, #tpu.memory_space<vmem_shared>>
        tpu.enqueue_indirect_dma source(%arg11 : memref<128x128xf32, #tpu.memory_space<vmem>>) target(%dma_start3A_173 : memref<10240x128xf32, #tpu.memory_space<vmem_shared>>) offsets(%dma_start3A_170 : memref<128xi32, #tpu.memory_space<vmem>>) semaphore(%run_scoped3A_167 : memref<!tpu.dma_semaphore, #tpu.memory_space<semaphore_mem>>) {add = true}
        %dma_wait3A_174 = arith.constant 0 : i32
        %dma_wait3A_175 = tpu.memref_slice %arg9[%run_scoped3A_166, %dma_wait3A_174] : memref<8x128xi32, #tpu.memory_space<vmem>> -> memref<1x128xi32, #tpu.memory_space<vmem>>
        %dma_wait3A_176 = tpu.memref_squeeze %dma_wait3A_175 : memref<1x128xi32, #tpu.memory_space<vmem>> -> memref<128xi32, #tpu.memory_space<vmem>>
        %dma_wait3A_177 = arith.constant 0 : i32
        %dma_wait3A_178 = arith.constant 0 : i32
        %dma_wait3A_179 = tpu.memref_slice %arg7[%dma_wait3A_177, %dma_wait3A_178] : memref<10240x128xf32, #tpu.memory_space<vmem_shared>> -> memref<10240x128xf32, #tpu.memory_space<vmem_shared>>
        tpu.wait_indirect_dma semaphore(%run_scoped3A_167 : memref<!tpu.dma_semaphore, #tpu.memory_space<semaphore_mem>>) src(%arg11 : memref<128x128xf32, #tpu.memory_space<vmem>>) dst(%dma_wait3A_179 : memref<10240x128xf32, #tpu.memory_space<vmem_shared>>)
        tpu.yield
      }) : () -> ()
    }
    %barrier3A_38 = arith.constant 0 : index
    tpu.barrier barrier_id(%barrier3A_38)
    %mul3A_39 = arith.constant 640 : i32
    %mul3A_40 = arith.muli %arg1, %mul3A_39 : i32
    %mul3A_41 = arith.constant 640 : i32
    %mul3A_42 = arith.muli %arg1, %mul3A_41 : i32
    "tpu.region"() ({
      %run_scoped3A = tpu.sem_alloc : memref<!tpu.dma_semaphore, #tpu.memory_space<semaphore_mem>>
      %dma_start3A = arith.constant 0 : i32
      %dma_start3A_43 = tpu.memref_slice %arg6[%arg0, %mul3A_42, %dma_start3A] : memref<2x10240x128xf32, #tpu.memory_space<hbm>> -> memref<1x640x128xf32, #tpu.memory_space<hbm>>
      %dma_start3A_44 = tpu.memref_squeeze %dma_start3A_43 : memref<1x640x128xf32, #tpu.memory_space<hbm>> -> memref<640x128xf32, #tpu.memory_space<hbm>>
      %dma_start3A_45 = arith.constant 0 : i32
      %dma_start3A_46 = tpu.memref_slice %arg7[%mul3A_40, %dma_start3A_45] : memref<10240x128xf32, #tpu.memory_space<vmem_shared>> -> memref<640x128xf32, #tpu.memory_space<vmem_shared>>
      tpu.enqueue_dma source(%dma_start3A_46 : memref<640x128xf32, #tpu.memory_space<vmem_shared>>) target(%dma_start3A_44 : memref<640x128xf32, #tpu.memory_space<hbm>>) target_semaphore(%run_scoped3A : memref<!tpu.dma_semaphore, #tpu.memory_space<semaphore_mem>>)
      %dma_wait3A = arith.constant 0 : i32
      %dma_wait3A_47 = tpu.memref_slice %arg6[%arg0, %mul3A_42, %dma_wait3A] : memref<2x10240x128xf32, #tpu.memory_space<hbm>> -> memref<1x640x128xf32, #tpu.memory_space<hbm>>
      %dma_wait3A_48 = tpu.memref_squeeze %dma_wait3A_47 : memref<1x640x128xf32, #tpu.memory_space<hbm>> -> memref<640x128xf32, #tpu.memory_space<hbm>>
      %dma_wait3A_49 = arith.constant 0 : i32
      %dma_wait3A_50 = tpu.memref_slice %arg7[%mul3A_40, %dma_wait3A_49] : memref<10240x128xf32, #tpu.memory_space<vmem_shared>> -> memref<640x128xf32, #tpu.memory_space<vmem_shared>>
      tpu.wait_dma2 semaphore(%run_scoped3A : memref<!tpu.dma_semaphore, #tpu.memory_space<semaphore_mem>>) src(%dma_wait3A_50 : memref<640x128xf32, #tpu.memory_space<vmem_shared>>) dst(%dma_wait3A_48 : memref<640x128xf32, #tpu.memory_space<hbm>>)
      tpu.yield
    }) : () -> ()
    return
  }
}

module attributes {stable_mosaic.version = 14 : i64} {
  func.func @_tc_layer_body(%arg0: i32, %arg1: memref<2560x128xf32, #tpu.memory_space<vmem>>, %arg2: memref<2560x128xf32, #tpu.memory_space<vmem>>, %arg3: memref<2560x128xf32, #tpu.memory_space<vmem>>, %arg4: memref<2560x128xf32, #tpu.memory_space<vmem>>, %arg5: memref<2560x128xf32, #tpu.memory_space<vmem>>, %arg6: memref<128x128xf32, #tpu.memory_space<vmem>>, %arg7: memref<1x128xf32, #tpu.memory_space<vmem>>, %arg8: memref<128x128xf32, #tpu.memory_space<vmem>>, %arg9: memref<1x128xf32, #tpu.memory_space<vmem>>, %arg10: memref<1x128xf32, #tpu.memory_space<vmem>>, %arg11: memref<2560x128xf32, #tpu.memory_space<vmem>>) attributes {dimension_semantics = [#tpu.dimension_semantics<arbitrary>], iteration_bounds = array<i64: 4>, scalar_prefetch = 0 : i64, scratch_operands = 0 : i64, tpu.core_type = #tpu.core_type<tc>, window_params = [{transform_indices = @transform_0, window_bounds = array<i64: 2560, 128>}, {transform_indices = @transform_1, window_bounds = array<i64: 2560, 128>}, {transform_indices = @transform_2, window_bounds = array<i64: 2560, 128>}, {transform_indices = @transform_3, window_bounds = array<i64: 2560, 128>}, {transform_indices = @transform_4, window_bounds = array<i64: 2560, 128>}, {pipeline_mode = #tpu.pipeline_mode<synchronous>, transform_indices = @transform_5, window_bounds = array<i64: 128, 128>}, {pipeline_mode = #tpu.pipeline_mode<synchronous>, transform_indices = @transform_6, window_bounds = array<i64: 1, 128>}, {pipeline_mode = #tpu.pipeline_mode<synchronous>, transform_indices = @transform_7, window_bounds = array<i64: 128, 128>}, {pipeline_mode = #tpu.pipeline_mode<synchronous>, transform_indices = @transform_8, window_bounds = array<i64: 1, 128>}, {pipeline_mode = #tpu.pipeline_mode<synchronous>, transform_indices = @transform_9, window_bounds = array<i64: 1, 128>}, {transform_indices = @transform_10, window_bounds = array<i64: 2560, 128>}]} {
    %get3A = arith.constant 0 : index
    %get3A_0 = arith.constant 0 : index
    %get3A_1 = vector.load %arg3[%get3A, %get3A_0] : memref<2560x128xf32, #tpu.memory_space<vmem>>, vector<2560x1xf32>
    %get3A_2 = arith.constant 0 : index
    %get3A_3 = arith.constant 0 : index
    %get3A_4 = vector.load %arg4[%get3A_2, %get3A_3] : memref<2560x128xf32, #tpu.memory_space<vmem>>, vector<2560x1xf32>
    %add3A = arith.addf %get3A_1, %get3A_4 : vector<2560x1xf32>
    %get3A_5 = arith.constant 0 : index
    %get3A_6 = arith.constant 0 : index
    %get3A_7 = vector.load %arg1[%get3A_5, %get3A_6] : memref<2560x128xf32, #tpu.memory_space<vmem>>, vector<2560x128xf32>
    %get3A_8 = arith.constant 0 : index
    %get3A_9 = arith.constant 0 : index
    %get3A_10 = vector.load %arg2[%get3A_8, %get3A_9] : memref<2560x128xf32, #tpu.memory_space<vmem>>, vector<2560x128xf32>
    %add3A_11 = arith.addf %get3A_7, %get3A_10 : vector<2560x128xf32>
    %max3A = arith.constant 1.000000e+00 : f32
    %max3A_12 = vector.broadcast %max3A : f32 to vector<2560x1xf32>
    %max3A_13 = arith.maximumf %add3A, %max3A_12 : vector<2560x1xf32>
    %div3A = vector.broadcast %max3A_13 : vector<2560x1xf32> to vector<2560x128xf32>
    %div3A_14 = arith.divf %add3A_11, %div3A : vector<2560x128xf32>
    %get3A_15 = arith.constant 0 : index
    %get3A_16 = arith.constant 0 : index
    %get3A_17 = vector.load %arg6[%get3A_15, %get3A_16] : memref<128x128xf32, #tpu.memory_space<vmem>>, vector<128x128xf32>
    %dot_general3A = arith.constant dense<0.000000e+00> : vector<2560x128xf32>
    %dot_general3A_18 = tpu.matmul %div3A_14, %get3A_17, %dot_general3A {dimension_numbers = #tpu.dot_dimension_numbers<[1], [1], [0], [0], [0, 0, 1, 0], [], []>, transpose_lhs_hint = false} : vector<2560x128xf32>, vector<128x128xf32>, vector<2560x128xf32> -> vector<2560x128xf32>
    %get3A_19 = arith.constant 0 : index
    %get3A_20 = arith.constant 0 : index
    %get3A_21 = vector.load %arg7[%get3A_19, %get3A_20] : memref<1x128xf32, #tpu.memory_space<vmem>>, vector<1x128xf32>
    %add3A_22 = vector.broadcast %get3A_21 : vector<1x128xf32> to vector<2560x128xf32>
    %add3A_23 = arith.addf %dot_general3A_18, %add3A_22 : vector<2560x128xf32>
    %get3A_24 = arith.constant 0 : index
    %get3A_25 = arith.constant 0 : index
    %get3A_26 = vector.load %arg5[%get3A_24, %get3A_25] : memref<2560x128xf32, #tpu.memory_space<vmem>>, vector<2560x128xf32>
    %get3A_27 = arith.constant 0 : index
    %get3A_28 = arith.constant 0 : index
    %get3A_29 = vector.load %arg8[%get3A_27, %get3A_28] : memref<128x128xf32, #tpu.memory_space<vmem>>, vector<128x128xf32>
    %dot_general3A_30 = arith.constant dense<0.000000e+00> : vector<2560x128xf32>
    %dot_general3A_31 = tpu.matmul %get3A_26, %get3A_29, %dot_general3A_30 {dimension_numbers = #tpu.dot_dimension_numbers<[1], [1], [0], [0], [0, 0, 1, 0], [], []>, transpose_lhs_hint = false} : vector<2560x128xf32>, vector<128x128xf32>, vector<2560x128xf32> -> vector<2560x128xf32>
    %add3A_32 = arith.addf %add3A_23, %dot_general3A_31 : vector<2560x128xf32>
    %mul3A = arith.constant 0.999994993 : f32
    %mul3A_33 = vector.broadcast %mul3A : f32 to vector<2560x128xf32>
    %mul3A_34 = arith.mulf %add3A_32, %mul3A_33 : vector<2560x128xf32>
    %get3A_35 = arith.constant 0 : index
    %get3A_36 = arith.constant 0 : index
    %get3A_37 = vector.load %arg9[%get3A_35, %get3A_36] : memref<1x128xf32, #tpu.memory_space<vmem>>, vector<1x128xf32>
    %mul3A_38 = vector.broadcast %get3A_37 : vector<1x128xf32> to vector<2560x128xf32>
    %mul3A_39 = arith.mulf %mul3A_34, %mul3A_38 : vector<2560x128xf32>
    %get3A_40 = arith.constant 0 : index
    %get3A_41 = arith.constant 0 : index
    %get3A_42 = vector.load %arg10[%get3A_40, %get3A_41] : memref<1x128xf32, #tpu.memory_space<vmem>>, vector<1x128xf32>
    %add3A_43 = vector.broadcast %get3A_42 : vector<1x128xf32> to vector<2560x128xf32>
    %add3A_44 = arith.addf %mul3A_39, %add3A_43 : vector<2560x128xf32>
    %mul3A_45 = arith.constant 5.000000e-01 : f32
    %mul3A_46 = vector.broadcast %mul3A_45 : f32 to vector<2560x128xf32>
    %mul3A_47 = arith.mulf %mul3A_46, %add3A_44 : vector<2560x128xf32>
    %mul3A_48 = arith.constant 0.707106769 : f32
    %mul3A_49 = vector.broadcast %mul3A_48 : f32 to vector<2560x128xf32>
    %mul3A_50 = arith.mulf %add3A_44, %mul3A_49 : vector<2560x128xf32>
    %erf3A = math.erf %mul3A_50 : vector<2560x128xf32>
    %add3A_51 = arith.constant 1.000000e+00 : f32
    %add3A_52 = vector.broadcast %add3A_51 : f32 to vector<2560x128xf32>
    %add3A_53 = arith.addf %add3A_52, %erf3A : vector<2560x128xf32>
    %mul3A_54 = arith.mulf %mul3A_47, %add3A_53 : vector<2560x128xf32>
    %mul3A_55 = arith.constant 2560 : i32
    %mul3A_56 = arith.muli %arg0, %mul3A_55 : i32
    %iota3A = tpu.iota {dimensions = array<i32: 0>} : vector<2560x128xi32>
    %add3A_57 = vector.broadcast %mul3A_56 : i32 to vector<2560x128xi32>
    %add3A_58 = arith.addi %add3A_57, %iota3A : vector<2560x128xi32>
    %lt3A = arith.constant 10000 : i32
    %lt3A_59 = vector.broadcast %lt3A : i32 to vector<2560x128xi32>
    %lt3A_60 = arith.cmpi slt, %add3A_58, %lt3A_59 : vector<2560x128xi32>
    %jit3A = arith.constant 0.000000e+00 : f32
    %broadcast_in_dim3A = vector.broadcast %jit3A : f32 to vector<2560x128xf32>
    %select_n3A = arith.select %lt3A_60, %mul3A_54, %broadcast_in_dim3A : vector<2560x128xi1>, vector<2560x128xf32>
    %swap3A = arith.constant 0 : index
    %swap3A_61 = arith.constant 0 : index
    %swap3A_62 = vector.load %arg11[%swap3A, %swap3A_61] : memref<2560x128xf32, #tpu.memory_space<vmem>>, vector<2560x128xf32>
    tpu.vector_store %arg11[%swap3A, %swap3A_61], %select_n3A {strides = array<i32>} : memref<2560x128xf32, #tpu.memory_space<vmem>>, vector<2560x128xf32>,
    return
  }
  func.func @transform_0(%arg0: i32) -> (i32, i32) {
    %c0_i32 = arith.constant 0 : i32
    %c0_i32_0 = arith.constant 0 : i32
    return %arg0, %c0_i32 : i32, i32
  }
  func.func @transform_1(%arg0: i32) -> (i32, i32) {
    %c0_i32 = arith.constant 0 : i32
    %c0_i32_0 = arith.constant 0 : i32
    return %arg0, %c0_i32 : i32, i32
  }
  func.func @transform_2(%arg0: i32) -> (i32, i32) {
    %c0_i32 = arith.constant 0 : i32
    %c0_i32_0 = arith.constant 0 : i32
    return %arg0, %c0_i32 : i32, i32
  }
  func.func @transform_3(%arg0: i32) -> (i32, i32) {
    %c0_i32 = arith.constant 0 : i32
    %c0_i32_0 = arith.constant 0 : i32
    return %arg0, %c0_i32 : i32, i32
  }
  func.func @transform_4(%arg0: i32) -> (i32, i32) {
    %c0_i32 = arith.constant 0 : i32
    %c0_i32_0 = arith.constant 0 : i32
    return %arg0, %c0_i32 : i32, i32
  }
  func.func @transform_5(%arg0: i32) -> (i32, i32) {
    %c0_i32 = arith.constant 0 : i32
    %c0_i32_0 = arith.constant 0 : i32
    %c0_i32_1 = arith.constant 0 : i32
    return %c0_i32, %c0_i32_0 : i32, i32
  }
  func.func @transform_6(%arg0: i32) -> (i32, i32) {
    %c0_i32 = arith.constant 0 : i32
    %c0_i32_0 = arith.constant 0 : i32
    %c0_i32_1 = arith.constant 0 : i32
    return %c0_i32, %c0_i32_0 : i32, i32
  }
  func.func @transform_7(%arg0: i32) -> (i32, i32) {
    %c0_i32 = arith.constant 0 : i32
    %c0_i32_0 = arith.constant 0 : i32
    %c0_i32_1 = arith.constant 0 : i32
    return %c0_i32, %c0_i32_0 : i32, i32
  }
  func.func @transform_8(%arg0: i32) -> (i32, i32) {
    %c0_i32 = arith.constant 0 : i32
    %c0_i32_0 = arith.constant 0 : i32
    %c0_i32_1 = arith.constant 0 : i32
    return %c0_i32, %c0_i32_0 : i32, i32
  }
  func.func @transform_9(%arg0: i32) -> (i32, i32) {
    %c0_i32 = arith.constant 0 : i32
    %c0_i32_0 = arith.constant 0 : i32
    %c0_i32_1 = arith.constant 0 : i32
    return %c0_i32, %c0_i32_0 : i32, i32
  }
  func.func @transform_10(%arg0: i32) -> (i32, i32) {
    %c0_i32 = arith.constant 0 : i32
    %c0_i32_0 = arith.constant 0 : i32
    return %arg0, %c0_i32 : i32, i32
  }
}

module attributes {stable_mosaic.version = 14 : i64} {
  func.func @_tc_head_body(%arg0: i32, %arg1: memref<2560x128xf32, #tpu.memory_space<vmem>>, %arg2: memref<64x128xf32, #tpu.memory_space<vmem>>, %arg3: memref<1x64xf32, #tpu.memory_space<vmem>>, %arg4: memref<64x128xf32, #tpu.memory_space<vmem>>, %arg5: memref<1x64xf32, #tpu.memory_space<vmem>>, %arg6: memref<128x64xf32, #tpu.memory_space<vmem>>, %arg7: memref<1x128xf32, #tpu.memory_space<vmem>>, %arg8: memref<2560x128xf32, #tpu.memory_space<vmem>>, %arg9: memref<2560x64xf32, #tpu.memory_space<vmem>>, %arg10: memref<2560x64xf32, #tpu.memory_space<vmem>>) attributes {dimension_semantics = [#tpu.dimension_semantics<arbitrary>], iteration_bounds = array<i64: 4>, scalar_prefetch = 0 : i64, scratch_operands = 0 : i64, tpu.core_type = #tpu.core_type<tc>, window_params = [{transform_indices = @transform_0, window_bounds = array<i64: 2560, 128>}, {pipeline_mode = #tpu.pipeline_mode<synchronous>, transform_indices = @transform_1, window_bounds = array<i64: 64, 128>}, {pipeline_mode = #tpu.pipeline_mode<synchronous>, transform_indices = @transform_2, window_bounds = array<i64: 1, 64>}, {pipeline_mode = #tpu.pipeline_mode<synchronous>, transform_indices = @transform_3, window_bounds = array<i64: 64, 128>}, {pipeline_mode = #tpu.pipeline_mode<synchronous>, transform_indices = @transform_4, window_bounds = array<i64: 1, 64>}, {pipeline_mode = #tpu.pipeline_mode<synchronous>, transform_indices = @transform_5, window_bounds = array<i64: 128, 64>}, {pipeline_mode = #tpu.pipeline_mode<synchronous>, transform_indices = @transform_6, window_bounds = array<i64: 1, 128>}, {transform_indices = @transform_7, window_bounds = array<i64: 2560, 128>}, {transform_indices = @transform_8, window_bounds = array<i64: 2560, 64>}, {transform_indices = @transform_9, window_bounds = array<i64: 2560, 64>}]} {
    %get3A = arith.constant 0 : index
    %get3A_0 = arith.constant 0 : index
    %get3A_1 = vector.load %arg1[%get3A, %get3A_0] : memref<2560x128xf32, #tpu.memory_space<vmem>>, vector<2560x128xf32>
    %get3A_2 = arith.constant 0 : index
    %get3A_3 = arith.constant 0 : index
    %get3A_4 = vector.load %arg2[%get3A_2, %get3A_3] : memref<64x128xf32, #tpu.memory_space<vmem>>, vector<64x128xf32>
    %dot_general3A = arith.constant dense<0.000000e+00> : vector<2560x64xf32>
    %dot_general3A_5 = tpu.matmul %get3A_1, %get3A_4, %dot_general3A {dimension_numbers = #tpu.dot_dimension_numbers<[1], [1], [0], [0], [0, 0, 1, 0], [], []>, transpose_lhs_hint = false} : vector<2560x128xf32>, vector<64x128xf32>, vector<2560x64xf32> -> vector<2560x64xf32>
    %get3A_6 = arith.constant 0 : index
    %get3A_7 = arith.constant 0 : index
    %get3A_8 = vector.load %arg3[%get3A_6, %get3A_7] : memref<1x64xf32, #tpu.memory_space<vmem>>, vector<1x64xf32>
    %add3A = vector.broadcast %get3A_8 : vector<1x64xf32> to vector<2560x64xf32>
    %add3A_9 = arith.addf %dot_general3A_5, %add3A : vector<2560x64xf32>
    %get3A_10 = arith.constant 0 : index
    %get3A_11 = arith.constant 0 : index
    %get3A_12 = vector.load %arg1[%get3A_10, %get3A_11] : memref<2560x128xf32, #tpu.memory_space<vmem>>, vector<2560x128xf32>
    %get3A_13 = arith.constant 0 : index
    %get3A_14 = arith.constant 0 : index
    %get3A_15 = vector.load %arg4[%get3A_13, %get3A_14] : memref<64x128xf32, #tpu.memory_space<vmem>>, vector<64x128xf32>
    %dot_general3A_16 = arith.constant dense<0.000000e+00> : vector<2560x64xf32>
    %dot_general3A_17 = tpu.matmul %get3A_12, %get3A_15, %dot_general3A_16 {dimension_numbers = #tpu.dot_dimension_numbers<[1], [1], [0], [0], [0, 0, 1, 0], [], []>, transpose_lhs_hint = false} : vector<2560x128xf32>, vector<64x128xf32>, vector<2560x64xf32> -> vector<2560x64xf32>
    %get3A_18 = arith.constant 0 : index
    %get3A_19 = arith.constant 0 : index
    %get3A_20 = vector.load %arg5[%get3A_18, %get3A_19] : memref<1x64xf32, #tpu.memory_space<vmem>>, vector<1x64xf32>
    %add3A_21 = vector.broadcast %get3A_20 : vector<1x64xf32> to vector<2560x64xf32>
    %add3A_22 = arith.addf %dot_general3A_17, %add3A_21 : vector<2560x64xf32>
    %min3A = arith.constant 1.000000e+01 : f32
    %min3A_23 = vector.broadcast %min3A : f32 to vector<2560x64xf32>
    %min3A_24 = arith.minimumf %add3A_22, %min3A_23 : vector<2560x64xf32>
    %get3A_25 = arith.constant 0 : index
    %get3A_26 = arith.constant 0 : index
    %get3A_27 = vector.load %arg6[%get3A_25, %get3A_26] : memref<128x64xf32, #tpu.memory_space<vmem>>, vector<128x64xf32>
    %dot_general3A_28 = arith.constant dense<0.000000e+00> : vector<2560x128xf32>
    %dot_general3A_29 = tpu.matmul %add3A_9, %get3A_27, %dot_general3A_28 {dimension_numbers = #tpu.dot_dimension_numbers<[1], [1], [0], [0], [0, 0, 1, 0], [], []>, transpose_lhs_hint = false} : vector<2560x64xf32>, vector<128x64xf32>, vector<2560x128xf32> -> vector<2560x128xf32>
    %get3A_30 = arith.constant 0 : index
    %get3A_31 = arith.constant 0 : index
    %get3A_32 = vector.load %arg7[%get3A_30, %get3A_31] : memref<1x128xf32, #tpu.memory_space<vmem>>, vector<1x128xf32>
    %add3A_33 = vector.broadcast %get3A_32 : vector<1x128xf32> to vector<2560x128xf32>
    %add3A_34 = arith.addf %dot_general3A_29, %add3A_33 : vector<2560x128xf32>
    %swap3A = arith.constant 0 : index
    %swap3A_35 = arith.constant 0 : index
    %swap3A_36 = vector.load %arg8[%swap3A, %swap3A_35] : memref<2560x128xf32, #tpu.memory_space<vmem>>, vector<2560x128xf32>
    tpu.vector_store %arg8[%swap3A, %swap3A_35], %add3A_34 {strides = array<i32>} : memref<2560x128xf32, #tpu.memory_space<vmem>>, vector<2560x128xf32>,
    %swap3A_37 = arith.constant 0 : index
    %swap3A_38 = arith.constant 0 : index
    %swap3A_39 = vector.load %arg9[%swap3A_37, %swap3A_38] : memref<2560x64xf32, #tpu.memory_space<vmem>>, vector<2560x64xf32>
    tpu.vector_store %arg9[%swap3A_37, %swap3A_38], %add3A_9 {strides = array<i32>} : memref<2560x64xf32, #tpu.memory_space<vmem>>, vector<2560x64xf32>,
    %swap3A_40 = arith.constant 0 : index
    %swap3A_41 = arith.constant 0 : index
    %swap3A_42 = vector.load %arg10[%swap3A_40, %swap3A_41] : memref<2560x64xf32, #tpu.memory_space<vmem>>, vector<2560x64xf32>
    tpu.vector_store %arg10[%swap3A_40, %swap3A_41], %min3A_24 {strides = array<i32>} : memref<2560x64xf32, #tpu.memory_space<vmem>>, vector<2560x64xf32>,
    return
  }
  func.func @transform_0(%arg0: i32) -> (i32, i32) {
    %c0_i32 = arith.constant 0 : i32
    %c0_i32_0 = arith.constant 0 : i32
    return %arg0, %c0_i32 : i32, i32
  }
  func.func @transform_1(%arg0: i32) -> (i32, i32) {
    %c0_i32 = arith.constant 0 : i32
    %c0_i32_0 = arith.constant 0 : i32
    %c0_i32_1 = arith.constant 0 : i32
    return %c0_i32, %c0_i32_0 : i32, i32
  }
  func.func @transform_2(%arg0: i32) -> (i32, i32) {
    %c0_i32 = arith.constant 0 : i32
    %c0_i32_0 = arith.constant 0 : i32
    %c0_i32_1 = arith.constant 0 : i32
    return %c0_i32, %c0_i32_0 : i32, i32
  }
  func.func @transform_3(%arg0: i32) -> (i32, i32) {
    %c0_i32 = arith.constant 0 : i32
    %c0_i32_0 = arith.constant 0 : i32
    %c0_i32_1 = arith.constant 0 : i32
    return %c0_i32, %c0_i32_0 : i32, i32
  }
  func.func @transform_4(%arg0: i32) -> (i32, i32) {
    %c0_i32 = arith.constant 0 : i32
    %c0_i32_0 = arith.constant 0 : i32
    %c0_i32_1 = arith.constant 0 : i32
    return %c0_i32, %c0_i32_0 : i32, i32
  }
  func.func @transform_5(%arg0: i32) -> (i32, i32) {
    %c0_i32 = arith.constant 0 : i32
    %c0_i32_0 = arith.constant 0 : i32
    %c0_i32_1 = arith.constant 0 : i32
    return %c0_i32, %c0_i32_0 : i32, i32
  }
  func.func @transform_6(%arg0: i32) -> (i32, i32) {
    %c0_i32 = arith.constant 0 : i32
    %c0_i32_0 = arith.constant 0 : i32
    %c0_i32_1 = arith.constant 0 : i32
    return %c0_i32, %c0_i32_0 : i32, i32
  }
  func.func @transform_7(%arg0: i32) -> (i32, i32) {
    %c0_i32 = arith.constant 0 : i32
    %c0_i32_0 = arith.constant 0 : i32
    return %arg0, %c0_i32 : i32, i32
  }
  func.func @transform_8(%arg0: i32) -> (i32, i32) {
    %c0_i32 = arith.constant 0 : i32
    %c0_i32_0 = arith.constant 0 : i32
    return %arg0, %c0_i32 : i32, i32
  }
  func.func @transform_9(%arg0: i32) -> (i32, i32) {
    %c0_i32 = arith.constant 0 : i32
    %c0_i32_0 = arith.constant 0 : i32
    return %arg0, %c0_i32 : i32, i32
  }
}

</mosaic_0001>

<sc_bundles>
// kernel: kernel.10.cloned.1.call-start
scs
__scs_entry_jumppad:
0x0: {  	(pc) =	sbr.rel $0x88, $3  }
0x1: {  	(tag) =	ssettag $0x0;
	lr =	simm.s32 $0x1  }
0x2: {  	[smem:$0x3F8A] =	sst lr;
	_ =	strace $0xD0000000  }
0x3: {  	_ = 	snop  }
0x4: {  	_ = 	snop  }
0x5: {  	_ = 	snop  }
0x6: {  	_ = 	snop  }
0x7: {  	_ = 	snop  }
__scs_overlays_trampoline_lowered:
0x8: {  	[smem:$0x3F99] =	sst s0  }
0x9: {  	[smem:$0x3F9A] =	sst s1  }
0xa: {  	[smem:$0x3F9B] =	sst s2  }
0xb: {  	[smem:$0x3F9C] =	sst s3  }
0xc: {  	[smem:$0x3F9D] =	sst s4  }
0xd: {  	[smem:$0x3F9E] =	sst s5  }
0xe: {  	[smem:$0x3F9F] =	sst s6  }
0xf: {  	[smem:$0x3FA0] =	sst s7  }
0x10: {  	[smem:$0x3FA1] =	sst s8  }
0x11: {  	[smem:$0x3FA2] =	sst s9;
	s0 =	simm.s32 @!p0 $0x0  }
0x12: {  	s1 =	sld [smem:$0x3F88];
	s0 =	simm.s32 @p0 $0x1  }
0x13: {  	[smem:$0x3FA3] =	sst s0;
	s0 =	simm.s32 @!p1 $0x0  }
0x14: {  	s2 =	sld [smem:$0x3F87];
	s0 =	simm.s32 @p1 $0x1  }
0x15: {  	[smem:$0x3FA4] =	sst s0;
	s0 =	simm.s32 @!p2 $0x0  }
0x16: {  	s3 =	sld [smem:$0x3FDB];
	s0 =	simm.s32 @p2 $0x1  }
0x17: {  	s4 =	simm.s32 $0x1BF5;
	[smem:$0x3FA6] =	sst s0  }
0x18: {  	s0 =	sld [smem:$0x3F89];
	_ =	swait.ge [sflag:s4], $0x0  }
0x19: {  	s7 =	sld [smem:$0x3F8A]  }
0x1a: {  	s8 =	sadd.s32 $0xFFFFE003, lr  }
0x1b: {  	s9 =	sadd.s32 $0xFFFFFEF7, lr;
	s5 =	simm.s32 $0xFFFFFFFF;
	p2 =	slt.u32 s8, $0xFFFFF086  }
0x1c: {  	p1 =	slt.u32 s9, $0xF7A;
	s5 =	simm.s32 @!p2 $0x0  }
0x1d: {  	s5 =	simm.s32 @p1 $0x1;
	p0 =	seq.s32 s7, s2  }
0x1e: {  	s7 =	smul.u32 @!p0 $0xF7A, s2;
	p2 =	seq.s32 @!p0 s5, $0x0  }
0x1f: {  	s9 =	smul.u32 $0xF7A, s1;
	s8 =	simm.s32 @!p0 $0x1BF5;
	p2 =	por !p2, p0  }
0x20: {  	[sflag:s8] =	ssyncset.s32 @!p0 $0xFFFFF086;
	s6 =	sadd.s32 @!p0 s3, s7;
	s7 =	simm.s32 @!p0 $0x108  }
0x21: {  	s3 =	sadd.s32 s3, s9;
	s6 =	sadd.s32 @!p0 $0x88, s6;
	s7 =	simm.s32 @p2 $0x1082  }
0x22: {  	[simem:s7], [sflag:s8] =	dma.local @!p0 [hbm:s6], $0xF7A  }
0x23: {  	s9 =	sor.u32 $0xD0000000, s2;
	s6 =	simm.s32 $0x108;
	_ =	swait.ge @!p0 [sflag:s8], $0x0  }
0x24: {  	s3 =	sadd.s32 $0x88, s3;
	s6 =	simm.s32 @!p1 $0x1082;
	[sflag:s4] =	ssyncset.s32 $0xFFFFF086  }
0x25: {  	[simem:s6], [sflag:s4] =	dma.local [hbm:s3], $0xF7A  }
0x26: {  	[smem:$0x3F8A] =	sst s1;
	(tag) =	ssettag s2;
	_ =	strace s9  }
0x27: {  	s1 =	sld [smem:$0x3F9A]  }
0x28: {  	s2 =	sld [smem:$0x3F9B]  }
0x29: {  	s4 =	sld [smem:$0x3F9D]  }
0x2a: {  	p0 =	seq.s32 s5, $0x0;
	s5 =	sld [smem:$0x3F9E]  }
0x2b: {  	s6 =	sld [smem:$0x3F9F]  }
0x2c: {  	s7 =	sld [smem:$0x3FA0]  }
0x2d: {  	s3 =	simm.s32 $0x108;
	s8 =	sld [smem:$0x3FA1]  }
0x2e: {  	s3 =	simm.s32 @!p0 $0x1082;
	s9 =	sld [smem:$0x3FA2]  }
0x2f: {  	lr =	sadd.s32 s0, s3;
	s0 =	sld [smem:$0x3F99]  }
0x30: {  	s3 =	sld [smem:$0x3F9C]  }
0x31: {  	[smem:$0x3FA5] =	sst s10  }
0x32: {  	s10 =	sld [smem:$0x3FA3];
	_ =	sdelay $0x3  }
0x33: {  	p0 =	seq.s32 s10, $0x1;
	s10 =	sld [smem:$0x3FA5];
	_ =	sdelay $0x3  }
0x34: {  	[smem:$0x3FA5] =	sst s10  }
0x35: {  	s10 =	sld [smem:$0x3FA4];
	_ =	sdelay $0x3  }
0x36: {  	p1 =	seq.s32 s10, $0x1;
	s10 =	sld [smem:$0x3FA5];
	_ =	sdelay $0x3  }
0x37: {  	[smem:$0x3FA5] =	sst s10  }
0x38: {  	s10 =	sld [smem:$0x3FA6]  }
0x39: {  	_ = 	snop;
	(pc) =	sbr.ind lr, $3  }
0x3a: {  	_ = 	snop  }
0x3b: {  	_ = 	snop  }
0x3c: {  	p2 =	seq.s32 s10, $0x1;
	s10 =	sld [smem:$0x3FA5]  }
0x3d: {  	_ =	shalt  }
0x3e: {  	_ =	shalt  }
0x3f: {  	_ =	shalt  }
0x40: {  	_ =	shalt  }
0x41: {  	_ =	shalt  }
0x42: {  	_ =	shalt  }
0x43: {  	_ =	shalt  }
0x44: {  	_ =	shalt  }
0x45: {  	_ =	shalt  }
0x46: {  	_ =	shalt  }
0x47: {  	_ =	shalt  }
0x48: {  	_ =	shalt  }
0x49: {  	_ =	shalt  }
0x4a: {  	_ =	shalt  }
0x4b: {  	_ =	shalt  }
0x4c: {  	_ =	shalt  }
0x4d: {  	_ =	shalt  }
0x4e: {  	_ =	shalt  }
0x4f: {  	_ =	shalt  }
0x50: {  	_ =	shalt  }
0x51: {  	_ =	shalt  }
0x52: {  	_ =	shalt  }
0x53: {  	_ =	shalt  }
0x54: {  	_ =	shalt  }
0x55: {  	_ =	shalt  }
0x56: {  	_ =	shalt  }
0x57: {  	_ =	shalt  }
0x58: {  	_ =	shalt  }
0x59: {  	_ =	shalt  }
0x5a: {  	_ =	shalt  }
0x5b: {  	_ =	shalt  }
0x5c: {  	_ =	shalt  }
0x5d: {  	_ =	shalt  }
0x5e: {  	_ =	shalt  }
0x5f: {  	_ =	shalt  }
0x60: {  	_ =	shalt  }
0x61: {  	_ =	shalt  }
0x62: {  	_ =	shalt  }
0x63: {  	_ =	shalt  }
0x64: {  	_ =	shalt  }
0x65: {  	_ =	shalt  }
0x66: {  	_ =	shalt  }
0x67: {  	_ =	shalt  }
0x68: {  	_ =	shalt  }
0x69: {  	_ =	shalt  }
0x6a: {  	_ =	shalt  }
0x6b: {  	_ =	shalt  }
0x6c: {  	_ =	shalt  }
0x6d: {  	_ =	shalt  }
0x6e: {  	_ =	shalt  }
0x6f: {  	_ =	shalt  }
0x70: {  	_ =	shalt  }
0x71: {  	_ =	shalt  }
0x72: {  	_ =	shalt  }
0x73: {  	_ =	shalt  }
0x74: {  	_ =	shalt  }
0x75: {  	_ =	shalt  }
0x76: {  	_ =	shalt  }
0x77: {  	_ =	shalt  }
0x78: {  	_ =	shalt  }
0x79: {  	_ =	shalt  }
0x7a: {  	_ =	shalt  }
0x7b: {  	_ =	shalt  }
0x7c: {  	_ =	shalt  }
0x7d: {  	_ =	shalt  }
0x7e: {  	_ =	shalt  }
0x7f: {  	_ =	shalt  }
0x80: {  	_ =	shalt  }
0x81: {  	_ =	shalt  }
0x82: {  	_ =	shalt  }
0x83: {  	_ =	shalt  }
0x84: {  	_ =	shalt  }
0x85: {  	_ =	shalt  }
0x86: {  	_ =	shalt  }
0x87: {  	_ =	shalt  }
.Lfunc_end0:
.L_simem_size_0:
called_computation_lowered:
.L_overlay_start_0:
0x88: {  	s2 =	sld [smem:$0x3FD9]  }
0x89: {  	s3 =	sld [smem:$0x3FFE];
	_ =	sdelay $0x1  }
0x8a: {  	s1 =	srdreg.scid  }
0x8b: {  	s0 =	sand.u32 $0x1, s1  }
0x8c: {  	s15 =	sshll.u32 s0, $0xA;
	s2 =	sadd.s32 s3, s2  }
0x8d: {  	s2 =	sadd.s32 s2, s15  }
0x8e: {  	[smem:$0x3FB1] =	sst s2  }
0x8f: {  	_ = 	snop  }
0x90: {  	s2 =	sld [smem:$0x3FD0];
	_ =	sdelay $0x2  }
0x91: {  	s5 =	simm.s32 $0xB;
	s16 =	simm.s32 $0x10  }
0x92: {  	[smem:s16], [sflag:s5] =	dma.local [hbm:s2], $0x1  }
0x93: {  	_ =	swait.eq [sflag:s5], $0x1  }
0x94: {  	s17 =	sld [smem:$0x10];
	[sflag:s5] =	ssyncset.done $0x0  }
0x95: {  	s4 =	sld [smem:$0x11];
	[sflag:s5] =	ssyncadd.s32 $0xFFFFFFFF  }
0x96: {  	s18 =	sld [smem:$0x13];
	(tm) =	ssettm $0x1  }
0x97: {  	s19 =	sld [smem:$0x3FFB];
	_ =	sdelay $0x3  }
0x98: {  	_ =	strace s19  }
0x99: {  	s2 =	sld [smem:$0x3FFC];
	_ =	sdelay $0x3  }
0x9a: {  	_ =	strace s2  }
0x9b: {  	s2 =	sld [smem:$0x3FFD];
	_ =	sdelay $0x3  }
0x9c: {  	_ =	strace s2  }
0x9d: {  	_ =	strace $0x8FFFFFFF  }
0x9e: {  	s20 =	sld [smem:$0x3FDB];
	_ =	sdelay $0x1  }
0x9f: {  	s6 =	simm.s32 $_scs_section_size  }
0xa0: {  	s7 =	simm.s32 $_size__tile_overlayer_lowered;
	s8 =	simm.s32 $_tile_overlayer_lowered  }
0xa1: {  	s9 =	simm.s32 $0x1BFF;
	s21 =	sshll.u32 s8, $0x1;
	s6 =	sadd.s32 s6, s20  }
0xa2: {  	s22 =	simm.s32 $0x0;
	s7 =	sshll.u32 s7, $0x1;
	s8 =	sadd.s32 s21, s6  }
0xa3: {  	[timem:s22], [sflag:s9] =	dma.local [hbm:s8], s7  }
0xa4: {  	_ =	swait.ge [sflag:s9], s7  }
0xa5: {  	s7 =	ssub.s32 $0x0, s7;
	[sflag:s9] =	ssyncset.done $0x0  }
0xa6: {  	[sflag:s9] =	ssyncadd.s32 s7;
	_ =	sdelay $0x1  }
0xa7: {  	s23 =	simm.s32 $0x1B8B  }
0xa8: {  	_ =	swait.ge [sflag:s23], $0x1  }
0xa9: {  	[sflag:s23] =	ssyncset.done $0x0  }
0xaa: {  	[sflag:s23] =	ssyncadd.s32 $0xFFFFFFFF  }
0xab: {  	s7 =	sld [smem:$0x0]  }
0xac: {  	s8 =	sand.u32 $0xFFFFFFFE, s1  }
0xad: {  	p0 =	sne.s32 s1, s8  }
0xae: {  	s8 =	sshll.u32 @p0 s8, $0xE  }
0xaf: {  	s8 =	sadd.s32 @p0 $0x11B8D, s8;
	s9 =	sshll.u32 @p0 s7, $0x11  }
0xb0: {  	s8 =	sor.u32 @p0 s9, s8  }
0xb1: {  	[sflag:s8] =	ssyncadd.remote.s32 @p0 $0x1;
	_ =	sdelay $0x1  }
0xb2: {  	s8 =	simm.s32 @p0 $0x1B8D  }
0xb3: {  	_ =	swait.eq @p0 [sflag:s8], $0x1  }
0xb4: {  	[sflag:s8] =	ssyncadd.s32 @p0 $0xFFFFFFFF  }
0xb5: {  	s9 =	sshll.u32 @!p0 s1, $0xE  }
0xb6: {  	s9 =	sor.u32 @!p0 $0x4000, s9;
	s8 =	simm.s32 @!p0 $0x1B8D  }
0xb7: {  	s7 =	sshll.u32 @!p0 s7, $0x11;
	s9 =	sadd.s32 @!p0 $0x11B8D, s9;
	_ =	swait.eq @!p0 [sflag:s8], $0x1  }
0xb8: {  	s7 =	sor.u32 @!p0 s7, s9;
	[sflag:s8] =	ssyncadd.s32 @!p0 $0xFFFFFFFF  }
0xb9: {  	s25 =	simm.s32 $0x1B8E;
	s24 =	sld [smem:$0x3FFE];
	[sflag:s7] =	ssyncadd.remote.s32 @!p0 $0x1  }
0xba: {  	s26 =	simm.s32 $execute0_lowered;
	[smem:$0x3FD2] =	sst s25  }
0xbb: {  	s8 =	sshll.u32 s26, $0x1;
	_ =	strace $0x80000049;
	[dreg:$0x1] =	wrdreg $0xFFFFFFFF  }
0xbc: {  	s28 =	simm.s32 $_size_execute0_lowered;
	s6 =	sadd.s32 s6, s8;
	[dreg:$0x0] =	wrdreg $0x0  }
0xbd: {  	s8 =	sshll.u32 s28, $0x1;
	[dreg:$0x2] =	wrdreg s6  }
0xbe: {  	[dreg:$0x3] =	wrdreg s8  }
0xbf: {  	[dreg:$0x4] =	wrdreg $0xC0  }
0xc0: {  	_ =	task [dreg:s22], $0x5FFFF  }
0xc1: {  	[dreg:$0x1] =	wrdreg $0xFFFFFFFF  }
0xc2: {  	[dreg:$0x0] =	wrdreg $0x60  }
0xc3: {  	[dreg:$0x2] =	wrdreg s18  }
0xc4: {  	[dreg:$0x3] =	wrdreg s17  }
0xc5: {  	[dreg:$0x4] =	wrdreg s4  }
0xc6: {  	[dreg:$0x5] =	wrdreg s24  }
0xc7: {  	[dreg:$0x6] =	wrdreg $0x0  }
0xc8: {  	[dreg:$0x7] =	wrdreg $0x9  }
0xc9: {  	_ =	task.clear_ibuf [dreg:s22], $0x8FFFF;
	_ =	strace $0x90000049  }
0xca: {  	s29 =	simm.s32 $0x9;
	_ =	strace $0x8000004B  }
0xcb: {  	_ =	swait.ge [sflag:s29], $0x1  }
0xcc: {  	[sflag:s29] =	ssyncadd.s32 $0xFFFFFFFF  }
0xcd: {  	_ =	strace $0x9000004B  }
0xce: {  	_ =	sfence  }
0xcf: {  	s30 =	sld [smem:$0x0];
	_ =	sdelay $0x2  }
0xd0: {  	s31 =	sshll.u32 s1, $0xD;
	s1 =	sshrl.u32 s1, $0x2  }
0xd1: {  	s4 =	sand.u32 $0x4000, s31;
	s1 =	sadd.s32 s1, s30  }
0xd2: {  	s0 =	sor.u32 s4, s0;
	s1 =	sshll.u32 s1, $0x11  }
0xd3: {  	s0 =	sor.u32 s1, s0  }
0xd4: {  	s0 =	sadd.s32 $0x8F2B, s0  }
0xd5: {  	[sflag:s0] =	ssyncadd.remote.s32 $0x1  }
0xd6: {  	_ =	sfence.sel $0xFFFF  }
0xd7: {  	[dreg:$0x0] =	wrdreg $0xFFFFFFFF;
	(pc) =	sbr.abs _section_cstart, $3  }
0xd8: {  	[dreg:$0x1] =	wrdreg $0xFFFFFFFF  }
0xd9: {  	_ =	task.clear_ibuf [dreg:s22], $0x2FFFF;
	_ =	strace $0x9FFFFFFF  }
0xda: {  	(tm) =	ssettm $0x7FFFFFFF  }
0xdb: {  	_ =	shalt  }
tec
execute0_lowered:
.L_overlay_start_1:
0x0: {  	(tag) =	ssettag $0x1  }
0x1: {  	s7 =	rddreg [dreg:$0x0]  }
0x2: {  	s0 =	rddreg [dreg:$0x1]  }
0x3: {  	s2 =	rddreg [dreg:$0x2]  }
0x4: {  	s6 =	rddreg [dreg:$0x3]  }
0x5: {  	s4 =	rddreg [dreg:$0x4]  }
0x6: {  	s1 =	srdreg.scid;
	s3 =	rddreg [dreg:$0x5]  }
0x7: {  	s5 =	simm.s32 $0x0;
	s13 =	simm.s32 $0x16800;
	s8 =	sand.u32 $0x1, s1  }
0x8: {  	s14 =	simm.s32 $0x80;
	s1 =	stileid.u32;
	s9 =	smul.u32 $0x140000, s8  }
0x9: {  	s15 =	simm.s32 $0x0;
	[smem:$0x7FF] =	sst s5;
	s10 =	smul.u32 $0x14000, s1  }
0xa: {  	_ =	strace $0x8000004A;
	s29 =	ssub.s32 $0x2, s8;
	s11 =	smul.u32 $0x50000, s1  }
0xb: {  	s12 =	sshll.u32 s1, $0x1;
	s31 =	sshll.u32 s1, $0x6;
	s30 =	sshrl.u32 s29, $0x1  }
0xc: {  	s8 =	sor.u32 s8, s12;
	s12 =	simm.s32 $0x14000;
	s9 =	sadd.s32 s10, s9  }
0xd: {  	s11 =	sshrl.u32 s11, $0x2;
	s8 =	smul.u32 $0x500, s8;
	s9 =	sshrl.u32 s9, $0x3  }
0xe: {  	s10 =	ssub.s32 s29, s30;
	s11 =	sadd.s32 s11, s4;
	s9 =	sadd.s32 s9, s6  }
0xf: {  	s6 =	sor.u32 $0x1C01, s31;
	s7 =	sadd.s32 s7, s8;
	s8 =	sadd.s32 $0x7C600, s9  }
0x10: {  	s9 =	smax.u32 s10, $0x1;
	s10 =	sshrl.u32 s11, $0x3;
	s11 =	simm.s32 $0x1  }
.LBB2_1:
0x11: {  	[spmem:s10], [sflag:s6] =	dma.local [hbm:s2], $0x2800  }
0x12: {  	_ =	swait.ge [sflag:s11], $0x2800  }
0x13: {  	[sflag:s11] =	ssyncset.done $0x0  }
0x14: {  	[sflag:s11] =	ssyncadd.s32 $0xFFFFD800  }
0x15: {  	[tilespmem:s12], [sflag:$0x1] =	stream.linear.gather [hbm4b:s7+s5], $0x2800, $0x38;
	[tilespmem:$0x1A800] =	vst v63  }
0x16: {  	_ =	swait.ge [sflag:s11], $0x2800  }
0x17: {  	[sflag:s11] =	ssyncset.done $0x0  }
0x18: {  	[sflag:s11] =	ssyncadd.s32 $0xFFFFD800  }
0x19: {  	[tilespmem:s13], [sflag:$0x1] =	stream.linear.gather [hbm4b:s0+s5], $0x4000, $0x38;
	[tilespmem:$0x1A800] =	vst v63  }
0x1a: {  	_ =	swait.ge [sflag:s11], $0x4000  }
0x1b: {  	[sflag:s11] =	ssyncset.done $0x0  }
0x1c: {  	[sflag:s11] =	ssyncadd.s32 $0xFFFFC000  }
0x1d: {  	s16 =	simm.s32 $0x14000;
	[bflag:$0x0] =	sbarrier.arrive $0xFFFF  }
0x1e: {  	[spmem:s4] =	stream.indirect.scatter.add.f32 [tilespmem:s13], [sflag:$0x1], $0x80, s16, s14, $0xb8;
	[tilespmem:$0x1A800] =	vst v63  }
0x1f: {  	s16 =	simm.s32 $0x200;
	_ =	swait.ge [sflag:s11], $0x4000  }
.LBB2_2:
0x20: {  	s17 =	sshra.s32 s16, $0x2;
	[sflag:s11] =	ssyncset.done $0x0;
	p0 =	sne.s32 s16, $0x9E00  }
.Ltmp0:
0x21: {  	s17 =	sadd.s32 $0x14000, s17;
	[sflag:s11] =	ssyncadd.s32 $0xFFFFC000;
	(pc) =	sbr.rel @p0 .LBB2_2-.Ltmp0, $3  }
0x22: {  	[spmem:s4] =	stream.indirect.scatter.add.f32 [tilespmem:s13], [sflag:$0x1], $0x80, s17, s14, $0xb8;
	[tilespmem:$0x1A800] =	vst v63  }
0x23: {  	s16 =	sadd.s32 $0x200, s16;
	_ =	sdelay $0x1  }
0x24: {  	_ =	swait.ge [sflag:s11], $0x4000  }
0x25: {  	[sflag:s11] =	ssyncset.done $0x0;
	s15 =	sadd.s32 $0x1, s15  }
0x26: {  	[sflag:s11] =	ssyncadd.s32 $0xFFFFC000;
	p0 =	sne.s32 s15, s9  }
.Ltmp1:
0x27: {  	[bflag:$0x0] =	sbarrier.arrive $0xFFFF;
	(pc) =	sbr.rel @p0 .LBB2_1-.Ltmp1, $4  }
0x28: {  	[hbm:s8], [sflag:s6] =	dma.local [spmem:s10], $0x2800  }
0x29: {  	_ =	swait.ge [sflag:s11], $0x2800  }
0x2a: {  	[sflag:s11] =	ssyncset.done $0x0  }
0x2b: {  	[sflag:s11] =	ssyncadd.s32 $0xFFFFD800  }
0x2c: {  	_ =	sfence.sel $0x180000  }
0x2d: {  	[bflag:$0x0] =	sbarrier.arrive $0xFFFF  }
0x2e: {  	p0 =	sne.s32 s1, $0x0;
	_ =	strace $0x9000004A  }
0x2f: {  	s0 =	sadd.s32 @!p0 $0x100000, s3;
	[bflag:$0x2] =	sbarrier.arrive $0xFFFF  }
0x30: {  	[sflag:s0] =	ssyncadd.tile.s32 @!p0 $0x1;
	_ =	shalt  }
.Lfunc_end2:
_tile_overlayer_lowered:
.L_overlay_start_2:
0x31: {  	(tag) =	ssettag $0x2  }
0x32: {  	s0 =	rddreg [dreg:$0x0];
	s2 =	stileid.u32  }
0x33: {  	s1 =	rddreg [dreg:$0x1];
	p0 =	sne.s32 s2, $0x0  }
0x34: {  	s3 =	rddreg [dreg:$0x2];
	[bflag:$0x3] =	sbarrier.arrive $0xFFFF;
	s2 =	simm.s32 @!p0 $0x1C01  }
0x35: {  	[timem:s3], [sflag:s2] =	dma.local @!p0 [hbm:s0], s1  }
0x36: {  	s0 =	simm.s32 @!p0 $0x1  }
0x37: {  	_ =	swait.ge @!p0 [sflag:s0], s1  }
0x38: {  	s1 =	ssub.s32 @!p0 $0x0, s1;
	[sflag:s0] =	ssyncset.done @!p0 $0x0  }
0x39: {  	[sflag:s0] =	ssyncadd.s32 @!p0 s1  }
0x3a: {  	[bflag:$0x3] =	sbarrier.arrive $0xFFFF  }
0x3b: {  	_ =	shalt  }

// kernel: kernel.13.cloned.1.call-start
scs
__scs_entry_jumppad:
0x0: {  	(pc) =	sbr.rel $0x88, $3  }
0x1: {  	(tag) =	ssettag $0x0;
	lr =	simm.s32 $0x1  }
0x2: {  	[smem:$0x3F8A] =	sst lr;
	_ =	strace $0xD0000000  }
0x3: {  	_ = 	snop  }
0x4: {  	_ = 	snop  }
0x5: {  	_ = 	snop  }
0x6: {  	_ = 	snop  }
0x7: {  	_ = 	snop  }
__scs_overlays_trampoline_lowered:
0x8: {  	[smem:$0x3F99] =	sst s0  }
0x9: {  	[smem:$0x3F9A] =	sst s1  }
0xa: {  	[smem:$0x3F9B] =	sst s2  }
0xb: {  	[smem:$0x3F9C] =	sst s3  }
0xc: {  	[smem:$0x3F9D] =	sst s4  }
0xd: {  	[smem:$0x3F9E] =	sst s5  }
0xe: {  	[smem:$0x3F9F] =	sst s6  }
0xf: {  	[smem:$0x3FA0] =	sst s7  }
0x10: {  	[smem:$0x3FA1] =	sst s8  }
0x11: {  	[smem:$0x3FA2] =	sst s9;
	s0 =	simm.s32 @!p0 $0x0  }
0x12: {  	s1 =	sld [smem:$0x3F88];
	s0 =	simm.s32 @p0 $0x1  }
0x13: {  	[smem:$0x3FA3] =	sst s0;
	s0 =	simm.s32 @!p1 $0x0  }
0x14: {  	s2 =	sld [smem:$0x3F87];
	s0 =	simm.s32 @p1 $0x1  }
0x15: {  	[smem:$0x3FA4] =	sst s0;
	s0 =	simm.s32 @!p2 $0x0  }
0x16: {  	s3 =	sld [smem:$0x3FDB];
	s0 =	simm.s32 @p2 $0x1  }
0x17: {  	s4 =	simm.s32 $0x1BF5;
	[smem:$0x3FA6] =	sst s0  }
0x18: {  	s0 =	sld [smem:$0x3F89];
	_ =	swait.ge [sflag:s4], $0x0  }
0x19: {  	s7 =	sld [smem:$0x3F8A]  }
0x1a: {  	s8 =	sadd.s32 $0xFFFFE003, lr  }
0x1b: {  	s9 =	sadd.s32 $0xFFFFFEF7, lr;
	s5 =	simm.s32 $0xFFFFFFFF;
	p2 =	slt.u32 s8, $0xFFFFF086  }
0x1c: {  	p1 =	slt.u32 s9, $0xF7A;
	s5 =	simm.s32 @!p2 $0x0  }
0x1d: {  	s5 =	simm.s32 @p1 $0x1;
	p0 =	seq.s32 s7, s2  }
0x1e: {  	s7 =	smul.u32 @!p0 $0xF7A, s2;
	p2 =	seq.s32 @!p0 s5, $0x0  }
0x1f: {  	s9 =	smul.u32 $0xF7A, s1;
	s8 =	simm.s32 @!p0 $0x1BF5;
	p2 =	por !p2, p0  }
0x20: {  	[sflag:s8] =	ssyncset.s32 @!p0 $0xFFFFF086;
	s6 =	sadd.s32 @!p0 s3, s7;
	s7 =	simm.s32 @!p0 $0x108  }
0x21: {  	s3 =	sadd.s32 s3, s9;
	s6 =	sadd.s32 @!p0 $0x88, s6;
	s7 =	simm.s32 @p2 $0x1082  }
0x22: {  	[simem:s7], [sflag:s8] =	dma.local @!p0 [hbm:s6], $0xF7A  }
0x23: {  	s9 =	sor.u32 $0xD0000000, s2;
	s6 =	simm.s32 $0x108;
	_ =	swait.ge @!p0 [sflag:s8], $0x0  }
0x24: {  	s3 =	sadd.s32 $0x88, s3;
	s6 =	simm.s32 @!p1 $0x1082;
	[sflag:s4] =	ssyncset.s32 $0xFFFFF086  }
0x25: {  	[simem:s6], [sflag:s4] =	dma.local [hbm:s3], $0xF7A  }
0x26: {  	[smem:$0x3F8A] =	sst s1;
	(tag) =	ssettag s2;
	_ =	strace s9  }
0x27: {  	s1 =	sld [smem:$0x3F9A]  }
0x28: {  	s2 =	sld [smem:$0x3F9B]  }
0x29: {  	s4 =	sld [smem:$0x3F9D]  }
0x2a: {  	p0 =	seq.s32 s5, $0x0;
	s5 =	sld [smem:$0x3F9E]  }
0x2b: {  	s6 =	sld [smem:$0x3F9F]  }
0x2c: {  	s7 =	sld [smem:$0x3FA0]  }
0x2d: {  	s3 =	simm.s32 $0x108;
	s8 =	sld [smem:$0x3FA1]  }
0x2e: {  	s3 =	simm.s32 @!p0 $0x1082;
	s9 =	sld [smem:$0x3FA2]  }
0x2f: {  	lr =	sadd.s32 s0, s3;
	s0 =	sld [smem:$0x3F99]  }
0x30: {  	s3 =	sld [smem:$0x3F9C]  }
0x31: {  	[smem:$0x3FA5] =	sst s10  }
0x32: {  	s10 =	sld [smem:$0x3FA3];
	_ =	sdelay $0x3  }
0x33: {  	p0 =	seq.s32 s10, $0x1;
	s10 =	sld [smem:$0x3FA5];
	_ =	sdelay $0x3  }
0x34: {  	[smem:$0x3FA5] =	sst s10  }
0x35: {  	s10 =	sld [smem:$0x3FA4];
	_ =	sdelay $0x3  }
0x36: {  	p1 =	seq.s32 s10, $0x1;
	s10 =	sld [smem:$0x3FA5];
	_ =	sdelay $0x3  }
0x37: {  	[smem:$0x3FA5] =	sst s10  }
0x38: {  	s10 =	sld [smem:$0x3FA6]  }
0x39: {  	_ = 	snop;
	(pc) =	sbr.ind lr, $3  }
0x3a: {  	_ = 	snop  }
0x3b: {  	_ = 	snop  }
0x3c: {  	p2 =	seq.s32 s10, $0x1;
	s10 =	sld [smem:$0x3FA5]  }
0x3d: {  	_ =	shalt  }
0x3e: {  	_ =	shalt  }
0x3f: {  	_ =	shalt  }
0x40: {  	_ =	shalt  }
0x41: {  	_ =	shalt  }
0x42: {  	_ =	shalt  }
0x43: {  	_ =	shalt  }
0x44: {  	_ =	shalt  }
0x45: {  	_ =	shalt  }
0x46: {  	_ =	shalt  }
0x47: {  	_ =	shalt  }
0x48: {  	_ =	shalt  }
0x49: {  	_ =	shalt  }
0x4a: {  	_ =	shalt  }
0x4b: {  	_ =	shalt  }
0x4c: {  	_ =	shalt  }
0x4d: {  	_ =	shalt  }
0x4e: {  	_ =	shalt  }
0x4f: {  	_ =	shalt  }
0x50: {  	_ =	shalt  }
0x51: {  	_ =	shalt  }
0x52: {  	_ =	shalt  }
0x53: {  	_ =	shalt  }
0x54: {  	_ =	shalt  }
0x55: {  	_ =	shalt  }
0x56: {  	_ =	shalt  }
0x57: {  	_ =	shalt  }
0x58: {  	_ =	shalt  }
0x59: {  	_ =	shalt  }
0x5a: {  	_ =	shalt  }
0x5b: {  	_ =	shalt  }
0x5c: {  	_ =	shalt  }
0x5d: {  	_ =	shalt  }
0x5e: {  	_ =	shalt  }
0x5f: {  	_ =	shalt  }
0x60: {  	_ =	shalt  }
0x61: {  	_ =	shalt  }
0x62: {  	_ =	shalt  }
0x63: {  	_ =	shalt  }
0x64: {  	_ =	shalt  }
0x65: {  	_ =	shalt  }
0x66: {  	_ =	shalt  }
0x67: {  	_ =	shalt  }
0x68: {  	_ =	shalt  }
0x69: {  	_ =	shalt  }
0x6a: {  	_ =	shalt  }
0x6b: {  	_ =	shalt  }
0x6c: {  	_ =	shalt  }
0x6d: {  	_ =	shalt  }
0x6e: {  	_ =	shalt  }
0x6f: {  	_ =	shalt  }
0x70: {  	_ =	shalt  }
0x71: {  	_ =	shalt  }
0x72: {  	_ =	shalt  }
0x73: {  	_ =	shalt  }
0x74: {  	_ =	shalt  }
0x75: {  	_ =	shalt  }
0x76: {  	_ =	shalt  }
0x77: {  	_ =	shalt  }
0x78: {  	_ =	shalt  }
0x79: {  	_ =	shalt  }
0x7a: {  	_ =	shalt  }
0x7b: {  	_ =	shalt  }
0x7c: {  	_ =	shalt  }
0x7d: {  	_ =	shalt  }
0x7e: {  	_ =	shalt  }
0x7f: {  	_ =	shalt  }
0x80: {  	_ =	shalt  }
0x81: {  	_ =	shalt  }
0x82: {  	_ =	shalt  }
0x83: {  	_ =	shalt  }
0x84: {  	_ =	shalt  }
0x85: {  	_ =	shalt  }
0x86: {  	_ =	shalt  }
0x87: {  	_ =	shalt  }
.Lfunc_end0:
.L_simem_size_0:
called_computation.1_lowered:
.L_overlay_start_0:
0x88: {  	s2 =	sld [smem:$0x3FD9]  }
0x89: {  	s3 =	sld [smem:$0x3FFE];
	_ =	sdelay $0x1  }
0x8a: {  	s1 =	srdreg.scid  }
0x8b: {  	s0 =	sand.u32 $0x1, s1  }
0x8c: {  	s14 =	sshll.u32 s0, $0xA;
	s2 =	sadd.s32 s3, s2  }
0x8d: {  	s2 =	sadd.s32 s2, s14  }
0x8e: {  	[smem:$0x3FB1] =	sst s2  }
0x8f: {  	_ = 	snop  }
0x90: {  	s2 =	sld [smem:$0x3FD0];
	_ =	sdelay $0x2  }
0x91: {  	s15 =	simm.s32 $0xB;
	s4 =	simm.s32 $0x10  }
0x92: {  	[smem:s4], [sflag:s15] =	dma.local [hbm:s2], $0x1  }
0x93: {  	_ =	swait.eq [sflag:s15], $0x1  }
0x94: {  	s16 =	sld [smem:$0x11];
	[sflag:s15] =	ssyncset.done $0x0  }
0x95: {  	s17 =	sld [smem:$0x12];
	[sflag:s15] =	ssyncadd.s32 $0xFFFFFFFF  }
0x96: {  	s18 =	sld [smem:$0x13];
	(tm) =	ssettm $0x1  }
0x97: {  	s5 =	sld [smem:$0x3FFB];
	_ =	sdelay $0x3  }
0x98: {  	_ =	strace s5  }
0x99: {  	s5 =	sld [smem:$0x3FFC];
	_ =	sdelay $0x3  }
0x9a: {  	_ =	strace s5  }
0x9b: {  	s5 =	sld [smem:$0x3FFD];
	_ =	sdelay $0x3  }
0x9c: {  	_ =	strace s5  }
0x9d: {  	_ =	strace $0x8FFFFFFF  }
0x9e: {  	s19 =	sld [smem:$0x3FDB];
	_ =	sdelay $0x1  }
0x9f: {  	s6 =	simm.s32 $_scs_section_size  }
0xa0: {  	s7 =	simm.s32 $_size__tile_overlayer_lowered;
	s8 =	simm.s32 $_tile_overlayer_lowered  }
0xa1: {  	s22 =	simm.s32 $0x1BFF;
	s21 =	sshll.u32 s8, $0x1;
	s5 =	sadd.s32 s6, s19  }
0xa2: {  	s9 =	simm.s32 $0x0;
	s20 =	sshll.u32 s7, $0x1;
	s7 =	sadd.s32 s21, s5  }
0xa3: {  	[timem:s9], [sflag:s22] =	dma.local [hbm:s7], s20  }
0xa4: {  	_ =	swait.ge [sflag:s22], s20  }
0xa5: {  	s6 =	ssub.s32 $0x0, s20;
	[sflag:s22] =	ssyncset.done $0x0  }
0xa6: {  	[sflag:s22] =	ssyncadd.s32 s6;
	_ =	sdelay $0x1  }
0xa7: {  	s23 =	simm.s32 $0x1B8B  }
0xa8: {  	_ =	swait.ge [sflag:s23], $0x1  }
0xa9: {  	[sflag:s23] =	ssyncset.done $0x0  }
0xaa: {  	s25 =	simm.s32 $0x1B8E;
	s24 =	sld [smem:$0x3FFE];
	[sflag:s23] =	ssyncadd.s32 $0xFFFFFFFF  }
0xab: {  	s26 =	simm.s32 $execute0_lowered;
	[smem:$0x3FD2] =	sst s25  }
0xac: {  	s7 =	sshll.u32 s26, $0x1;
	_ =	strace $0x80000046;
	[dreg:$0x1] =	wrdreg $0xFFFFFFFF  }
0xad: {  	s28 =	simm.s32 $_size_execute0_lowered;
	s5 =	sadd.s32 s5, s7;
	[dreg:$0x0] =	wrdreg $0x0  }
0xae: {  	s7 =	sshll.u32 s28, $0x1;
	[dreg:$0x2] =	wrdreg s5  }
0xaf: {  	[dreg:$0x3] =	wrdreg s7  }
0xb0: {  	[dreg:$0x4] =	wrdreg $0xC0  }
0xb1: {  	_ =	task [dreg:s9], $0x5FFFF  }
0xb2: {  	[dreg:$0x1] =	wrdreg $0xFFFFFFFF  }
0xb3: {  	[dreg:$0x0] =	wrdreg $0x60  }
0xb4: {  	[dreg:$0x2] =	wrdreg s24  }
0xb5: {  	[dreg:$0x3] =	wrdreg s17  }
0xb6: {  	[dreg:$0x4] =	wrdreg s18  }
0xb7: {  	[dreg:$0x5] =	wrdreg s16  }
0xb8: {  	[dreg:$0x6] =	wrdreg $0x0  }
0xb9: {  	[dreg:$0x7] =	wrdreg $0xA  }
0xba: {  	_ =	task.clear_ibuf [dreg:s9], $0x8FFFF;
	_ =	strace $0x90000046  }
0xbb: {  	s29 =	simm.s32 $0xA;
	_ =	strace $0x80000048  }
0xbc: {  	_ =	swait.ge [sflag:s29], $0x1  }
0xbd: {  	[sflag:s29] =	ssyncadd.s32 $0xFFFFFFFF  }
0xbe: {  	_ =	strace $0x90000048  }
0xbf: {  	_ =	sfence  }
0xc0: {  	s30 =	sld [smem:$0x0];
	_ =	sdelay $0x2  }
0xc1: {  	s31 =	sshll.u32 s1, $0xD;
	s1 =	sshrl.u32 s1, $0x2  }
0xc2: {  	s3 =	sand.u32 $0x4000, s31;
	s1 =	sadd.s32 s1, s30  }
0xc3: {  	s0 =	sor.u32 s3, s0;
	s1 =	sshll.u32 s1, $0x11  }
0xc4: {  	s0 =	sor.u32 s1, s0  }
0xc5: {  	s0 =	sadd.s32 $0x8F2B, s0  }
0xc6: {  	[sflag:s0] =	ssyncadd.remote.s32 $0x1  }
0xc7: {  	_ =	sfence.sel $0xFFFF  }
0xc8: {  	[dreg:$0x0] =	wrdreg $0xFFFFFFFF;
	(pc) =	sbr.abs _section_cstart, $3  }
0xc9: {  	[dreg:$0x1] =	wrdreg $0xFFFFFFFF  }
0xca: {  	_ =	task.clear_ibuf [dreg:s9], $0x2FFFF;
	_ =	strace $0x9FFFFFFF  }
0xcb: {  	(tm) =	ssettm $0x7FFFFFFF  }
tec
execute0_lowered:
.L_overlay_start_1:
0x0: {  	(tag) =	ssettag $0x1  }
0x1: {  	s0 =	rddreg [dreg:$0x0]  }
0x2: {  	s1 =	rddreg [dreg:$0x1]  }
0x3: {  	s2 =	rddreg [dreg:$0x2];
	s4 =	srdreg.scid  }
0x4: {  	s3 =	rddreg [dreg:$0x4];
	s11 =	stileid.u32  }
0x5: {  	s12 =	simm.s32 $0x3;
	s13 =	simm.s32 $0x14000;
	s14 =	simm.s32 $0x14400  }
0x6: {  	s15 =	simm.s32 $0x80;
	s16 =	simm.s32 $0x14800;
	s17 =	simm.s32 $0x14080  }
0x7: {  	s18 =	simm.s32 $0x18800;
	s19 =	simm.s32 $0x1;
	s20 =	simm.s32 $0x14100  }
0x8: {  	s21 =	simm.s32 $0x2;
	s22 =	simm.s32 $0x14480;
	s28 =	simm.s32 $0x14280  }
0x9: {  	s29 =	simm.s32 $0x14600;
	s30 =	simm.s32 $0x14300;
	s6 =	smul.u32 $0x14000, s11  }
0xa: {  	s31 =	simm.s32 $0x14680;
	s7 =	sand.u32 $0x1, s4;
	s23 =	smul.u32 $0x50000, s11  }
0xb: {  	s4 =	simm.s32 $0x0;
	s10 =	sshll.u32 s11, $0x3;
	s5 =	smul.u32 $0x140000, s7  }
0xc: {  	[smem:$0x7FF] =	sst s4;
	s8 =	ssub.s32 $0x2, s7;
	p0 =	seq.s32 s7, $0x0  }
0xd: {  	s10 =	sor.u32 $0x980, s10;
	_ =	strace $0x80000047;
	s9 =	sshrl.u32 s8, $0x1  }
0xe: {  	s6 =	sadd.s32 s6, s5;
	s5 =	sadd.s32 $0x4600, s0;
	s8 =	ssub.s32 s8, s9  }
0xf: {  	s9 =	smul.u32 $0x98, s11;
	s11 =	sshll.u32 s11, $0x6;
	s6 =	sshrl.u32 s6, $0x3  }
0x10: {  	s25 =	smax.u32 s8, $0x1;
	s0 =	sadd.s32 s6, s0;
	s6 =	sshrl.u32 s23, $0x2  }
0x11: {  	s10 =	smov.u32 @p0 s9;
	[dreg:$0x7] =	wrdreg s25;
	p0 =	sne.s32 s7, $0x0  }
0x12: {  	s23 =	simm.s32 $0x14180;
	s25 =	simm.s32 $0x14200;
	s7 =	simm.s32 $0x0  }
0x13: {  	s24 =	sadd.s32 s6, s3;
	s0 =	sadd.s32 $0x2C600, s0;
	s26 =	sshll.u32 s10, $0x4  }
0x14: {  	s6 =	sor.u32 $0x1C03, s11;
	[dreg:$0x6] =	wrdreg s0;
	s2 =	sadd.s32 s26, s2  }
0x15: {  	s0 =	sadd.s32 s26, s1;
	s11 =	sshrl.u32 s24, $0x3;
	s24 =	simm.s32 $0x14500  }
0x16: {  	s26 =	simm.s32 $0x14580;
	s1 =	simm.s32 $0x14700;
	[dreg:$0x8] =	wrdreg s2  }
0x17: {  	[dreg:$0x9] =	wrdreg s0;
	s0 =	simm.s32 $0x14380;
	s2 =	simm.s32 $0x14780  }
.LBB2_1:
0x18: {  	s8 =	rddreg [dreg:$0x3]  }
0x19: {  	[spmem:s11], [sflag:s6] =	dma.local [hbm:s8], $0x2800  }
0x1a: {  	_ =	swait.ge [sflag:s12], $0x2800  }
0x1b: {  	[sflag:s12] =	ssyncset.done $0x0  }
0x1c: {  	[sflag:s12] =	ssyncadd.s32 $0xFFFFD800  }
0x1d: {  	[bflag:$0x0] =	sbarrier.arrive $0xFFFF  }
0x1e: {  	s10 =	rddreg [dreg:$0x9]  }
0x1f: {  	s8 =	simm.s32 $0x0;
	s9 =	rddreg [dreg:$0x8]  }
.LBB2_2:
0x20: {  	[tilespmem:s13], [sflag:$0x3] =	stream.linear.gather [hbm4b:s10+s4], $0x400, $0x38;
	[tilespmem:$0x1C800] =	vst v63  }
0x21: {  	_ =	swait.ge [sflag:s12], $0x400  }
0x22: {  	[sflag:s12] =	ssyncset.done $0x0  }
0x23: {  	[sflag:s12] =	ssyncadd.s32 $0xFFFFFC00  }
0x24: {  	[tilespmem:s14], [sflag:$0x3] =	stream.linear.gather [hbm4b:s9+s4], $0x400, $0x38;
	[tilespmem:$0x1C800] =	vst v63  }
0x25: {  	_ =	swait.ge [sflag:s12], $0x400  }
0x26: {  	[sflag:s12] =	ssyncset.done $0x0  }
0x27: {  	[sflag:s12] =	ssyncadd.s32 $0xFFFFFC00  }
0x28: {  	[tilespmem:s16], [sflag:$0x1] =	stream.indirect.gather [hbm4b:s5+s15], $0x80, s13, s15, $0xb8;
	[tilespmem:$0x1C800] =	vst v63  }
0x29: {  	_ = 	snop  }
0x2a: {  	[tilespmem:s18], [sflag:$0x2] =	stream.indirect.gather [hbm4b:s5+s15], $0x80, s17, s15, $0xb8;
	[tilespmem:$0x1C800] =	vst v63  }
0x2b: {  	_ =	swait.ge [sflag:s19], $0x4000  }
0x2c: {  	[sflag:s19] =	ssyncset.done $0x0  }
0x2d: {  	[sflag:s19] =	ssyncadd.s32 $0xFFFFC000  }
0x2e: {  	[spmem:s3] =	stream.indirect.scatter.add.f32 [tilespmem:s16], [sflag:$0x3], $0x80, s14, s15, $0xb8;
	[tilespmem:$0x1C800] =	vst v63  }
0x2f: {  	_ =	swait.ge [sflag:s12], $0x4000  }
0x30: {  	[sflag:s12] =	ssyncset.done $0x0  }
0x31: {  	[sflag:s12] =	ssyncadd.s32 $0xFFFFC000  }
0x32: {  	[tilespmem:s16], [sflag:$0x1] =	stream.indirect.gather [hbm4b:s5+s15], $0x80, s20, s15, $0xb8;
	[tilespmem:$0x1C800] =	vst v63  }
0x33: {  	_ =	swait.ge [sflag:s21], $0x4000  }
0x34: {  	[sflag:s21] =	ssyncset.done $0x0  }
0x35: {  	[sflag:s21] =	ssyncadd.s32 $0xFFFFC000  }
0x36: {  	[spmem:s3] =	stream.indirect.scatter.add.f32 [tilespmem:s18], [sflag:$0x3], $0x80, s22, s15, $0xb8;
	[tilespmem:$0x1C800] =	vst v63  }
0x37: {  	_ =	swait.ge [sflag:s12], $0x4000  }
0x38: {  	[sflag:s12] =	ssyncset.done $0x0  }
0x39: {  	[sflag:s12] =	ssyncadd.s32 $0xFFFFC000  }
0x3a: {  	[tilespmem:s18], [sflag:$0x2] =	stream.indirect.gather [hbm4b:s5+s15], $0x80, s23, s15, $0xb8;
	[tilespmem:$0x1C800] =	vst v63  }
0x3b: {  	_ =	swait.ge [sflag:s19], $0x4000  }
0x3c: {  	[sflag:s19] =	ssyncset.done $0x0  }
0x3d: {  	[sflag:s19] =	ssyncadd.s32 $0xFFFFC000  }
0x3e: {  	[spmem:s3] =	stream.indirect.scatter.add.f32 [tilespmem:s16], [sflag:$0x3], $0x80, s24, s15, $0xb8;
	[tilespmem:$0x1C800] =	vst v63  }
0x3f: {  	_ =	swait.ge [sflag:s12], $0x4000  }
0x40: {  	[sflag:s12] =	ssyncset.done $0x0  }
0x41: {  	[sflag:s12] =	ssyncadd.s32 $0xFFFFC000  }
0x42: {  	[tilespmem:s16], [sflag:$0x1] =	stream.indirect.gather [hbm4b:s5+s15], $0x80, s25, s15, $0xb8;
	[tilespmem:$0x1C800] =	vst v63  }
0x43: {  	_ =	swait.ge [sflag:s21], $0x4000  }
0x44: {  	[sflag:s21] =	ssyncset.done $0x0  }
0x45: {  	[sflag:s21] =	ssyncadd.s32 $0xFFFFC000  }
0x46: {  	[spmem:s3] =	stream.indirect.scatter.add.f32 [tilespmem:s18], [sflag:$0x3], $0x80, s26, s15, $0xb8;
	[tilespmem:$0x1C800] =	vst v63  }
0x47: {  	_ =	swait.ge [sflag:s12], $0x4000  }
0x48: {  	[sflag:s12] =	ssyncset.done $0x0  }
0x49: {  	[sflag:s12] =	ssyncadd.s32 $0xFFFFC000  }
0x4a: {  	[tilespmem:s18], [sflag:$0x2] =	stream.indirect.gather [hbm4b:s5+s15], $0x80, s28, s15, $0xb8;
	[tilespmem:$0x1C800] =	vst v63  }
0x4b: {  	_ =	swait.ge [sflag:s19], $0x4000  }
0x4c: {  	[sflag:s19] =	ssyncset.done $0x0  }
0x4d: {  	[sflag:s19] =	ssyncadd.s32 $0xFFFFC000  }
0x4e: {  	[spmem:s3] =	stream.indirect.scatter.add.f32 [tilespmem:s16], [sflag:$0x3], $0x80, s29, s15, $0xb8;
	[tilespmem:$0x1C800] =	vst v63  }
0x4f: {  	_ =	swait.ge [sflag:s12], $0x4000  }
0x50: {  	[sflag:s12] =	ssyncset.done $0x0  }
0x51: {  	[sflag:s12] =	ssyncadd.s32 $0xFFFFC000  }
0x52: {  	[tilespmem:s16], [sflag:$0x1] =	stream.indirect.gather [hbm4b:s5+s15], $0x80, s30, s15, $0xb8;
	[tilespmem:$0x1C800] =	vst v63  }
0x53: {  	_ =	swait.ge [sflag:s21], $0x4000  }
0x54: {  	[sflag:s21] =	ssyncset.done $0x0  }
0x55: {  	[sflag:s21] =	ssyncadd.s32 $0xFFFFC000  }
0x56: {  	[spmem:s3] =	stream.indirect.scatter.add.f32 [tilespmem:s18], [sflag:$0x3], $0x80, s31, s15, $0xb8;
	[tilespmem:$0x1C800] =	vst v63  }
0x57: {  	_ =	swait.ge [sflag:s12], $0x4000  }
0x58: {  	[sflag:s12] =	ssyncset.done $0x0  }
0x59: {  	[sflag:s12] =	ssyncadd.s32 $0xFFFFC000  }
0x5a: {  	[tilespmem:s18], [sflag:$0x2] =	stream.indirect.gather [hbm4b:s5+s15], $0x80, s0, s15, $0xb8;
	[tilespmem:$0x1C800] =	vst v63  }
0x5b: {  	_ =	swait.ge [sflag:s19], $0x4000  }
0x5c: {  	[sflag:s19] =	ssyncset.done $0x0  }
0x5d: {  	[sflag:s19] =	ssyncadd.s32 $0xFFFFC000  }
0x5e: {  	[spmem:s3] =	stream.indirect.scatter.add.f32 [tilespmem:s16], [sflag:$0x3], $0x80, s1, s15, $0xb8;
	[tilespmem:$0x1C800] =	vst v63  }
0x5f: {  	_ =	swait.ge [sflag:s12], $0x4000  }
0x60: {  	[sflag:s12] =	ssyncset.done $0x0  }
0x61: {  	[sflag:s12] =	ssyncadd.s32 $0xFFFFC000  }
0x62: {  	p1 =	slt.u32 @!p0 s8, $0x12;
	_ =	swait.ge [sflag:s21], $0x4000  }
0x63: {  	p1 =	por p0, !p1;
	[sflag:s21] =	ssyncset.done $0x0  }
.Ltmp0:
0x64: {  	[sflag:s21] =	ssyncadd.s32 $0xFFFFC000;
	(pc) =	sbr.rel @!p1 .LBB2_2-.Ltmp0, $4  }
0x65: {  	[spmem:s3] =	stream.indirect.scatter.add.f32 [tilespmem:s18], [sflag:$0x3], $0x80, s2, s15, $0xb8;
	[tilespmem:$0x1C800] =	vst v63  }
0x66: {  	_ =	swait.ge [sflag:s12], $0x4000  }
0x67: {  	s8 =	sadd.s32 $0x1, s8;
	[sflag:s12] =	ssyncset.done $0x0  }
0x68: {  	s10 =	sadd.s32 $0x80, s10;
	s9 =	sadd.s32 $0x80, s9;
	[sflag:s12] =	ssyncadd.s32 $0xFFFFC000  }
0x69: {  	[bflag:$0x0] =	sbarrier.arrive $0xFFFF  }
0x6a: {  	s8 =	rddreg [dreg:$0x6]  }
0x6b: {  	[hbm:s8], [sflag:s6] =	dma.local [spmem:s11], $0x2800  }
0x6c: {  	_ =	swait.ge [sflag:s12], $0x2800  }
0x6d: {  	s7 =	sadd.s32 $0x1, s7;
	s10 =	rddreg [dreg:$0x7]  }
0x6e: {  	p1 =	sne.s32 s7, s10  }
.Ltmp1:
0x6f: {  	_ = 	snop;
	(pc) =	sbr.rel @p1 .LBB2_1-.Ltmp1, $3  }
0x70: {  	_ =	sdelay $0x1  }
0x71: {  	[sflag:s12] =	ssyncset.done $0x0  }
0x72: {  	[sflag:s12] =	ssyncadd.s32 $0xFFFFD800  }
0x73: {  	_ =	sfence.sel $0x180000  }
0x74: {  	[bflag:$0x0] =	sbarrier.arrive $0xFFFF  }
0x75: {  	_ =	strace $0x90000047  }
0x76: {  	s0 =	stileid.u32;
	[bflag:$0x2] =	sbarrier.arrive $0xFFFF  }
0x77: {  	p0 =	sne.s32 s0, $0x0;
	s0 =	rddreg [dreg:$0x5]  }
0x78: {  	s0 =	sadd.s32 @!p0 $0x100000, s0  }
0x79: {  	[sflag:s0] =	ssyncadd.tile.s32 @!p0 $0x1;
	_ =	shalt  }
.Lfunc_end2:
_tile_overlayer_lowered:
.L_overlay_start_2:
0x7a: {  	(tag) =	ssettag $0x2  }
0x7b: {  	s0 =	rddreg [dreg:$0x0];
	s2 =	stileid.u32  }
0x7c: {  	s1 =	rddreg [dreg:$0x1];
	p0 =	sne.s32 s2, $0x0  }
0x7d: {  	s3 =	rddreg [dreg:$0x2];
	[bflag:$0x3] =	sbarrier.arrive $0xFFFF;
	s2 =	simm.s32 @!p0 $0x1C03  }
0x7e: {  	[timem:s3], [sflag:s2] =	dma.local @!p0 [hbm:s0], s1  }
0x7f: {  	s0 =	simm.s32 @!p0 $0x3  }
0x80: {  	_ =	swait.ge @!p0 [sflag:s0], s1  }
0x81: {  	s1 =	ssub.s32 @!p0 $0x0, s1;
	[sflag:s0] =	ssyncset.done @!p0 $0x0  }
0x82: {  	[sflag:s0] =	ssyncadd.s32 @!p0 s1  }
0x83: {  	[bflag:$0x3] =	sbarrier.arrive $0xFFFF  }
0x84: {  	_ =	shalt  }

// kernel: kernel.16.cloned.1.call-start
scs
__scs_entry_jumppad:
0x0: {  	(pc) =	sbr.rel $0x88, $3  }
0x1: {  	(tag) =	ssettag $0x0;
	lr =	simm.s32 $0x1  }
0x2: {  	[smem:$0x3F8A] =	sst lr;
	_ =	strace $0xD0000000  }
0x3: {  	_ = 	snop  }
0x4: {  	_ = 	snop  }
0x5: {  	_ = 	snop  }
0x6: {  	_ = 	snop  }
0x7: {  	_ = 	snop  }
__scs_overlays_trampoline_lowered:
0x8: {  	[smem:$0x3F99] =	sst s0  }
0x9: {  	[smem:$0x3F9A] =	sst s1  }
0xa: {  	[smem:$0x3F9B] =	sst s2  }
0xb: {  	[smem:$0x3F9C] =	sst s3  }
0xc: {  	[smem:$0x3F9D] =	sst s4  }
0xd: {  	[smem:$0x3F9E] =	sst s5  }
0xe: {  	[smem:$0x3F9F] =	sst s6  }
0xf: {  	[smem:$0x3FA0] =	sst s7  }
0x10: {  	[smem:$0x3FA1] =	sst s8  }
0x11: {  	[smem:$0x3FA2] =	sst s9;
	s0 =	simm.s32 @!p0 $0x0  }
0x12: {  	s1 =	sld [smem:$0x3F88];
	s0 =	simm.s32 @p0 $0x1  }
0x13: {  	[smem:$0x3FA3] =	sst s0;
	s0 =	simm.s32 @!p1 $0x0  }
0x14: {  	s2 =	sld [smem:$0x3F87];
	s0 =	simm.s32 @p1 $0x1  }
0x15: {  	[smem:$0x3FA4] =	sst s0;
	s0 =	simm.s32 @!p2 $0x0  }
0x16: {  	s3 =	sld [smem:$0x3FDB];
	s0 =	simm.s32 @p2 $0x1  }
0x17: {  	s4 =	simm.s32 $0x1BF5;
	[smem:$0x3FA6] =	sst s0  }
0x18: {  	s0 =	sld [smem:$0x3F89];
	_ =	swait.ge [sflag:s4], $0x0  }
0x19: {  	s7 =	sld [smem:$0x3F8A]  }
0x1a: {  	s8 =	sadd.s32 $0xFFFFE003, lr  }
0x1b: {  	s9 =	sadd.s32 $0xFFFFFEF7, lr;
	s5 =	simm.s32 $0xFFFFFFFF;
	p2 =	slt.u32 s8, $0xFFFFF086  }
0x1c: {  	p1 =	slt.u32 s9, $0xF7A;
	s5 =	simm.s32 @!p2 $0x0  }
0x1d: {  	s5 =	simm.s32 @p1 $0x1;
	p0 =	seq.s32 s7, s2  }
0x1e: {  	s7 =	smul.u32 @!p0 $0xF7A, s2;
	p2 =	seq.s32 @!p0 s5, $0x0  }
0x1f: {  	s9 =	smul.u32 $0xF7A, s1;
	s8 =	simm.s32 @!p0 $0x1BF5;
	p2 =	por !p2, p0  }
0x20: {  	[sflag:s8] =	ssyncset.s32 @!p0 $0xFFFFF086;
	s6 =	sadd.s32 @!p0 s3, s7;
	s7 =	simm.s32 @!p0 $0x108  }
0x21: {  	s3 =	sadd.s32 s3, s9;
	s6 =	sadd.s32 @!p0 $0x88, s6;
	s7 =	simm.s32 @p2 $0x1082  }
0x22: {  	[simem:s7], [sflag:s8] =	dma.local @!p0 [hbm:s6], $0xF7A  }
0x23: {  	s9 =	sor.u32 $0xD0000000, s2;
	s6 =	simm.s32 $0x108;
	_ =	swait.ge @!p0 [sflag:s8], $0x0  }
0x24: {  	s3 =	sadd.s32 $0x88, s3;
	s6 =	simm.s32 @!p1 $0x1082;
	[sflag:s4] =	ssyncset.s32 $0xFFFFF086  }
0x25: {  	[simem:s6], [sflag:s4] =	dma.local [hbm:s3], $0xF7A  }
0x26: {  	[smem:$0x3F8A] =	sst s1;
	(tag) =	ssettag s2;
	_ =	strace s9  }
0x27: {  	s1 =	sld [smem:$0x3F9A]  }
0x28: {  	s2 =	sld [smem:$0x3F9B]  }
0x29: {  	s4 =	sld [smem:$0x3F9D]  }
0x2a: {  	p0 =	seq.s32 s5, $0x0;
	s5 =	sld [smem:$0x3F9E]  }
0x2b: {  	s6 =	sld [smem:$0x3F9F]  }
0x2c: {  	s7 =	sld [smem:$0x3FA0]  }
0x2d: {  	s3 =	simm.s32 $0x108;
	s8 =	sld [smem:$0x3FA1]  }
0x2e: {  	s3 =	simm.s32 @!p0 $0x1082;
	s9 =	sld [smem:$0x3FA2]  }
0x2f: {  	lr =	sadd.s32 s0, s3;
	s0 =	sld [smem:$0x3F99]  }
0x30: {  	s3 =	sld [smem:$0x3F9C]  }
0x31: {  	[smem:$0x3FA5] =	sst s10  }
0x32: {  	s10 =	sld [smem:$0x3FA3];
	_ =	sdelay $0x3  }
0x33: {  	p0 =	seq.s32 s10, $0x1;
	s10 =	sld [smem:$0x3FA5];
	_ =	sdelay $0x3  }
0x34: {  	[smem:$0x3FA5] =	sst s10  }
0x35: {  	s10 =	sld [smem:$0x3FA4];
	_ =	sdelay $0x3  }
0x36: {  	p1 =	seq.s32 s10, $0x1;
	s10 =	sld [smem:$0x3FA5];
	_ =	sdelay $0x3  }
0x37: {  	[smem:$0x3FA5] =	sst s10  }
0x38: {  	s10 =	sld [smem:$0x3FA6]  }
0x39: {  	_ = 	snop;
	(pc) =	sbr.ind lr, $3  }
0x3a: {  	_ = 	snop  }
0x3b: {  	_ = 	snop  }
0x3c: {  	p2 =	seq.s32 s10, $0x1;
	s10 =	sld [smem:$0x3FA5]  }
0x3d: {  	_ =	shalt  }
0x3e: {  	_ =	shalt  }
0x3f: {  	_ =	shalt  }
0x40: {  	_ =	shalt  }
0x41: {  	_ =	shalt  }
0x42: {  	_ =	shalt  }
0x43: {  	_ =	shalt  }
0x44: {  	_ =	shalt  }
0x45: {  	_ =	shalt  }
0x46: {  	_ =	shalt  }
0x47: {  	_ =	shalt  }
0x48: {  	_ =	shalt  }
0x49: {  	_ =	shalt  }
0x4a: {  	_ =	shalt  }
0x4b: {  	_ =	shalt  }
0x4c: {  	_ =	shalt  }
0x4d: {  	_ =	shalt  }
0x4e: {  	_ =	shalt  }
0x4f: {  	_ =	shalt  }
0x50: {  	_ =	shalt  }
0x51: {  	_ =	shalt  }
0x52: {  	_ =	shalt  }
0x53: {  	_ =	shalt  }
0x54: {  	_ =	shalt  }
0x55: {  	_ =	shalt  }
0x56: {  	_ =	shalt  }
0x57: {  	_ =	shalt  }
0x58: {  	_ =	shalt  }
0x59: {  	_ =	shalt  }
0x5a: {  	_ =	shalt  }
0x5b: {  	_ =	shalt  }
0x5c: {  	_ =	shalt  }
0x5d: {  	_ =	shalt  }
0x5e: {  	_ =	shalt  }
0x5f: {  	_ =	shalt  }
0x60: {  	_ =	shalt  }
0x61: {  	_ =	shalt  }
0x62: {  	_ =	shalt  }
0x63: {  	_ =	shalt  }
0x64: {  	_ =	shalt  }
0x65: {  	_ =	shalt  }
0x66: {  	_ =	shalt  }
0x67: {  	_ =	shalt  }
0x68: {  	_ =	shalt  }
0x69: {  	_ =	shalt  }
0x6a: {  	_ =	shalt  }
0x6b: {  	_ =	shalt  }
0x6c: {  	_ =	shalt  }
0x6d: {  	_ =	shalt  }
0x6e: {  	_ =	shalt  }
0x6f: {  	_ =	shalt  }
0x70: {  	_ =	shalt  }
0x71: {  	_ =	shalt  }
0x72: {  	_ =	shalt  }
0x73: {  	_ =	shalt  }
0x74: {  	_ =	shalt  }
0x75: {  	_ =	shalt  }
0x76: {  	_ =	shalt  }
0x77: {  	_ =	shalt  }
0x78: {  	_ =	shalt  }
0x79: {  	_ =	shalt  }
0x7a: {  	_ =	shalt  }
0x7b: {  	_ =	shalt  }
0x7c: {  	_ =	shalt  }
0x7d: {  	_ =	shalt  }
0x7e: {  	_ =	shalt  }
0x7f: {  	_ =	shalt  }
0x80: {  	_ =	shalt  }
0x81: {  	_ =	shalt  }
0x82: {  	_ =	shalt  }
0x83: {  	_ =	shalt  }
0x84: {  	_ =	shalt  }
0x85: {  	_ =	shalt  }
0x86: {  	_ =	shalt  }
0x87: {  	_ =	shalt  }
.Lfunc_end0:
.L_simem_size_0:
called_computation.2_lowered:
.L_overlay_start_0:
0x88: {  	s2 =	sld [smem:$0x3FD9]  }
0x89: {  	s3 =	sld [smem:$0x3FFE];
	_ =	sdelay $0x1  }
0x8a: {  	s1 =	srdreg.scid  }
0x8b: {  	s0 =	sand.u32 $0x1, s1  }
0x8c: {  	s14 =	sshll.u32 s0, $0xA;
	s2 =	sadd.s32 s3, s2  }
0x8d: {  	s2 =	sadd.s32 s2, s14  }
0x8e: {  	[smem:$0x3FB1] =	sst s2  }
0x8f: {  	_ = 	snop  }
0x90: {  	s2 =	sld [smem:$0x3FD0];
	_ =	sdelay $0x2  }
0x91: {  	s15 =	simm.s32 $0xB;
	s4 =	simm.s32 $0x10  }
0x92: {  	[smem:s4], [sflag:s15] =	dma.local [hbm:s2], $0x1  }
0x93: {  	_ =	swait.eq [sflag:s15], $0x1  }
0x94: {  	s16 =	sld [smem:$0x11];
	[sflag:s15] =	ssyncset.done $0x0  }
0x95: {  	s17 =	sld [smem:$0x12];
	[sflag:s15] =	ssyncadd.s32 $0xFFFFFFFF  }
0x96: {  	s18 =	sld [smem:$0x13];
	(tm) =	ssettm $0x1  }
0x97: {  	s5 =	sld [smem:$0x3FFB];
	_ =	sdelay $0x3  }
0x98: {  	_ =	strace s5  }
0x99: {  	s5 =	sld [smem:$0x3FFC];
	_ =	sdelay $0x3  }
0x9a: {  	_ =	strace s5  }
0x9b: {  	s5 =	sld [smem:$0x3FFD];
	_ =	sdelay $0x3  }
0x9c: {  	_ =	strace s5  }
0x9d: {  	_ =	strace $0x8FFFFFFF  }
0x9e: {  	s19 =	sld [smem:$0x3FDB];
	_ =	sdelay $0x1  }
0x9f: {  	s6 =	simm.s32 $_scs_section_size  }
0xa0: {  	s7 =	simm.s32 $_size__tile_overlayer_lowered;
	s8 =	simm.s32 $_tile_overlayer_lowered  }
0xa1: {  	s22 =	simm.s32 $0x1BFF;
	s21 =	sshll.u32 s8, $0x1;
	s5 =	sadd.s32 s6, s19  }
0xa2: {  	s9 =	simm.s32 $0x0;
	s20 =	sshll.u32 s7, $0x1;
	s7 =	sadd.s32 s21, s5  }
0xa3: {  	[timem:s9], [sflag:s22] =	dma.local [hbm:s7], s20  }
0xa4: {  	_ =	swait.ge [sflag:s22], s20  }
0xa5: {  	s6 =	ssub.s32 $0x0, s20;
	[sflag:s22] =	ssyncset.done $0x0  }
0xa6: {  	[sflag:s22] =	ssyncadd.s32 s6;
	_ =	sdelay $0x1  }
0xa7: {  	s23 =	simm.s32 $0x1B8B  }
0xa8: {  	_ =	swait.ge [sflag:s23], $0x1  }
0xa9: {  	[sflag:s23] =	ssyncset.done $0x0  }
0xaa: {  	s25 =	simm.s32 $0x1B8E;
	s24 =	sld [smem:$0x3FFE];
	[sflag:s23] =	ssyncadd.s32 $0xFFFFFFFF  }
0xab: {  	s26 =	simm.s32 $execute0_lowered;
	[smem:$0x3FD2] =	sst s25  }
0xac: {  	s7 =	sshll.u32 s26, $0x1;
	_ =	strace $0x8000004C;
	[dreg:$0x1] =	wrdreg $0xFFFFFFFF  }
0xad: {  	s28 =	simm.s32 $_size_execute0_lowered;
	s5 =	sadd.s32 s5, s7;
	[dreg:$0x0] =	wrdreg $0x0  }
0xae: {  	s7 =	sshll.u32 s28, $0x1;
	[dreg:$0x2] =	wrdreg s5  }
0xaf: {  	[dreg:$0x3] =	wrdreg s7  }
0xb0: {  	[dreg:$0x4] =	wrdreg $0xC0  }
0xb1: {  	_ =	task [dreg:s9], $0x5FFFF  }
0xb2: {  	[dreg:$0x1] =	wrdreg $0xFFFFFFFF  }
0xb3: {  	[dreg:$0x0] =	wrdreg $0x60  }
0xb4: {  	[dreg:$0x2] =	wrdreg s24  }
0xb5: {  	[dreg:$0x3] =	wrdreg s17  }
0xb6: {  	[dreg:$0x4] =	wrdreg s18  }
0xb7: {  	[dreg:$0x5] =	wrdreg s16  }
0xb8: {  	[dreg:$0x6] =	wrdreg $0x0  }
0xb9: {  	[dreg:$0x7] =	wrdreg $0x9  }
0xba: {  	_ =	task.clear_ibuf [dreg:s9], $0x8FFFF;
	_ =	strace $0x9000004C  }
0xbb: {  	s29 =	simm.s32 $0x9;
	_ =	strace $0x8000004E  }
0xbc: {  	_ =	swait.ge [sflag:s29], $0x1  }
0xbd: {  	[sflag:s29] =	ssyncadd.s32 $0xFFFFFFFF  }
0xbe: {  	_ =	strace $0x9000004E  }
0xbf: {  	_ =	sfence  }
0xc0: {  	s30 =	sld [smem:$0x0];
	_ =	sdelay $0x2  }
0xc1: {  	s31 =	sshll.u32 s1, $0xD;
	s1 =	sshrl.u32 s1, $0x2  }
0xc2: {  	s3 =	sand.u32 $0x4000, s31;
	s1 =	sadd.s32 s1, s30  }
0xc3: {  	s0 =	sor.u32 s3, s0;
	s1 =	sshll.u32 s1, $0x11  }
0xc4: {  	s0 =	sor.u32 s1, s0  }
0xc5: {  	s0 =	sadd.s32 $0x8F2B, s0  }
0xc6: {  	[sflag:s0] =	ssyncadd.remote.s32 $0x1  }
0xc7: {  	_ =	sfence.sel $0xFFFF  }
0xc8: {  	[dreg:$0x0] =	wrdreg $0xFFFFFFFF;
	(pc) =	sbr.abs _section_cstart, $3  }
0xc9: {  	[dreg:$0x1] =	wrdreg $0xFFFFFFFF  }
0xca: {  	_ =	task.clear_ibuf [dreg:s9], $0x2FFFF;
	_ =	strace $0x9FFFFFFF  }
0xcb: {  	(tm) =	ssettm $0x7FFFFFFF  }
tec
execute0_lowered:
.L_overlay_start_1:
0x0: {  	(tag) =	ssettag $0x1  }
0x1: {  	s0 =	rddreg [dreg:$0x0]  }
0x2: {  	s1 =	rddreg [dreg:$0x1]  }
0x3: {  	s2 =	rddreg [dreg:$0x2];
	s4 =	srdreg.scid  }
0x4: {  	s3 =	rddreg [dreg:$0x4];
	s11 =	stileid.u32  }
0x5: {  	s12 =	simm.s32 $0x3;
	s13 =	simm.s32 $0x14000;
	s14 =	simm.s32 $0x14400  }
0x6: {  	s15 =	simm.s32 $0x80;
	s16 =	simm.s32 $0x14800;
	s17 =	simm.s32 $0x14080  }
0x7: {  	s18 =	simm.s32 $0x18800;
	s19 =	simm.s32 $0x1;
	s20 =	simm.s32 $0x14100  }
0x8: {  	s21 =	simm.s32 $0x2;
	s22 =	simm.s32 $0x14480;
	s28 =	simm.s32 $0x14280  }
0x9: {  	s29 =	simm.s32 $0x14600;
	s30 =	simm.s32 $0x14300;
	s6 =	smul.u32 $0x14000, s11  }
0xa: {  	s31 =	simm.s32 $0x14680;
	s7 =	sand.u32 $0x1, s4;
	s23 =	smul.u32 $0x50000, s11  }
0xb: {  	s4 =	simm.s32 $0x0;
	s10 =	sshll.u32 s11, $0x3;
	s5 =	smul.u32 $0x140000, s7  }
0xc: {  	[smem:$0x7FF] =	sst s4;
	s8 =	ssub.s32 $0x2, s7;
	p0 =	seq.s32 s7, $0x0  }
0xd: {  	s10 =	sor.u32 $0x980, s10;
	_ =	strace $0x8000004D;
	s9 =	sshrl.u32 s8, $0x1  }
0xe: {  	s6 =	sadd.s32 s6, s5;
	s5 =	sadd.s32 $0x4600, s0;
	s8 =	ssub.s32 s8, s9  }
0xf: {  	s9 =	smul.u32 $0x98, s11;
	s11 =	sshll.u32 s11, $0x6;
	s6 =	sshrl.u32 s6, $0x3  }
0x10: {  	s25 =	smax.u32 s8, $0x1;
	s0 =	sadd.s32 s6, s0;
	s6 =	sshrl.u32 s23, $0x2  }
0x11: {  	s10 =	smov.u32 @p0 s9;
	[dreg:$0x7] =	wrdreg s25;
	p0 =	sne.s32 s7, $0x0  }
0x12: {  	s23 =	simm.s32 $0x14180;
	s25 =	simm.s32 $0x14200;
	s7 =	simm.s32 $0x0  }
0x13: {  	s24 =	sadd.s32 s6, s3;
	s0 =	sadd.s32 $0x54600, s0;
	s26 =	sshll.u32 s10, $0x4  }
0x14: {  	s6 =	sor.u32 $0x1C03, s11;
	[dreg:$0x6] =	wrdreg s0;
	s2 =	sadd.s32 s26, s2  }
0x15: {  	s0 =	sadd.s32 s26, s1;
	s11 =	sshrl.u32 s24, $0x3;
	s24 =	simm.s32 $0x14500  }
0x16: {  	s26 =	simm.s32 $0x14580;
	s1 =	simm.s32 $0x14700;
	[dreg:$0x8] =	wrdreg s2  }
0x17: {  	[dreg:$0x9] =	wrdreg s0;
	s0 =	simm.s32 $0x14380;
	s2 =	simm.s32 $0x14780  }
.LBB2_1:
0x18: {  	s8 =	rddreg [dreg:$0x3]  }
0x19: {  	[spmem:s11], [sflag:s6] =	dma.local [hbm:s8], $0x2800  }
0x1a: {  	_ =	swait.ge [sflag:s12], $0x2800  }
0x1b: {  	[sflag:s12] =	ssyncset.done $0x0  }
0x1c: {  	[sflag:s12] =	ssyncadd.s32 $0xFFFFD800  }
0x1d: {  	[bflag:$0x0] =	sbarrier.arrive $0xFFFF  }
0x1e: {  	s10 =	rddreg [dreg:$0x9]  }
0x1f: {  	s8 =	simm.s32 $0x0;
	s9 =	rddreg [dreg:$0x8]  }
.LBB2_2:
0x20: {  	[tilespmem:s13], [sflag:$0x3] =	stream.linear.gather [hbm4b:s10+s4], $0x400, $0x38;
	[tilespmem:$0x1C800] =	vst v63  }
0x21: {  	_ =	swait.ge [sflag:s12], $0x400  }
0x22: {  	[sflag:s12] =	ssyncset.done $0x0  }
0x23: {  	[sflag:s12] =	ssyncadd.s32 $0xFFFFFC00  }
0x24: {  	[tilespmem:s14], [sflag:$0x3] =	stream.linear.gather [hbm4b:s9+s4], $0x400, $0x38;
	[tilespmem:$0x1C800] =	vst v63  }
0x25: {  	_ =	swait.ge [sflag:s12], $0x400  }
0x26: {  	[sflag:s12] =	ssyncset.done $0x0  }
0x27: {  	[sflag:s12] =	ssyncadd.s32 $0xFFFFFC00  }
0x28: {  	[tilespmem:s16], [sflag:$0x1] =	stream.indirect.gather [hbm4b:s5+s15], $0x80, s13, s15, $0xb8;
	[tilespmem:$0x1C800] =	vst v63  }
0x29: {  	_ = 	snop  }
0x2a: {  	[tilespmem:s18], [sflag:$0x2] =	stream.indirect.gather [hbm4b:s5+s15], $0x80, s17, s15, $0xb8;
	[tilespmem:$0x1C800] =	vst v63  }
0x2b: {  	_ =	swait.ge [sflag:s19], $0x4000  }
0x2c: {  	[sflag:s19] =	ssyncset.done $0x0  }
0x2d: {  	[sflag:s19] =	ssyncadd.s32 $0xFFFFC000  }
0x2e: {  	[spmem:s3] =	stream.indirect.scatter.add.f32 [tilespmem:s16], [sflag:$0x3], $0x80, s14, s15, $0xb8;
	[tilespmem:$0x1C800] =	vst v63  }
0x2f: {  	_ =	swait.ge [sflag:s12], $0x4000  }
0x30: {  	[sflag:s12] =	ssyncset.done $0x0  }
0x31: {  	[sflag:s12] =	ssyncadd.s32 $0xFFFFC000  }
0x32: {  	[tilespmem:s16], [sflag:$0x1] =	stream.indirect.gather [hbm4b:s5+s15], $0x80, s20, s15, $0xb8;
	[tilespmem:$0x1C800] =	vst v63  }
0x33: {  	_ =	swait.ge [sflag:s21], $0x4000  }
0x34: {  	[sflag:s21] =	ssyncset.done $0x0  }
0x35: {  	[sflag:s21] =	ssyncadd.s32 $0xFFFFC000  }
0x36: {  	[spmem:s3] =	stream.indirect.scatter.add.f32 [tilespmem:s18], [sflag:$0x3], $0x80, s22, s15, $0xb8;
	[tilespmem:$0x1C800] =	vst v63  }
0x37: {  	_ =	swait.ge [sflag:s12], $0x4000  }
0x38: {  	[sflag:s12] =	ssyncset.done $0x0  }
0x39: {  	[sflag:s12] =	ssyncadd.s32 $0xFFFFC000  }
0x3a: {  	[tilespmem:s18], [sflag:$0x2] =	stream.indirect.gather [hbm4b:s5+s15], $0x80, s23, s15, $0xb8;
	[tilespmem:$0x1C800] =	vst v63  }
0x3b: {  	_ =	swait.ge [sflag:s19], $0x4000  }
0x3c: {  	[sflag:s19] =	ssyncset.done $0x0  }
0x3d: {  	[sflag:s19] =	ssyncadd.s32 $0xFFFFC000  }
0x3e: {  	[spmem:s3] =	stream.indirect.scatter.add.f32 [tilespmem:s16], [sflag:$0x3], $0x80, s24, s15, $0xb8;
	[tilespmem:$0x1C800] =	vst v63  }
0x3f: {  	_ =	swait.ge [sflag:s12], $0x4000  }
0x40: {  	[sflag:s12] =	ssyncset.done $0x0  }
0x41: {  	[sflag:s12] =	ssyncadd.s32 $0xFFFFC000  }
0x42: {  	[tilespmem:s16], [sflag:$0x1] =	stream.indirect.gather [hbm4b:s5+s15], $0x80, s25, s15, $0xb8;
	[tilespmem:$0x1C800] =	vst v63  }
0x43: {  	_ =	swait.ge [sflag:s21], $0x4000  }
0x44: {  	[sflag:s21] =	ssyncset.done $0x0  }
0x45: {  	[sflag:s21] =	ssyncadd.s32 $0xFFFFC000  }
0x46: {  	[spmem:s3] =	stream.indirect.scatter.add.f32 [tilespmem:s18], [sflag:$0x3], $0x80, s26, s15, $0xb8;
	[tilespmem:$0x1C800] =	vst v63  }
0x47: {  	_ =	swait.ge [sflag:s12], $0x4000  }
0x48: {  	[sflag:s12] =	ssyncset.done $0x0  }
0x49: {  	[sflag:s12] =	ssyncadd.s32 $0xFFFFC000  }
0x4a: {  	[tilespmem:s18], [sflag:$0x2] =	stream.indirect.gather [hbm4b:s5+s15], $0x80, s28, s15, $0xb8;
	[tilespmem:$0x1C800] =	vst v63  }
0x4b: {  	_ =	swait.ge [sflag:s19], $0x4000  }
0x4c: {  	[sflag:s19] =	ssyncset.done $0x0  }
0x4d: {  	[sflag:s19] =	ssyncadd.s32 $0xFFFFC000  }
0x4e: {  	[spmem:s3] =	stream.indirect.scatter.add.f32 [tilespmem:s16], [sflag:$0x3], $0x80, s29, s15, $0xb8;
	[tilespmem:$0x1C800] =	vst v63  }
0x4f: {  	_ =	swait.ge [sflag:s12], $0x4000  }
0x50: {  	[sflag:s12] =	ssyncset.done $0x0  }
0x51: {  	[sflag:s12] =	ssyncadd.s32 $0xFFFFC000  }
0x52: {  	[tilespmem:s16], [sflag:$0x1] =	stream.indirect.gather [hbm4b:s5+s15], $0x80, s30, s15, $0xb8;
	[tilespmem:$0x1C800] =	vst v63  }
0x53: {  	_ =	swait.ge [sflag:s21], $0x4000  }
0x54: {  	[sflag:s21] =	ssyncset.done $0x0  }
0x55: {  	[sflag:s21] =	ssyncadd.s32 $0xFFFFC000  }
0x56: {  	[spmem:s3] =	stream.indirect.scatter.add.f32 [tilespmem:s18], [sflag:$0x3], $0x80, s31, s15, $0xb8;
	[tilespmem:$0x1C800] =	vst v63  }
0x57: {  	_ =	swait.ge [sflag:s12], $0x4000  }
0x58: {  	[sflag:s12] =	ssyncset.done $0x0  }
0x59: {  	[sflag:s12] =	ssyncadd.s32 $0xFFFFC000  }
0x5a: {  	[tilespmem:s18], [sflag:$0x2] =	stream.indirect.gather [hbm4b:s5+s15], $0x80, s0, s15, $0xb8;
	[tilespmem:$0x1C800] =	vst v63  }
0x5b: {  	_ =	swait.ge [sflag:s19], $0x4000  }
0x5c: {  	[sflag:s19] =	ssyncset.done $0x0  }
0x5d: {  	[sflag:s19] =	ssyncadd.s32 $0xFFFFC000  }
0x5e: {  	[spmem:s3] =	stream.indirect.scatter.add.f32 [tilespmem:s16], [sflag:$0x3], $0x80, s1, s15, $0xb8;
	[tilespmem:$0x1C800] =	vst v63  }
0x5f: {  	_ =	swait.ge [sflag:s12], $0x4000  }
0x60: {  	[sflag:s12] =	ssyncset.done $0x0  }
0x61: {  	[sflag:s12] =	ssyncadd.s32 $0xFFFFC000  }
0x62: {  	p1 =	slt.u32 @!p0 s8, $0x12;
	_ =	swait.ge [sflag:s21], $0x4000  }
0x63: {  	p1 =	por p0, !p1;
	[sflag:s21] =	ssyncset.done $0x0  }
.Ltmp0:
0x64: {  	[sflag:s21] =	ssyncadd.s32 $0xFFFFC000;
	(pc) =	sbr.rel @!p1 .LBB2_2-.Ltmp0, $4  }
0x65: {  	[spmem:s3] =	stream.indirect.scatter.add.f32 [tilespmem:s18], [sflag:$0x3], $0x80, s2, s15, $0xb8;
	[tilespmem:$0x1C800] =	vst v63  }
0x66: {  	_ =	swait.ge [sflag:s12], $0x4000  }
0x67: {  	s8 =	sadd.s32 $0x1, s8;
	[sflag:s12] =	ssyncset.done $0x0  }
0x68: {  	s10 =	sadd.s32 $0x80, s10;
	s9 =	sadd.s32 $0x80, s9;
	[sflag:s12] =	ssyncadd.s32 $0xFFFFC000  }
0x69: {  	[bflag:$0x0] =	sbarrier.arrive $0xFFFF  }
0x6a: {  	s8 =	rddreg [dreg:$0x6]  }
0x6b: {  	[hbm:s8], [sflag:s6] =	dma.local [spmem:s11], $0x2800  }
0x6c: {  	_ =	swait.ge [sflag:s12], $0x2800  }
0x6d: {  	s7 =	sadd.s32 $0x1, s7;
	s10 =	rddreg [dreg:$0x7]  }
0x6e: {  	p1 =	sne.s32 s7, s10  }
.Ltmp1:
0x6f: {  	_ = 	snop;
	(pc) =	sbr.rel @p1 .LBB2_1-.Ltmp1, $3  }
0x70: {  	_ =	sdelay $0x1  }
0x71: {  	[sflag:s12] =	ssyncset.done $0x0  }
0x72: {  	[sflag:s12] =	ssyncadd.s32 $0xFFFFD800  }
0x73: {  	_ =	sfence.sel $0x180000  }
0x74: {  	[bflag:$0x0] =	sbarrier.arrive $0xFFFF  }
0x75: {  	_ =	strace $0x9000004D  }
0x76: {  	s0 =	stileid.u32;
	[bflag:$0x2] =	sbarrier.arrive $0xFFFF  }
0x77: {  	p0 =	sne.s32 s0, $0x0;
	s0 =	rddreg [dreg:$0x5]  }
0x78: {  	s0 =	sadd.s32 @!p0 $0x100000, s0  }
0x79: {  	[sflag:s0] =	ssyncadd.tile.s32 @!p0 $0x1;
	_ =	shalt  }
.Lfunc_end2:
_tile_overlayer_lowered:
.L_overlay_start_2:
0x7a: {  	(tag) =	ssettag $0x2  }
0x7b: {  	s0 =	rddreg [dreg:$0x0];
	s2 =	stileid.u32  }
0x7c: {  	s1 =	rddreg [dreg:$0x1];
	p0 =	sne.s32 s2, $0x0  }
0x7d: {  	s3 =	rddreg [dreg:$0x2];
	[bflag:$0x3] =	sbarrier.arrive $0xFFFF;
	s2 =	simm.s32 @!p0 $0x1C03  }
0x7e: {  	[timem:s3], [sflag:s2] =	dma.local @!p0 [hbm:s0], s1  }
0x7f: {  	s0 =	simm.s32 @!p0 $0x3  }
0x80: {  	_ =	swait.ge @!p0 [sflag:s0], s1  }
0x81: {  	s1 =	ssub.s32 @!p0 $0x0, s1;
	[sflag:s0] =	ssyncset.done @!p0 $0x0  }
0x82: {  	[sflag:s0] =	ssyncadd.s32 @!p0 s1  }
0x83: {  	[bflag:$0x3] =	sbarrier.arrive $0xFFFF  }
0x84: {  	_ =	shalt  }

// kernel: kernel.19.cloned.1.call-start
scs
__scs_entry_jumppad:
0x0: {  	(pc) =	sbr.rel $0x88, $3  }
0x1: {  	(tag) =	ssettag $0x0;
	lr =	simm.s32 $0x1  }
0x2: {  	[smem:$0x3F8A] =	sst lr;
	_ =	strace $0xD0000000  }
0x3: {  	_ = 	snop  }
0x4: {  	_ = 	snop  }
0x5: {  	_ = 	snop  }
0x6: {  	_ = 	snop  }
0x7: {  	_ = 	snop  }
__scs_overlays_trampoline_lowered:
0x8: {  	[smem:$0x3F99] =	sst s0  }
0x9: {  	[smem:$0x3F9A] =	sst s1  }
0xa: {  	[smem:$0x3F9B] =	sst s2  }
0xb: {  	[smem:$0x3F9C] =	sst s3  }
0xc: {  	[smem:$0x3F9D] =	sst s4  }
0xd: {  	[smem:$0x3F9E] =	sst s5  }
0xe: {  	[smem:$0x3F9F] =	sst s6  }
0xf: {  	[smem:$0x3FA0] =	sst s7  }
0x10: {  	[smem:$0x3FA1] =	sst s8  }
0x11: {  	[smem:$0x3FA2] =	sst s9;
	s0 =	simm.s32 @!p0 $0x0  }
0x12: {  	s1 =	sld [smem:$0x3F88];
	s0 =	simm.s32 @p0 $0x1  }
0x13: {  	[smem:$0x3FA3] =	sst s0;
	s0 =	simm.s32 @!p1 $0x0  }
0x14: {  	s2 =	sld [smem:$0x3F87];
	s0 =	simm.s32 @p1 $0x1  }
0x15: {  	[smem:$0x3FA4] =	sst s0;
	s0 =	simm.s32 @!p2 $0x0  }
0x16: {  	s3 =	sld [smem:$0x3FDB];
	s0 =	simm.s32 @p2 $0x1  }
0x17: {  	s4 =	simm.s32 $0x1BF5;
	[smem:$0x3FA6] =	sst s0  }
0x18: {  	s0 =	sld [smem:$0x3F89];
	_ =	swait.ge [sflag:s4], $0x0  }
0x19: {  	s7 =	sld [smem:$0x3F8A]  }
0x1a: {  	s8 =	sadd.s32 $0xFFFFE003, lr  }
0x1b: {  	s9 =	sadd.s32 $0xFFFFFEF7, lr;
	s5 =	simm.s32 $0xFFFFFFFF;
	p2 =	slt.u32 s8, $0xFFFFF086  }
0x1c: {  	p1 =	slt.u32 s9, $0xF7A;
	s5 =	simm.s32 @!p2 $0x0  }
0x1d: {  	s5 =	simm.s32 @p1 $0x1;
	p0 =	seq.s32 s7, s2  }
0x1e: {  	s7 =	smul.u32 @!p0 $0xF7A, s2;
	p2 =	seq.s32 @!p0 s5, $0x0  }
0x1f: {  	s9 =	smul.u32 $0xF7A, s1;
	s8 =	simm.s32 @!p0 $0x1BF5;
	p2 =	por !p2, p0  }
0x20: {  	[sflag:s8] =	ssyncset.s32 @!p0 $0xFFFFF086;
	s6 =	sadd.s32 @!p0 s3, s7;
	s7 =	simm.s32 @!p0 $0x108  }
0x21: {  	s3 =	sadd.s32 s3, s9;
	s6 =	sadd.s32 @!p0 $0x88, s6;
	s7 =	simm.s32 @p2 $0x1082  }
0x22: {  	[simem:s7], [sflag:s8] =	dma.local @!p0 [hbm:s6], $0xF7A  }
0x23: {  	s9 =	sor.u32 $0xD0000000, s2;
	s6 =	simm.s32 $0x108;
	_ =	swait.ge @!p0 [sflag:s8], $0x0  }
0x24: {  	s3 =	sadd.s32 $0x88, s3;
	s6 =	simm.s32 @!p1 $0x1082;
	[sflag:s4] =	ssyncset.s32 $0xFFFFF086  }
0x25: {  	[simem:s6], [sflag:s4] =	dma.local [hbm:s3], $0xF7A  }
0x26: {  	[smem:$0x3F8A] =	sst s1;
	(tag) =	ssettag s2;
	_ =	strace s9  }
0x27: {  	s1 =	sld [smem:$0x3F9A]  }
0x28: {  	s2 =	sld [smem:$0x3F9B]  }
0x29: {  	s4 =	sld [smem:$0x3F9D]  }
0x2a: {  	p0 =	seq.s32 s5, $0x0;
	s5 =	sld [smem:$0x3F9E]  }
0x2b: {  	s6 =	sld [smem:$0x3F9F]  }
0x2c: {  	s7 =	sld [smem:$0x3FA0]  }
0x2d: {  	s3 =	simm.s32 $0x108;
	s8 =	sld [smem:$0x3FA1]  }
0x2e: {  	s3 =	simm.s32 @!p0 $0x1082;
	s9 =	sld [smem:$0x3FA2]  }
0x2f: {  	lr =	sadd.s32 s0, s3;
	s0 =	sld [smem:$0x3F99]  }
0x30: {  	s3 =	sld [smem:$0x3F9C]  }
0x31: {  	[smem:$0x3FA5] =	sst s10  }
0x32: {  	s10 =	sld [smem:$0x3FA3];
	_ =	sdelay $0x3  }
0x33: {  	p0 =	seq.s32 s10, $0x1;
	s10 =	sld [smem:$0x3FA5];
	_ =	sdelay $0x3  }
0x34: {  	[smem:$0x3FA5] =	sst s10  }
0x35: {  	s10 =	sld [smem:$0x3FA4];
	_ =	sdelay $0x3  }
0x36: {  	p1 =	seq.s32 s10, $0x1;
	s10 =	sld [smem:$0x3FA5];
	_ =	sdelay $0x3  }
0x37: {  	[smem:$0x3FA5] =	sst s10  }
0x38: {  	s10 =	sld [smem:$0x3FA6]  }
0x39: {  	_ = 	snop;
	(pc) =	sbr.ind lr, $3  }
0x3a: {  	_ = 	snop  }
0x3b: {  	_ = 	snop  }
0x3c: {  	p2 =	seq.s32 s10, $0x1;
	s10 =	sld [smem:$0x3FA5]  }
0x3d: {  	_ =	shalt  }
0x3e: {  	_ =	shalt  }
0x3f: {  	_ =	shalt  }
0x40: {  	_ =	shalt  }
0x41: {  	_ =	shalt  }
0x42: {  	_ =	shalt  }
0x43: {  	_ =	shalt  }
0x44: {  	_ =	shalt  }
0x45: {  	_ =	shalt  }
0x46: {  	_ =	shalt  }
0x47: {  	_ =	shalt  }
0x48: {  	_ =	shalt  }
0x49: {  	_ =	shalt  }
0x4a: {  	_ =	shalt  }
0x4b: {  	_ =	shalt  }
0x4c: {  	_ =	shalt  }
0x4d: {  	_ =	shalt  }
0x4e: {  	_ =	shalt  }
0x4f: {  	_ =	shalt  }
0x50: {  	_ =	shalt  }
0x51: {  	_ =	shalt  }
0x52: {  	_ =	shalt  }
0x53: {  	_ =	shalt  }
0x54: {  	_ =	shalt  }
0x55: {  	_ =	shalt  }
0x56: {  	_ =	shalt  }
0x57: {  	_ =	shalt  }
0x58: {  	_ =	shalt  }
0x59: {  	_ =	shalt  }
0x5a: {  	_ =	shalt  }
0x5b: {  	_ =	shalt  }
0x5c: {  	_ =	shalt  }
0x5d: {  	_ =	shalt  }
0x5e: {  	_ =	shalt  }
0x5f: {  	_ =	shalt  }
0x60: {  	_ =	shalt  }
0x61: {  	_ =	shalt  }
0x62: {  	_ =	shalt  }
0x63: {  	_ =	shalt  }
0x64: {  	_ =	shalt  }
0x65: {  	_ =	shalt  }
0x66: {  	_ =	shalt  }
0x67: {  	_ =	shalt  }
0x68: {  	_ =	shalt  }
0x69: {  	_ =	shalt  }
0x6a: {  	_ =	shalt  }
0x6b: {  	_ =	shalt  }
0x6c: {  	_ =	shalt  }
0x6d: {  	_ =	shalt  }
0x6e: {  	_ =	shalt  }
0x6f: {  	_ =	shalt  }
0x70: {  	_ =	shalt  }
0x71: {  	_ =	shalt  }
0x72: {  	_ =	shalt  }
0x73: {  	_ =	shalt  }
0x74: {  	_ =	shalt  }
0x75: {  	_ =	shalt  }
0x76: {  	_ =	shalt  }
0x77: {  	_ =	shalt  }
0x78: {  	_ =	shalt  }
0x79: {  	_ =	shalt  }
0x7a: {  	_ =	shalt  }
0x7b: {  	_ =	shalt  }
0x7c: {  	_ =	shalt  }
0x7d: {  	_ =	shalt  }
0x7e: {  	_ =	shalt  }
0x7f: {  	_ =	shalt  }
0x80: {  	_ =	shalt  }
0x81: {  	_ =	shalt  }
0x82: {  	_ =	shalt  }
0x83: {  	_ =	shalt  }
0x84: {  	_ =	shalt  }
0x85: {  	_ =	shalt  }
0x86: {  	_ =	shalt  }
0x87: {  	_ =	shalt  }
.Lfunc_end0:
.L_simem_size_0:
called_computation.3_lowered:
.L_overlay_start_0:
0x88: {  	s2 =	sld [smem:$0x3FD9]  }
0x89: {  	s3 =	sld [smem:$0x3FFE];
	_ =	sdelay $0x1  }
0x8a: {  	s1 =	srdreg.scid  }
0x8b: {  	s0 =	sand.u32 $0x1, s1  }
0x8c: {  	s14 =	sshll.u32 s0, $0xA;
	s2 =	sadd.s32 s3, s2  }
0x8d: {  	s2 =	sadd.s32 s2, s14  }
0x8e: {  	[smem:$0x3FB1] =	sst s2  }
0x8f: {  	_ = 	snop  }
0x90: {  	s2 =	sld [smem:$0x3FD0];
	_ =	sdelay $0x2  }
0x91: {  	s15 =	simm.s32 $0xB;
	s4 =	simm.s32 $0x10  }
0x92: {  	[smem:s4], [sflag:s15] =	dma.local [hbm:s2], $0x1  }
0x93: {  	_ =	swait.eq [sflag:s15], $0x1  }
0x94: {  	s16 =	sld [smem:$0x11];
	[sflag:s15] =	ssyncset.done $0x0  }
0x95: {  	s17 =	sld [smem:$0x12];
	[sflag:s15] =	ssyncadd.s32 $0xFFFFFFFF  }
0x96: {  	s18 =	sld [smem:$0x13];
	(tm) =	ssettm $0x1  }
0x97: {  	s5 =	sld [smem:$0x3FFB];
	_ =	sdelay $0x3  }
0x98: {  	_ =	strace s5  }
0x99: {  	s5 =	sld [smem:$0x3FFC];
	_ =	sdelay $0x3  }
0x9a: {  	_ =	strace s5  }
0x9b: {  	s5 =	sld [smem:$0x3FFD];
	_ =	sdelay $0x3  }
0x9c: {  	_ =	strace s5  }
0x9d: {  	_ =	strace $0x8FFFFFFF  }
0x9e: {  	s19 =	sld [smem:$0x3FDB];
	_ =	sdelay $0x1  }
0x9f: {  	s6 =	simm.s32 $_scs_section_size  }
0xa0: {  	s7 =	simm.s32 $_size__tile_overlayer_lowered;
	s8 =	simm.s32 $_tile_overlayer_lowered  }
0xa1: {  	s22 =	simm.s32 $0x1BFF;
	s21 =	sshll.u32 s8, $0x1;
	s5 =	sadd.s32 s6, s19  }
0xa2: {  	s9 =	simm.s32 $0x0;
	s20 =	sshll.u32 s7, $0x1;
	s7 =	sadd.s32 s21, s5  }
0xa3: {  	[timem:s9], [sflag:s22] =	dma.local [hbm:s7], s20  }
0xa4: {  	_ =	swait.ge [sflag:s22], s20  }
0xa5: {  	s6 =	ssub.s32 $0x0, s20;
	[sflag:s22] =	ssyncset.done $0x0  }
0xa6: {  	[sflag:s22] =	ssyncadd.s32 s6;
	_ =	sdelay $0x1  }
0xa7: {  	s23 =	simm.s32 $0x1B8B  }
0xa8: {  	_ =	swait.ge [sflag:s23], $0x1  }
0xa9: {  	[sflag:s23] =	ssyncset.done $0x0  }
0xaa: {  	s25 =	simm.s32 $0x1B8E;
	s24 =	sld [smem:$0x3FFE];
	[sflag:s23] =	ssyncadd.s32 $0xFFFFFFFF  }
0xab: {  	s26 =	simm.s32 $execute0_lowered;
	[smem:$0x3FD2] =	sst s25  }
0xac: {  	s7 =	sshll.u32 s26, $0x1;
	_ =	strace $0x8000004F;
	[dreg:$0x1] =	wrdreg $0xFFFFFFFF  }
0xad: {  	s28 =	simm.s32 $_size_execute0_lowered;
	s5 =	sadd.s32 s5, s7;
	[dreg:$0x0] =	wrdreg $0x0  }
0xae: {  	s7 =	sshll.u32 s28, $0x1;
	[dreg:$0x2] =	wrdreg s5  }
0xaf: {  	[dreg:$0x3] =	wrdreg s7  }
0xb0: {  	[dreg:$0x4] =	wrdreg $0xC0  }
0xb1: {  	_ =	task [dreg:s9], $0x5FFFF  }
0xb2: {  	[dreg:$0x1] =	wrdreg $0xFFFFFFFF  }
0xb3: {  	[dreg:$0x0] =	wrdreg $0x60  }
0xb4: {  	[dreg:$0x2] =	wrdreg s24  }
0xb5: {  	[dreg:$0x3] =	wrdreg s17  }
0xb6: {  	[dreg:$0x4] =	wrdreg s18  }
0xb7: {  	[dreg:$0x5] =	wrdreg s16  }
0xb8: {  	[dreg:$0x6] =	wrdreg $0x0  }
0xb9: {  	[dreg:$0x7] =	wrdreg $0x9  }
0xba: {  	_ =	task.clear_ibuf [dreg:s9], $0x8FFFF;
	_ =	strace $0x9000004F  }
0xbb: {  	s29 =	simm.s32 $0x9;
	_ =	strace $0x80000051  }
0xbc: {  	_ =	swait.ge [sflag:s29], $0x1  }
0xbd: {  	[sflag:s29] =	ssyncadd.s32 $0xFFFFFFFF  }
0xbe: {  	_ =	strace $0x90000051  }
0xbf: {  	_ =	sfence  }
0xc0: {  	s30 =	sld [smem:$0x0];
	_ =	sdelay $0x2  }
0xc1: {  	s31 =	sshll.u32 s1, $0xD;
	s1 =	sshrl.u32 s1, $0x2  }
0xc2: {  	s3 =	sand.u32 $0x4000, s31;
	s1 =	sadd.s32 s1, s30  }
0xc3: {  	s0 =	sor.u32 s3, s0;
	s1 =	sshll.u32 s1, $0x11  }
0xc4: {  	s0 =	sor.u32 s1, s0  }
0xc5: {  	s0 =	sadd.s32 $0x8F2B, s0  }
0xc6: {  	[sflag:s0] =	ssyncadd.remote.s32 $0x1  }
0xc7: {  	_ =	sfence.sel $0xFFFF  }
0xc8: {  	[dreg:$0x0] =	wrdreg $0xFFFFFFFF;
	(pc) =	sbr.abs _section_cstart, $3  }
0xc9: {  	[dreg:$0x1] =	wrdreg $0xFFFFFFFF  }
0xca: {  	_ =	task.clear_ibuf [dreg:s9], $0x2FFFF;
	_ =	strace $0x9FFFFFFF  }
0xcb: {  	(tm) =	ssettm $0x7FFFFFFF  }
tec
execute0_lowered:
.L_overlay_start_1:
0x0: {  	(tag) =	ssettag $0x1  }
0x1: {  	s0 =	rddreg [dreg:$0x0]  }
0x2: {  	s1 =	rddreg [dreg:$0x1]  }
0x3: {  	s2 =	rddreg [dreg:$0x2];
	s4 =	srdreg.scid  }
0x4: {  	s3 =	rddreg [dreg:$0x4];
	s11 =	stileid.u32  }
0x5: {  	s12 =	simm.s32 $0x3;
	s13 =	simm.s32 $0x14000;
	s14 =	simm.s32 $0x14400  }
0x6: {  	s15 =	simm.s32 $0x80;
	s16 =	simm.s32 $0x14800;
	s17 =	simm.s32 $0x14080  }
0x7: {  	s18 =	simm.s32 $0x18800;
	s19 =	simm.s32 $0x1;
	s20 =	simm.s32 $0x14100  }
0x8: {  	s21 =	simm.s32 $0x2;
	s22 =	simm.s32 $0x14480;
	s28 =	simm.s32 $0x14280  }
0x9: {  	s29 =	simm.s32 $0x14600;
	s30 =	simm.s32 $0x14300;
	s6 =	smul.u32 $0x14000, s11  }
0xa: {  	s31 =	simm.s32 $0x14680;
	s7 =	sand.u32 $0x1, s4;
	s23 =	smul.u32 $0x50000, s11  }
0xb: {  	s4 =	simm.s32 $0x0;
	s10 =	sshll.u32 s11, $0x3;
	s5 =	smul.u32 $0x140000, s7  }
0xc: {  	[smem:$0x7FF] =	sst s4;
	s8 =	ssub.s32 $0x2, s7;
	p0 =	seq.s32 s7, $0x0  }
0xd: {  	s10 =	sor.u32 $0x980, s10;
	_ =	strace $0x80000050;
	s9 =	sshrl.u32 s8, $0x1  }
0xe: {  	s6 =	sadd.s32 s6, s5;
	s5 =	sadd.s32 $0x4600, s0;
	s8 =	ssub.s32 s8, s9  }
0xf: {  	s9 =	smul.u32 $0x98, s11;
	s11 =	sshll.u32 s11, $0x6;
	s6 =	sshrl.u32 s6, $0x3  }
0x10: {  	s25 =	smax.u32 s8, $0x1;
	s0 =	sadd.s32 s6, s0;
	s6 =	sshrl.u32 s23, $0x2  }
0x11: {  	s10 =	smov.u32 @p0 s9;
	[dreg:$0x7] =	wrdreg s25;
	p0 =	sne.s32 s7, $0x0  }
0x12: {  	s23 =	simm.s32 $0x14180;
	s25 =	simm.s32 $0x14200;
	s7 =	simm.s32 $0x0  }
0x13: {  	s24 =	sadd.s32 s6, s3;
	s0 =	sadd.s32 $0x54600, s0;
	s26 =	sshll.u32 s10, $0x4  }
0x14: {  	s6 =	sor.u32 $0x1C03, s11;
	[dreg:$0x6] =	wrdreg s0;
	s2 =	sadd.s32 s26, s2  }
0x15: {  	s0 =	sadd.s32 s26, s1;
	s11 =	sshrl.u32 s24, $0x3;
	s24 =	simm.s32 $0x14500  }
0x16: {  	s26 =	simm.s32 $0x14580;
	s1 =	simm.s32 $0x14700;
	[dreg:$0x8] =	wrdreg s2  }
0x17: {  	[dreg:$0x9] =	wrdreg s0;
	s0 =	simm.s32 $0x14380;
	s2 =	simm.s32 $0x14780  }
.LBB2_1:
0x18: {  	s8 =	rddreg [dreg:$0x3]  }
0x19: {  	[spmem:s11], [sflag:s6] =	dma.local [hbm:s8], $0x2800  }
0x1a: {  	_ =	swait.ge [sflag:s12], $0x2800  }
0x1b: {  	[sflag:s12] =	ssyncset.done $0x0  }
0x1c: {  	[sflag:s12] =	ssyncadd.s32 $0xFFFFD800  }
0x1d: {  	[bflag:$0x0] =	sbarrier.arrive $0xFFFF  }
0x1e: {  	s10 =	rddreg [dreg:$0x9]  }
0x1f: {  	s8 =	simm.s32 $0x0;
	s9 =	rddreg [dreg:$0x8]  }
.LBB2_2:
0x20: {  	[tilespmem:s13], [sflag:$0x3] =	stream.linear.gather [hbm4b:s10+s4], $0x400, $0x38;
	[tilespmem:$0x1C800] =	vst v63  }
0x21: {  	_ =	swait.ge [sflag:s12], $0x400  }
0x22: {  	[sflag:s12] =	ssyncset.done $0x0  }
0x23: {  	[sflag:s12] =	ssyncadd.s32 $0xFFFFFC00  }
0x24: {  	[tilespmem:s14], [sflag:$0x3] =	stream.linear.gather [hbm4b:s9+s4], $0x400, $0x38;
	[tilespmem:$0x1C800] =	vst v63  }
0x25: {  	_ =	swait.ge [sflag:s12], $0x400  }
0x26: {  	[sflag:s12] =	ssyncset.done $0x0  }
0x27: {  	[sflag:s12] =	ssyncadd.s32 $0xFFFFFC00  }
0x28: {  	[tilespmem:s16], [sflag:$0x1] =	stream.indirect.gather [hbm4b:s5+s15], $0x80, s13, s15, $0xb8;
	[tilespmem:$0x1C800] =	vst v63  }
0x29: {  	_ = 	snop  }
0x2a: {  	[tilespmem:s18], [sflag:$0x2] =	stream.indirect.gather [hbm4b:s5+s15], $0x80, s17, s15, $0xb8;
	[tilespmem:$0x1C800] =	vst v63  }
0x2b: {  	_ =	swait.ge [sflag:s19], $0x4000  }
0x2c: {  	[sflag:s19] =	ssyncset.done $0x0  }
0x2d: {  	[sflag:s19] =	ssyncadd.s32 $0xFFFFC000  }
0x2e: {  	[spmem:s3] =	stream.indirect.scatter.add.f32 [tilespmem:s16], [sflag:$0x3], $0x80, s14, s15, $0xb8;
	[tilespmem:$0x1C800] =	vst v63  }
0x2f: {  	_ =	swait.ge [sflag:s12], $0x4000  }
0x30: {  	[sflag:s12] =	ssyncset.done $0x0  }
0x31: {  	[sflag:s12] =	ssyncadd.s32 $0xFFFFC000  }
0x32: {  	[tilespmem:s16], [sflag:$0x1] =	stream.indirect.gather [hbm4b:s5+s15], $0x80, s20, s15, $0xb8;
	[tilespmem:$0x1C800] =	vst v63  }
0x33: {  	_ =	swait.ge [sflag:s21], $0x4000  }
0x34: {  	[sflag:s21] =	ssyncset.done $0x0  }
0x35: {  	[sflag:s21] =	ssyncadd.s32 $0xFFFFC000  }
0x36: {  	[spmem:s3] =	stream.indirect.scatter.add.f32 [tilespmem:s18], [sflag:$0x3], $0x80, s22, s15, $0xb8;
	[tilespmem:$0x1C800] =	vst v63  }
0x37: {  	_ =	swait.ge [sflag:s12], $0x4000  }
0x38: {  	[sflag:s12] =	ssyncset.done $0x0  }
0x39: {  	[sflag:s12] =	ssyncadd.s32 $0xFFFFC000  }
0x3a: {  	[tilespmem:s18], [sflag:$0x2] =	stream.indirect.gather [hbm4b:s5+s15], $0x80, s23, s15, $0xb8;
	[tilespmem:$0x1C800] =	vst v63  }
0x3b: {  	_ =	swait.ge [sflag:s19], $0x4000  }
0x3c: {  	[sflag:s19] =	ssyncset.done $0x0  }
0x3d: {  	[sflag:s19] =	ssyncadd.s32 $0xFFFFC000  }
0x3e: {  	[spmem:s3] =	stream.indirect.scatter.add.f32 [tilespmem:s16], [sflag:$0x3], $0x80, s24, s15, $0xb8;
	[tilespmem:$0x1C800] =	vst v63  }
0x3f: {  	_ =	swait.ge [sflag:s12], $0x4000  }
0x40: {  	[sflag:s12] =	ssyncset.done $0x0  }
0x41: {  	[sflag:s12] =	ssyncadd.s32 $0xFFFFC000  }
0x42: {  	[tilespmem:s16], [sflag:$0x1] =	stream.indirect.gather [hbm4b:s5+s15], $0x80, s25, s15, $0xb8;
	[tilespmem:$0x1C800] =	vst v63  }
0x43: {  	_ =	swait.ge [sflag:s21], $0x4000  }
0x44: {  	[sflag:s21] =	ssyncset.done $0x0  }
0x45: {  	[sflag:s21] =	ssyncadd.s32 $0xFFFFC000  }
0x46: {  	[spmem:s3] =	stream.indirect.scatter.add.f32 [tilespmem:s18], [sflag:$0x3], $0x80, s26, s15, $0xb8;
	[tilespmem:$0x1C800] =	vst v63  }
0x47: {  	_ =	swait.ge [sflag:s12], $0x4000  }
0x48: {  	[sflag:s12] =	ssyncset.done $0x0  }
0x49: {  	[sflag:s12] =	ssyncadd.s32 $0xFFFFC000  }
0x4a: {  	[tilespmem:s18], [sflag:$0x2] =	stream.indirect.gather [hbm4b:s5+s15], $0x80, s28, s15, $0xb8;
	[tilespmem:$0x1C800] =	vst v63  }
0x4b: {  	_ =	swait.ge [sflag:s19], $0x4000  }
0x4c: {  	[sflag:s19] =	ssyncset.done $0x0  }
0x4d: {  	[sflag:s19] =	ssyncadd.s32 $0xFFFFC000  }
0x4e: {  	[spmem:s3] =	stream.indirect.scatter.add.f32 [tilespmem:s16], [sflag:$0x3], $0x80, s29, s15, $0xb8;
	[tilespmem:$0x1C800] =	vst v63  }
0x4f: {  	_ =	swait.ge [sflag:s12], $0x4000  }
0x50: {  	[sflag:s12] =	ssyncset.done $0x0  }
0x51: {  	[sflag:s12] =	ssyncadd.s32 $0xFFFFC000  }
0x52: {  	[tilespmem:s16], [sflag:$0x1] =	stream.indirect.gather [hbm4b:s5+s15], $0x80, s30, s15, $0xb8;
	[tilespmem:$0x1C800] =	vst v63  }
0x53: {  	_ =	swait.ge [sflag:s21], $0x4000  }
0x54: {  	[sflag:s21] =	ssyncset.done $0x0  }
0x55: {  	[sflag:s21] =	ssyncadd.s32 $0xFFFFC000  }
0x56: {  	[spmem:s3] =	stream.indirect.scatter.add.f32 [tilespmem:s18], [sflag:$0x3], $0x80, s31, s15, $0xb8;
	[tilespmem:$0x1C800] =	vst v63  }
0x57: {  	_ =	swait.ge [sflag:s12], $0x4000  }
0x58: {  	[sflag:s12] =	ssyncset.done $0x0  }
0x59: {  	[sflag:s12] =	ssyncadd.s32 $0xFFFFC000  }
0x5a: {  	[tilespmem:s18], [sflag:$0x2] =	stream.indirect.gather [hbm4b:s5+s15], $0x80, s0, s15, $0xb8;
	[tilespmem:$0x1C800] =	vst v63  }
0x5b: {  	_ =	swait.ge [sflag:s19], $0x4000  }
0x5c: {  	[sflag:s19] =	ssyncset.done $0x0  }
0x5d: {  	[sflag:s19] =	ssyncadd.s32 $0xFFFFC000  }
0x5e: {  	[spmem:s3] =	stream.indirect.scatter.add.f32 [tilespmem:s16], [sflag:$0x3], $0x80, s1, s15, $0xb8;
	[tilespmem:$0x1C800] =	vst v63  }
0x5f: {  	_ =	swait.ge [sflag:s12], $0x4000  }
0x60: {  	[sflag:s12] =	ssyncset.done $0x0  }
0x61: {  	[sflag:s12] =	ssyncadd.s32 $0xFFFFC000  }
0x62: {  	p1 =	slt.u32 @!p0 s8, $0x12;
	_ =	swait.ge [sflag:s21], $0x4000  }
0x63: {  	p1 =	por p0, !p1;
	[sflag:s21] =	ssyncset.done $0x0  }
.Ltmp0:
0x64: {  	[sflag:s21] =	ssyncadd.s32 $0xFFFFC000;
	(pc) =	sbr.rel @!p1 .LBB2_2-.Ltmp0, $4  }
0x65: {  	[spmem:s3] =	stream.indirect.scatter.add.f32 [tilespmem:s18], [sflag:$0x3], $0x80, s2, s15, $0xb8;
	[tilespmem:$0x1C800] =	vst v63  }
0x66: {  	_ =	swait.ge [sflag:s12], $0x4000  }
0x67: {  	s8 =	sadd.s32 $0x1, s8;
	[sflag:s12] =	ssyncset.done $0x0  }
0x68: {  	s10 =	sadd.s32 $0x80, s10;
	s9 =	sadd.s32 $0x80, s9;
	[sflag:s12] =	ssyncadd.s32 $0xFFFFC000  }
0x69: {  	[bflag:$0x0] =	sbarrier.arrive $0xFFFF  }
0x6a: {  	s8 =	rddreg [dreg:$0x6]  }
0x6b: {  	[hbm:s8], [sflag:s6] =	dma.local [spmem:s11], $0x2800  }
0x6c: {  	_ =	swait.ge [sflag:s12], $0x2800  }
0x6d: {  	s7 =	sadd.s32 $0x1, s7;
	s10 =	rddreg [dreg:$0x7]  }
0x6e: {  	p1 =	sne.s32 s7, s10  }
.Ltmp1:
0x6f: {  	_ = 	snop;
	(pc) =	sbr.rel @p1 .LBB2_1-.Ltmp1, $3  }
0x70: {  	_ =	sdelay $0x1  }
0x71: {  	[sflag:s12] =	ssyncset.done $0x0  }
0x72: {  	[sflag:s12] =	ssyncadd.s32 $0xFFFFD800  }
0x73: {  	_ =	sfence.sel $0x180000  }
0x74: {  	[bflag:$0x0] =	sbarrier.arrive $0xFFFF  }
0x75: {  	_ =	strace $0x90000050  }
0x76: {  	s0 =	stileid.u32;
	[bflag:$0x2] =	sbarrier.arrive $0xFFFF  }
0x77: {  	p0 =	sne.s32 s0, $0x0;
	s0 =	rddreg [dreg:$0x5]  }
0x78: {  	s0 =	sadd.s32 @!p0 $0x100000, s0  }
0x79: {  	[sflag:s0] =	ssyncadd.tile.s32 @!p0 $0x1;
	_ =	shalt  }
.Lfunc_end2:
_tile_overlayer_lowered:
.L_overlay_start_2:
0x7a: {  	(tag) =	ssettag $0x2  }
0x7b: {  	s0 =	rddreg [dreg:$0x0];
	s2 =	stileid.u32  }
0x7c: {  	s1 =	rddreg [dreg:$0x1];
	p0 =	sne.s32 s2, $0x0  }
0x7d: {  	s3 =	rddreg [dreg:$0x2];
	[bflag:$0x3] =	sbarrier.arrive $0xFFFF;
	s2 =	simm.s32 @!p0 $0x1C03  }
0x7e: {  	[timem:s3], [sflag:s2] =	dma.local @!p0 [hbm:s0], s1  }
0x7f: {  	s0 =	simm.s32 @!p0 $0x3  }
0x80: {  	_ =	swait.ge @!p0 [sflag:s0], s1  }
0x81: {  	s1 =	ssub.s32 @!p0 $0x0, s1;
	[sflag:s0] =	ssyncset.done @!p0 $0x0  }
0x82: {  	[sflag:s0] =	ssyncadd.s32 @!p0 s1  }
0x83: {  	[bflag:$0x3] =	sbarrier.arrive $0xFFFF  }
0x84: {  	_ =	shalt  }

</sc_bundles>
